<compile_context>
chip_gen: v7x
topology: tpu7x:2x2x1
jax: 0.10.2.dev20260603
libtpu: 0.0.44.dev20260713+nightly
codegen_flags: <defaults>
</compile_context>

<pallas_src>
import functools

import jax
import jax.numpy as jnp
from jax import lax
from jax.experimental import pallas as pl
from jax.experimental.pallas import tpu as pltpu
from jax.experimental.pallas import tpu_sc as plsc

N_NODES = 10000
OUT_C = 64
ALPHA = 0.1
K_STEPS = 10
BETA = 1.0 - ALPHA

NCORES = 2
NSUB = 16
NTILES = NCORES * NSUB
CHUNK = 128
DEG_W = 16

ROW_BLK = 400


def _make_edge_kernel(n_chunks, n_acc, width):
    rows_acc = n_acc // NSUB

    mesh = plsc.VectorSubcoreMesh(core_axis_name="c", subcore_axis_name="s")

    @functools.partial(
        pl.kernel,
        mesh=mesh,
        compiler_params=pltpu.CompilerParams(use_tc_tiling_on_sc=False),
        out_type=jax.ShapeDtypeStruct((NCORES, n_acc, width), jnp.float32),
        scratch_types=[
            pltpu.VMEM((n_chunks, CHUNK), jnp.int32),
            pltpu.VMEM((n_chunks, CHUNK), jnp.int32),
            pltpu.VMEM((CHUNK, width), jnp.float32),
            pltpu.VMEM((CHUNK, width), jnp.float32),
            pltpu.VMEM_SHARED((n_acc, width), jnp.float32),
            pltpu.SemaphoreType.DMA,
            pltpu.SemaphoreType.DMA,
        ],
    )
    def edge_kernel(src_hbm, dst_hbm, zs_hbm, zero_hbm, out_hbm,
                    srcv, dstv, rows0, rows1, acc, sem0, sem1):
        c = lax.axis_index("c")
        s = lax.axis_index("s")
        wid = c * NSUB + s
        pltpu.sync_copy(src_hbm.at[pl.ds(wid * n_chunks, n_chunks)], srcv)
        pltpu.sync_copy(dst_hbm.at[pl.ds(wid * n_chunks, n_chunks)], dstv)
        pltpu.sync_copy(zero_hbm, acc.at[pl.ds(s * rows_acc, rows_acc)])
        plsc.subcore_barrier()

        pltpu.async_copy(zs_hbm.at[srcv.at[0]], rows0, sem0)
        pltpu.async_copy(zs_hbm.at[srcv.at[1]], rows1, sem1)

        def pair_body(g, carry):
            for b, rb, sb in ((0, rows0, sem0), (1, rows1, sem1)):
                k = 2 * g + b
                pltpu.make_async_copy(zs_hbm.at[srcv.at[k]], rb, sb).wait()
                pltpu.sync_copy(rb, acc.at[dstv.at[k]], add=True)

                @pl.when(k + 2 < n_chunks)
                def _():
                    pltpu.async_copy(zs_hbm.at[srcv.at[k + 2]], rb, sb)

            return carry

        lax.fori_loop(0, n_chunks // 2, pair_body, 0)
        plsc.subcore_barrier()
        pltpu.sync_copy(acc.at[pl.ds(s * rows_acc, rows_acc)],
                        out_hbm.at[c, pl.ds(s * rows_acc, rows_acc)])

    return edge_kernel


def _mlp_body(x_ref, w1_ref, b1_ref, w2_ref, b2_ref, h_ref, g_ref):
    hh = jnp.dot(x_ref[...], w1_ref[...], preferred_element_type=jnp.float32)
    hh = jnp.maximum(hh + b1_ref[...], 0.0)
    out = jnp.dot(hh, w2_ref[...], preferred_element_type=jnp.float32)
    out = out + b2_ref[...]
    h_ref[...] = out
    g_ref[...] = ALPHA * out


def _deg_dinv(d0_ref, d1_ref):
    deg = d0_ref[:, 0:1] + d1_ref[:, 0:1] + 1.0
    return deg, lax.rsqrt(deg)


def _prep2_body(h_ref, d0_ref, d1_ref, zs_ref):
    _, dinv = _deg_dinv(d0_ref, d1_ref)
    zs_ref[...] = dinv * h_ref[...]


def _combine_math(p0_ref, p1_ref, z_ref, g_ref, d0_ref, d1_ref):
    deg, dinv = _deg_dinv(d0_ref, d1_ref)
    s = p0_ref[...] + p1_ref[...]
    zn = (BETA * dinv) * s + (BETA / deg) * z_ref[...] + g_ref[...]
    return zn, dinv


def _combine_body(p0_ref, p1_ref, z_ref, g_ref, d0_ref, d1_ref,
                  zn_ref, zs_ref):
    zn, dinv = _combine_math(p0_ref, p1_ref, z_ref, g_ref, d0_ref, d1_ref)
    zn_ref[...] = zn
    zs_ref[...] = dinv * zn


def _final_body(p0_ref, p1_ref, z_ref, g_ref, d0_ref, d1_ref, out_ref):
    zn, _ = _combine_math(p0_ref, p1_ref, z_ref, g_ref, d0_ref, d1_ref)
    m = jnp.max(zn, axis=1, keepdims=True)
    e = jnp.exp(zn - m)
    lse = jnp.log(jnp.sum(e, axis=1, keepdims=True))
    out_ref[...] = zn - m - lse


def _row_spec(cols):
    return pl.BlockSpec((ROW_BLK, cols), lambda i: (i, 0))


def _full_spec(r, c):
    return pl.BlockSpec((r, c), lambda i: (0, 0))


_GRID = (N_NODES // ROW_BLK,)
_F32 = jnp.float32


def _sds(shape):
    return jax.ShapeDtypeStruct(shape, _F32)


def kernel(x, edge_index, W1, b1, W2, b2):
    src = edge_index[0].astype(jnp.int32)
    dst = edge_index[1].astype(jnp.int32)
    e_cnt = src.shape[0]
    per_tile = -(-e_cnt // (NTILES * 2 * CHUNK)) * 2 * CHUNK
    n_chunks = per_tile // CHUNK
    e_pad = NTILES * per_tile
    n_acc = -(-(N_NODES + 1) // (NSUB * 8)) * (NSUB * 8)
    pad = e_pad - e_cnt
    src_p = jnp.concatenate([src, jnp.zeros((pad,), jnp.int32)])
    dst_p = jnp.concatenate([dst, jnp.full((pad,), N_NODES, jnp.int32)])
    src_p = src_p.reshape(NTILES * n_chunks, CHUNK)
    dst_p = dst_p.reshape(NTILES * n_chunks, CHUNK)
    zero_blk = jnp.zeros((n_acc // NSUB, OUT_C), _F32)
    zero_blk_deg = jnp.zeros((n_acc // NSUB, DEG_W), _F32)
    ones_tab = jnp.ones((N_NODES, DEG_W), _F32)

    edge_call = _make_edge_kernel(n_chunks, n_acc, OUT_C)
    deg_call = _make_edge_kernel(n_chunks, n_acc, DEG_W)

    h, g = pl.pallas_call(
        _mlp_body,
        grid=_GRID,
        in_specs=[_row_spec(128), _full_spec(128, 128), _full_spec(1, 128),
                  _full_spec(128, OUT_C), _full_spec(1, OUT_C)],
        out_specs=[_row_spec(OUT_C)] * 2,
        out_shape=[_sds((N_NODES, OUT_C))] * 2,
    )(x, W1, b1.reshape(1, -1), W2, b2.reshape(1, -1))

    deg_p = deg_call(src_p, dst_p, ones_tab, zero_blk_deg)
    d0, d1 = deg_p[0, :N_NODES], deg_p[1, :N_NODES]

    zs = pl.pallas_call(
        _prep2_body,
        grid=_GRID,
        in_specs=[_row_spec(OUT_C), _row_spec(DEG_W), _row_spec(DEG_W)],
        out_specs=_row_spec(OUT_C),
        out_shape=_sds((N_NODES, OUT_C)),
    )(h, d0, d1)

    z = h
    for r in range(K_STEPS):
        p_full = edge_call(src_p, dst_p, zs, zero_blk)
        p = p_full[:, :N_NODES]
        if r < K_STEPS - 1:
            z, zs = pl.pallas_call(
                _combine_body,
                grid=_GRID,
                in_specs=[_row_spec(OUT_C)] * 4
                + [_row_spec(DEG_W)] * 2,
                out_specs=[_row_spec(OUT_C)] * 2,
                out_shape=[_sds((N_NODES, OUT_C))] * 2,
            )(p[0], p[1], z, g, d0, d1)
        else:
            out = pl.pallas_call(
                _final_body,
                grid=_GRID,
                in_specs=[_row_spec(OUT_C)] * 4
                + [_row_spec(DEG_W)] * 2,
                out_specs=_row_spec(OUT_C),
                out_shape=_sds((N_NODES, OUT_C)),
            )(p[0], p[1], z, g, d0, d1)
    return out

# --- scband reference (transcript-rebuilt; emitter-appended) ---
"""Pipeline reference for scband-appnpnet-86930138071451 (READ-ONLY COPY).

The authoritative reference and input builder live on the scoring server;
editing this copy changes nothing except your own understanding.
"""

import jax, jax.numpy as jnp
import numpy as np

N = 10000
E = 320000
IN_C = 128
HID_C = 128
OUT_C = 64
K = 10
ALPHA = 0.1


def setup_inputs(seed: int = 0) -> dict:
    key = jax.random.key(seed)
    k1, k2, k3, k4, k5, k6 = jax.random.split(key, 6)
    x = jax.random.normal(k1, (N, IN_C), dtype=jnp.float32)
    edge_index = jax.random.randint(k2, (2, E), 0, N)
    W1 = jax.random.normal(k3, (IN_C, HID_C), dtype=jnp.float32) * (1.0 / np.sqrt(IN_C))
    b1 = jnp.zeros((HID_C,), dtype=jnp.float32)
    W2 = jax.random.normal(k4, (HID_C, OUT_C), dtype=jnp.float32) * (1.0 / np.sqrt(HID_C))
    b2 = jnp.zeros((OUT_C,), dtype=jnp.float32)
    return {"x": x, "edge_index": edge_index, "W1": W1, "b1": b1, "W2": W2, "b2": b2}


def reference(x, edge_index, W1, b1, W2, b2):
    # lin1 + relu (dropout is identity in eval mode)
    h = jnp.maximum(x @ W1 + b1, 0.0)
    # lin2
    h = h @ W2 + b2
    # GCN normalization with self-loops (as in PyG APPNP default)
    src = edge_index[0]
    dst = edge_index[1]
    loop = jnp.arange(N, dtype=src.dtype)
    src = jnp.concatenate([src, loop])
    dst = jnp.concatenate([dst, loop])
    deg = jnp.zeros((N,), dtype=jnp.float32).at[dst].add(1.0)
    dinv = jnp.where(deg > 0, deg ** -0.5, 0.0)
    norm = dinv[src] * dinv[dst]
    # APPNP propagation: z = (1-alpha) * A_hat z + alpha * h, K iterations
    z = h
    for _ in range(K):
        msg = norm[:, None] * z[src]
        agg = jnp.zeros((N, OUT_C), dtype=jnp.float32).at[dst].add(msg)
        z = (1.0 - ALPHA) * agg + ALPHA * h
    return jax.nn.log_softmax(z, axis=1)

if __name__ == "__main__":
    import jax
    _d = setup_inputs()
    print(jax.jit(kernel)(*tuple(_d.values())))

</pallas_src>

<mosaic_0001>
#map = affine_map<(d0, d1) -> (0, 0)>
#map1 = affine_map<(d0, d1) -> (0, 0, 0)>
module attributes {stable_mosaic.version = 14 : i64} {
  func.func @edge_kernel(%arg0: i32, %arg1: i32, %arg2: memref<2560x128xi32, #tpu.memory_space<hbm>>, %arg3: memref<2560x128xi32, #tpu.memory_space<hbm>>, %arg4: memref<10000x64xf32, #tpu.memory_space<hbm>>, %arg5: memref<632x64xf32, #tpu.memory_space<hbm>>, %arg6: memref<2x10112x64xf32, #tpu.memory_space<hbm>>, %arg7: memref<80x128xi32, #tpu.memory_space<vmem>>, %arg8: memref<80x128xi32, #tpu.memory_space<vmem>>, %arg9: memref<128x64xf32, #tpu.memory_space<vmem>>, %arg10: memref<128x64xf32, #tpu.memory_space<vmem>>, %arg11: memref<10112x64xf32, #tpu.memory_space<vmem_shared>>, %arg12: memref<!tpu.dma_semaphore, #tpu.memory_space<semaphore_mem>>, %arg13: memref<!tpu.dma_semaphore, #tpu.memory_space<semaphore_mem>>) attributes {dimension_semantics = [#tpu.dimension_semantics<core_parallel>, #tpu.dimension_semantics<subcore_parallel>], iteration_bounds = array<i64: 2, 16>, scalar_prefetch = 0 : i64, scratch_operands = 7 : i64, tpu.core_type = #tpu.core_type<sc_vector_subcore>, window_params = [{transform_indices = #map}, {transform_indices = #map}, {transform_indices = #map}, {transform_indices = #map}, {transform_indices = #map1}]} {
    %mul3A = arith.constant 16 : i32
    %mul3A_0 = arith.muli %arg0, %mul3A : i32
    %add3A = arith.addi %mul3A_0, %arg1 : i32
    %mul3A_1 = arith.constant 80 : i32
    %mul3A_2 = arith.muli %add3A, %mul3A_1 : i32
    "tpu.region"() ({
      %run_scoped3A = tpu.sem_alloc : memref<!tpu.dma_semaphore, #tpu.memory_space<semaphore_mem>>
      %dma_start3A_30 = arith.constant 0 : i32
      %dma_start3A_31 = tpu.memref_slice %arg2[%mul3A_2, %dma_start3A_30] : memref<2560x128xi32, #tpu.memory_space<hbm>> -> memref<80x128xi32, #tpu.memory_space<hbm>>
      %dma_start3A_32 = arith.constant 0 : i32
      %dma_start3A_33 = tpu.memref_slice %arg2[%mul3A_2, %dma_start3A_32] : memref<2560x128xi32, #tpu.memory_space<hbm>> -> memref<80x128xi32, #tpu.memory_space<hbm>>
      tpu.enqueue_dma source(%dma_start3A_33 : memref<80x128xi32, #tpu.memory_space<hbm>>) target(%arg7 : memref<80x128xi32, #tpu.memory_space<vmem>>) target_semaphore(%run_scoped3A : memref<!tpu.dma_semaphore, #tpu.memory_space<semaphore_mem>>)
      %dma_wait3A = arith.constant 0 : i32
      %dma_wait3A_34 = tpu.memref_slice %arg2[%mul3A_2, %dma_wait3A] : memref<2560x128xi32, #tpu.memory_space<hbm>> -> memref<80x128xi32, #tpu.memory_space<hbm>>
      %dma_wait3A_35 = arith.constant 0 : i32
      %dma_wait3A_36 = tpu.memref_slice %arg2[%mul3A_2, %dma_wait3A_35] : memref<2560x128xi32, #tpu.memory_space<hbm>> -> memref<80x128xi32, #tpu.memory_space<hbm>>
      tpu.wait_dma2 semaphore(%run_scoped3A : memref<!tpu.dma_semaphore, #tpu.memory_space<semaphore_mem>>) src(%dma_wait3A_36 : memref<80x128xi32, #tpu.memory_space<hbm>>) dst(%arg7 : memref<80x128xi32, #tpu.memory_space<vmem>>)
      tpu.yield
    }) : () -> ()
    %mul3A_3 = arith.constant 80 : i32
    %mul3A_4 = arith.muli %add3A, %mul3A_3 : i32
    "tpu.region"() ({
      %run_scoped3A = tpu.sem_alloc : memref<!tpu.dma_semaphore, #tpu.memory_space<semaphore_mem>>
      %dma_start3A_30 = arith.constant 0 : i32
      %dma_start3A_31 = tpu.memref_slice %arg3[%mul3A_4, %dma_start3A_30] : memref<2560x128xi32, #tpu.memory_space<hbm>> -> memref<80x128xi32, #tpu.memory_space<hbm>>
      %dma_start3A_32 = arith.constant 0 : i32
      %dma_start3A_33 = tpu.memref_slice %arg3[%mul3A_4, %dma_start3A_32] : memref<2560x128xi32, #tpu.memory_space<hbm>> -> memref<80x128xi32, #tpu.memory_space<hbm>>
      tpu.enqueue_dma source(%dma_start3A_33 : memref<80x128xi32, #tpu.memory_space<hbm>>) target(%arg8 : memref<80x128xi32, #tpu.memory_space<vmem>>) target_semaphore(%run_scoped3A : memref<!tpu.dma_semaphore, #tpu.memory_space<semaphore_mem>>)
      %dma_wait3A = arith.constant 0 : i32
      %dma_wait3A_34 = tpu.memref_slice %arg3[%mul3A_4, %dma_wait3A] : memref<2560x128xi32, #tpu.memory_space<hbm>> -> memref<80x128xi32, #tpu.memory_space<hbm>>
      %dma_wait3A_35 = arith.constant 0 : i32
      %dma_wait3A_36 = tpu.memref_slice %arg3[%mul3A_4, %dma_wait3A_35] : memref<2560x128xi32, #tpu.memory_space<hbm>> -> memref<80x128xi32, #tpu.memory_space<hbm>>
      tpu.wait_dma2 semaphore(%run_scoped3A : memref<!tpu.dma_semaphore, #tpu.memory_space<semaphore_mem>>) src(%dma_wait3A_36 : memref<80x128xi32, #tpu.memory_space<hbm>>) dst(%arg8 : memref<80x128xi32, #tpu.memory_space<vmem>>)
      tpu.yield
    }) : () -> ()
    %mul3A_5 = arith.constant 632 : i32
    %mul3A_6 = arith.muli %arg1, %mul3A_5 : i32
    "tpu.region"() ({
      %run_scoped3A = tpu.sem_alloc : memref<!tpu.dma_semaphore, #tpu.memory_space<semaphore_mem>>
      %dma_start3A_30 = arith.constant 0 : i32
      %dma_start3A_31 = tpu.memref_slice %arg11[%mul3A_6, %dma_start3A_30] : memref<10112x64xf32, #tpu.memory_space<vmem_shared>> -> memref<632x64xf32, #tpu.memory_space<vmem_shared>>
      tpu.enqueue_dma source(%arg5 : memref<632x64xf32, #tpu.memory_space<hbm>>) target(%dma_start3A_31 : memref<632x64xf32, #tpu.memory_space<vmem_shared>>) target_semaphore(%run_scoped3A : memref<!tpu.dma_semaphore, #tpu.memory_space<semaphore_mem>>)
      %dma_wait3A = arith.constant 0 : i32
      %dma_wait3A_32 = tpu.memref_slice %arg11[%mul3A_6, %dma_wait3A] : memref<10112x64xf32, #tpu.memory_space<vmem_shared>> -> memref<632x64xf32, #tpu.memory_space<vmem_shared>>
      tpu.wait_dma2 semaphore(%run_scoped3A : memref<!tpu.dma_semaphore, #tpu.memory_space<semaphore_mem>>) src(%arg5 : memref<632x64xf32, #tpu.memory_space<hbm>>) dst(%dma_wait3A_32 : memref<632x64xf32, #tpu.memory_space<vmem_shared>>)
      tpu.yield
    }) : () -> ()
    %barrier3A = arith.constant 0 : index
    tpu.barrier barrier_id(%barrier3A)
    %dma_start3A = arith.constant 0 : i32
    %dma_start3A_7 = arith.constant 0 : i32
    %dma_start3A_8 = tpu.memref_slice %arg7[%dma_start3A, %dma_start3A_7] : memref<80x128xi32, #tpu.memory_space<vmem>> -> memref<1x128xi32, #tpu.memory_space<vmem>>
    %dma_start3A_9 = tpu.memref_squeeze %dma_start3A_8 : memref<1x128xi32, #tpu.memory_space<vmem>> -> memref<128xi32, #tpu.memory_space<vmem>>
    %dma_start3A_10 = arith.constant 0 : i32
    %dma_start3A_11 = arith.constant 0 : i32
    %dma_start3A_12 = tpu.memref_slice %arg4[%dma_start3A_10, %dma_start3A_11] : memref<10000x64xf32, #tpu.memory_space<hbm>> -> memref<10000x64xf32, #tpu.memory_space<hbm>>
    tpu.enqueue_indirect_dma source(%dma_start3A_12 : memref<10000x64xf32, #tpu.memory_space<hbm>>) target(%arg9 : memref<128x64xf32, #tpu.memory_space<vmem>>) offsets(%dma_start3A_9 : memref<128xi32, #tpu.memory_space<vmem>>) semaphore(%arg12 : memref<!tpu.dma_semaphore, #tpu.memory_space<semaphore_mem>>)
    %dma_start3A_13 = arith.constant 1 : i32
    %dma_start3A_14 = arith.constant 0 : i32
    %dma_start3A_15 = tpu.memref_slice %arg7[%dma_start3A_13, %dma_start3A_14] : memref<80x128xi32, #tpu.memory_space<vmem>> -> memref<1x128xi32, #tpu.memory_space<vmem>>
    %dma_start3A_16 = tpu.memref_squeeze %dma_start3A_15 : memref<1x128xi32, #tpu.memory_space<vmem>> -> memref<128xi32, #tpu.memory_space<vmem>>
    %dma_start3A_17 = arith.constant 0 : i32
    %dma_start3A_18 = arith.constant 0 : i32
    %dma_start3A_19 = tpu.memref_slice %arg4[%dma_start3A_17, %dma_start3A_18] : memref<10000x64xf32, #tpu.memory_space<hbm>> -> memref<10000x64xf32, #tpu.memory_space<hbm>>
    tpu.enqueue_indirect_dma source(%dma_start3A_19 : memref<10000x64xf32, #tpu.memory_space<hbm>>) target(%arg10 : memref<128x64xf32, #tpu.memory_space<vmem>>) offsets(%dma_start3A_16 : memref<128xi32, #tpu.memory_space<vmem>>) semaphore(%arg13 : memref<!tpu.dma_semaphore, #tpu.memory_space<semaphore_mem>>)
    %scan3A = arith.constant 0 : i32
    %scan3A_20 = arith.constant 0 : i32
    %scan3A_21 = arith.constant 40 : i32
    %scan3A_22 = arith.addi %scan3A_20, %scan3A_21 : i32
    %scan3A_23 = arith.constant 1 : i32
    scf.for %scan3A_30 = %scan3A_20 to %scan3A_22 step %scan3A_23  : i32 {
      %mul3A_31 = arith.constant 2 : i32
      %mul3A_32 = arith.muli %mul3A_31, %scan3A_30 : i32
      %add3A_33 = arith.constant 0 : i32
      %add3A_34 = arith.addi %mul3A_32, %add3A_33 : i32
      %dma_wait3A = arith.constant 0 : i32
      %dma_wait3A_35 = tpu.memref_slice %arg7[%add3A_34, %dma_wait3A] : memref<80x128xi32, #tpu.memory_space<vmem>> -> memref<1x128xi32, #tpu.memory_space<vmem>>
      %dma_wait3A_36 = tpu.memref_squeeze %dma_wait3A_35 : memref<1x128xi32, #tpu.memory_space<vmem>> -> memref<128xi32, #tpu.memory_space<vmem>>
      %dma_wait3A_37 = arith.constant 0 : i32
      %dma_wait3A_38 = arith.constant 0 : i32
      %dma_wait3A_39 = tpu.memref_slice %arg4[%dma_wait3A_37, %dma_wait3A_38] : memref<10000x64xf32, #tpu.memory_space<hbm>> -> memref<10000x64xf32, #tpu.memory_space<hbm>>
      tpu.wait_indirect_dma semaphore(%arg12 : memref<!tpu.dma_semaphore, #tpu.memory_space<semaphore_mem>>) src(%dma_wait3A_39 : memref<10000x64xf32, #tpu.memory_space<hbm>>) dst(%arg9 : memref<128x64xf32, #tpu.memory_space<vmem>>)
      "tpu.region"() ({
        %run_scoped3A = tpu.sem_alloc : memref<!tpu.dma_semaphore, #tpu.memory_space<semaphore_mem>>
        %dma_start3A_61 = arith.constant 0 : i32
        %dma_start3A_62 = tpu.memref_slice %arg8[%add3A_34, %dma_start3A_61] : memref<80x128xi32, #tpu.memory_space<vmem>> -> memref<1x128xi32, #tpu.memory_space<vmem>>
        %dma_start3A_63 = tpu.memref_squeeze %dma_start3A_62 : memref<1x128xi32, #tpu.memory_space<vmem>> -> memref<128xi32, #tpu.memory_space<vmem>>
        %dma_start3A_64 = arith.constant 0 : i32
        %dma_start3A_65 = arith.constant 0 : i32
        %dma_start3A_66 = tpu.memref_slice %arg11[%dma_start3A_64, %dma_start3A_65] : memref<10112x64xf32, #tpu.memory_space<vmem_shared>> -> memref<10112x64xf32, #tpu.memory_space<vmem_shared>>
        tpu.enqueue_indirect_dma source(%arg9 : memref<128x64xf32, #tpu.memory_space<vmem>>) target(%dma_start3A_66 : memref<10112x64xf32, #tpu.memory_space<vmem_shared>>) offsets(%dma_start3A_63 : memref<128xi32, #tpu.memory_space<vmem>>) semaphore(%run_scoped3A : memref<!tpu.dma_semaphore, #tpu.memory_space<semaphore_mem>>) {add = true}
        %dma_wait3A_67 = arith.constant 0 : i32
        %dma_wait3A_68 = tpu.memref_slice %arg8[%add3A_34, %dma_wait3A_67] : memref<80x128xi32, #tpu.memory_space<vmem>> -> memref<1x128xi32, #tpu.memory_space<vmem>>
        %dma_wait3A_69 = tpu.memref_squeeze %dma_wait3A_68 : memref<1x128xi32, #tpu.memory_space<vmem>> -> memref<128xi32, #tpu.memory_space<vmem>>
        %dma_wait3A_70 = arith.constant 0 : i32
        %dma_wait3A_71 = arith.constant 0 : i32
        %dma_wait3A_72 = tpu.memref_slice %arg11[%dma_wait3A_70, %dma_wait3A_71] : memref<10112x64xf32, #tpu.memory_space<vmem_shared>> -> memref<10112x64xf32, #tpu.memory_space<vmem_shared>>
        tpu.wait_indirect_dma semaphore(%run_scoped3A : memref<!tpu.dma_semaphore, #tpu.memory_space<semaphore_mem>>) src(%arg9 : memref<128x64xf32, #tpu.memory_space<vmem>>) dst(%dma_wait3A_72 : memref<10112x64xf32, #tpu.memory_space<vmem_shared>>)
        tpu.yield
      }) : () -> ()
      %add3A_40 = arith.constant 2 : i32
      %add3A_41 = arith.addi %add3A_34, %add3A_40 : i32
      %lt3A = arith.constant 80 : i32
      %lt3A_42 = arith.cmpi slt, %add3A_41, %lt3A : i32
      %convert_element_type3A = arith.extui %lt3A_42 : i1 to i32
      %cond3A = arith.constant 0 : i32
      %cond3A_43 = arith.cmpi ne, %convert_element_type3A, %cond3A : i32
      scf.if %cond3A_43 {
        %add3A_61 = arith.constant 2 : i32
        %add3A_62 = arith.addi %add3A_34, %add3A_61 : i32
        %dma_start3A_63 = arith.constant 0 : i32
        %dma_start3A_64 = tpu.memref_slice %arg7[%add3A_62, %dma_start3A_63] : memref<80x128xi32, #tpu.memory_space<vmem>> -> memref<1x128xi32, #tpu.memory_space<vmem>>
        %dma_start3A_65 = tpu.memref_squeeze %dma_start3A_64 : memref<1x128xi32, #tpu.memory_space<vmem>> -> memref<128xi32, #tpu.memory_space<vmem>>
        %dma_start3A_66 = arith.constant 0 : i32
        %dma_start3A_67 = arith.constant 0 : i32
        %dma_start3A_68 = tpu.memref_slice %arg4[%dma_start3A_66, %dma_start3A_67] : memref<10000x64xf32, #tpu.memory_space<hbm>> -> memref<10000x64xf32, #tpu.memory_space<hbm>>
        tpu.enqueue_indirect_dma source(%dma_start3A_68 : memref<10000x64xf32, #tpu.memory_space<hbm>>) target(%arg9 : memref<128x64xf32, #tpu.memory_space<vmem>>) offsets(%dma_start3A_65 : memref<128xi32, #tpu.memory_space<vmem>>) semaphore(%arg12 : memref<!tpu.dma_semaphore, #tpu.memory_space<semaphore_mem>>)
      } else {
      }
      %mul3A_44 = arith.constant 2 : i32
      %mul3A_45 = arith.muli %mul3A_44, %scan3A_30 : i32
      %add3A_46 = arith.constant 1 : i32
      %add3A_47 = arith.addi %mul3A_45, %add3A_46 : i32
      %dma_wait3A_48 = arith.constant 0 : i32
      %dma_wait3A_49 = tpu.memref_slice %arg7[%add3A_47, %dma_wait3A_48] : memref<80x128xi32, #tpu.memory_space<vmem>> -> memref<1x128xi32, #tpu.memory_space<vmem>>
      %dma_wait3A_50 = tpu.memref_squeeze %dma_wait3A_49 : memref<1x128xi32, #tpu.memory_space<vmem>> -> memref<128xi32, #tpu.memory_space<vmem>>
      %dma_wait3A_51 = arith.constant 0 : i32
      %dma_wait3A_52 = arith.constant 0 : i32
      %dma_wait3A_53 = tpu.memref_slice %arg4[%dma_wait3A_51, %dma_wait3A_52] : memref<10000x64xf32, #tpu.memory_space<hbm>> -> memref<10000x64xf32, #tpu.memory_space<hbm>>
      tpu.wait_indirect_dma semaphore(%arg13 : memref<!tpu.dma_semaphore, #tpu.memory_space<semaphore_mem>>) src(%dma_wait3A_53 : memref<10000x64xf32, #tpu.memory_space<hbm>>) dst(%arg10 : memref<128x64xf32, #tpu.memory_space<vmem>>)
      "tpu.region"() ({
        %run_scoped3A = tpu.sem_alloc : memref<!tpu.dma_semaphore, #tpu.memory_space<semaphore_mem>>
        %dma_start3A_61 = arith.constant 0 : i32
        %dma_start3A_62 = tpu.memref_slice %arg8[%add3A_47, %dma_start3A_61] : memref<80x128xi32, #tpu.memory_space<vmem>> -> memref<1x128xi32, #tpu.memory_space<vmem>>
        %dma_start3A_63 = tpu.memref_squeeze %dma_start3A_62 : memref<1x128xi32, #tpu.memory_space<vmem>> -> memref<128xi32, #tpu.memory_space<vmem>>
        %dma_start3A_64 = arith.constant 0 : i32
        %dma_start3A_65 = arith.constant 0 : i32
        %dma_start3A_66 = tpu.memref_slice %arg11[%dma_start3A_64, %dma_start3A_65] : memref<10112x64xf32, #tpu.memory_space<vmem_shared>> -> memref<10112x64xf32, #tpu.memory_space<vmem_shared>>
        tpu.enqueue_indirect_dma source(%arg10 : memref<128x64xf32, #tpu.memory_space<vmem>>) target(%dma_start3A_66 : memref<10112x64xf32, #tpu.memory_space<vmem_shared>>) offsets(%dma_start3A_63 : memref<128xi32, #tpu.memory_space<vmem>>) semaphore(%run_scoped3A : memref<!tpu.dma_semaphore, #tpu.memory_space<semaphore_mem>>) {add = true}
        %dma_wait3A_67 = arith.constant 0 : i32
        %dma_wait3A_68 = tpu.memref_slice %arg8[%add3A_47, %dma_wait3A_67] : memref<80x128xi32, #tpu.memory_space<vmem>> -> memref<1x128xi32, #tpu.memory_space<vmem>>
        %dma_wait3A_69 = tpu.memref_squeeze %dma_wait3A_68 : memref<1x128xi32, #tpu.memory_space<vmem>> -> memref<128xi32, #tpu.memory_space<vmem>>
        %dma_wait3A_70 = arith.constant 0 : i32
        %dma_wait3A_71 = arith.constant 0 : i32
        %dma_wait3A_72 = tpu.memref_slice %arg11[%dma_wait3A_70, %dma_wait3A_71] : memref<10112x64xf32, #tpu.memory_space<vmem_shared>> -> memref<10112x64xf32, #tpu.memory_space<vmem_shared>>
        tpu.wait_indirect_dma semaphore(%run_scoped3A : memref<!tpu.dma_semaphore, #tpu.memory_space<semaphore_mem>>) src(%arg10 : memref<128x64xf32, #tpu.memory_space<vmem>>) dst(%dma_wait3A_72 : memref<10112x64xf32, #tpu.memory_space<vmem_shared>>)
        tpu.yield
      }) : () -> ()
      %add3A_54 = arith.constant 2 : i32
      %add3A_55 = arith.addi %add3A_47, %add3A_54 : i32
      %lt3A_56 = arith.constant 80 : i32
      %lt3A_57 = arith.cmpi slt, %add3A_55, %lt3A_56 : i32
      %convert_element_type3A_58 = arith.extui %lt3A_57 : i1 to i32
      %cond3A_59 = arith.constant 0 : i32
      %cond3A_60 = arith.cmpi ne, %convert_element_type3A_58, %cond3A_59 : i32
      scf.if %cond3A_60 {
        %add3A_61 = arith.constant 2 : i32
        %add3A_62 = arith.addi %add3A_47, %add3A_61 : i32
        %dma_start3A_63 = arith.constant 0 : i32
        %dma_start3A_64 = tpu.memref_slice %arg7[%add3A_62, %dma_start3A_63] : memref<80x128xi32, #tpu.memory_space<vmem>> -> memref<1x128xi32, #tpu.memory_space<vmem>>
        %dma_start3A_65 = tpu.memref_squeeze %dma_start3A_64 : memref<1x128xi32, #tpu.memory_space<vmem>> -> memref<128xi32, #tpu.memory_space<vmem>>
        %dma_start3A_66 = arith.constant 0 : i32
        %dma_start3A_67 = arith.constant 0 : i32
        %dma_start3A_68 = tpu.memref_slice %arg4[%dma_start3A_66, %dma_start3A_67] : memref<10000x64xf32, #tpu.memory_space<hbm>> -> memref<10000x64xf32, #tpu.memory_space<hbm>>
        tpu.enqueue_indirect_dma source(%dma_start3A_68 : memref<10000x64xf32, #tpu.memory_space<hbm>>) target(%arg10 : memref<128x64xf32, #tpu.memory_space<vmem>>) offsets(%dma_start3A_65 : memref<128xi32, #tpu.memory_space<vmem>>) semaphore(%arg13 : memref<!tpu.dma_semaphore, #tpu.memory_space<semaphore_mem>>)
      } else {
      }
    }
    %scan3A_24 = arith.constant 40 : i32
    %barrier3A_25 = arith.constant 0 : index
    tpu.barrier barrier_id(%barrier3A_25)
    %mul3A_26 = arith.constant 632 : i32
    %mul3A_27 = arith.muli %arg1, %mul3A_26 : i32
    %mul3A_28 = arith.constant 632 : i32
    %mul3A_29 = arith.muli %arg1, %mul3A_28 : i32
    "tpu.region"() ({
      %run_scoped3A = tpu.sem_alloc : memref<!tpu.dma_semaphore, #tpu.memory_space<semaphore_mem>>
      %dma_start3A_30 = arith.constant 0 : i32
      %dma_start3A_31 = tpu.memref_slice %arg6[%arg0, %mul3A_29, %dma_start3A_30] : memref<2x10112x64xf32, #tpu.memory_space<hbm>> -> memref<1x632x64xf32, #tpu.memory_space<hbm>>
      %dma_start3A_32 = tpu.memref_squeeze %dma_start3A_31 : memref<1x632x64xf32, #tpu.memory_space<hbm>> -> memref<632x64xf32, #tpu.memory_space<hbm>>
      %dma_start3A_33 = arith.constant 0 : i32
      %dma_start3A_34 = tpu.memref_slice %arg11[%mul3A_27, %dma_start3A_33] : memref<10112x64xf32, #tpu.memory_space<vmem_shared>> -> memref<632x64xf32, #tpu.memory_space<vmem_shared>>
      tpu.enqueue_dma source(%dma_start3A_34 : memref<632x64xf32, #tpu.memory_space<vmem_shared>>) target(%dma_start3A_32 : memref<632x64xf32, #tpu.memory_space<hbm>>) target_semaphore(%run_scoped3A : memref<!tpu.dma_semaphore, #tpu.memory_space<semaphore_mem>>)
      %dma_wait3A = arith.constant 0 : i32
      %dma_wait3A_35 = tpu.memref_slice %arg6[%arg0, %mul3A_29, %dma_wait3A] : memref<2x10112x64xf32, #tpu.memory_space<hbm>> -> memref<1x632x64xf32, #tpu.memory_space<hbm>>
      %dma_wait3A_36 = tpu.memref_squeeze %dma_wait3A_35 : memref<1x632x64xf32, #tpu.memory_space<hbm>> -> memref<632x64xf32, #tpu.memory_space<hbm>>
      %dma_wait3A_37 = arith.constant 0 : i32
      %dma_wait3A_38 = tpu.memref_slice %arg11[%mul3A_27, %dma_wait3A_37] : memref<10112x64xf32, #tpu.memory_space<vmem_shared>> -> memref<632x64xf32, #tpu.memory_space<vmem_shared>>
      tpu.wait_dma2 semaphore(%run_scoped3A : memref<!tpu.dma_semaphore, #tpu.memory_space<semaphore_mem>>) src(%dma_wait3A_38 : memref<632x64xf32, #tpu.memory_space<vmem_shared>>) dst(%dma_wait3A_36 : memref<632x64xf32, #tpu.memory_space<hbm>>)
      tpu.yield
    }) : () -> ()
    return
  }
}

#map = affine_map<(d0, d1) -> (0, 0)>
#map1 = affine_map<(d0, d1) -> (0, 0, 0)>
module attributes {stable_mosaic.version = 14 : i64} {
  func.func @edge_kernel(%arg0: i32, %arg1: i32, %arg2: memref<2560x128xi32, #tpu.memory_space<hbm>>, %arg3: memref<2560x128xi32, #tpu.memory_space<hbm>>, %arg4: memref<10000x64xf32, #tpu.memory_space<hbm>>, %arg5: memref<632x64xf32, #tpu.memory_space<hbm>>, %arg6: memref<2x10112x64xf32, #tpu.memory_space<hbm>>, %arg7: memref<80x128xi32, #tpu.memory_space<vmem>>, %arg8: memref<80x128xi32, #tpu.memory_space<vmem>>, %arg9: memref<128x64xf32, #tpu.memory_space<vmem>>, %arg10: memref<128x64xf32, #tpu.memory_space<vmem>>, %arg11: memref<10112x64xf32, #tpu.memory_space<vmem_shared>>, %arg12: memref<!tpu.dma_semaphore, #tpu.memory_space<semaphore_mem>>, %arg13: memref<!tpu.dma_semaphore, #tpu.memory_space<semaphore_mem>>) attributes {dimension_semantics = [#tpu.dimension_semantics<core_parallel>, #tpu.dimension_semantics<subcore_parallel>], iteration_bounds = array<i64: 2, 16>, scalar_prefetch = 0 : i64, scratch_operands = 7 : i64, tpu.core_type = #tpu.core_type<sc_vector_subcore>, window_params = [{transform_indices = #map}, {transform_indices = #map}, {transform_indices = #map}, {transform_indices = #map}, {transform_indices = #map1}]} {
    %mul3A = arith.constant 16 : i32
    %mul3A_0 = arith.muli %arg0, %mul3A : i32
    %add3A = arith.addi %mul3A_0, %arg1 : i32
    %mul3A_1 = arith.constant 80 : i32
    %mul3A_2 = arith.muli %add3A, %mul3A_1 : i32
    "tpu.region"() ({
      %run_scoped3A = tpu.sem_alloc : memref<!tpu.dma_semaphore, #tpu.memory_space<semaphore_mem>>
      %dma_start3A_30 = arith.constant 0 : i32
      %dma_start3A_31 = tpu.memref_slice %arg2[%mul3A_2, %dma_start3A_30] : memref<2560x128xi32, #tpu.memory_space<hbm>> -> memref<80x128xi32, #tpu.memory_space<hbm>>
      %dma_start3A_32 = arith.constant 0 : i32
      %dma_start3A_33 = tpu.memref_slice %arg2[%mul3A_2, %dma_start3A_32] : memref<2560x128xi32, #tpu.memory_space<hbm>> -> memref<80x128xi32, #tpu.memory_space<hbm>>
      tpu.enqueue_dma source(%dma_start3A_33 : memref<80x128xi32, #tpu.memory_space<hbm>>) target(%arg7 : memref<80x128xi32, #tpu.memory_space<vmem>>) target_semaphore(%run_scoped3A : memref<!tpu.dma_semaphore, #tpu.memory_space<semaphore_mem>>)
      %dma_wait3A = arith.constant 0 : i32
      %dma_wait3A_34 = tpu.memref_slice %arg2[%mul3A_2, %dma_wait3A] : memref<2560x128xi32, #tpu.memory_space<hbm>> -> memref<80x128xi32, #tpu.memory_space<hbm>>
      %dma_wait3A_35 = arith.constant 0 : i32
      %dma_wait3A_36 = tpu.memref_slice %arg2[%mul3A_2, %dma_wait3A_35] : memref<2560x128xi32, #tpu.memory_space<hbm>> -> memref<80x128xi32, #tpu.memory_space<hbm>>
      tpu.wait_dma2 semaphore(%run_scoped3A : memref<!tpu.dma_semaphore, #tpu.memory_space<semaphore_mem>>) src(%dma_wait3A_36 : memref<80x128xi32, #tpu.memory_space<hbm>>) dst(%arg7 : memref<80x128xi32, #tpu.memory_space<vmem>>)
      tpu.yield
    }) : () -> ()
    %mul3A_3 = arith.constant 80 : i32
    %mul3A_4 = arith.muli %add3A, %mul3A_3 : i32
    "tpu.region"() ({
      %run_scoped3A = tpu.sem_alloc : memref<!tpu.dma_semaphore, #tpu.memory_space<semaphore_mem>>
      %dma_start3A_30 = arith.constant 0 : i32
      %dma_start3A_31 = tpu.memref_slice %arg3[%mul3A_4, %dma_start3A_30] : memref<2560x128xi32, #tpu.memory_space<hbm>> -> memref<80x128xi32, #tpu.memory_space<hbm>>
      %dma_start3A_32 = arith.constant 0 : i32
      %dma_start3A_33 = tpu.memref_slice %arg3[%mul3A_4, %dma_start3A_32] : memref<2560x128xi32, #tpu.memory_space<hbm>> -> memref<80x128xi32, #tpu.memory_space<hbm>>
      tpu.enqueue_dma source(%dma_start3A_33 : memref<80x128xi32, #tpu.memory_space<hbm>>) target(%arg8 : memref<80x128xi32, #tpu.memory_space<vmem>>) target_semaphore(%run_scoped3A : memref<!tpu.dma_semaphore, #tpu.memory_space<semaphore_mem>>)
      %dma_wait3A = arith.constant 0 : i32
      %dma_wait3A_34 = tpu.memref_slice %arg3[%mul3A_4, %dma_wait3A] : memref<2560x128xi32, #tpu.memory_space<hbm>> -> memref<80x128xi32, #tpu.memory_space<hbm>>
      %dma_wait3A_35 = arith.constant 0 : i32
      %dma_wait3A_36 = tpu.memref_slice %arg3[%mul3A_4, %dma_wait3A_35] : memref<2560x128xi32, #tpu.memory_space<hbm>> -> memref<80x128xi32, #tpu.memory_space<hbm>>
      tpu.wait_dma2 semaphore(%run_scoped3A : memref<!tpu.dma_semaphore, #tpu.memory_space<semaphore_mem>>) src(%dma_wait3A_36 : memref<80x128xi32, #tpu.memory_space<hbm>>) dst(%arg8 : memref<80x128xi32, #tpu.memory_space<vmem>>)
      tpu.yield
    }) : () -> ()
    %mul3A_5 = arith.constant 632 : i32
    %mul3A_6 = arith.muli %arg1, %mul3A_5 : i32
    "tpu.region"() ({
      %run_scoped3A = tpu.sem_alloc : memref<!tpu.dma_semaphore, #tpu.memory_space<semaphore_mem>>
      %dma_start3A_30 = arith.constant 0 : i32
      %dma_start3A_31 = tpu.memref_slice %arg11[%mul3A_6, %dma_start3A_30] : memref<10112x64xf32, #tpu.memory_space<vmem_shared>> -> memref<632x64xf32, #tpu.memory_space<vmem_shared>>
      tpu.enqueue_dma source(%arg5 : memref<632x64xf32, #tpu.memory_space<hbm>>) target(%dma_start3A_31 : memref<632x64xf32, #tpu.memory_space<vmem_shared>>) target_semaphore(%run_scoped3A : memref<!tpu.dma_semaphore, #tpu.memory_space<semaphore_mem>>)
      %dma_wait3A = arith.constant 0 : i32
      %dma_wait3A_32 = tpu.memref_slice %arg11[%mul3A_6, %dma_wait3A] : memref<10112x64xf32, #tpu.memory_space<vmem_shared>> -> memref<632x64xf32, #tpu.memory_space<vmem_shared>>
      tpu.wait_dma2 semaphore(%run_scoped3A : memref<!tpu.dma_semaphore, #tpu.memory_space<semaphore_mem>>) src(%arg5 : memref<632x64xf32, #tpu.memory_space<hbm>>) dst(%dma_wait3A_32 : memref<632x64xf32, #tpu.memory_space<vmem_shared>>)
      tpu.yield
    }) : () -> ()
    %barrier3A = arith.constant 0 : index
    tpu.barrier barrier_id(%barrier3A)
    %dma_start3A = arith.constant 0 : i32
    %dma_start3A_7 = arith.constant 0 : i32
    %dma_start3A_8 = tpu.memref_slice %arg7[%dma_start3A, %dma_start3A_7] : memref<80x128xi32, #tpu.memory_space<vmem>> -> memref<1x128xi32, #tpu.memory_space<vmem>>
    %dma_start3A_9 = tpu.memref_squeeze %dma_start3A_8 : memref<1x128xi32, #tpu.memory_space<vmem>> -> memref<128xi32, #tpu.memory_space<vmem>>
    %dma_start3A_10 = arith.constant 0 : i32
    %dma_start3A_11 = arith.constant 0 : i32
    %dma_start3A_12 = tpu.memref_slice %arg4[%dma_start3A_10, %dma_start3A_11] : memref<10000x64xf32, #tpu.memory_space<hbm>> -> memref<10000x64xf32, #tpu.memory_space<hbm>>
    tpu.enqueue_indirect_dma source(%dma_start3A_12 : memref<10000x64xf32, #tpu.memory_space<hbm>>) target(%arg9 : memref<128x64xf32, #tpu.memory_space<vmem>>) offsets(%dma_start3A_9 : memref<128xi32, #tpu.memory_space<vmem>>) semaphore(%arg12 : memref<!tpu.dma_semaphore, #tpu.memory_space<semaphore_mem>>)
    %dma_start3A_13 = arith.constant 1 : i32
    %dma_start3A_14 = arith.constant 0 : i32
    %dma_start3A_15 = tpu.memref_slice %arg7[%dma_start3A_13, %dma_start3A_14] : memref<80x128xi32, #tpu.memory_space<vmem>> -> memref<1x128xi32, #tpu.memory_space<vmem>>
    %dma_start3A_16 = tpu.memref_squeeze %dma_start3A_15 : memref<1x128xi32, #tpu.memory_space<vmem>> -> memref<128xi32, #tpu.memory_space<vmem>>
    %dma_start3A_17 = arith.constant 0 : i32
    %dma_start3A_18 = arith.constant 0 : i32
    %dma_start3A_19 = tpu.memref_slice %arg4[%dma_start3A_17, %dma_start3A_18] : memref<10000x64xf32, #tpu.memory_space<hbm>> -> memref<10000x64xf32, #tpu.memory_space<hbm>>
    tpu.enqueue_indirect_dma source(%dma_start3A_19 : memref<10000x64xf32, #tpu.memory_space<hbm>>) target(%arg10 : memref<128x64xf32, #tpu.memory_space<vmem>>) offsets(%dma_start3A_16 : memref<128xi32, #tpu.memory_space<vmem>>) semaphore(%arg13 : memref<!tpu.dma_semaphore, #tpu.memory_space<semaphore_mem>>)
    %scan3A = arith.constant 0 : i32
    %scan3A_20 = arith.constant 0 : i32
    %scan3A_21 = arith.constant 40 : i32
    %scan3A_22 = arith.addi %scan3A_20, %scan3A_21 : i32
    %scan3A_23 = arith.constant 1 : i32
    scf.for %scan3A_30 = %scan3A_20 to %scan3A_22 step %scan3A_23  : i32 {
      %mul3A_31 = arith.constant 2 : i32
      %mul3A_32 = arith.muli %mul3A_31, %scan3A_30 : i32
      %add3A_33 = arith.constant 0 : i32
      %add3A_34 = arith.addi %mul3A_32, %add3A_33 : i32
      %dma_wait3A = arith.constant 0 : i32
      %dma_wait3A_35 = tpu.memref_slice %arg7[%add3A_34, %dma_wait3A] : memref<80x128xi32, #tpu.memory_space<vmem>> -> memref<1x128xi32, #tpu.memory_space<vmem>>
      %dma_wait3A_36 = tpu.memref_squeeze %dma_wait3A_35 : memref<1x128xi32, #tpu.memory_space<vmem>> -> memref<128xi32, #tpu.memory_space<vmem>>
      %dma_wait3A_37 = arith.constant 0 : i32
      %dma_wait3A_38 = arith.constant 0 : i32
      %dma_wait3A_39 = tpu.memref_slice %arg4[%dma_wait3A_37, %dma_wait3A_38] : memref<10000x64xf32, #tpu.memory_space<hbm>> -> memref<10000x64xf32, #tpu.memory_space<hbm>>
      tpu.wait_indirect_dma semaphore(%arg12 : memref<!tpu.dma_semaphore, #tpu.memory_space<semaphore_mem>>) src(%dma_wait3A_39 : memref<10000x64xf32, #tpu.memory_space<hbm>>) dst(%arg9 : memref<128x64xf32, #tpu.memory_space<vmem>>)
      "tpu.region"() ({
        %run_scoped3A = tpu.sem_alloc : memref<!tpu.dma_semaphore, #tpu.memory_space<semaphore_mem>>
        %dma_start3A_61 = arith.constant 0 : i32
        %dma_start3A_62 = tpu.memref_slice %arg8[%add3A_34, %dma_start3A_61] : memref<80x128xi32, #tpu.memory_space<vmem>> -> memref<1x128xi32, #tpu.memory_space<vmem>>
        %dma_start3A_63 = tpu.memref_squeeze %dma_start3A_62 : memref<1x128xi32, #tpu.memory_space<vmem>> -> memref<128xi32, #tpu.memory_space<vmem>>
        %dma_start3A_64 = arith.constant 0 : i32
        %dma_start3A_65 = arith.constant 0 : i32
        %dma_start3A_66 = tpu.memref_slice %arg11[%dma_start3A_64, %dma_start3A_65] : memref<10112x64xf32, #tpu.memory_space<vmem_shared>> -> memref<10112x64xf32, #tpu.memory_space<vmem_shared>>
        tpu.enqueue_indirect_dma source(%arg9 : memref<128x64xf32, #tpu.memory_space<vmem>>) target(%dma_start3A_66 : memref<10112x64xf32, #tpu.memory_space<vmem_shared>>) offsets(%dma_start3A_63 : memref<128xi32, #tpu.memory_space<vmem>>) semaphore(%run_scoped3A : memref<!tpu.dma_semaphore, #tpu.memory_space<semaphore_mem>>) {add = true}
        %dma_wait3A_67 = arith.constant 0 : i32
        %dma_wait3A_68 = tpu.memref_slice %arg8[%add3A_34, %dma_wait3A_67] : memref<80x128xi32, #tpu.memory_space<vmem>> -> memref<1x128xi32, #tpu.memory_space<vmem>>
        %dma_wait3A_69 = tpu.memref_squeeze %dma_wait3A_68 : memref<1x128xi32, #tpu.memory_space<vmem>> -> memref<128xi32, #tpu.memory_space<vmem>>
        %dma_wait3A_70 = arith.constant 0 : i32
        %dma_wait3A_71 = arith.constant 0 : i32
        %dma_wait3A_72 = tpu.memref_slice %arg11[%dma_wait3A_70, %dma_wait3A_71] : memref<10112x64xf32, #tpu.memory_space<vmem_shared>> -> memref<10112x64xf32, #tpu.memory_space<vmem_shared>>
        tpu.wait_indirect_dma semaphore(%run_scoped3A : memref<!tpu.dma_semaphore, #tpu.memory_space<semaphore_mem>>) src(%arg9 : memref<128x64xf32, #tpu.memory_space<vmem>>) dst(%dma_wait3A_72 : memref<10112x64xf32, #tpu.memory_space<vmem_shared>>)
        tpu.yield
      }) : () -> ()
      %add3A_40 = arith.constant 2 : i32
      %add3A_41 = arith.addi %add3A_34, %add3A_40 : i32
      %lt3A = arith.constant 80 : i32
      %lt3A_42 = arith.cmpi slt, %add3A_41, %lt3A : i32
      %convert_element_type3A = arith.extui %lt3A_42 : i1 to i32
      %cond3A = arith.constant 0 : i32
      %cond3A_43 = arith.cmpi ne, %convert_element_type3A, %cond3A : i32
      scf.if %cond3A_43 {
        %add3A_61 = arith.constant 2 : i32
        %add3A_62 = arith.addi %add3A_34, %add3A_61 : i32
        %dma_start3A_63 = arith.constant 0 : i32
        %dma_start3A_64 = tpu.memref_slice %arg7[%add3A_62, %dma_start3A_63] : memref<80x128xi32, #tpu.memory_space<vmem>> -> memref<1x128xi32, #tpu.memory_space<vmem>>
        %dma_start3A_65 = tpu.memref_squeeze %dma_start3A_64 : memref<1x128xi32, #tpu.memory_space<vmem>> -> memref<128xi32, #tpu.memory_space<vmem>>
        %dma_start3A_66 = arith.constant 0 : i32
        %dma_start3A_67 = arith.constant 0 : i32
        %dma_start3A_68 = tpu.memref_slice %arg4[%dma_start3A_66, %dma_start3A_67] : memref<10000x64xf32, #tpu.memory_space<hbm>> -> memref<10000x64xf32, #tpu.memory_space<hbm>>
        tpu.enqueue_indirect_dma source(%dma_start3A_68 : memref<10000x64xf32, #tpu.memory_space<hbm>>) target(%arg9 : memref<128x64xf32, #tpu.memory_space<vmem>>) offsets(%dma_start3A_65 : memref<128xi32, #tpu.memory_space<vmem>>) semaphore(%arg12 : memref<!tpu.dma_semaphore, #tpu.memory_space<semaphore_mem>>)
      } else {
      }
      %mul3A_44 = arith.constant 2 : i32
      %mul3A_45 = arith.muli %mul3A_44, %scan3A_30 : i32
      %add3A_46 = arith.constant 1 : i32
      %add3A_47 = arith.addi %mul3A_45, %add3A_46 : i32
      %dma_wait3A_48 = arith.constant 0 : i32
      %dma_wait3A_49 = tpu.memref_slice %arg7[%add3A_47, %dma_wait3A_48] : memref<80x128xi32, #tpu.memory_space<vmem>> -> memref<1x128xi32, #tpu.memory_space<vmem>>
      %dma_wait3A_50 = tpu.memref_squeeze %dma_wait3A_49 : memref<1x128xi32, #tpu.memory_space<vmem>> -> memref<128xi32, #tpu.memory_space<vmem>>
      %dma_wait3A_51 = arith.constant 0 : i32
      %dma_wait3A_52 = arith.constant 0 : i32
      %dma_wait3A_53 = tpu.memref_slice %arg4[%dma_wait3A_51, %dma_wait3A_52] : memref<10000x64xf32, #tpu.memory_space<hbm>> -> memref<10000x64xf32, #tpu.memory_space<hbm>>
      tpu.wait_indirect_dma semaphore(%arg13 : memref<!tpu.dma_semaphore, #tpu.memory_space<semaphore_mem>>) src(%dma_wait3A_53 : memref<10000x64xf32, #tpu.memory_space<hbm>>) dst(%arg10 : memref<128x64xf32, #tpu.memory_space<vmem>>)
      "tpu.region"() ({
        %run_scoped3A = tpu.sem_alloc : memref<!tpu.dma_semaphore, #tpu.memory_space<semaphore_mem>>
        %dma_start3A_61 = arith.constant 0 : i32
        %dma_start3A_62 = tpu.memref_slice %arg8[%add3A_47, %dma_start3A_61] : memref<80x128xi32, #tpu.memory_space<vmem>> -> memref<1x128xi32, #tpu.memory_space<vmem>>
        %dma_start3A_63 = tpu.memref_squeeze %dma_start3A_62 : memref<1x128xi32, #tpu.memory_space<vmem>> -> memref<128xi32, #tpu.memory_space<vmem>>
        %dma_start3A_64 = arith.constant 0 : i32
        %dma_start3A_65 = arith.constant 0 : i32
        %dma_start3A_66 = tpu.memref_slice %arg11[%dma_start3A_64, %dma_start3A_65] : memref<10112x64xf32, #tpu.memory_space<vmem_shared>> -> memref<10112x64xf32, #tpu.memory_space<vmem_shared>>
        tpu.enqueue_indirect_dma source(%arg10 : memref<128x64xf32, #tpu.memory_space<vmem>>) target(%dma_start3A_66 : memref<10112x64xf32, #tpu.memory_space<vmem_shared>>) offsets(%dma_start3A_63 : memref<128xi32, #tpu.memory_space<vmem>>) semaphore(%run_scoped3A : memref<!tpu.dma_semaphore, #tpu.memory_space<semaphore_mem>>) {add = true}
        %dma_wait3A_67 = arith.constant 0 : i32
        %dma_wait3A_68 = tpu.memref_slice %arg8[%add3A_47, %dma_wait3A_67] : memref<80x128xi32, #tpu.memory_space<vmem>> -> memref<1x128xi32, #tpu.memory_space<vmem>>
        %dma_wait3A_69 = tpu.memref_squeeze %dma_wait3A_68 : memref<1x128xi32, #tpu.memory_space<vmem>> -> memref<128xi32, #tpu.memory_space<vmem>>
        %dma_wait3A_70 = arith.constant 0 : i32
        %dma_wait3A_71 = arith.constant 0 : i32
        %dma_wait3A_72 = tpu.memref_slice %arg11[%dma_wait3A_70, %dma_wait3A_71] : memref<10112x64xf32, #tpu.memory_space<vmem_shared>> -> memref<10112x64xf32, #tpu.memory_space<vmem_shared>>
        tpu.wait_indirect_dma semaphore(%run_scoped3A : memref<!tpu.dma_semaphore, #tpu.memory_space<semaphore_mem>>) src(%arg10 : memref<128x64xf32, #tpu.memory_space<vmem>>) dst(%dma_wait3A_72 : memref<10112x64xf32, #tpu.memory_space<vmem_shared>>)
        tpu.yield
      }) : () -> ()
      %add3A_54 = arith.constant 2 : i32
      %add3A_55 = arith.addi %add3A_47, %add3A_54 : i32
      %lt3A_56 = arith.constant 80 : i32
      %lt3A_57 = arith.cmpi slt, %add3A_55, %lt3A_56 : i32
      %convert_element_type3A_58 = arith.extui %lt3A_57 : i1 to i32
      %cond3A_59 = arith.constant 0 : i32
      %cond3A_60 = arith.cmpi ne, %convert_element_type3A_58, %cond3A_59 : i32
      scf.if %cond3A_60 {
        %add3A_61 = arith.constant 2 : i32
        %add3A_62 = arith.addi %add3A_47, %add3A_61 : i32
        %dma_start3A_63 = arith.constant 0 : i32
        %dma_start3A_64 = tpu.memref_slice %arg7[%add3A_62, %dma_start3A_63] : memref<80x128xi32, #tpu.memory_space<vmem>> -> memref<1x128xi32, #tpu.memory_space<vmem>>
        %dma_start3A_65 = tpu.memref_squeeze %dma_start3A_64 : memref<1x128xi32, #tpu.memory_space<vmem>> -> memref<128xi32, #tpu.memory_space<vmem>>
        %dma_start3A_66 = arith.constant 0 : i32
        %dma_start3A_67 = arith.constant 0 : i32
        %dma_start3A_68 = tpu.memref_slice %arg4[%dma_start3A_66, %dma_start3A_67] : memref<10000x64xf32, #tpu.memory_space<hbm>> -> memref<10000x64xf32, #tpu.memory_space<hbm>>
        tpu.enqueue_indirect_dma source(%dma_start3A_68 : memref<10000x64xf32, #tpu.memory_space<hbm>>) target(%arg10 : memref<128x64xf32, #tpu.memory_space<vmem>>) offsets(%dma_start3A_65 : memref<128xi32, #tpu.memory_space<vmem>>) semaphore(%arg13 : memref<!tpu.dma_semaphore, #tpu.memory_space<semaphore_mem>>)
      } else {
      }
    }
    %scan3A_24 = arith.constant 40 : i32
    %barrier3A_25 = arith.constant 0 : index
    tpu.barrier barrier_id(%barrier3A_25)
    %mul3A_26 = arith.constant 632 : i32
    %mul3A_27 = arith.muli %arg1, %mul3A_26 : i32
    %mul3A_28 = arith.constant 632 : i32
    %mul3A_29 = arith.muli %arg1, %mul3A_28 : i32
    "tpu.region"() ({
      %run_scoped3A = tpu.sem_alloc : memref<!tpu.dma_semaphore, #tpu.memory_space<semaphore_mem>>
      %dma_start3A_30 = arith.constant 0 : i32
      %dma_start3A_31 = tpu.memref_slice %arg6[%arg0, %mul3A_29, %dma_start3A_30] : memref<2x10112x64xf32, #tpu.memory_space<hbm>> -> memref<1x632x64xf32, #tpu.memory_space<hbm>>
      %dma_start3A_32 = tpu.memref_squeeze %dma_start3A_31 : memref<1x632x64xf32, #tpu.memory_space<hbm>> -> memref<632x64xf32, #tpu.memory_space<hbm>>
      %dma_start3A_33 = arith.constant 0 : i32
      %dma_start3A_34 = tpu.memref_slice %arg11[%mul3A_27, %dma_start3A_33] : memref<10112x64xf32, #tpu.memory_space<vmem_shared>> -> memref<632x64xf32, #tpu.memory_space<vmem_shared>>
      tpu.enqueue_dma source(%dma_start3A_34 : memref<632x64xf32, #tpu.memory_space<vmem_shared>>) target(%dma_start3A_32 : memref<632x64xf32, #tpu.memory_space<hbm>>) target_semaphore(%run_scoped3A : memref<!tpu.dma_semaphore, #tpu.memory_space<semaphore_mem>>)
      %dma_wait3A = arith.constant 0 : i32
      %dma_wait3A_35 = tpu.memref_slice %arg6[%arg0, %mul3A_29, %dma_wait3A] : memref<2x10112x64xf32, #tpu.memory_space<hbm>> -> memref<1x632x64xf32, #tpu.memory_space<hbm>>
      %dma_wait3A_36 = tpu.memref_squeeze %dma_wait3A_35 : memref<1x632x64xf32, #tpu.memory_space<hbm>> -> memref<632x64xf32, #tpu.memory_space<hbm>>
      %dma_wait3A_37 = arith.constant 0 : i32
      %dma_wait3A_38 = tpu.memref_slice %arg11[%mul3A_27, %dma_wait3A_37] : memref<10112x64xf32, #tpu.memory_space<vmem_shared>> -> memref<632x64xf32, #tpu.memory_space<vmem_shared>>
      tpu.wait_dma2 semaphore(%run_scoped3A : memref<!tpu.dma_semaphore, #tpu.memory_space<semaphore_mem>>) src(%dma_wait3A_38 : memref<632x64xf32, #tpu.memory_space<vmem_shared>>) dst(%dma_wait3A_36 : memref<632x64xf32, #tpu.memory_space<hbm>>)
      tpu.yield
    }) : () -> ()
    return
  }
}

#map = affine_map<(d0, d1) -> (0, 0)>
#map1 = affine_map<(d0, d1) -> (0, 0, 0)>
module attributes {stable_mosaic.version = 14 : i64} {
  func.func @edge_kernel(%arg0: i32, %arg1: i32, %arg2: memref<2560x128xi32, #tpu.memory_space<hbm>>, %arg3: memref<2560x128xi32, #tpu.memory_space<hbm>>, %arg4: memref<10000x16xf32, #tpu.memory_space<hbm>>, %arg5: memref<632x16xf32, #tpu.memory_space<hbm>>, %arg6: memref<2x10112x16xf32, #tpu.memory_space<hbm>>, %arg7: memref<80x128xi32, #tpu.memory_space<vmem>>, %arg8: memref<80x128xi32, #tpu.memory_space<vmem>>, %arg9: memref<128x16xf32, #tpu.memory_space<vmem>>, %arg10: memref<128x16xf32, #tpu.memory_space<vmem>>, %arg11: memref<10112x16xf32, #tpu.memory_space<vmem_shared>>, %arg12: memref<!tpu.dma_semaphore, #tpu.memory_space<semaphore_mem>>, %arg13: memref<!tpu.dma_semaphore, #tpu.memory_space<semaphore_mem>>) attributes {dimension_semantics = [#tpu.dimension_semantics<core_parallel>, #tpu.dimension_semantics<subcore_parallel>], iteration_bounds = array<i64: 2, 16>, scalar_prefetch = 0 : i64, scratch_operands = 7 : i64, tpu.core_type = #tpu.core_type<sc_vector_subcore>, window_params = [{transform_indices = #map}, {transform_indices = #map}, {transform_indices = #map}, {transform_indices = #map}, {transform_indices = #map1}]} {
    %mul3A = arith.constant 16 : i32
    %mul3A_0 = arith.muli %arg0, %mul3A : i32
    %add3A = arith.addi %mul3A_0, %arg1 : i32
    %mul3A_1 = arith.constant 80 : i32
    %mul3A_2 = arith.muli %add3A, %mul3A_1 : i32
    "tpu.region"() ({
      %run_scoped3A = tpu.sem_alloc : memref<!tpu.dma_semaphore, #tpu.memory_space<semaphore_mem>>
      %dma_start3A_30 = arith.constant 0 : i32
      %dma_start3A_31 = tpu.memref_slice %arg2[%mul3A_2, %dma_start3A_30] : memref<2560x128xi32, #tpu.memory_space<hbm>> -> memref<80x128xi32, #tpu.memory_space<hbm>>
      %dma_start3A_32 = arith.constant 0 : i32
      %dma_start3A_33 = tpu.memref_slice %arg2[%mul3A_2, %dma_start3A_32] : memref<2560x128xi32, #tpu.memory_space<hbm>> -> memref<80x128xi32, #tpu.memory_space<hbm>>
      tpu.enqueue_dma source(%dma_start3A_33 : memref<80x128xi32, #tpu.memory_space<hbm>>) target(%arg7 : memref<80x128xi32, #tpu.memory_space<vmem>>) target_semaphore(%run_scoped3A : memref<!tpu.dma_semaphore, #tpu.memory_space<semaphore_mem>>)
      %dma_wait3A = arith.constant 0 : i32
      %dma_wait3A_34 = tpu.memref_slice %arg2[%mul3A_2, %dma_wait3A] : memref<2560x128xi32, #tpu.memory_space<hbm>> -> memref<80x128xi32, #tpu.memory_space<hbm>>
      %dma_wait3A_35 = arith.constant 0 : i32
      %dma_wait3A_36 = tpu.memref_slice %arg2[%mul3A_2, %dma_wait3A_35] : memref<2560x128xi32, #tpu.memory_space<hbm>> -> memref<80x128xi32, #tpu.memory_space<hbm>>
      tpu.wait_dma2 semaphore(%run_scoped3A : memref<!tpu.dma_semaphore, #tpu.memory_space<semaphore_mem>>) src(%dma_wait3A_36 : memref<80x128xi32, #tpu.memory_space<hbm>>) dst(%arg7 : memref<80x128xi32, #tpu.memory_space<vmem>>)
      tpu.yield
    }) : () -> ()
    %mul3A_3 = arith.constant 80 : i32
    %mul3A_4 = arith.muli %add3A, %mul3A_3 : i32
    "tpu.region"() ({
      %run_scoped3A = tpu.sem_alloc : memref<!tpu.dma_semaphore, #tpu.memory_space<semaphore_mem>>
      %dma_start3A_30 = arith.constant 0 : i32
      %dma_start3A_31 = tpu.memref_slice %arg3[%mul3A_4, %dma_start3A_30] : memref<2560x128xi32, #tpu.memory_space<hbm>> -> memref<80x128xi32, #tpu.memory_space<hbm>>
      %dma_start3A_32 = arith.constant 0 : i32
      %dma_start3A_33 = tpu.memref_slice %arg3[%mul3A_4, %dma_start3A_32] : memref<2560x128xi32, #tpu.memory_space<hbm>> -> memref<80x128xi32, #tpu.memory_space<hbm>>
      tpu.enqueue_dma source(%dma_start3A_33 : memref<80x128xi32, #tpu.memory_space<hbm>>) target(%arg8 : memref<80x128xi32, #tpu.memory_space<vmem>>) target_semaphore(%run_scoped3A : memref<!tpu.dma_semaphore, #tpu.memory_space<semaphore_mem>>)
      %dma_wait3A = arith.constant 0 : i32
      %dma_wait3A_34 = tpu.memref_slice %arg3[%mul3A_4, %dma_wait3A] : memref<2560x128xi32, #tpu.memory_space<hbm>> -> memref<80x128xi32, #tpu.memory_space<hbm>>
      %dma_wait3A_35 = arith.constant 0 : i32
      %dma_wait3A_36 = tpu.memref_slice %arg3[%mul3A_4, %dma_wait3A_35] : memref<2560x128xi32, #tpu.memory_space<hbm>> -> memref<80x128xi32, #tpu.memory_space<hbm>>
      tpu.wait_dma2 semaphore(%run_scoped3A : memref<!tpu.dma_semaphore, #tpu.memory_space<semaphore_mem>>) src(%dma_wait3A_36 : memref<80x128xi32, #tpu.memory_space<hbm>>) dst(%arg8 : memref<80x128xi32, #tpu.memory_space<vmem>>)
      tpu.yield
    }) : () -> ()
    %mul3A_5 = arith.constant 632 : i32
    %mul3A_6 = arith.muli %arg1, %mul3A_5 : i32
    "tpu.region"() ({
      %run_scoped3A = tpu.sem_alloc : memref<!tpu.dma_semaphore, #tpu.memory_space<semaphore_mem>>
      %dma_start3A_30 = arith.constant 0 : i32
      %dma_start3A_31 = tpu.memref_slice %arg11[%mul3A_6, %dma_start3A_30] : memref<10112x16xf32, #tpu.memory_space<vmem_shared>> -> memref<632x16xf32, #tpu.memory_space<vmem_shared>>
      tpu.enqueue_dma source(%arg5 : memref<632x16xf32, #tpu.memory_space<hbm>>) target(%dma_start3A_31 : memref<632x16xf32, #tpu.memory_space<vmem_shared>>) target_semaphore(%run_scoped3A : memref<!tpu.dma_semaphore, #tpu.memory_space<semaphore_mem>>)
      %dma_wait3A = arith.constant 0 : i32
      %dma_wait3A_32 = tpu.memref_slice %arg11[%mul3A_6, %dma_wait3A] : memref<10112x16xf32, #tpu.memory_space<vmem_shared>> -> memref<632x16xf32, #tpu.memory_space<vmem_shared>>
      tpu.wait_dma2 semaphore(%run_scoped3A : memref<!tpu.dma_semaphore, #tpu.memory_space<semaphore_mem>>) src(%arg5 : memref<632x16xf32, #tpu.memory_space<hbm>>) dst(%dma_wait3A_32 : memref<632x16xf32, #tpu.memory_space<vmem_shared>>)
      tpu.yield
    }) : () -> ()
    %barrier3A = arith.constant 0 : index
    tpu.barrier barrier_id(%barrier3A)
    %dma_start3A = arith.constant 0 : i32
    %dma_start3A_7 = arith.constant 0 : i32
    %dma_start3A_8 = tpu.memref_slice %arg7[%dma_start3A, %dma_start3A_7] : memref<80x128xi32, #tpu.memory_space<vmem>> -> memref<1x128xi32, #tpu.memory_space<vmem>>
    %dma_start3A_9 = tpu.memref_squeeze %dma_start3A_8 : memref<1x128xi32, #tpu.memory_space<vmem>> -> memref<128xi32, #tpu.memory_space<vmem>>
    %dma_start3A_10 = arith.constant 0 : i32
    %dma_start3A_11 = arith.constant 0 : i32
    %dma_start3A_12 = tpu.memref_slice %arg4[%dma_start3A_10, %dma_start3A_11] : memref<10000x16xf32, #tpu.memory_space<hbm>> -> memref<10000x16xf32, #tpu.memory_space<hbm>>
    tpu.enqueue_indirect_dma source(%dma_start3A_12 : memref<10000x16xf32, #tpu.memory_space<hbm>>) target(%arg9 : memref<128x16xf32, #tpu.memory_space<vmem>>) offsets(%dma_start3A_9 : memref<128xi32, #tpu.memory_space<vmem>>) semaphore(%arg12 : memref<!tpu.dma_semaphore, #tpu.memory_space<semaphore_mem>>)
    %dma_start3A_13 = arith.constant 1 : i32
    %dma_start3A_14 = arith.constant 0 : i32
    %dma_start3A_15 = tpu.memref_slice %arg7[%dma_start3A_13, %dma_start3A_14] : memref<80x128xi32, #tpu.memory_space<vmem>> -> memref<1x128xi32, #tpu.memory_space<vmem>>
    %dma_start3A_16 = tpu.memref_squeeze %dma_start3A_15 : memref<1x128xi32, #tpu.memory_space<vmem>> -> memref<128xi32, #tpu.memory_space<vmem>>
    %dma_start3A_17 = arith.constant 0 : i32
    %dma_start3A_18 = arith.constant 0 : i32
    %dma_start3A_19 = tpu.memref_slice %arg4[%dma_start3A_17, %dma_start3A_18] : memref<10000x16xf32, #tpu.memory_space<hbm>> -> memref<10000x16xf32, #tpu.memory_space<hbm>>
    tpu.enqueue_indirect_dma source(%dma_start3A_19 : memref<10000x16xf32, #tpu.memory_space<hbm>>) target(%arg10 : memref<128x16xf32, #tpu.memory_space<vmem>>) offsets(%dma_start3A_16 : memref<128xi32, #tpu.memory_space<vmem>>) semaphore(%arg13 : memref<!tpu.dma_semaphore, #tpu.memory_space<semaphore_mem>>)
    %scan3A = arith.constant 0 : i32
    %scan3A_20 = arith.constant 0 : i32
    %scan3A_21 = arith.constant 40 : i32
    %scan3A_22 = arith.addi %scan3A_20, %scan3A_21 : i32
    %scan3A_23 = arith.constant 1 : i32
    scf.for %scan3A_30 = %scan3A_20 to %scan3A_22 step %scan3A_23  : i32 {
      %mul3A_31 = arith.constant 2 : i32
      %mul3A_32 = arith.muli %mul3A_31, %scan3A_30 : i32
      %add3A_33 = arith.constant 0 : i32
      %add3A_34 = arith.addi %mul3A_32, %add3A_33 : i32
      %dma_wait3A = arith.constant 0 : i32
      %dma_wait3A_35 = tpu.memref_slice %arg7[%add3A_34, %dma_wait3A] : memref<80x128xi32, #tpu.memory_space<vmem>> -> memref<1x128xi32, #tpu.memory_space<vmem>>
      %dma_wait3A_36 = tpu.memref_squeeze %dma_wait3A_35 : memref<1x128xi32, #tpu.memory_space<vmem>> -> memref<128xi32, #tpu.memory_space<vmem>>
      %dma_wait3A_37 = arith.constant 0 : i32
      %dma_wait3A_38 = arith.constant 0 : i32
      %dma_wait3A_39 = tpu.memref_slice %arg4[%dma_wait3A_37, %dma_wait3A_38] : memref<10000x16xf32, #tpu.memory_space<hbm>> -> memref<10000x16xf32, #tpu.memory_space<hbm>>
      tpu.wait_indirect_dma semaphore(%arg12 : memref<!tpu.dma_semaphore, #tpu.memory_space<semaphore_mem>>) src(%dma_wait3A_39 : memref<10000x16xf32, #tpu.memory_space<hbm>>) dst(%arg9 : memref<128x16xf32, #tpu.memory_space<vmem>>)
      "tpu.region"() ({
        %run_scoped3A = tpu.sem_alloc : memref<!tpu.dma_semaphore, #tpu.memory_space<semaphore_mem>>
        %dma_start3A_61 = arith.constant 0 : i32
        %dma_start3A_62 = tpu.memref_slice %arg8[%add3A_34, %dma_start3A_61] : memref<80x128xi32, #tpu.memory_space<vmem>> -> memref<1x128xi32, #tpu.memory_space<vmem>>
        %dma_start3A_63 = tpu.memref_squeeze %dma_start3A_62 : memref<1x128xi32, #tpu.memory_space<vmem>> -> memref<128xi32, #tpu.memory_space<vmem>>
        %dma_start3A_64 = arith.constant 0 : i32
        %dma_start3A_65 = arith.constant 0 : i32
        %dma_start3A_66 = tpu.memref_slice %arg11[%dma_start3A_64, %dma_start3A_65] : memref<10112x16xf32, #tpu.memory_space<vmem_shared>> -> memref<10112x16xf32, #tpu.memory_space<vmem_shared>>
        tpu.enqueue_indirect_dma source(%arg9 : memref<128x16xf32, #tpu.memory_space<vmem>>) target(%dma_start3A_66 : memref<10112x16xf32, #tpu.memory_space<vmem_shared>>) offsets(%dma_start3A_63 : memref<128xi32, #tpu.memory_space<vmem>>) semaphore(%run_scoped3A : memref<!tpu.dma_semaphore, #tpu.memory_space<semaphore_mem>>) {add = true}
        %dma_wait3A_67 = arith.constant 0 : i32
        %dma_wait3A_68 = tpu.memref_slice %arg8[%add3A_34, %dma_wait3A_67] : memref<80x128xi32, #tpu.memory_space<vmem>> -> memref<1x128xi32, #tpu.memory_space<vmem>>
        %dma_wait3A_69 = tpu.memref_squeeze %dma_wait3A_68 : memref<1x128xi32, #tpu.memory_space<vmem>> -> memref<128xi32, #tpu.memory_space<vmem>>
        %dma_wait3A_70 = arith.constant 0 : i32
        %dma_wait3A_71 = arith.constant 0 : i32
        %dma_wait3A_72 = tpu.memref_slice %arg11[%dma_wait3A_70, %dma_wait3A_71] : memref<10112x16xf32, #tpu.memory_space<vmem_shared>> -> memref<10112x16xf32, #tpu.memory_space<vmem_shared>>
        tpu.wait_indirect_dma semaphore(%run_scoped3A : memref<!tpu.dma_semaphore, #tpu.memory_space<semaphore_mem>>) src(%arg9 : memref<128x16xf32, #tpu.memory_space<vmem>>) dst(%dma_wait3A_72 : memref<10112x16xf32, #tpu.memory_space<vmem_shared>>)
        tpu.yield
      }) : () -> ()
      %add3A_40 = arith.constant 2 : i32
      %add3A_41 = arith.addi %add3A_34, %add3A_40 : i32
      %lt3A = arith.constant 80 : i32
      %lt3A_42 = arith.cmpi slt, %add3A_41, %lt3A : i32
      %convert_element_type3A = arith.extui %lt3A_42 : i1 to i32
      %cond3A = arith.constant 0 : i32
      %cond3A_43 = arith.cmpi ne, %convert_element_type3A, %cond3A : i32
      scf.if %cond3A_43 {
        %add3A_61 = arith.constant 2 : i32
        %add3A_62 = arith.addi %add3A_34, %add3A_61 : i32
        %dma_start3A_63 = arith.constant 0 : i32
        %dma_start3A_64 = tpu.memref_slice %arg7[%add3A_62, %dma_start3A_63] : memref<80x128xi32, #tpu.memory_space<vmem>> -> memref<1x128xi32, #tpu.memory_space<vmem>>
        %dma_start3A_65 = tpu.memref_squeeze %dma_start3A_64 : memref<1x128xi32, #tpu.memory_space<vmem>> -> memref<128xi32, #tpu.memory_space<vmem>>
        %dma_start3A_66 = arith.constant 0 : i32
        %dma_start3A_67 = arith.constant 0 : i32
        %dma_start3A_68 = tpu.memref_slice %arg4[%dma_start3A_66, %dma_start3A_67] : memref<10000x16xf32, #tpu.memory_space<hbm>> -> memref<10000x16xf32, #tpu.memory_space<hbm>>
        tpu.enqueue_indirect_dma source(%dma_start3A_68 : memref<10000x16xf32, #tpu.memory_space<hbm>>) target(%arg9 : memref<128x16xf32, #tpu.memory_space<vmem>>) offsets(%dma_start3A_65 : memref<128xi32, #tpu.memory_space<vmem>>) semaphore(%arg12 : memref<!tpu.dma_semaphore, #tpu.memory_space<semaphore_mem>>)
      } else {
      }
      %mul3A_44 = arith.constant 2 : i32
      %mul3A_45 = arith.muli %mul3A_44, %scan3A_30 : i32
      %add3A_46 = arith.constant 1 : i32
      %add3A_47 = arith.addi %mul3A_45, %add3A_46 : i32
      %dma_wait3A_48 = arith.constant 0 : i32
      %dma_wait3A_49 = tpu.memref_slice %arg7[%add3A_47, %dma_wait3A_48] : memref<80x128xi32, #tpu.memory_space<vmem>> -> memref<1x128xi32, #tpu.memory_space<vmem>>
      %dma_wait3A_50 = tpu.memref_squeeze %dma_wait3A_49 : memref<1x128xi32, #tpu.memory_space<vmem>> -> memref<128xi32, #tpu.memory_space<vmem>>
      %dma_wait3A_51 = arith.constant 0 : i32
      %dma_wait3A_52 = arith.constant 0 : i32
      %dma_wait3A_53 = tpu.memref_slice %arg4[%dma_wait3A_51, %dma_wait3A_52] : memref<10000x16xf32, #tpu.memory_space<hbm>> -> memref<10000x16xf32, #tpu.memory_space<hbm>>
      tpu.wait_indirect_dma semaphore(%arg13 : memref<!tpu.dma_semaphore, #tpu.memory_space<semaphore_mem>>) src(%dma_wait3A_53 : memref<10000x16xf32, #tpu.memory_space<hbm>>) dst(%arg10 : memref<128x16xf32, #tpu.memory_space<vmem>>)
      "tpu.region"() ({
        %run_scoped3A = tpu.sem_alloc : memref<!tpu.dma_semaphore, #tpu.memory_space<semaphore_mem>>
        %dma_start3A_61 = arith.constant 0 : i32
        %dma_start3A_62 = tpu.memref_slice %arg8[%add3A_47, %dma_start3A_61] : memref<80x128xi32, #tpu.memory_space<vmem>> -> memref<1x128xi32, #tpu.memory_space<vmem>>
        %dma_start3A_63 = tpu.memref_squeeze %dma_start3A_62 : memref<1x128xi32, #tpu.memory_space<vmem>> -> memref<128xi32, #tpu.memory_space<vmem>>
        %dma_start3A_64 = arith.constant 0 : i32
        %dma_start3A_65 = arith.constant 0 : i32
        %dma_start3A_66 = tpu.memref_slice %arg11[%dma_start3A_64, %dma_start3A_65] : memref<10112x16xf32, #tpu.memory_space<vmem_shared>> -> memref<10112x16xf32, #tpu.memory_space<vmem_shared>>
        tpu.enqueue_indirect_dma source(%arg10 : memref<128x16xf32, #tpu.memory_space<vmem>>) target(%dma_start3A_66 : memref<10112x16xf32, #tpu.memory_space<vmem_shared>>) offsets(%dma_start3A_63 : memref<128xi32, #tpu.memory_space<vmem>>) semaphore(%run_scoped3A : memref<!tpu.dma_semaphore, #tpu.memory_space<semaphore_mem>>) {add = true}
        %dma_wait3A_67 = arith.constant 0 : i32
        %dma_wait3A_68 = tpu.memref_slice %arg8[%add3A_47, %dma_wait3A_67] : memref<80x128xi32, #tpu.memory_space<vmem>> -> memref<1x128xi32, #tpu.memory_space<vmem>>
        %dma_wait3A_69 = tpu.memref_squeeze %dma_wait3A_68 : memref<1x128xi32, #tpu.memory_space<vmem>> -> memref<128xi32, #tpu.memory_space<vmem>>
        %dma_wait3A_70 = arith.constant 0 : i32
        %dma_wait3A_71 = arith.constant 0 : i32
        %dma_wait3A_72 = tpu.memref_slice %arg11[%dma_wait3A_70, %dma_wait3A_71] : memref<10112x16xf32, #tpu.memory_space<vmem_shared>> -> memref<10112x16xf32, #tpu.memory_space<vmem_shared>>
        tpu.wait_indirect_dma semaphore(%run_scoped3A : memref<!tpu.dma_semaphore, #tpu.memory_space<semaphore_mem>>) src(%arg10 : memref<128x16xf32, #tpu.memory_space<vmem>>) dst(%dma_wait3A_72 : memref<10112x16xf32, #tpu.memory_space<vmem_shared>>)
        tpu.yield
      }) : () -> ()
      %add3A_54 = arith.constant 2 : i32
      %add3A_55 = arith.addi %add3A_47, %add3A_54 : i32
      %lt3A_56 = arith.constant 80 : i32
      %lt3A_57 = arith.cmpi slt, %add3A_55, %lt3A_56 : i32
      %convert_element_type3A_58 = arith.extui %lt3A_57 : i1 to i32
      %cond3A_59 = arith.constant 0 : i32
      %cond3A_60 = arith.cmpi ne, %convert_element_type3A_58, %cond3A_59 : i32
      scf.if %cond3A_60 {
        %add3A_61 = arith.constant 2 : i32
        %add3A_62 = arith.addi %add3A_47, %add3A_61 : i32
        %dma_start3A_63 = arith.constant 0 : i32
        %dma_start3A_64 = tpu.memref_slice %arg7[%add3A_62, %dma_start3A_63] : memref<80x128xi32, #tpu.memory_space<vmem>> -> memref<1x128xi32, #tpu.memory_space<vmem>>
        %dma_start3A_65 = tpu.memref_squeeze %dma_start3A_64 : memref<1x128xi32, #tpu.memory_space<vmem>> -> memref<128xi32, #tpu.memory_space<vmem>>
        %dma_start3A_66 = arith.constant 0 : i32
        %dma_start3A_67 = arith.constant 0 : i32
        %dma_start3A_68 = tpu.memref_slice %arg4[%dma_start3A_66, %dma_start3A_67] : memref<10000x16xf32, #tpu.memory_space<hbm>> -> memref<10000x16xf32, #tpu.memory_space<hbm>>
        tpu.enqueue_indirect_dma source(%dma_start3A_68 : memref<10000x16xf32, #tpu.memory_space<hbm>>) target(%arg10 : memref<128x16xf32, #tpu.memory_space<vmem>>) offsets(%dma_start3A_65 : memref<128xi32, #tpu.memory_space<vmem>>) semaphore(%arg13 : memref<!tpu.dma_semaphore, #tpu.memory_space<semaphore_mem>>)
      } else {
      }
    }
    %scan3A_24 = arith.constant 40 : i32
    %barrier3A_25 = arith.constant 0 : index
    tpu.barrier barrier_id(%barrier3A_25)
    %mul3A_26 = arith.constant 632 : i32
    %mul3A_27 = arith.muli %arg1, %mul3A_26 : i32
    %mul3A_28 = arith.constant 632 : i32
    %mul3A_29 = arith.muli %arg1, %mul3A_28 : i32
    "tpu.region"() ({
      %run_scoped3A = tpu.sem_alloc : memref<!tpu.dma_semaphore, #tpu.memory_space<semaphore_mem>>
      %dma_start3A_30 = arith.constant 0 : i32
      %dma_start3A_31 = tpu.memref_slice %arg6[%arg0, %mul3A_29, %dma_start3A_30] : memref<2x10112x16xf32, #tpu.memory_space<hbm>> -> memref<1x632x16xf32, #tpu.memory_space<hbm>>
      %dma_start3A_32 = tpu.memref_squeeze %dma_start3A_31 : memref<1x632x16xf32, #tpu.memory_space<hbm>> -> memref<632x16xf32, #tpu.memory_space<hbm>>
      %dma_start3A_33 = arith.constant 0 : i32
      %dma_start3A_34 = tpu.memref_slice %arg11[%mul3A_27, %dma_start3A_33] : memref<10112x16xf32, #tpu.memory_space<vmem_shared>> -> memref<632x16xf32, #tpu.memory_space<vmem_shared>>
      tpu.enqueue_dma source(%dma_start3A_34 : memref<632x16xf32, #tpu.memory_space<vmem_shared>>) target(%dma_start3A_32 : memref<632x16xf32, #tpu.memory_space<hbm>>) target_semaphore(%run_scoped3A : memref<!tpu.dma_semaphore, #tpu.memory_space<semaphore_mem>>)
      %dma_wait3A = arith.constant 0 : i32
      %dma_wait3A_35 = tpu.memref_slice %arg6[%arg0, %mul3A_29, %dma_wait3A] : memref<2x10112x16xf32, #tpu.memory_space<hbm>> -> memref<1x632x16xf32, #tpu.memory_space<hbm>>
      %dma_wait3A_36 = tpu.memref_squeeze %dma_wait3A_35 : memref<1x632x16xf32, #tpu.memory_space<hbm>> -> memref<632x16xf32, #tpu.memory_space<hbm>>
      %dma_wait3A_37 = arith.constant 0 : i32
      %dma_wait3A_38 = tpu.memref_slice %arg11[%mul3A_27, %dma_wait3A_37] : memref<10112x16xf32, #tpu.memory_space<vmem_shared>> -> memref<632x16xf32, #tpu.memory_space<vmem_shared>>
      tpu.wait_dma2 semaphore(%run_scoped3A : memref<!tpu.dma_semaphore, #tpu.memory_space<semaphore_mem>>) src(%dma_wait3A_38 : memref<632x16xf32, #tpu.memory_space<vmem_shared>>) dst(%dma_wait3A_36 : memref<632x16xf32, #tpu.memory_space<hbm>>)
      tpu.yield
    }) : () -> ()
    return
  }
}

#map = affine_map<(d0, d1) -> (0, 0)>
#map1 = affine_map<(d0, d1) -> (0, 0, 0)>
module attributes {stable_mosaic.version = 14 : i64} {
  func.func @edge_kernel(%arg0: i32, %arg1: i32, %arg2: memref<2560x128xi32, #tpu.memory_space<hbm>>, %arg3: memref<2560x128xi32, #tpu.memory_space<hbm>>, %arg4: memref<10000x64xf32, #tpu.memory_space<hbm>>, %arg5: memref<632x64xf32, #tpu.memory_space<hbm>>, %arg6: memref<2x10112x64xf32, #tpu.memory_space<hbm>>, %arg7: memref<80x128xi32, #tpu.memory_space<vmem>>, %arg8: memref<80x128xi32, #tpu.memory_space<vmem>>, %arg9: memref<128x64xf32, #tpu.memory_space<vmem>>, %arg10: memref<128x64xf32, #tpu.memory_space<vmem>>, %arg11: memref<10112x64xf32, #tpu.memory_space<vmem_shared>>, %arg12: memref<!tpu.dma_semaphore, #tpu.memory_space<semaphore_mem>>, %arg13: memref<!tpu.dma_semaphore, #tpu.memory_space<semaphore_mem>>) attributes {dimension_semantics = [#tpu.dimension_semantics<core_parallel>, #tpu.dimension_semantics<subcore_parallel>], iteration_bounds = array<i64: 2, 16>, scalar_prefetch = 0 : i64, scratch_operands = 7 : i64, tpu.core_type = #tpu.core_type<sc_vector_subcore>, window_params = [{transform_indices = #map}, {transform_indices = #map}, {transform_indices = #map}, {transform_indices = #map}, {transform_indices = #map1}]} {
    %mul3A = arith.constant 16 : i32
    %mul3A_0 = arith.muli %arg0, %mul3A : i32
    %add3A = arith.addi %mul3A_0, %arg1 : i32
    %mul3A_1 = arith.constant 80 : i32
    %mul3A_2 = arith.muli %add3A, %mul3A_1 : i32
    "tpu.region"() ({
      %run_scoped3A = tpu.sem_alloc : memref<!tpu.dma_semaphore, #tpu.memory_space<semaphore_mem>>
      %dma_start3A_30 = arith.constant 0 : i32
      %dma_start3A_31 = tpu.memref_slice %arg2[%mul3A_2, %dma_start3A_30] : memref<2560x128xi32, #tpu.memory_space<hbm>> -> memref<80x128xi32, #tpu.memory_space<hbm>>
      %dma_start3A_32 = arith.constant 0 : i32
      %dma_start3A_33 = tpu.memref_slice %arg2[%mul3A_2, %dma_start3A_32] : memref<2560x128xi32, #tpu.memory_space<hbm>> -> memref<80x128xi32, #tpu.memory_space<hbm>>
      tpu.enqueue_dma source(%dma_start3A_33 : memref<80x128xi32, #tpu.memory_space<hbm>>) target(%arg7 : memref<80x128xi32, #tpu.memory_space<vmem>>) target_semaphore(%run_scoped3A : memref<!tpu.dma_semaphore, #tpu.memory_space<semaphore_mem>>)
      %dma_wait3A = arith.constant 0 : i32
      %dma_wait3A_34 = tpu.memref_slice %arg2[%mul3A_2, %dma_wait3A] : memref<2560x128xi32, #tpu.memory_space<hbm>> -> memref<80x128xi32, #tpu.memory_space<hbm>>
      %dma_wait3A_35 = arith.constant 0 : i32
      %dma_wait3A_36 = tpu.memref_slice %arg2[%mul3A_2, %dma_wait3A_35] : memref<2560x128xi32, #tpu.memory_space<hbm>> -> memref<80x128xi32, #tpu.memory_space<hbm>>
      tpu.wait_dma2 semaphore(%run_scoped3A : memref<!tpu.dma_semaphore, #tpu.memory_space<semaphore_mem>>) src(%dma_wait3A_36 : memref<80x128xi32, #tpu.memory_space<hbm>>) dst(%arg7 : memref<80x128xi32, #tpu.memory_space<vmem>>)
      tpu.yield
    }) : () -> ()
    %mul3A_3 = arith.constant 80 : i32
    %mul3A_4 = arith.muli %add3A, %mul3A_3 : i32
    "tpu.region"() ({
      %run_scoped3A = tpu.sem_alloc : memref<!tpu.dma_semaphore, #tpu.memory_space<semaphore_mem>>
      %dma_start3A_30 = arith.constant 0 : i32
      %dma_start3A_31 = tpu.memref_slice %arg3[%mul3A_4, %dma_start3A_30] : memref<2560x128xi32, #tpu.memory_space<hbm>> -> memref<80x128xi32, #tpu.memory_space<hbm>>
      %dma_start3A_32 = arith.constant 0 : i32
      %dma_start3A_33 = tpu.memref_slice %arg3[%mul3A_4, %dma_start3A_32] : memref<2560x128xi32, #tpu.memory_space<hbm>> -> memref<80x128xi32, #tpu.memory_space<hbm>>
      tpu.enqueue_dma source(%dma_start3A_33 : memref<80x128xi32, #tpu.memory_space<hbm>>) target(%arg8 : memref<80x128xi32, #tpu.memory_space<vmem>>) target_semaphore(%run_scoped3A : memref<!tpu.dma_semaphore, #tpu.memory_space<semaphore_mem>>)
      %dma_wait3A = arith.constant 0 : i32
      %dma_wait3A_34 = tpu.memref_slice %arg3[%mul3A_4, %dma_wait3A] : memref<2560x128xi32, #tpu.memory_space<hbm>> -> memref<80x128xi32, #tpu.memory_space<hbm>>
      %dma_wait3A_35 = arith.constant 0 : i32
      %dma_wait3A_36 = tpu.memref_slice %arg3[%mul3A_4, %dma_wait3A_35] : memref<2560x128xi32, #tpu.memory_space<hbm>> -> memref<80x128xi32, #tpu.memory_space<hbm>>
      tpu.wait_dma2 semaphore(%run_scoped3A : memref<!tpu.dma_semaphore, #tpu.memory_space<semaphore_mem>>) src(%dma_wait3A_36 : memref<80x128xi32, #tpu.memory_space<hbm>>) dst(%arg8 : memref<80x128xi32, #tpu.memory_space<vmem>>)
      tpu.yield
    }) : () -> ()
    %mul3A_5 = arith.constant 632 : i32
    %mul3A_6 = arith.muli %arg1, %mul3A_5 : i32
    "tpu.region"() ({
      %run_scoped3A = tpu.sem_alloc : memref<!tpu.dma_semaphore, #tpu.memory_space<semaphore_mem>>
      %dma_start3A_30 = arith.constant 0 : i32
      %dma_start3A_31 = tpu.memref_slice %arg11[%mul3A_6, %dma_start3A_30] : memref<10112x64xf32, #tpu.memory_space<vmem_shared>> -> memref<632x64xf32, #tpu.memory_space<vmem_shared>>
      tpu.enqueue_dma source(%arg5 : memref<632x64xf32, #tpu.memory_space<hbm>>) target(%dma_start3A_31 : memref<632x64xf32, #tpu.memory_space<vmem_shared>>) target_semaphore(%run_scoped3A : memref<!tpu.dma_semaphore, #tpu.memory_space<semaphore_mem>>)
      %dma_wait3A = arith.constant 0 : i32
      %dma_wait3A_32 = tpu.memref_slice %arg11[%mul3A_6, %dma_wait3A] : memref<10112x64xf32, #tpu.memory_space<vmem_shared>> -> memref<632x64xf32, #tpu.memory_space<vmem_shared>>
      tpu.wait_dma2 semaphore(%run_scoped3A : memref<!tpu.dma_semaphore, #tpu.memory_space<semaphore_mem>>) src(%arg5 : memref<632x64xf32, #tpu.memory_space<hbm>>) dst(%dma_wait3A_32 : memref<632x64xf32, #tpu.memory_space<vmem_shared>>)
      tpu.yield
    }) : () -> ()
    %barrier3A = arith.constant 0 : index
    tpu.barrier barrier_id(%barrier3A)
    %dma_start3A = arith.constant 0 : i32
    %dma_start3A_7 = arith.constant 0 : i32
    %dma_start3A_8 = tpu.memref_slice %arg7[%dma_start3A, %dma_start3A_7] : memref<80x128xi32, #tpu.memory_space<vmem>> -> memref<1x128xi32, #tpu.memory_space<vmem>>
    %dma_start3A_9 = tpu.memref_squeeze %dma_start3A_8 : memref<1x128xi32, #tpu.memory_space<vmem>> -> memref<128xi32, #tpu.memory_space<vmem>>
    %dma_start3A_10 = arith.constant 0 : i32
    %dma_start3A_11 = arith.constant 0 : i32
    %dma_start3A_12 = tpu.memref_slice %arg4[%dma_start3A_10, %dma_start3A_11] : memref<10000x64xf32, #tpu.memory_space<hbm>> -> memref<10000x64xf32, #tpu.memory_space<hbm>>
    tpu.enqueue_indirect_dma source(%dma_start3A_12 : memref<10000x64xf32, #tpu.memory_space<hbm>>) target(%arg9 : memref<128x64xf32, #tpu.memory_space<vmem>>) offsets(%dma_start3A_9 : memref<128xi32, #tpu.memory_space<vmem>>) semaphore(%arg12 : memref<!tpu.dma_semaphore, #tpu.memory_space<semaphore_mem>>)
    %dma_start3A_13 = arith.constant 1 : i32
    %dma_start3A_14 = arith.constant 0 : i32
    %dma_start3A_15 = tpu.memref_slice %arg7[%dma_start3A_13, %dma_start3A_14] : memref<80x128xi32, #tpu.memory_space<vmem>> -> memref<1x128xi32, #tpu.memory_space<vmem>>
    %dma_start3A_16 = tpu.memref_squeeze %dma_start3A_15 : memref<1x128xi32, #tpu.memory_space<vmem>> -> memref<128xi32, #tpu.memory_space<vmem>>
    %dma_start3A_17 = arith.constant 0 : i32
    %dma_start3A_18 = arith.constant 0 : i32
    %dma_start3A_19 = tpu.memref_slice %arg4[%dma_start3A_17, %dma_start3A_18] : memref<10000x64xf32, #tpu.memory_space<hbm>> -> memref<10000x64xf32, #tpu.memory_space<hbm>>
    tpu.enqueue_indirect_dma source(%dma_start3A_19 : memref<10000x64xf32, #tpu.memory_space<hbm>>) target(%arg10 : memref<128x64xf32, #tpu.memory_space<vmem>>) offsets(%dma_start3A_16 : memref<128xi32, #tpu.memory_space<vmem>>) semaphore(%arg13 : memref<!tpu.dma_semaphore, #tpu.memory_space<semaphore_mem>>)
    %scan3A = arith.constant 0 : i32
    %scan3A_20 = arith.constant 0 : i32
    %scan3A_21 = arith.constant 40 : i32
    %scan3A_22 = arith.addi %scan3A_20, %scan3A_21 : i32
    %scan3A_23 = arith.constant 1 : i32
    scf.for %scan3A_30 = %scan3A_20 to %scan3A_22 step %scan3A_23  : i32 {
      %mul3A_31 = arith.constant 2 : i32
      %mul3A_32 = arith.muli %mul3A_31, %scan3A_30 : i32
      %add3A_33 = arith.constant 0 : i32
      %add3A_34 = arith.addi %mul3A_32, %add3A_33 : i32
      %dma_wait3A = arith.constant 0 : i32
      %dma_wait3A_35 = tpu.memref_slice %arg7[%add3A_34, %dma_wait3A] : memref<80x128xi32, #tpu.memory_space<vmem>> -> memref<1x128xi32, #tpu.memory_space<vmem>>
      %dma_wait3A_36 = tpu.memref_squeeze %dma_wait3A_35 : memref<1x128xi32, #tpu.memory_space<vmem>> -> memref<128xi32, #tpu.memory_space<vmem>>
      %dma_wait3A_37 = arith.constant 0 : i32
      %dma_wait3A_38 = arith.constant 0 : i32
      %dma_wait3A_39 = tpu.memref_slice %arg4[%dma_wait3A_37, %dma_wait3A_38] : memref<10000x64xf32, #tpu.memory_space<hbm>> -> memref<10000x64xf32, #tpu.memory_space<hbm>>
      tpu.wait_indirect_dma semaphore(%arg12 : memref<!tpu.dma_semaphore, #tpu.memory_space<semaphore_mem>>) src(%dma_wait3A_39 : memref<10000x64xf32, #tpu.memory_space<hbm>>) dst(%arg9 : memref<128x64xf32, #tpu.memory_space<vmem>>)
      "tpu.region"() ({
        %run_scoped3A = tpu.sem_alloc : memref<!tpu.dma_semaphore, #tpu.memory_space<semaphore_mem>>
        %dma_start3A_61 = arith.constant 0 : i32
        %dma_start3A_62 = tpu.memref_slice %arg8[%add3A_34, %dma_start3A_61] : memref<80x128xi32, #tpu.memory_space<vmem>> -> memref<1x128xi32, #tpu.memory_space<vmem>>
        %dma_start3A_63 = tpu.memref_squeeze %dma_start3A_62 : memref<1x128xi32, #tpu.memory_space<vmem>> -> memref<128xi32, #tpu.memory_space<vmem>>
        %dma_start3A_64 = arith.constant 0 : i32
        %dma_start3A_65 = arith.constant 0 : i32
        %dma_start3A_66 = tpu.memref_slice %arg11[%dma_start3A_64, %dma_start3A_65] : memref<10112x64xf32, #tpu.memory_space<vmem_shared>> -> memref<10112x64xf32, #tpu.memory_space<vmem_shared>>
        tpu.enqueue_indirect_dma source(%arg9 : memref<128x64xf32, #tpu.memory_space<vmem>>) target(%dma_start3A_66 : memref<10112x64xf32, #tpu.memory_space<vmem_shared>>) offsets(%dma_start3A_63 : memref<128xi32, #tpu.memory_space<vmem>>) semaphore(%run_scoped3A : memref<!tpu.dma_semaphore, #tpu.memory_space<semaphore_mem>>) {add = true}
        %dma_wait3A_67 = arith.constant 0 : i32
        %dma_wait3A_68 = tpu.memref_slice %arg8[%add3A_34, %dma_wait3A_67] : memref<80x128xi32, #tpu.memory_space<vmem>> -> memref<1x128xi32, #tpu.memory_space<vmem>>
        %dma_wait3A_69 = tpu.memref_squeeze %dma_wait3A_68 : memref<1x128xi32, #tpu.memory_space<vmem>> -> memref<128xi32, #tpu.memory_space<vmem>>
        %dma_wait3A_70 = arith.constant 0 : i32
        %dma_wait3A_71 = arith.constant 0 : i32
        %dma_wait3A_72 = tpu.memref_slice %arg11[%dma_wait3A_70, %dma_wait3A_71] : memref<10112x64xf32, #tpu.memory_space<vmem_shared>> -> memref<10112x64xf32, #tpu.memory_space<vmem_shared>>
        tpu.wait_indirect_dma semaphore(%run_scoped3A : memref<!tpu.dma_semaphore, #tpu.memory_space<semaphore_mem>>) src(%arg9 : memref<128x64xf32, #tpu.memory_space<vmem>>) dst(%dma_wait3A_72 : memref<10112x64xf32, #tpu.memory_space<vmem_shared>>)
        tpu.yield
      }) : () -> ()
      %add3A_40 = arith.constant 2 : i32
      %add3A_41 = arith.addi %add3A_34, %add3A_40 : i32
      %lt3A = arith.constant 80 : i32
      %lt3A_42 = arith.cmpi slt, %add3A_41, %lt3A : i32
      %convert_element_type3A = arith.extui %lt3A_42 : i1 to i32
      %cond3A = arith.constant 0 : i32
      %cond3A_43 = arith.cmpi ne, %convert_element_type3A, %cond3A : i32
      scf.if %cond3A_43 {
        %add3A_61 = arith.constant 2 : i32
        %add3A_62 = arith.addi %add3A_34, %add3A_61 : i32
        %dma_start3A_63 = arith.constant 0 : i32
        %dma_start3A_64 = tpu.memref_slice %arg7[%add3A_62, %dma_start3A_63] : memref<80x128xi32, #tpu.memory_space<vmem>> -> memref<1x128xi32, #tpu.memory_space<vmem>>
        %dma_start3A_65 = tpu.memref_squeeze %dma_start3A_64 : memref<1x128xi32, #tpu.memory_space<vmem>> -> memref<128xi32, #tpu.memory_space<vmem>>
        %dma_start3A_66 = arith.constant 0 : i32
        %dma_start3A_67 = arith.constant 0 : i32
        %dma_start3A_68 = tpu.memref_slice %arg4[%dma_start3A_66, %dma_start3A_67] : memref<10000x64xf32, #tpu.memory_space<hbm>> -> memref<10000x64xf32, #tpu.memory_space<hbm>>
        tpu.enqueue_indirect_dma source(%dma_start3A_68 : memref<10000x64xf32, #tpu.memory_space<hbm>>) target(%arg9 : memref<128x64xf32, #tpu.memory_space<vmem>>) offsets(%dma_start3A_65 : memref<128xi32, #tpu.memory_space<vmem>>) semaphore(%arg12 : memref<!tpu.dma_semaphore, #tpu.memory_space<semaphore_mem>>)
      } else {
      }
      %mul3A_44 = arith.constant 2 : i32
      %mul3A_45 = arith.muli %mul3A_44, %scan3A_30 : i32
      %add3A_46 = arith.constant 1 : i32
      %add3A_47 = arith.addi %mul3A_45, %add3A_46 : i32
      %dma_wait3A_48 = arith.constant 0 : i32
      %dma_wait3A_49 = tpu.memref_slice %arg7[%add3A_47, %dma_wait3A_48] : memref<80x128xi32, #tpu.memory_space<vmem>> -> memref<1x128xi32, #tpu.memory_space<vmem>>
      %dma_wait3A_50 = tpu.memref_squeeze %dma_wait3A_49 : memref<1x128xi32, #tpu.memory_space<vmem>> -> memref<128xi32, #tpu.memory_space<vmem>>
      %dma_wait3A_51 = arith.constant 0 : i32
      %dma_wait3A_52 = arith.constant 0 : i32
      %dma_wait3A_53 = tpu.memref_slice %arg4[%dma_wait3A_51, %dma_wait3A_52] : memref<10000x64xf32, #tpu.memory_space<hbm>> -> memref<10000x64xf32, #tpu.memory_space<hbm>>
      tpu.wait_indirect_dma semaphore(%arg13 : memref<!tpu.dma_semaphore, #tpu.memory_space<semaphore_mem>>) src(%dma_wait3A_53 : memref<10000x64xf32, #tpu.memory_space<hbm>>) dst(%arg10 : memref<128x64xf32, #tpu.memory_space<vmem>>)
      "tpu.region"() ({
        %run_scoped3A = tpu.sem_alloc : memref<!tpu.dma_semaphore, #tpu.memory_space<semaphore_mem>>
        %dma_start3A_61 = arith.constant 0 : i32
        %dma_start3A_62 = tpu.memref_slice %arg8[%add3A_47, %dma_start3A_61] : memref<80x128xi32, #tpu.memory_space<vmem>> -> memref<1x128xi32, #tpu.memory_space<vmem>>
        %dma_start3A_63 = tpu.memref_squeeze %dma_start3A_62 : memref<1x128xi32, #tpu.memory_space<vmem>> -> memref<128xi32, #tpu.memory_space<vmem>>
        %dma_start3A_64 = arith.constant 0 : i32
        %dma_start3A_65 = arith.constant 0 : i32
        %dma_start3A_66 = tpu.memref_slice %arg11[%dma_start3A_64, %dma_start3A_65] : memref<10112x64xf32, #tpu.memory_space<vmem_shared>> -> memref<10112x64xf32, #tpu.memory_space<vmem_shared>>
        tpu.enqueue_indirect_dma source(%arg10 : memref<128x64xf32, #tpu.memory_space<vmem>>) target(%dma_start3A_66 : memref<10112x64xf32, #tpu.memory_space<vmem_shared>>) offsets(%dma_start3A_63 : memref<128xi32, #tpu.memory_space<vmem>>) semaphore(%run_scoped3A : memref<!tpu.dma_semaphore, #tpu.memory_space<semaphore_mem>>) {add = true}
        %dma_wait3A_67 = arith.constant 0 : i32
        %dma_wait3A_68 = tpu.memref_slice %arg8[%add3A_47, %dma_wait3A_67] : memref<80x128xi32, #tpu.memory_space<vmem>> -> memref<1x128xi32, #tpu.memory_space<vmem>>
        %dma_wait3A_69 = tpu.memref_squeeze %dma_wait3A_68 : memref<1x128xi32, #tpu.memory_space<vmem>> -> memref<128xi32, #tpu.memory_space<vmem>>
        %dma_wait3A_70 = arith.constant 0 : i32
        %dma_wait3A_71 = arith.constant 0 : i32
        %dma_wait3A_72 = tpu.memref_slice %arg11[%dma_wait3A_70, %dma_wait3A_71] : memref<10112x64xf32, #tpu.memory_space<vmem_shared>> -> memref<10112x64xf32, #tpu.memory_space<vmem_shared>>
        tpu.wait_indirect_dma semaphore(%run_scoped3A : memref<!tpu.dma_semaphore, #tpu.memory_space<semaphore_mem>>) src(%arg10 : memref<128x64xf32, #tpu.memory_space<vmem>>) dst(%dma_wait3A_72 : memref<10112x64xf32, #tpu.memory_space<vmem_shared>>)
        tpu.yield
      }) : () -> ()
      %add3A_54 = arith.constant 2 : i32
      %add3A_55 = arith.addi %add3A_47, %add3A_54 : i32
      %lt3A_56 = arith.constant 80 : i32
      %lt3A_57 = arith.cmpi slt, %add3A_55, %lt3A_56 : i32
      %convert_element_type3A_58 = arith.extui %lt3A_57 : i1 to i32
      %cond3A_59 = arith.constant 0 : i32
      %cond3A_60 = arith.cmpi ne, %convert_element_type3A_58, %cond3A_59 : i32
      scf.if %cond3A_60 {
        %add3A_61 = arith.constant 2 : i32
        %add3A_62 = arith.addi %add3A_47, %add3A_61 : i32
        %dma_start3A_63 = arith.constant 0 : i32
        %dma_start3A_64 = tpu.memref_slice %arg7[%add3A_62, %dma_start3A_63] : memref<80x128xi32, #tpu.memory_space<vmem>> -> memref<1x128xi32, #tpu.memory_space<vmem>>
        %dma_start3A_65 = tpu.memref_squeeze %dma_start3A_64 : memref<1x128xi32, #tpu.memory_space<vmem>> -> memref<128xi32, #tpu.memory_space<vmem>>
        %dma_start3A_66 = arith.constant 0 : i32
        %dma_start3A_67 = arith.constant 0 : i32
        %dma_start3A_68 = tpu.memref_slice %arg4[%dma_start3A_66, %dma_start3A_67] : memref<10000x64xf32, #tpu.memory_space<hbm>> -> memref<10000x64xf32, #tpu.memory_space<hbm>>
        tpu.enqueue_indirect_dma source(%dma_start3A_68 : memref<10000x64xf32, #tpu.memory_space<hbm>>) target(%arg10 : memref<128x64xf32, #tpu.memory_space<vmem>>) offsets(%dma_start3A_65 : memref<128xi32, #tpu.memory_space<vmem>>) semaphore(%arg13 : memref<!tpu.dma_semaphore, #tpu.memory_space<semaphore_mem>>)
      } else {
      }
    }
    %scan3A_24 = arith.constant 40 : i32
    %barrier3A_25 = arith.constant 0 : index
    tpu.barrier barrier_id(%barrier3A_25)
    %mul3A_26 = arith.constant 632 : i32
    %mul3A_27 = arith.muli %arg1, %mul3A_26 : i32
    %mul3A_28 = arith.constant 632 : i32
    %mul3A_29 = arith.muli %arg1, %mul3A_28 : i32
    "tpu.region"() ({
      %run_scoped3A = tpu.sem_alloc : memref<!tpu.dma_semaphore, #tpu.memory_space<semaphore_mem>>
      %dma_start3A_30 = arith.constant 0 : i32
      %dma_start3A_31 = tpu.memref_slice %arg6[%arg0, %mul3A_29, %dma_start3A_30] : memref<2x10112x64xf32, #tpu.memory_space<hbm>> -> memref<1x632x64xf32, #tpu.memory_space<hbm>>
      %dma_start3A_32 = tpu.memref_squeeze %dma_start3A_31 : memref<1x632x64xf32, #tpu.memory_space<hbm>> -> memref<632x64xf32, #tpu.memory_space<hbm>>
      %dma_start3A_33 = arith.constant 0 : i32
      %dma_start3A_34 = tpu.memref_slice %arg11[%mul3A_27, %dma_start3A_33] : memref<10112x64xf32, #tpu.memory_space<vmem_shared>> -> memref<632x64xf32, #tpu.memory_space<vmem_shared>>
      tpu.enqueue_dma source(%dma_start3A_34 : memref<632x64xf32, #tpu.memory_space<vmem_shared>>) target(%dma_start3A_32 : memref<632x64xf32, #tpu.memory_space<hbm>>) target_semaphore(%run_scoped3A : memref<!tpu.dma_semaphore, #tpu.memory_space<semaphore_mem>>)
      %dma_wait3A = arith.constant 0 : i32
      %dma_wait3A_35 = tpu.memref_slice %arg6[%arg0, %mul3A_29, %dma_wait3A] : memref<2x10112x64xf32, #tpu.memory_space<hbm>> -> memref<1x632x64xf32, #tpu.memory_space<hbm>>
      %dma_wait3A_36 = tpu.memref_squeeze %dma_wait3A_35 : memref<1x632x64xf32, #tpu.memory_space<hbm>> -> memref<632x64xf32, #tpu.memory_space<hbm>>
      %dma_wait3A_37 = arith.constant 0 : i32
      %dma_wait3A_38 = tpu.memref_slice %arg11[%mul3A_27, %dma_wait3A_37] : memref<10112x64xf32, #tpu.memory_space<vmem_shared>> -> memref<632x64xf32, #tpu.memory_space<vmem_shared>>
      tpu.wait_dma2 semaphore(%run_scoped3A : memref<!tpu.dma_semaphore, #tpu.memory_space<semaphore_mem>>) src(%dma_wait3A_38 : memref<632x64xf32, #tpu.memory_space<vmem_shared>>) dst(%dma_wait3A_36 : memref<632x64xf32, #tpu.memory_space<hbm>>)
      tpu.yield
    }) : () -> ()
    return
  }
}

#map = affine_map<(d0, d1) -> (0, 0)>
#map1 = affine_map<(d0, d1) -> (0, 0, 0)>
module attributes {stable_mosaic.version = 14 : i64} {
  func.func @edge_kernel(%arg0: i32, %arg1: i32, %arg2: memref<2560x128xi32, #tpu.memory_space<hbm>>, %arg3: memref<2560x128xi32, #tpu.memory_space<hbm>>, %arg4: memref<10000x64xf32, #tpu.memory_space<hbm>>, %arg5: memref<632x64xf32, #tpu.memory_space<hbm>>, %arg6: memref<2x10112x64xf32, #tpu.memory_space<hbm>>, %arg7: memref<80x128xi32, #tpu.memory_space<vmem>>, %arg8: memref<80x128xi32, #tpu.memory_space<vmem>>, %arg9: memref<128x64xf32, #tpu.memory_space<vmem>>, %arg10: memref<128x64xf32, #tpu.memory_space<vmem>>, %arg11: memref<10112x64xf32, #tpu.memory_space<vmem_shared>>, %arg12: memref<!tpu.dma_semaphore, #tpu.memory_space<semaphore_mem>>, %arg13: memref<!tpu.dma_semaphore, #tpu.memory_space<semaphore_mem>>) attributes {dimension_semantics = [#tpu.dimension_semantics<core_parallel>, #tpu.dimension_semantics<subcore_parallel>], iteration_bounds = array<i64: 2, 16>, scalar_prefetch = 0 : i64, scratch_operands = 7 : i64, tpu.core_type = #tpu.core_type<sc_vector_subcore>, window_params = [{transform_indices = #map}, {transform_indices = #map}, {transform_indices = #map}, {transform_indices = #map}, {transform_indices = #map1}]} {
    %mul3A = arith.constant 16 : i32
    %mul3A_0 = arith.muli %arg0, %mul3A : i32
    %add3A = arith.addi %mul3A_0, %arg1 : i32
    %mul3A_1 = arith.constant 80 : i32
    %mul3A_2 = arith.muli %add3A, %mul3A_1 : i32
    "tpu.region"() ({
      %run_scoped3A = tpu.sem_alloc : memref<!tpu.dma_semaphore, #tpu.memory_space<semaphore_mem>>
      %dma_start3A_30 = arith.constant 0 : i32
      %dma_start3A_31 = tpu.memref_slice %arg2[%mul3A_2, %dma_start3A_30] : memref<2560x128xi32, #tpu.memory_space<hbm>> -> memref<80x128xi32, #tpu.memory_space<hbm>>
      %dma_start3A_32 = arith.constant 0 : i32
      %dma_start3A_33 = tpu.memref_slice %arg2[%mul3A_2, %dma_start3A_32] : memref<2560x128xi32, #tpu.memory_space<hbm>> -> memref<80x128xi32, #tpu.memory_space<hbm>>
      tpu.enqueue_dma source(%dma_start3A_33 : memref<80x128xi32, #tpu.memory_space<hbm>>) target(%arg7 : memref<80x128xi32, #tpu.memory_space<vmem>>) target_semaphore(%run_scoped3A : memref<!tpu.dma_semaphore, #tpu.memory_space<semaphore_mem>>)
      %dma_wait3A = arith.constant 0 : i32
      %dma_wait3A_34 = tpu.memref_slice %arg2[%mul3A_2, %dma_wait3A] : memref<2560x128xi32, #tpu.memory_space<hbm>> -> memref<80x128xi32, #tpu.memory_space<hbm>>
      %dma_wait3A_35 = arith.constant 0 : i32
      %dma_wait3A_36 = tpu.memref_slice %arg2[%mul3A_2, %dma_wait3A_35] : memref<2560x128xi32, #tpu.memory_space<hbm>> -> memref<80x128xi32, #tpu.memory_space<hbm>>
      tpu.wait_dma2 semaphore(%run_scoped3A : memref<!tpu.dma_semaphore, #tpu.memory_space<semaphore_mem>>) src(%dma_wait3A_36 : memref<80x128xi32, #tpu.memory_space<hbm>>) dst(%arg7 : memref<80x128xi32, #tpu.memory_space<vmem>>)
      tpu.yield
    }) : () -> ()
    %mul3A_3 = arith.constant 80 : i32
    %mul3A_4 = arith.muli %add3A, %mul3A_3 : i32
    "tpu.region"() ({
      %run_scoped3A = tpu.sem_alloc : memref<!tpu.dma_semaphore, #tpu.memory_space<semaphore_mem>>
      %dma_start3A_30 = arith.constant 0 : i32
      %dma_start3A_31 = tpu.memref_slice %arg3[%mul3A_4, %dma_start3A_30] : memref<2560x128xi32, #tpu.memory_space<hbm>> -> memref<80x128xi32, #tpu.memory_space<hbm>>
      %dma_start3A_32 = arith.constant 0 : i32
      %dma_start3A_33 = tpu.memref_slice %arg3[%mul3A_4, %dma_start3A_32] : memref<2560x128xi32, #tpu.memory_space<hbm>> -> memref<80x128xi32, #tpu.memory_space<hbm>>
      tpu.enqueue_dma source(%dma_start3A_33 : memref<80x128xi32, #tpu.memory_space<hbm>>) target(%arg8 : memref<80x128xi32, #tpu.memory_space<vmem>>) target_semaphore(%run_scoped3A : memref<!tpu.dma_semaphore, #tpu.memory_space<semaphore_mem>>)
      %dma_wait3A = arith.constant 0 : i32
      %dma_wait3A_34 = tpu.memref_slice %arg3[%mul3A_4, %dma_wait3A] : memref<2560x128xi32, #tpu.memory_space<hbm>> -> memref<80x128xi32, #tpu.memory_space<hbm>>
      %dma_wait3A_35 = arith.constant 0 : i32
      %dma_wait3A_36 = tpu.memref_slice %arg3[%mul3A_4, %dma_wait3A_35] : memref<2560x128xi32, #tpu.memory_space<hbm>> -> memref<80x128xi32, #tpu.memory_space<hbm>>
      tpu.wait_dma2 semaphore(%run_scoped3A : memref<!tpu.dma_semaphore, #tpu.memory_space<semaphore_mem>>) src(%dma_wait3A_36 : memref<80x128xi32, #tpu.memory_space<hbm>>) dst(%arg8 : memref<80x128xi32, #tpu.memory_space<vmem>>)
      tpu.yield
    }) : () -> ()
    %mul3A_5 = arith.constant 632 : i32
    %mul3A_6 = arith.muli %arg1, %mul3A_5 : i32
    "tpu.region"() ({
      %run_scoped3A = tpu.sem_alloc : memref<!tpu.dma_semaphore, #tpu.memory_space<semaphore_mem>>
      %dma_start3A_30 = arith.constant 0 : i32
      %dma_start3A_31 = tpu.memref_slice %arg11[%mul3A_6, %dma_start3A_30] : memref<10112x64xf32, #tpu.memory_space<vmem_shared>> -> memref<632x64xf32, #tpu.memory_space<vmem_shared>>
      tpu.enqueue_dma source(%arg5 : memref<632x64xf32, #tpu.memory_space<hbm>>) target(%dma_start3A_31 : memref<632x64xf32, #tpu.memory_space<vmem_shared>>) target_semaphore(%run_scoped3A : memref<!tpu.dma_semaphore, #tpu.memory_space<semaphore_mem>>)
      %dma_wait3A = arith.constant 0 : i32
      %dma_wait3A_32 = tpu.memref_slice %arg11[%mul3A_6, %dma_wait3A] : memref<10112x64xf32, #tpu.memory_space<vmem_shared>> -> memref<632x64xf32, #tpu.memory_space<vmem_shared>>
      tpu.wait_dma2 semaphore(%run_scoped3A : memref<!tpu.dma_semaphore, #tpu.memory_space<semaphore_mem>>) src(%arg5 : memref<632x64xf32, #tpu.memory_space<hbm>>) dst(%dma_wait3A_32 : memref<632x64xf32, #tpu.memory_space<vmem_shared>>)
      tpu.yield
    }) : () -> ()
    %barrier3A = arith.constant 0 : index
    tpu.barrier barrier_id(%barrier3A)
    %dma_start3A = arith.constant 0 : i32
    %dma_start3A_7 = arith.constant 0 : i32
    %dma_start3A_8 = tpu.memref_slice %arg7[%dma_start3A, %dma_start3A_7] : memref<80x128xi32, #tpu.memory_space<vmem>> -> memref<1x128xi32, #tpu.memory_space<vmem>>
    %dma_start3A_9 = tpu.memref_squeeze %dma_start3A_8 : memref<1x128xi32, #tpu.memory_space<vmem>> -> memref<128xi32, #tpu.memory_space<vmem>>
    %dma_start3A_10 = arith.constant 0 : i32
    %dma_start3A_11 = arith.constant 0 : i32
    %dma_start3A_12 = tpu.memref_slice %arg4[%dma_start3A_10, %dma_start3A_11] : memref<10000x64xf32, #tpu.memory_space<hbm>> -> memref<10000x64xf32, #tpu.memory_space<hbm>>
    tpu.enqueue_indirect_dma source(%dma_start3A_12 : memref<10000x64xf32, #tpu.memory_space<hbm>>) target(%arg9 : memref<128x64xf32, #tpu.memory_space<vmem>>) offsets(%dma_start3A_9 : memref<128xi32, #tpu.memory_space<vmem>>) semaphore(%arg12 : memref<!tpu.dma_semaphore, #tpu.memory_space<semaphore_mem>>)
    %dma_start3A_13 = arith.constant 1 : i32
    %dma_start3A_14 = arith.constant 0 : i32
    %dma_start3A_15 = tpu.memref_slice %arg7[%dma_start3A_13, %dma_start3A_14] : memref<80x128xi32, #tpu.memory_space<vmem>> -> memref<1x128xi32, #tpu.memory_space<vmem>>
    %dma_start3A_16 = tpu.memref_squeeze %dma_start3A_15 : memref<1x128xi32, #tpu.memory_space<vmem>> -> memref<128xi32, #tpu.memory_space<vmem>>
    %dma_start3A_17 = arith.constant 0 : i32
    %dma_start3A_18 = arith.constant 0 : i32
    %dma_start3A_19 = tpu.memref_slice %arg4[%dma_start3A_17, %dma_start3A_18] : memref<10000x64xf32, #tpu.memory_space<hbm>> -> memref<10000x64xf32, #tpu.memory_space<hbm>>
    tpu.enqueue_indirect_dma source(%dma_start3A_19 : memref<10000x64xf32, #tpu.memory_space<hbm>>) target(%arg10 : memref<128x64xf32, #tpu.memory_space<vmem>>) offsets(%dma_start3A_16 : memref<128xi32, #tpu.memory_space<vmem>>) semaphore(%arg13 : memref<!tpu.dma_semaphore, #tpu.memory_space<semaphore_mem>>)
    %scan3A = arith.constant 0 : i32
    %scan3A_20 = arith.constant 0 : i32
    %scan3A_21 = arith.constant 40 : i32
    %scan3A_22 = arith.addi %scan3A_20, %scan3A_21 : i32
    %scan3A_23 = arith.constant 1 : i32
    scf.for %scan3A_30 = %scan3A_20 to %scan3A_22 step %scan3A_23  : i32 {
      %mul3A_31 = arith.constant 2 : i32
      %mul3A_32 = arith.muli %mul3A_31, %scan3A_30 : i32
      %add3A_33 = arith.constant 0 : i32
      %add3A_34 = arith.addi %mul3A_32, %add3A_33 : i32
      %dma_wait3A = arith.constant 0 : i32
      %dma_wait3A_35 = tpu.memref_slice %arg7[%add3A_34, %dma_wait3A] : memref<80x128xi32, #tpu.memory_space<vmem>> -> memref<1x128xi32, #tpu.memory_space<vmem>>
      %dma_wait3A_36 = tpu.memref_squeeze %dma_wait3A_35 : memref<1x128xi32, #tpu.memory_space<vmem>> -> memref<128xi32, #tpu.memory_space<vmem>>
      %dma_wait3A_37 = arith.constant 0 : i32
      %dma_wait3A_38 = arith.constant 0 : i32
      %dma_wait3A_39 = tpu.memref_slice %arg4[%dma_wait3A_37, %dma_wait3A_38] : memref<10000x64xf32, #tpu.memory_space<hbm>> -> memref<10000x64xf32, #tpu.memory_space<hbm>>
      tpu.wait_indirect_dma semaphore(%arg12 : memref<!tpu.dma_semaphore, #tpu.memory_space<semaphore_mem>>) src(%dma_wait3A_39 : memref<10000x64xf32, #tpu.memory_space<hbm>>) dst(%arg9 : memref<128x64xf32, #tpu.memory_space<vmem>>)
      "tpu.region"() ({
        %run_scoped3A = tpu.sem_alloc : memref<!tpu.dma_semaphore, #tpu.memory_space<semaphore_mem>>
        %dma_start3A_61 = arith.constant 0 : i32
        %dma_start3A_62 = tpu.memref_slice %arg8[%add3A_34, %dma_start3A_61] : memref<80x128xi32, #tpu.memory_space<vmem>> -> memref<1x128xi32, #tpu.memory_space<vmem>>
        %dma_start3A_63 = tpu.memref_squeeze %dma_start3A_62 : memref<1x128xi32, #tpu.memory_space<vmem>> -> memref<128xi32, #tpu.memory_space<vmem>>
        %dma_start3A_64 = arith.constant 0 : i32
        %dma_start3A_65 = arith.constant 0 : i32
        %dma_start3A_66 = tpu.memref_slice %arg11[%dma_start3A_64, %dma_start3A_65] : memref<10112x64xf32, #tpu.memory_space<vmem_shared>> -> memref<10112x64xf32, #tpu.memory_space<vmem_shared>>
        tpu.enqueue_indirect_dma source(%arg9 : memref<128x64xf32, #tpu.memory_space<vmem>>) target(%dma_start3A_66 : memref<10112x64xf32, #tpu.memory_space<vmem_shared>>) offsets(%dma_start3A_63 : memref<128xi32, #tpu.memory_space<vmem>>) semaphore(%run_scoped3A : memref<!tpu.dma_semaphore, #tpu.memory_space<semaphore_mem>>) {add = true}
        %dma_wait3A_67 = arith.constant 0 : i32
        %dma_wait3A_68 = tpu.memref_slice %arg8[%add3A_34, %dma_wait3A_67] : memref<80x128xi32, #tpu.memory_space<vmem>> -> memref<1x128xi32, #tpu.memory_space<vmem>>
        %dma_wait3A_69 = tpu.memref_squeeze %dma_wait3A_68 : memref<1x128xi32, #tpu.memory_space<vmem>> -> memref<128xi32, #tpu.memory_space<vmem>>
        %dma_wait3A_70 = arith.constant 0 : i32
        %dma_wait3A_71 = arith.constant 0 : i32
        %dma_wait3A_72 = tpu.memref_slice %arg11[%dma_wait3A_70, %dma_wait3A_71] : memref<10112x64xf32, #tpu.memory_space<vmem_shared>> -> memref<10112x64xf32, #tpu.memory_space<vmem_shared>>
        tpu.wait_indirect_dma semaphore(%run_scoped3A : memref<!tpu.dma_semaphore, #tpu.memory_space<semaphore_mem>>) src(%arg9 : memref<128x64xf32, #tpu.memory_space<vmem>>) dst(%dma_wait3A_72 : memref<10112x64xf32, #tpu.memory_space<vmem_shared>>)
        tpu.yield
      }) : () -> ()
      %add3A_40 = arith.constant 2 : i32
      %add3A_41 = arith.addi %add3A_34, %add3A_40 : i32
      %lt3A = arith.constant 80 : i32
      %lt3A_42 = arith.cmpi slt, %add3A_41, %lt3A : i32
      %convert_element_type3A = arith.extui %lt3A_42 : i1 to i32
      %cond3A = arith.constant 0 : i32
      %cond3A_43 = arith.cmpi ne, %convert_element_type3A, %cond3A : i32
      scf.if %cond3A_43 {
        %add3A_61 = arith.constant 2 : i32
        %add3A_62 = arith.addi %add3A_34, %add3A_61 : i32
        %dma_start3A_63 = arith.constant 0 : i32
        %dma_start3A_64 = tpu.memref_slice %arg7[%add3A_62, %dma_start3A_63] : memref<80x128xi32, #tpu.memory_space<vmem>> -> memref<1x128xi32, #tpu.memory_space<vmem>>
        %dma_start3A_65 = tpu.memref_squeeze %dma_start3A_64 : memref<1x128xi32, #tpu.memory_space<vmem>> -> memref<128xi32, #tpu.memory_space<vmem>>
        %dma_start3A_66 = arith.constant 0 : i32
        %dma_start3A_67 = arith.constant 0 : i32
        %dma_start3A_68 = tpu.memref_slice %arg4[%dma_start3A_66, %dma_start3A_67] : memref<10000x64xf32, #tpu.memory_space<hbm>> -> memref<10000x64xf32, #tpu.memory_space<hbm>>
        tpu.enqueue_indirect_dma source(%dma_start3A_68 : memref<10000x64xf32, #tpu.memory_space<hbm>>) target(%arg9 : memref<128x64xf32, #tpu.memory_space<vmem>>) offsets(%dma_start3A_65 : memref<128xi32, #tpu.memory_space<vmem>>) semaphore(%arg12 : memref<!tpu.dma_semaphore, #tpu.memory_space<semaphore_mem>>)
      } else {
      }
      %mul3A_44 = arith.constant 2 : i32
      %mul3A_45 = arith.muli %mul3A_44, %scan3A_30 : i32
      %add3A_46 = arith.constant 1 : i32
      %add3A_47 = arith.addi %mul3A_45, %add3A_46 : i32
      %dma_wait3A_48 = arith.constant 0 : i32
      %dma_wait3A_49 = tpu.memref_slice %arg7[%add3A_47, %dma_wait3A_48] : memref<80x128xi32, #tpu.memory_space<vmem>> -> memref<1x128xi32, #tpu.memory_space<vmem>>
      %dma_wait3A_50 = tpu.memref_squeeze %dma_wait3A_49 : memref<1x128xi32, #tpu.memory_space<vmem>> -> memref<128xi32, #tpu.memory_space<vmem>>
      %dma_wait3A_51 = arith.constant 0 : i32
      %dma_wait3A_52 = arith.constant 0 : i32
      %dma_wait3A_53 = tpu.memref_slice %arg4[%dma_wait3A_51, %dma_wait3A_52] : memref<10000x64xf32, #tpu.memory_space<hbm>> -> memref<10000x64xf32, #tpu.memory_space<hbm>>
      tpu.wait_indirect_dma semaphore(%arg13 : memref<!tpu.dma_semaphore, #tpu.memory_space<semaphore_mem>>) src(%dma_wait3A_53 : memref<10000x64xf32, #tpu.memory_space<hbm>>) dst(%arg10 : memref<128x64xf32, #tpu.memory_space<vmem>>)
      "tpu.region"() ({
        %run_scoped3A = tpu.sem_alloc : memref<!tpu.dma_semaphore, #tpu.memory_space<semaphore_mem>>
        %dma_start3A_61 = arith.constant 0 : i32
        %dma_start3A_62 = tpu.memref_slice %arg8[%add3A_47, %dma_start3A_61] : memref<80x128xi32, #tpu.memory_space<vmem>> -> memref<1x128xi32, #tpu.memory_space<vmem>>
        %dma_start3A_63 = tpu.memref_squeeze %dma_start3A_62 : memref<1x128xi32, #tpu.memory_space<vmem>> -> memref<128xi32, #tpu.memory_space<vmem>>
        %dma_start3A_64 = arith.constant 0 : i32
        %dma_start3A_65 = arith.constant 0 : i32
        %dma_start3A_66 = tpu.memref_slice %arg11[%dma_start3A_64, %dma_start3A_65] : memref<10112x64xf32, #tpu.memory_space<vmem_shared>> -> memref<10112x64xf32, #tpu.memory_space<vmem_shared>>
        tpu.enqueue_indirect_dma source(%arg10 : memref<128x64xf32, #tpu.memory_space<vmem>>) target(%dma_start3A_66 : memref<10112x64xf32, #tpu.memory_space<vmem_shared>>) offsets(%dma_start3A_63 : memref<128xi32, #tpu.memory_space<vmem>>) semaphore(%run_scoped3A : memref<!tpu.dma_semaphore, #tpu.memory_space<semaphore_mem>>) {add = true}
        %dma_wait3A_67 = arith.constant 0 : i32
        %dma_wait3A_68 = tpu.memref_slice %arg8[%add3A_47, %dma_wait3A_67] : memref<80x128xi32, #tpu.memory_space<vmem>> -> memref<1x128xi32, #tpu.memory_space<vmem>>
        %dma_wait3A_69 = tpu.memref_squeeze %dma_wait3A_68 : memref<1x128xi32, #tpu.memory_space<vmem>> -> memref<128xi32, #tpu.memory_space<vmem>>
        %dma_wait3A_70 = arith.constant 0 : i32
        %dma_wait3A_71 = arith.constant 0 : i32
        %dma_wait3A_72 = tpu.memref_slice %arg11[%dma_wait3A_70, %dma_wait3A_71] : memref<10112x64xf32, #tpu.memory_space<vmem_shared>> -> memref<10112x64xf32, #tpu.memory_space<vmem_shared>>
        tpu.wait_indirect_dma semaphore(%run_scoped3A : memref<!tpu.dma_semaphore, #tpu.memory_space<semaphore_mem>>) src(%arg10 : memref<128x64xf32, #tpu.memory_space<vmem>>) dst(%dma_wait3A_72 : memref<10112x64xf32, #tpu.memory_space<vmem_shared>>)
        tpu.yield
      }) : () -> ()
      %add3A_54 = arith.constant 2 : i32
      %add3A_55 = arith.addi %add3A_47, %add3A_54 : i32
      %lt3A_56 = arith.constant 80 : i32
      %lt3A_57 = arith.cmpi slt, %add3A_55, %lt3A_56 : i32
      %convert_element_type3A_58 = arith.extui %lt3A_57 : i1 to i32
      %cond3A_59 = arith.constant 0 : i32
      %cond3A_60 = arith.cmpi ne, %convert_element_type3A_58, %cond3A_59 : i32
      scf.if %cond3A_60 {
        %add3A_61 = arith.constant 2 : i32
        %add3A_62 = arith.addi %add3A_47, %add3A_61 : i32
        %dma_start3A_63 = arith.constant 0 : i32
        %dma_start3A_64 = tpu.memref_slice %arg7[%add3A_62, %dma_start3A_63] : memref<80x128xi32, #tpu.memory_space<vmem>> -> memref<1x128xi32, #tpu.memory_space<vmem>>
        %dma_start3A_65 = tpu.memref_squeeze %dma_start3A_64 : memref<1x128xi32, #tpu.memory_space<vmem>> -> memref<128xi32, #tpu.memory_space<vmem>>
        %dma_start3A_66 = arith.constant 0 : i32
        %dma_start3A_67 = arith.constant 0 : i32
        %dma_start3A_68 = tpu.memref_slice %arg4[%dma_start3A_66, %dma_start3A_67] : memref<10000x64xf32, #tpu.memory_space<hbm>> -> memref<10000x64xf32, #tpu.memory_space<hbm>>
        tpu.enqueue_indirect_dma source(%dma_start3A_68 : memref<10000x64xf32, #tpu.memory_space<hbm>>) target(%arg10 : memref<128x64xf32, #tpu.memory_space<vmem>>) offsets(%dma_start3A_65 : memref<128xi32, #tpu.memory_space<vmem>>) semaphore(%arg13 : memref<!tpu.dma_semaphore, #tpu.memory_space<semaphore_mem>>)
      } else {
      }
    }
    %scan3A_24 = arith.constant 40 : i32
    %barrier3A_25 = arith.constant 0 : index
    tpu.barrier barrier_id(%barrier3A_25)
    %mul3A_26 = arith.constant 632 : i32
    %mul3A_27 = arith.muli %arg1, %mul3A_26 : i32
    %mul3A_28 = arith.constant 632 : i32
    %mul3A_29 = arith.muli %arg1, %mul3A_28 : i32
    "tpu.region"() ({
      %run_scoped3A = tpu.sem_alloc : memref<!tpu.dma_semaphore, #tpu.memory_space<semaphore_mem>>
      %dma_start3A_30 = arith.constant 0 : i32
      %dma_start3A_31 = tpu.memref_slice %arg6[%arg0, %mul3A_29, %dma_start3A_30] : memref<2x10112x64xf32, #tpu.memory_space<hbm>> -> memref<1x632x64xf32, #tpu.memory_space<hbm>>
      %dma_start3A_32 = tpu.memref_squeeze %dma_start3A_31 : memref<1x632x64xf32, #tpu.memory_space<hbm>> -> memref<632x64xf32, #tpu.memory_space<hbm>>
      %dma_start3A_33 = arith.constant 0 : i32
      %dma_start3A_34 = tpu.memref_slice %arg11[%mul3A_27, %dma_start3A_33] : memref<10112x64xf32, #tpu.memory_space<vmem_shared>> -> memref<632x64xf32, #tpu.memory_space<vmem_shared>>
      tpu.enqueue_dma source(%dma_start3A_34 : memref<632x64xf32, #tpu.memory_space<vmem_shared>>) target(%dma_start3A_32 : memref<632x64xf32, #tpu.memory_space<hbm>>) target_semaphore(%run_scoped3A : memref<!tpu.dma_semaphore, #tpu.memory_space<semaphore_mem>>)
      %dma_wait3A = arith.constant 0 : i32
      %dma_wait3A_35 = tpu.memref_slice %arg6[%arg0, %mul3A_29, %dma_wait3A] : memref<2x10112x64xf32, #tpu.memory_space<hbm>> -> memref<1x632x64xf32, #tpu.memory_space<hbm>>
      %dma_wait3A_36 = tpu.memref_squeeze %dma_wait3A_35 : memref<1x632x64xf32, #tpu.memory_space<hbm>> -> memref<632x64xf32, #tpu.memory_space<hbm>>
      %dma_wait3A_37 = arith.constant 0 : i32
      %dma_wait3A_38 = tpu.memref_slice %arg11[%mul3A_27, %dma_wait3A_37] : memref<10112x64xf32, #tpu.memory_space<vmem_shared>> -> memref<632x64xf32, #tpu.memory_space<vmem_shared>>
      tpu.wait_dma2 semaphore(%run_scoped3A : memref<!tpu.dma_semaphore, #tpu.memory_space<semaphore_mem>>) src(%dma_wait3A_38 : memref<632x64xf32, #tpu.memory_space<vmem_shared>>) dst(%dma_wait3A_36 : memref<632x64xf32, #tpu.memory_space<hbm>>)
      tpu.yield
    }) : () -> ()
    return
  }
}

#map = affine_map<(d0, d1) -> (0, 0)>
#map1 = affine_map<(d0, d1) -> (0, 0, 0)>
module attributes {stable_mosaic.version = 14 : i64} {
  func.func @edge_kernel(%arg0: i32, %arg1: i32, %arg2: memref<2560x128xi32, #tpu.memory_space<hbm>>, %arg3: memref<2560x128xi32, #tpu.memory_space<hbm>>, %arg4: memref<10000x64xf32, #tpu.memory_space<hbm>>, %arg5: memref<632x64xf32, #tpu.memory_space<hbm>>, %arg6: memref<2x10112x64xf32, #tpu.memory_space<hbm>>, %arg7: memref<80x128xi32, #tpu.memory_space<vmem>>, %arg8: memref<80x128xi32, #tpu.memory_space<vmem>>, %arg9: memref<128x64xf32, #tpu.memory_space<vmem>>, %arg10: memref<128x64xf32, #tpu.memory_space<vmem>>, %arg11: memref<10112x64xf32, #tpu.memory_space<vmem_shared>>, %arg12: memref<!tpu.dma_semaphore, #tpu.memory_space<semaphore_mem>>, %arg13: memref<!tpu.dma_semaphore, #tpu.memory_space<semaphore_mem>>) attributes {dimension_semantics = [#tpu.dimension_semantics<core_parallel>, #tpu.dimension_semantics<subcore_parallel>], iteration_bounds = array<i64: 2, 16>, scalar_prefetch = 0 : i64, scratch_operands = 7 : i64, tpu.core_type = #tpu.core_type<sc_vector_subcore>, window_params = [{transform_indices = #map}, {transform_indices = #map}, {transform_indices = #map}, {transform_indices = #map}, {transform_indices = #map1}]} {
    %mul3A = arith.constant 16 : i32
    %mul3A_0 = arith.muli %arg0, %mul3A : i32
    %add3A = arith.addi %mul3A_0, %arg1 : i32
    %mul3A_1 = arith.constant 80 : i32
    %mul3A_2 = arith.muli %add3A, %mul3A_1 : i32
    "tpu.region"() ({
      %run_scoped3A = tpu.sem_alloc : memref<!tpu.dma_semaphore, #tpu.memory_space<semaphore_mem>>
      %dma_start3A_30 = arith.constant 0 : i32
      %dma_start3A_31 = tpu.memref_slice %arg2[%mul3A_2, %dma_start3A_30] : memref<2560x128xi32, #tpu.memory_space<hbm>> -> memref<80x128xi32, #tpu.memory_space<hbm>>
      %dma_start3A_32 = arith.constant 0 : i32
      %dma_start3A_33 = tpu.memref_slice %arg2[%mul3A_2, %dma_start3A_32] : memref<2560x128xi32, #tpu.memory_space<hbm>> -> memref<80x128xi32, #tpu.memory_space<hbm>>
      tpu.enqueue_dma source(%dma_start3A_33 : memref<80x128xi32, #tpu.memory_space<hbm>>) target(%arg7 : memref<80x128xi32, #tpu.memory_space<vmem>>) target_semaphore(%run_scoped3A : memref<!tpu.dma_semaphore, #tpu.memory_space<semaphore_mem>>)
      %dma_wait3A = arith.constant 0 : i32
      %dma_wait3A_34 = tpu.memref_slice %arg2[%mul3A_2, %dma_wait3A] : memref<2560x128xi32, #tpu.memory_space<hbm>> -> memref<80x128xi32, #tpu.memory_space<hbm>>
      %dma_wait3A_35 = arith.constant 0 : i32
      %dma_wait3A_36 = tpu.memref_slice %arg2[%mul3A_2, %dma_wait3A_35] : memref<2560x128xi32, #tpu.memory_space<hbm>> -> memref<80x128xi32, #tpu.memory_space<hbm>>
      tpu.wait_dma2 semaphore(%run_scoped3A : memref<!tpu.dma_semaphore, #tpu.memory_space<semaphore_mem>>) src(%dma_wait3A_36 : memref<80x128xi32, #tpu.memory_space<hbm>>) dst(%arg7 : memref<80x128xi32, #tpu.memory_space<vmem>>)
      tpu.yield
    }) : () -> ()
    %mul3A_3 = arith.constant 80 : i32
    %mul3A_4 = arith.muli %add3A, %mul3A_3 : i32
    "tpu.region"() ({
      %run_scoped3A = tpu.sem_alloc : memref<!tpu.dma_semaphore, #tpu.memory_space<semaphore_mem>>
      %dma_start3A_30 = arith.constant 0 : i32
      %dma_start3A_31 = tpu.memref_slice %arg3[%mul3A_4, %dma_start3A_30] : memref<2560x128xi32, #tpu.memory_space<hbm>> -> memref<80x128xi32, #tpu.memory_space<hbm>>
      %dma_start3A_32 = arith.constant 0 : i32
      %dma_start3A_33 = tpu.memref_slice %arg3[%mul3A_4, %dma_start3A_32] : memref<2560x128xi32, #tpu.memory_space<hbm>> -> memref<80x128xi32, #tpu.memory_space<hbm>>
      tpu.enqueue_dma source(%dma_start3A_33 : memref<80x128xi32, #tpu.memory_space<hbm>>) target(%arg8 : memref<80x128xi32, #tpu.memory_space<vmem>>) target_semaphore(%run_scoped3A : memref<!tpu.dma_semaphore, #tpu.memory_space<semaphore_mem>>)
      %dma_wait3A = arith.constant 0 : i32
      %dma_wait3A_34 = tpu.memref_slice %arg3[%mul3A_4, %dma_wait3A] : memref<2560x128xi32, #tpu.memory_space<hbm>> -> memref<80x128xi32, #tpu.memory_space<hbm>>
      %dma_wait3A_35 = arith.constant 0 : i32
      %dma_wait3A_36 = tpu.memref_slice %arg3[%mul3A_4, %dma_wait3A_35] : memref<2560x128xi32, #tpu.memory_space<hbm>> -> memref<80x128xi32, #tpu.memory_space<hbm>>
      tpu.wait_dma2 semaphore(%run_scoped3A : memref<!tpu.dma_semaphore, #tpu.memory_space<semaphore_mem>>) src(%dma_wait3A_36 : memref<80x128xi32, #tpu.memory_space<hbm>>) dst(%arg8 : memref<80x128xi32, #tpu.memory_space<vmem>>)
      tpu.yield
    }) : () -> ()
    %mul3A_5 = arith.constant 632 : i32
    %mul3A_6 = arith.muli %arg1, %mul3A_5 : i32
    "tpu.region"() ({
      %run_scoped3A = tpu.sem_alloc : memref<!tpu.dma_semaphore, #tpu.memory_space<semaphore_mem>>
      %dma_start3A_30 = arith.constant 0 : i32
      %dma_start3A_31 = tpu.memref_slice %arg11[%mul3A_6, %dma_start3A_30] : memref<10112x64xf32, #tpu.memory_space<vmem_shared>> -> memref<632x64xf32, #tpu.memory_space<vmem_shared>>
      tpu.enqueue_dma source(%arg5 : memref<632x64xf32, #tpu.memory_space<hbm>>) target(%dma_start3A_31 : memref<632x64xf32, #tpu.memory_space<vmem_shared>>) target_semaphore(%run_scoped3A : memref<!tpu.dma_semaphore, #tpu.memory_space<semaphore_mem>>)
      %dma_wait3A = arith.constant 0 : i32
      %dma_wait3A_32 = tpu.memref_slice %arg11[%mul3A_6, %dma_wait3A] : memref<10112x64xf32, #tpu.memory_space<vmem_shared>> -> memref<632x64xf32, #tpu.memory_space<vmem_shared>>
      tpu.wait_dma2 semaphore(%run_scoped3A : memref<!tpu.dma_semaphore, #tpu.memory_space<semaphore_mem>>) src(%arg5 : memref<632x64xf32, #tpu.memory_space<hbm>>) dst(%dma_wait3A_32 : memref<632x64xf32, #tpu.memory_space<vmem_shared>>)
      tpu.yield
    }) : () -> ()
    %barrier3A = arith.constant 0 : index
    tpu.barrier barrier_id(%barrier3A)
    %dma_start3A = arith.constant 0 : i32
    %dma_start3A_7 = arith.constant 0 : i32
    %dma_start3A_8 = tpu.memref_slice %arg7[%dma_start3A, %dma_start3A_7] : memref<80x128xi32, #tpu.memory_space<vmem>> -> memref<1x128xi32, #tpu.memory_space<vmem>>
    %dma_start3A_9 = tpu.memref_squeeze %dma_start3A_8 : memref<1x128xi32, #tpu.memory_space<vmem>> -> memref<128xi32, #tpu.memory_space<vmem>>
    %dma_start3A_10 = arith.constant 0 : i32
    %dma_start3A_11 = arith.constant 0 : i32
    %dma_start3A_12 = tpu.memref_slice %arg4[%dma_start3A_10, %dma_start3A_11] : memref<10000x64xf32, #tpu.memory_space<hbm>> -> memref<10000x64xf32, #tpu.memory_space<hbm>>
    tpu.enqueue_indirect_dma source(%dma_start3A_12 : memref<10000x64xf32, #tpu.memory_space<hbm>>) target(%arg9 : memref<128x64xf32, #tpu.memory_space<vmem>>) offsets(%dma_start3A_9 : memref<128xi32, #tpu.memory_space<vmem>>) semaphore(%arg12 : memref<!tpu.dma_semaphore, #tpu.memory_space<semaphore_mem>>)
    %dma_start3A_13 = arith.constant 1 : i32
    %dma_start3A_14 = arith.constant 0 : i32
    %dma_start3A_15 = tpu.memref_slice %arg7[%dma_start3A_13, %dma_start3A_14] : memref<80x128xi32, #tpu.memory_space<vmem>> -> memref<1x128xi32, #tpu.memory_space<vmem>>
    %dma_start3A_16 = tpu.memref_squeeze %dma_start3A_15 : memref<1x128xi32, #tpu.memory_space<vmem>> -> memref<128xi32, #tpu.memory_space<vmem>>
    %dma_start3A_17 = arith.constant 0 : i32
    %dma_start3A_18 = arith.constant 0 : i32
    %dma_start3A_19 = tpu.memref_slice %arg4[%dma_start3A_17, %dma_start3A_18] : memref<10000x64xf32, #tpu.memory_space<hbm>> -> memref<10000x64xf32, #tpu.memory_space<hbm>>
    tpu.enqueue_indirect_dma source(%dma_start3A_19 : memref<10000x64xf32, #tpu.memory_space<hbm>>) target(%arg10 : memref<128x64xf32, #tpu.memory_space<vmem>>) offsets(%dma_start3A_16 : memref<128xi32, #tpu.memory_space<vmem>>) semaphore(%arg13 : memref<!tpu.dma_semaphore, #tpu.memory_space<semaphore_mem>>)
    %scan3A = arith.constant 0 : i32
    %scan3A_20 = arith.constant 0 : i32
    %scan3A_21 = arith.constant 40 : i32
    %scan3A_22 = arith.addi %scan3A_20, %scan3A_21 : i32
    %scan3A_23 = arith.constant 1 : i32
    scf.for %scan3A_30 = %scan3A_20 to %scan3A_22 step %scan3A_23  : i32 {
      %mul3A_31 = arith.constant 2 : i32
      %mul3A_32 = arith.muli %mul3A_31, %scan3A_30 : i32
      %add3A_33 = arith.constant 0 : i32
      %add3A_34 = arith.addi %mul3A_32, %add3A_33 : i32
      %dma_wait3A = arith.constant 0 : i32
      %dma_wait3A_35 = tpu.memref_slice %arg7[%add3A_34, %dma_wait3A] : memref<80x128xi32, #tpu.memory_space<vmem>> -> memref<1x128xi32, #tpu.memory_space<vmem>>
      %dma_wait3A_36 = tpu.memref_squeeze %dma_wait3A_35 : memref<1x128xi32, #tpu.memory_space<vmem>> -> memref<128xi32, #tpu.memory_space<vmem>>
      %dma_wait3A_37 = arith.constant 0 : i32
      %dma_wait3A_38 = arith.constant 0 : i32
      %dma_wait3A_39 = tpu.memref_slice %arg4[%dma_wait3A_37, %dma_wait3A_38] : memref<10000x64xf32, #tpu.memory_space<hbm>> -> memref<10000x64xf32, #tpu.memory_space<hbm>>
      tpu.wait_indirect_dma semaphore(%arg12 : memref<!tpu.dma_semaphore, #tpu.memory_space<semaphore_mem>>) src(%dma_wait3A_39 : memref<10000x64xf32, #tpu.memory_space<hbm>>) dst(%arg9 : memref<128x64xf32, #tpu.memory_space<vmem>>)
      "tpu.region"() ({
        %run_scoped3A = tpu.sem_alloc : memref<!tpu.dma_semaphore, #tpu.memory_space<semaphore_mem>>
        %dma_start3A_61 = arith.constant 0 : i32
        %dma_start3A_62 = tpu.memref_slice %arg8[%add3A_34, %dma_start3A_61] : memref<80x128xi32, #tpu.memory_space<vmem>> -> memref<1x128xi32, #tpu.memory_space<vmem>>
        %dma_start3A_63 = tpu.memref_squeeze %dma_start3A_62 : memref<1x128xi32, #tpu.memory_space<vmem>> -> memref<128xi32, #tpu.memory_space<vmem>>
        %dma_start3A_64 = arith.constant 0 : i32
        %dma_start3A_65 = arith.constant 0 : i32
        %dma_start3A_66 = tpu.memref_slice %arg11[%dma_start3A_64, %dma_start3A_65] : memref<10112x64xf32, #tpu.memory_space<vmem_shared>> -> memref<10112x64xf32, #tpu.memory_space<vmem_shared>>
        tpu.enqueue_indirect_dma source(%arg9 : memref<128x64xf32, #tpu.memory_space<vmem>>) target(%dma_start3A_66 : memref<10112x64xf32, #tpu.memory_space<vmem_shared>>) offsets(%dma_start3A_63 : memref<128xi32, #tpu.memory_space<vmem>>) semaphore(%run_scoped3A : memref<!tpu.dma_semaphore, #tpu.memory_space<semaphore_mem>>) {add = true}
        %dma_wait3A_67 = arith.constant 0 : i32
        %dma_wait3A_68 = tpu.memref_slice %arg8[%add3A_34, %dma_wait3A_67] : memref<80x128xi32, #tpu.memory_space<vmem>> -> memref<1x128xi32, #tpu.memory_space<vmem>>
        %dma_wait3A_69 = tpu.memref_squeeze %dma_wait3A_68 : memref<1x128xi32, #tpu.memory_space<vmem>> -> memref<128xi32, #tpu.memory_space<vmem>>
        %dma_wait3A_70 = arith.constant 0 : i32
        %dma_wait3A_71 = arith.constant 0 : i32
        %dma_wait3A_72 = tpu.memref_slice %arg11[%dma_wait3A_70, %dma_wait3A_71] : memref<10112x64xf32, #tpu.memory_space<vmem_shared>> -> memref<10112x64xf32, #tpu.memory_space<vmem_shared>>
        tpu.wait_indirect_dma semaphore(%run_scoped3A : memref<!tpu.dma_semaphore, #tpu.memory_space<semaphore_mem>>) src(%arg9 : memref<128x64xf32, #tpu.memory_space<vmem>>) dst(%dma_wait3A_72 : memref<10112x64xf32, #tpu.memory_space<vmem_shared>>)
        tpu.yield
      }) : () -> ()
      %add3A_40 = arith.constant 2 : i32
      %add3A_41 = arith.addi %add3A_34, %add3A_40 : i32
      %lt3A = arith.constant 80 : i32
      %lt3A_42 = arith.cmpi slt, %add3A_41, %lt3A : i32
      %convert_element_type3A = arith.extui %lt3A_42 : i1 to i32
      %cond3A = arith.constant 0 : i32
      %cond3A_43 = arith.cmpi ne, %convert_element_type3A, %cond3A : i32
      scf.if %cond3A_43 {
        %add3A_61 = arith.constant 2 : i32
        %add3A_62 = arith.addi %add3A_34, %add3A_61 : i32
        %dma_start3A_63 = arith.constant 0 : i32
        %dma_start3A_64 = tpu.memref_slice %arg7[%add3A_62, %dma_start3A_63] : memref<80x128xi32, #tpu.memory_space<vmem>> -> memref<1x128xi32, #tpu.memory_space<vmem>>
        %dma_start3A_65 = tpu.memref_squeeze %dma_start3A_64 : memref<1x128xi32, #tpu.memory_space<vmem>> -> memref<128xi32, #tpu.memory_space<vmem>>
        %dma_start3A_66 = arith.constant 0 : i32
        %dma_start3A_67 = arith.constant 0 : i32
        %dma_start3A_68 = tpu.memref_slice %arg4[%dma_start3A_66, %dma_start3A_67] : memref<10000x64xf32, #tpu.memory_space<hbm>> -> memref<10000x64xf32, #tpu.memory_space<hbm>>
        tpu.enqueue_indirect_dma source(%dma_start3A_68 : memref<10000x64xf32, #tpu.memory_space<hbm>>) target(%arg9 : memref<128x64xf32, #tpu.memory_space<vmem>>) offsets(%dma_start3A_65 : memref<128xi32, #tpu.memory_space<vmem>>) semaphore(%arg12 : memref<!tpu.dma_semaphore, #tpu.memory_space<semaphore_mem>>)
      } else {
      }
      %mul3A_44 = arith.constant 2 : i32
      %mul3A_45 = arith.muli %mul3A_44, %scan3A_30 : i32
      %add3A_46 = arith.constant 1 : i32
      %add3A_47 = arith.addi %mul3A_45, %add3A_46 : i32
      %dma_wait3A_48 = arith.constant 0 : i32
      %dma_wait3A_49 = tpu.memref_slice %arg7[%add3A_47, %dma_wait3A_48] : memref<80x128xi32, #tpu.memory_space<vmem>> -> memref<1x128xi32, #tpu.memory_space<vmem>>
      %dma_wait3A_50 = tpu.memref_squeeze %dma_wait3A_49 : memref<1x128xi32, #tpu.memory_space<vmem>> -> memref<128xi32, #tpu.memory_space<vmem>>
      %dma_wait3A_51 = arith.constant 0 : i32
      %dma_wait3A_52 = arith.constant 0 : i32
      %dma_wait3A_53 = tpu.memref_slice %arg4[%dma_wait3A_51, %dma_wait3A_52] : memref<10000x64xf32, #tpu.memory_space<hbm>> -> memref<10000x64xf32, #tpu.memory_space<hbm>>
      tpu.wait_indirect_dma semaphore(%arg13 : memref<!tpu.dma_semaphore, #tpu.memory_space<semaphore_mem>>) src(%dma_wait3A_53 : memref<10000x64xf32, #tpu.memory_space<hbm>>) dst(%arg10 : memref<128x64xf32, #tpu.memory_space<vmem>>)
      "tpu.region"() ({
        %run_scoped3A = tpu.sem_alloc : memref<!tpu.dma_semaphore, #tpu.memory_space<semaphore_mem>>
        %dma_start3A_61 = arith.constant 0 : i32
        %dma_start3A_62 = tpu.memref_slice %arg8[%add3A_47, %dma_start3A_61] : memref<80x128xi32, #tpu.memory_space<vmem>> -> memref<1x128xi32, #tpu.memory_space<vmem>>
        %dma_start3A_63 = tpu.memref_squeeze %dma_start3A_62 : memref<1x128xi32, #tpu.memory_space<vmem>> -> memref<128xi32, #tpu.memory_space<vmem>>
        %dma_start3A_64 = arith.constant 0 : i32
        %dma_start3A_65 = arith.constant 0 : i32
        %dma_start3A_66 = tpu.memref_slice %arg11[%dma_start3A_64, %dma_start3A_65] : memref<10112x64xf32, #tpu.memory_space<vmem_shared>> -> memref<10112x64xf32, #tpu.memory_space<vmem_shared>>
        tpu.enqueue_indirect_dma source(%arg10 : memref<128x64xf32, #tpu.memory_space<vmem>>) target(%dma_start3A_66 : memref<10112x64xf32, #tpu.memory_space<vmem_shared>>) offsets(%dma_start3A_63 : memref<128xi32, #tpu.memory_space<vmem>>) semaphore(%run_scoped3A : memref<!tpu.dma_semaphore, #tpu.memory_space<semaphore_mem>>) {add = true}
        %dma_wait3A_67 = arith.constant 0 : i32
        %dma_wait3A_68 = tpu.memref_slice %arg8[%add3A_47, %dma_wait3A_67] : memref<80x128xi32, #tpu.memory_space<vmem>> -> memref<1x128xi32, #tpu.memory_space<vmem>>
        %dma_wait3A_69 = tpu.memref_squeeze %dma_wait3A_68 : memref<1x128xi32, #tpu.memory_space<vmem>> -> memref<128xi32, #tpu.memory_space<vmem>>
        %dma_wait3A_70 = arith.constant 0 : i32
        %dma_wait3A_71 = arith.constant 0 : i32
        %dma_wait3A_72 = tpu.memref_slice %arg11[%dma_wait3A_70, %dma_wait3A_71] : memref<10112x64xf32, #tpu.memory_space<vmem_shared>> -> memref<10112x64xf32, #tpu.memory_space<vmem_shared>>
        tpu.wait_indirect_dma semaphore(%run_scoped3A : memref<!tpu.dma_semaphore, #tpu.memory_space<semaphore_mem>>) src(%arg10 : memref<128x64xf32, #tpu.memory_space<vmem>>) dst(%dma_wait3A_72 : memref<10112x64xf32, #tpu.memory_space<vmem_shared>>)
        tpu.yield
      }) : () -> ()
      %add3A_54 = arith.constant 2 : i32
      %add3A_55 = arith.addi %add3A_47, %add3A_54 : i32
      %lt3A_56 = arith.constant 80 : i32
      %lt3A_57 = arith.cmpi slt, %add3A_55, %lt3A_56 : i32
      %convert_element_type3A_58 = arith.extui %lt3A_57 : i1 to i32
      %cond3A_59 = arith.constant 0 : i32
      %cond3A_60 = arith.cmpi ne, %convert_element_type3A_58, %cond3A_59 : i32
      scf.if %cond3A_60 {
        %add3A_61 = arith.constant 2 : i32
        %add3A_62 = arith.addi %add3A_47, %add3A_61 : i32
        %dma_start3A_63 = arith.constant 0 : i32
        %dma_start3A_64 = tpu.memref_slice %arg7[%add3A_62, %dma_start3A_63] : memref<80x128xi32, #tpu.memory_space<vmem>> -> memref<1x128xi32, #tpu.memory_space<vmem>>
        %dma_start3A_65 = tpu.memref_squeeze %dma_start3A_64 : memref<1x128xi32, #tpu.memory_space<vmem>> -> memref<128xi32, #tpu.memory_space<vmem>>
        %dma_start3A_66 = arith.constant 0 : i32
        %dma_start3A_67 = arith.constant 0 : i32
        %dma_start3A_68 = tpu.memref_slice %arg4[%dma_start3A_66, %dma_start3A_67] : memref<10000x64xf32, #tpu.memory_space<hbm>> -> memref<10000x64xf32, #tpu.memory_space<hbm>>
        tpu.enqueue_indirect_dma source(%dma_start3A_68 : memref<10000x64xf32, #tpu.memory_space<hbm>>) target(%arg10 : memref<128x64xf32, #tpu.memory_space<vmem>>) offsets(%dma_start3A_65 : memref<128xi32, #tpu.memory_space<vmem>>) semaphore(%arg13 : memref<!tpu.dma_semaphore, #tpu.memory_space<semaphore_mem>>)
      } else {
      }
    }
    %scan3A_24 = arith.constant 40 : i32
    %barrier3A_25 = arith.constant 0 : index
    tpu.barrier barrier_id(%barrier3A_25)
    %mul3A_26 = arith.constant 632 : i32
    %mul3A_27 = arith.muli %arg1, %mul3A_26 : i32
    %mul3A_28 = arith.constant 632 : i32
    %mul3A_29 = arith.muli %arg1, %mul3A_28 : i32
    "tpu.region"() ({
      %run_scoped3A = tpu.sem_alloc : memref<!tpu.dma_semaphore, #tpu.memory_space<semaphore_mem>>
      %dma_start3A_30 = arith.constant 0 : i32
      %dma_start3A_31 = tpu.memref_slice %arg6[%arg0, %mul3A_29, %dma_start3A_30] : memref<2x10112x64xf32, #tpu.memory_space<hbm>> -> memref<1x632x64xf32, #tpu.memory_space<hbm>>
      %dma_start3A_32 = tpu.memref_squeeze %dma_start3A_31 : memref<1x632x64xf32, #tpu.memory_space<hbm>> -> memref<632x64xf32, #tpu.memory_space<hbm>>
      %dma_start3A_33 = arith.constant 0 : i32
      %dma_start3A_34 = tpu.memref_slice %arg11[%mul3A_27, %dma_start3A_33] : memref<10112x64xf32, #tpu.memory_space<vmem_shared>> -> memref<632x64xf32, #tpu.memory_space<vmem_shared>>
      tpu.enqueue_dma source(%dma_start3A_34 : memref<632x64xf32, #tpu.memory_space<vmem_shared>>) target(%dma_start3A_32 : memref<632x64xf32, #tpu.memory_space<hbm>>) target_semaphore(%run_scoped3A : memref<!tpu.dma_semaphore, #tpu.memory_space<semaphore_mem>>)
      %dma_wait3A = arith.constant 0 : i32
      %dma_wait3A_35 = tpu.memref_slice %arg6[%arg0, %mul3A_29, %dma_wait3A] : memref<2x10112x64xf32, #tpu.memory_space<hbm>> -> memref<1x632x64xf32, #tpu.memory_space<hbm>>
      %dma_wait3A_36 = tpu.memref_squeeze %dma_wait3A_35 : memref<1x632x64xf32, #tpu.memory_space<hbm>> -> memref<632x64xf32, #tpu.memory_space<hbm>>
      %dma_wait3A_37 = arith.constant 0 : i32
      %dma_wait3A_38 = tpu.memref_slice %arg11[%mul3A_27, %dma_wait3A_37] : memref<10112x64xf32, #tpu.memory_space<vmem_shared>> -> memref<632x64xf32, #tpu.memory_space<vmem_shared>>
      tpu.wait_dma2 semaphore(%run_scoped3A : memref<!tpu.dma_semaphore, #tpu.memory_space<semaphore_mem>>) src(%dma_wait3A_38 : memref<632x64xf32, #tpu.memory_space<vmem_shared>>) dst(%dma_wait3A_36 : memref<632x64xf32, #tpu.memory_space<hbm>>)
      tpu.yield
    }) : () -> ()
    return
  }
}

#map = affine_map<(d0, d1) -> (0, 0)>
#map1 = affine_map<(d0, d1) -> (0, 0, 0)>
module attributes {stable_mosaic.version = 14 : i64} {
  func.func @edge_kernel(%arg0: i32, %arg1: i32, %arg2: memref<2560x128xi32, #tpu.memory_space<hbm>>, %arg3: memref<2560x128xi32, #tpu.memory_space<hbm>>, %arg4: memref<10000x64xf32, #tpu.memory_space<hbm>>, %arg5: memref<632x64xf32, #tpu.memory_space<hbm>>, %arg6: memref<2x10112x64xf32, #tpu.memory_space<hbm>>, %arg7: memref<80x128xi32, #tpu.memory_space<vmem>>, %arg8: memref<80x128xi32, #tpu.memory_space<vmem>>, %arg9: memref<128x64xf32, #tpu.memory_space<vmem>>, %arg10: memref<128x64xf32, #tpu.memory_space<vmem>>, %arg11: memref<10112x64xf32, #tpu.memory_space<vmem_shared>>, %arg12: memref<!tpu.dma_semaphore, #tpu.memory_space<semaphore_mem>>, %arg13: memref<!tpu.dma_semaphore, #tpu.memory_space<semaphore_mem>>) attributes {dimension_semantics = [#tpu.dimension_semantics<core_parallel>, #tpu.dimension_semantics<subcore_parallel>], iteration_bounds = array<i64: 2, 16>, scalar_prefetch = 0 : i64, scratch_operands = 7 : i64, tpu.core_type = #tpu.core_type<sc_vector_subcore>, window_params = [{transform_indices = #map}, {transform_indices = #map}, {transform_indices = #map}, {transform_indices = #map}, {transform_indices = #map1}]} {
    %mul3A = arith.constant 16 : i32
    %mul3A_0 = arith.muli %arg0, %mul3A : i32
    %add3A = arith.addi %mul3A_0, %arg1 : i32
    %mul3A_1 = arith.constant 80 : i32
    %mul3A_2 = arith.muli %add3A, %mul3A_1 : i32
    "tpu.region"() ({
      %run_scoped3A = tpu.sem_alloc : memref<!tpu.dma_semaphore, #tpu.memory_space<semaphore_mem>>
      %dma_start3A_30 = arith.constant 0 : i32
      %dma_start3A_31 = tpu.memref_slice %arg2[%mul3A_2, %dma_start3A_30] : memref<2560x128xi32, #tpu.memory_space<hbm>> -> memref<80x128xi32, #tpu.memory_space<hbm>>
      %dma_start3A_32 = arith.constant 0 : i32
      %dma_start3A_33 = tpu.memref_slice %arg2[%mul3A_2, %dma_start3A_32] : memref<2560x128xi32, #tpu.memory_space<hbm>> -> memref<80x128xi32, #tpu.memory_space<hbm>>
      tpu.enqueue_dma source(%dma_start3A_33 : memref<80x128xi32, #tpu.memory_space<hbm>>) target(%arg7 : memref<80x128xi32, #tpu.memory_space<vmem>>) target_semaphore(%run_scoped3A : memref<!tpu.dma_semaphore, #tpu.memory_space<semaphore_mem>>)
      %dma_wait3A = arith.constant 0 : i32
      %dma_wait3A_34 = tpu.memref_slice %arg2[%mul3A_2, %dma_wait3A] : memref<2560x128xi32, #tpu.memory_space<hbm>> -> memref<80x128xi32, #tpu.memory_space<hbm>>
      %dma_wait3A_35 = arith.constant 0 : i32
      %dma_wait3A_36 = tpu.memref_slice %arg2[%mul3A_2, %dma_wait3A_35] : memref<2560x128xi32, #tpu.memory_space<hbm>> -> memref<80x128xi32, #tpu.memory_space<hbm>>
      tpu.wait_dma2 semaphore(%run_scoped3A : memref<!tpu.dma_semaphore, #tpu.memory_space<semaphore_mem>>) src(%dma_wait3A_36 : memref<80x128xi32, #tpu.memory_space<hbm>>) dst(%arg7 : memref<80x128xi32, #tpu.memory_space<vmem>>)
      tpu.yield
    }) : () -> ()
    %mul3A_3 = arith.constant 80 : i32
    %mul3A_4 = arith.muli %add3A, %mul3A_3 : i32
    "tpu.region"() ({
      %run_scoped3A = tpu.sem_alloc : memref<!tpu.dma_semaphore, #tpu.memory_space<semaphore_mem>>
      %dma_start3A_30 = arith.constant 0 : i32
      %dma_start3A_31 = tpu.memref_slice %arg3[%mul3A_4, %dma_start3A_30] : memref<2560x128xi32, #tpu.memory_space<hbm>> -> memref<80x128xi32, #tpu.memory_space<hbm>>
      %dma_start3A_32 = arith.constant 0 : i32
      %dma_start3A_33 = tpu.memref_slice %arg3[%mul3A_4, %dma_start3A_32] : memref<2560x128xi32, #tpu.memory_space<hbm>> -> memref<80x128xi32, #tpu.memory_space<hbm>>
      tpu.enqueue_dma source(%dma_start3A_33 : memref<80x128xi32, #tpu.memory_space<hbm>>) target(%arg8 : memref<80x128xi32, #tpu.memory_space<vmem>>) target_semaphore(%run_scoped3A : memref<!tpu.dma_semaphore, #tpu.memory_space<semaphore_mem>>)
      %dma_wait3A = arith.constant 0 : i32
      %dma_wait3A_34 = tpu.memref_slice %arg3[%mul3A_4, %dma_wait3A] : memref<2560x128xi32, #tpu.memory_space<hbm>> -> memref<80x128xi32, #tpu.memory_space<hbm>>
      %dma_wait3A_35 = arith.constant 0 : i32
      %dma_wait3A_36 = tpu.memref_slice %arg3[%mul3A_4, %dma_wait3A_35] : memref<2560x128xi32, #tpu.memory_space<hbm>> -> memref<80x128xi32, #tpu.memory_space<hbm>>
      tpu.wait_dma2 semaphore(%run_scoped3A : memref<!tpu.dma_semaphore, #tpu.memory_space<semaphore_mem>>) src(%dma_wait3A_36 : memref<80x128xi32, #tpu.memory_space<hbm>>) dst(%arg8 : memref<80x128xi32, #tpu.memory_space<vmem>>)
      tpu.yield
    }) : () -> ()
    %mul3A_5 = arith.constant 632 : i32
    %mul3A_6 = arith.muli %arg1, %mul3A_5 : i32
    "tpu.region"() ({
      %run_scoped3A = tpu.sem_alloc : memref<!tpu.dma_semaphore, #tpu.memory_space<semaphore_mem>>
      %dma_start3A_30 = arith.constant 0 : i32
      %dma_start3A_31 = tpu.memref_slice %arg11[%mul3A_6, %dma_start3A_30] : memref<10112x64xf32, #tpu.memory_space<vmem_shared>> -> memref<632x64xf32, #tpu.memory_space<vmem_shared>>
      tpu.enqueue_dma source(%arg5 : memref<632x64xf32, #tpu.memory_space<hbm>>) target(%dma_start3A_31 : memref<632x64xf32, #tpu.memory_space<vmem_shared>>) target_semaphore(%run_scoped3A : memref<!tpu.dma_semaphore, #tpu.memory_space<semaphore_mem>>)
      %dma_wait3A = arith.constant 0 : i32
      %dma_wait3A_32 = tpu.memref_slice %arg11[%mul3A_6, %dma_wait3A] : memref<10112x64xf32, #tpu.memory_space<vmem_shared>> -> memref<632x64xf32, #tpu.memory_space<vmem_shared>>
      tpu.wait_dma2 semaphore(%run_scoped3A : memref<!tpu.dma_semaphore, #tpu.memory_space<semaphore_mem>>) src(%arg5 : memref<632x64xf32, #tpu.memory_space<hbm>>) dst(%dma_wait3A_32 : memref<632x64xf32, #tpu.memory_space<vmem_shared>>)
      tpu.yield
    }) : () -> ()
    %barrier3A = arith.constant 0 : index
    tpu.barrier barrier_id(%barrier3A)
    %dma_start3A = arith.constant 0 : i32
    %dma_start3A_7 = arith.constant 0 : i32
    %dma_start3A_8 = tpu.memref_slice %arg7[%dma_start3A, %dma_start3A_7] : memref<80x128xi32, #tpu.memory_space<vmem>> -> memref<1x128xi32, #tpu.memory_space<vmem>>
    %dma_start3A_9 = tpu.memref_squeeze %dma_start3A_8 : memref<1x128xi32, #tpu.memory_space<vmem>> -> memref<128xi32, #tpu.memory_space<vmem>>
    %dma_start3A_10 = arith.constant 0 : i32
    %dma_start3A_11 = arith.constant 0 : i32
    %dma_start3A_12 = tpu.memref_slice %arg4[%dma_start3A_10, %dma_start3A_11] : memref<10000x64xf32, #tpu.memory_space<hbm>> -> memref<10000x64xf32, #tpu.memory_space<hbm>>
    tpu.enqueue_indirect_dma source(%dma_start3A_12 : memref<10000x64xf32, #tpu.memory_space<hbm>>) target(%arg9 : memref<128x64xf32, #tpu.memory_space<vmem>>) offsets(%dma_start3A_9 : memref<128xi32, #tpu.memory_space<vmem>>) semaphore(%arg12 : memref<!tpu.dma_semaphore, #tpu.memory_space<semaphore_mem>>)
    %dma_start3A_13 = arith.constant 1 : i32
    %dma_start3A_14 = arith.constant 0 : i32
    %dma_start3A_15 = tpu.memref_slice %arg7[%dma_start3A_13, %dma_start3A_14] : memref<80x128xi32, #tpu.memory_space<vmem>> -> memref<1x128xi32, #tpu.memory_space<vmem>>
    %dma_start3A_16 = tpu.memref_squeeze %dma_start3A_15 : memref<1x128xi32, #tpu.memory_space<vmem>> -> memref<128xi32, #tpu.memory_space<vmem>>
    %dma_start3A_17 = arith.constant 0 : i32
    %dma_start3A_18 = arith.constant 0 : i32
    %dma_start3A_19 = tpu.memref_slice %arg4[%dma_start3A_17, %dma_start3A_18] : memref<10000x64xf32, #tpu.memory_space<hbm>> -> memref<10000x64xf32, #tpu.memory_space<hbm>>
    tpu.enqueue_indirect_dma source(%dma_start3A_19 : memref<10000x64xf32, #tpu.memory_space<hbm>>) target(%arg10 : memref<128x64xf32, #tpu.memory_space<vmem>>) offsets(%dma_start3A_16 : memref<128xi32, #tpu.memory_space<vmem>>) semaphore(%arg13 : memref<!tpu.dma_semaphore, #tpu.memory_space<semaphore_mem>>)
    %scan3A = arith.constant 0 : i32
    %scan3A_20 = arith.constant 0 : i32
    %scan3A_21 = arith.constant 40 : i32
    %scan3A_22 = arith.addi %scan3A_20, %scan3A_21 : i32
    %scan3A_23 = arith.constant 1 : i32
    scf.for %scan3A_30 = %scan3A_20 to %scan3A_22 step %scan3A_23  : i32 {
      %mul3A_31 = arith.constant 2 : i32
      %mul3A_32 = arith.muli %mul3A_31, %scan3A_30 : i32
      %add3A_33 = arith.constant 0 : i32
      %add3A_34 = arith.addi %mul3A_32, %add3A_33 : i32
      %dma_wait3A = arith.constant 0 : i32
      %dma_wait3A_35 = tpu.memref_slice %arg7[%add3A_34, %dma_wait3A] : memref<80x128xi32, #tpu.memory_space<vmem>> -> memref<1x128xi32, #tpu.memory_space<vmem>>
      %dma_wait3A_36 = tpu.memref_squeeze %dma_wait3A_35 : memref<1x128xi32, #tpu.memory_space<vmem>> -> memref<128xi32, #tpu.memory_space<vmem>>
      %dma_wait3A_37 = arith.constant 0 : i32
      %dma_wait3A_38 = arith.constant 0 : i32
      %dma_wait3A_39 = tpu.memref_slice %arg4[%dma_wait3A_37, %dma_wait3A_38] : memref<10000x64xf32, #tpu.memory_space<hbm>> -> memref<10000x64xf32, #tpu.memory_space<hbm>>
      tpu.wait_indirect_dma semaphore(%arg12 : memref<!tpu.dma_semaphore, #tpu.memory_space<semaphore_mem>>) src(%dma_wait3A_39 : memref<10000x64xf32, #tpu.memory_space<hbm>>) dst(%arg9 : memref<128x64xf32, #tpu.memory_space<vmem>>)
      "tpu.region"() ({
        %run_scoped3A = tpu.sem_alloc : memref<!tpu.dma_semaphore, #tpu.memory_space<semaphore_mem>>
        %dma_start3A_61 = arith.constant 0 : i32
        %dma_start3A_62 = tpu.memref_slice %arg8[%add3A_34, %dma_start3A_61] : memref<80x128xi32, #tpu.memory_space<vmem>> -> memref<1x128xi32, #tpu.memory_space<vmem>>
        %dma_start3A_63 = tpu.memref_squeeze %dma_start3A_62 : memref<1x128xi32, #tpu.memory_space<vmem>> -> memref<128xi32, #tpu.memory_space<vmem>>
        %dma_start3A_64 = arith.constant 0 : i32
        %dma_start3A_65 = arith.constant 0 : i32
        %dma_start3A_66 = tpu.memref_slice %arg11[%dma_start3A_64, %dma_start3A_65] : memref<10112x64xf32, #tpu.memory_space<vmem_shared>> -> memref<10112x64xf32, #tpu.memory_space<vmem_shared>>
        tpu.enqueue_indirect_dma source(%arg9 : memref<128x64xf32, #tpu.memory_space<vmem>>) target(%dma_start3A_66 : memref<10112x64xf32, #tpu.memory_space<vmem_shared>>) offsets(%dma_start3A_63 : memref<128xi32, #tpu.memory_space<vmem>>) semaphore(%run_scoped3A : memref<!tpu.dma_semaphore, #tpu.memory_space<semaphore_mem>>) {add = true}
        %dma_wait3A_67 = arith.constant 0 : i32
        %dma_wait3A_68 = tpu.memref_slice %arg8[%add3A_34, %dma_wait3A_67] : memref<80x128xi32, #tpu.memory_space<vmem>> -> memref<1x128xi32, #tpu.memory_space<vmem>>
        %dma_wait3A_69 = tpu.memref_squeeze %dma_wait3A_68 : memref<1x128xi32, #tpu.memory_space<vmem>> -> memref<128xi32, #tpu.memory_space<vmem>>
        %dma_wait3A_70 = arith.constant 0 : i32
        %dma_wait3A_71 = arith.constant 0 : i32
        %dma_wait3A_72 = tpu.memref_slice %arg11[%dma_wait3A_70, %dma_wait3A_71] : memref<10112x64xf32, #tpu.memory_space<vmem_shared>> -> memref<10112x64xf32, #tpu.memory_space<vmem_shared>>
        tpu.wait_indirect_dma semaphore(%run_scoped3A : memref<!tpu.dma_semaphore, #tpu.memory_space<semaphore_mem>>) src(%arg9 : memref<128x64xf32, #tpu.memory_space<vmem>>) dst(%dma_wait3A_72 : memref<10112x64xf32, #tpu.memory_space<vmem_shared>>)
        tpu.yield
      }) : () -> ()
      %add3A_40 = arith.constant 2 : i32
      %add3A_41 = arith.addi %add3A_34, %add3A_40 : i32
      %lt3A = arith.constant 80 : i32
      %lt3A_42 = arith.cmpi slt, %add3A_41, %lt3A : i32
      %convert_element_type3A = arith.extui %lt3A_42 : i1 to i32
      %cond3A = arith.constant 0 : i32
      %cond3A_43 = arith.cmpi ne, %convert_element_type3A, %cond3A : i32
      scf.if %cond3A_43 {
        %add3A_61 = arith.constant 2 : i32
        %add3A_62 = arith.addi %add3A_34, %add3A_61 : i32
        %dma_start3A_63 = arith.constant 0 : i32
        %dma_start3A_64 = tpu.memref_slice %arg7[%add3A_62, %dma_start3A_63] : memref<80x128xi32, #tpu.memory_space<vmem>> -> memref<1x128xi32, #tpu.memory_space<vmem>>
        %dma_start3A_65 = tpu.memref_squeeze %dma_start3A_64 : memref<1x128xi32, #tpu.memory_space<vmem>> -> memref<128xi32, #tpu.memory_space<vmem>>
        %dma_start3A_66 = arith.constant 0 : i32
        %dma_start3A_67 = arith.constant 0 : i32
        %dma_start3A_68 = tpu.memref_slice %arg4[%dma_start3A_66, %dma_start3A_67] : memref<10000x64xf32, #tpu.memory_space<hbm>> -> memref<10000x64xf32, #tpu.memory_space<hbm>>
        tpu.enqueue_indirect_dma source(%dma_start3A_68 : memref<10000x64xf32, #tpu.memory_space<hbm>>) target(%arg9 : memref<128x64xf32, #tpu.memory_space<vmem>>) offsets(%dma_start3A_65 : memref<128xi32, #tpu.memory_space<vmem>>) semaphore(%arg12 : memref<!tpu.dma_semaphore, #tpu.memory_space<semaphore_mem>>)
      } else {
      }
      %mul3A_44 = arith.constant 2 : i32
      %mul3A_45 = arith.muli %mul3A_44, %scan3A_30 : i32
      %add3A_46 = arith.constant 1 : i32
      %add3A_47 = arith.addi %mul3A_45, %add3A_46 : i32
      %dma_wait3A_48 = arith.constant 0 : i32
      %dma_wait3A_49 = tpu.memref_slice %arg7[%add3A_47, %dma_wait3A_48] : memref<80x128xi32, #tpu.memory_space<vmem>> -> memref<1x128xi32, #tpu.memory_space<vmem>>
      %dma_wait3A_50 = tpu.memref_squeeze %dma_wait3A_49 : memref<1x128xi32, #tpu.memory_space<vmem>> -> memref<128xi32, #tpu.memory_space<vmem>>
      %dma_wait3A_51 = arith.constant 0 : i32
      %dma_wait3A_52 = arith.constant 0 : i32
      %dma_wait3A_53 = tpu.memref_slice %arg4[%dma_wait3A_51, %dma_wait3A_52] : memref<10000x64xf32, #tpu.memory_space<hbm>> -> memref<10000x64xf32, #tpu.memory_space<hbm>>
      tpu.wait_indirect_dma semaphore(%arg13 : memref<!tpu.dma_semaphore, #tpu.memory_space<semaphore_mem>>) src(%dma_wait3A_53 : memref<10000x64xf32, #tpu.memory_space<hbm>>) dst(%arg10 : memref<128x64xf32, #tpu.memory_space<vmem>>)
      "tpu.region"() ({
        %run_scoped3A = tpu.sem_alloc : memref<!tpu.dma_semaphore, #tpu.memory_space<semaphore_mem>>
        %dma_start3A_61 = arith.constant 0 : i32
        %dma_start3A_62 = tpu.memref_slice %arg8[%add3A_47, %dma_start3A_61] : memref<80x128xi32, #tpu.memory_space<vmem>> -> memref<1x128xi32, #tpu.memory_space<vmem>>
        %dma_start3A_63 = tpu.memref_squeeze %dma_start3A_62 : memref<1x128xi32, #tpu.memory_space<vmem>> -> memref<128xi32, #tpu.memory_space<vmem>>
        %dma_start3A_64 = arith.constant 0 : i32
        %dma_start3A_65 = arith.constant 0 : i32
        %dma_start3A_66 = tpu.memref_slice %arg11[%dma_start3A_64, %dma_start3A_65] : memref<10112x64xf32, #tpu.memory_space<vmem_shared>> -> memref<10112x64xf32, #tpu.memory_space<vmem_shared>>
        tpu.enqueue_indirect_dma source(%arg10 : memref<128x64xf32, #tpu.memory_space<vmem>>) target(%dma_start3A_66 : memref<10112x64xf32, #tpu.memory_space<vmem_shared>>) offsets(%dma_start3A_63 : memref<128xi32, #tpu.memory_space<vmem>>) semaphore(%run_scoped3A : memref<!tpu.dma_semaphore, #tpu.memory_space<semaphore_mem>>) {add = true}
        %dma_wait3A_67 = arith.constant 0 : i32
        %dma_wait3A_68 = tpu.memref_slice %arg8[%add3A_47, %dma_wait3A_67] : memref<80x128xi32, #tpu.memory_space<vmem>> -> memref<1x128xi32, #tpu.memory_space<vmem>>
        %dma_wait3A_69 = tpu.memref_squeeze %dma_wait3A_68 : memref<1x128xi32, #tpu.memory_space<vmem>> -> memref<128xi32, #tpu.memory_space<vmem>>
        %dma_wait3A_70 = arith.constant 0 : i32
        %dma_wait3A_71 = arith.constant 0 : i32
        %dma_wait3A_72 = tpu.memref_slice %arg11[%dma_wait3A_70, %dma_wait3A_71] : memref<10112x64xf32, #tpu.memory_space<vmem_shared>> -> memref<10112x64xf32, #tpu.memory_space<vmem_shared>>
        tpu.wait_indirect_dma semaphore(%run_scoped3A : memref<!tpu.dma_semaphore, #tpu.memory_space<semaphore_mem>>) src(%arg10 : memref<128x64xf32, #tpu.memory_space<vmem>>) dst(%dma_wait3A_72 : memref<10112x64xf32, #tpu.memory_space<vmem_shared>>)
        tpu.yield
      }) : () -> ()
      %add3A_54 = arith.constant 2 : i32
      %add3A_55 = arith.addi %add3A_47, %add3A_54 : i32
      %lt3A_56 = arith.constant 80 : i32
      %lt3A_57 = arith.cmpi slt, %add3A_55, %lt3A_56 : i32
      %convert_element_type3A_58 = arith.extui %lt3A_57 : i1 to i32
      %cond3A_59 = arith.constant 0 : i32
      %cond3A_60 = arith.cmpi ne, %convert_element_type3A_58, %cond3A_59 : i32
      scf.if %cond3A_60 {
        %add3A_61 = arith.constant 2 : i32
        %add3A_62 = arith.addi %add3A_47, %add3A_61 : i32
        %dma_start3A_63 = arith.constant 0 : i32
        %dma_start3A_64 = tpu.memref_slice %arg7[%add3A_62, %dma_start3A_63] : memref<80x128xi32, #tpu.memory_space<vmem>> -> memref<1x128xi32, #tpu.memory_space<vmem>>
        %dma_start3A_65 = tpu.memref_squeeze %dma_start3A_64 : memref<1x128xi32, #tpu.memory_space<vmem>> -> memref<128xi32, #tpu.memory_space<vmem>>
        %dma_start3A_66 = arith.constant 0 : i32
        %dma_start3A_67 = arith.constant 0 : i32
        %dma_start3A_68 = tpu.memref_slice %arg4[%dma_start3A_66, %dma_start3A_67] : memref<10000x64xf32, #tpu.memory_space<hbm>> -> memref<10000x64xf32, #tpu.memory_space<hbm>>
        tpu.enqueue_indirect_dma source(%dma_start3A_68 : memref<10000x64xf32, #tpu.memory_space<hbm>>) target(%arg10 : memref<128x64xf32, #tpu.memory_space<vmem>>) offsets(%dma_start3A_65 : memref<128xi32, #tpu.memory_space<vmem>>) semaphore(%arg13 : memref<!tpu.dma_semaphore, #tpu.memory_space<semaphore_mem>>)
      } else {
      }
    }
    %scan3A_24 = arith.constant 40 : i32
    %barrier3A_25 = arith.constant 0 : index
    tpu.barrier barrier_id(%barrier3A_25)
    %mul3A_26 = arith.constant 632 : i32
    %mul3A_27 = arith.muli %arg1, %mul3A_26 : i32
    %mul3A_28 = arith.constant 632 : i32
    %mul3A_29 = arith.muli %arg1, %mul3A_28 : i32
    "tpu.region"() ({
      %run_scoped3A = tpu.sem_alloc : memref<!tpu.dma_semaphore, #tpu.memory_space<semaphore_mem>>
      %dma_start3A_30 = arith.constant 0 : i32
      %dma_start3A_31 = tpu.memref_slice %arg6[%arg0, %mul3A_29, %dma_start3A_30] : memref<2x10112x64xf32, #tpu.memory_space<hbm>> -> memref<1x632x64xf32, #tpu.memory_space<hbm>>
      %dma_start3A_32 = tpu.memref_squeeze %dma_start3A_31 : memref<1x632x64xf32, #tpu.memory_space<hbm>> -> memref<632x64xf32, #tpu.memory_space<hbm>>
      %dma_start3A_33 = arith.constant 0 : i32
      %dma_start3A_34 = tpu.memref_slice %arg11[%mul3A_27, %dma_start3A_33] : memref<10112x64xf32, #tpu.memory_space<vmem_shared>> -> memref<632x64xf32, #tpu.memory_space<vmem_shared>>
      tpu.enqueue_dma source(%dma_start3A_34 : memref<632x64xf32, #tpu.memory_space<vmem_shared>>) target(%dma_start3A_32 : memref<632x64xf32, #tpu.memory_space<hbm>>) target_semaphore(%run_scoped3A : memref<!tpu.dma_semaphore, #tpu.memory_space<semaphore_mem>>)
      %dma_wait3A = arith.constant 0 : i32
      %dma_wait3A_35 = tpu.memref_slice %arg6[%arg0, %mul3A_29, %dma_wait3A] : memref<2x10112x64xf32, #tpu.memory_space<hbm>> -> memref<1x632x64xf32, #tpu.memory_space<hbm>>
      %dma_wait3A_36 = tpu.memref_squeeze %dma_wait3A_35 : memref<1x632x64xf32, #tpu.memory_space<hbm>> -> memref<632x64xf32, #tpu.memory_space<hbm>>
      %dma_wait3A_37 = arith.constant 0 : i32
      %dma_wait3A_38 = tpu.memref_slice %arg11[%mul3A_27, %dma_wait3A_37] : memref<10112x64xf32, #tpu.memory_space<vmem_shared>> -> memref<632x64xf32, #tpu.memory_space<vmem_shared>>
      tpu.wait_dma2 semaphore(%run_scoped3A : memref<!tpu.dma_semaphore, #tpu.memory_space<semaphore_mem>>) src(%dma_wait3A_38 : memref<632x64xf32, #tpu.memory_space<vmem_shared>>) dst(%dma_wait3A_36 : memref<632x64xf32, #tpu.memory_space<hbm>>)
      tpu.yield
    }) : () -> ()
    return
  }
}

#map = affine_map<(d0, d1) -> (0, 0)>
#map1 = affine_map<(d0, d1) -> (0, 0, 0)>
module attributes {stable_mosaic.version = 14 : i64} {
  func.func @edge_kernel(%arg0: i32, %arg1: i32, %arg2: memref<2560x128xi32, #tpu.memory_space<hbm>>, %arg3: memref<2560x128xi32, #tpu.memory_space<hbm>>, %arg4: memref<10000x64xf32, #tpu.memory_space<hbm>>, %arg5: memref<632x64xf32, #tpu.memory_space<hbm>>, %arg6: memref<2x10112x64xf32, #tpu.memory_space<hbm>>, %arg7: memref<80x128xi32, #tpu.memory_space<vmem>>, %arg8: memref<80x128xi32, #tpu.memory_space<vmem>>, %arg9: memref<128x64xf32, #tpu.memory_space<vmem>>, %arg10: memref<128x64xf32, #tpu.memory_space<vmem>>, %arg11: memref<10112x64xf32, #tpu.memory_space<vmem_shared>>, %arg12: memref<!tpu.dma_semaphore, #tpu.memory_space<semaphore_mem>>, %arg13: memref<!tpu.dma_semaphore, #tpu.memory_space<semaphore_mem>>) attributes {dimension_semantics = [#tpu.dimension_semantics<core_parallel>, #tpu.dimension_semantics<subcore_parallel>], iteration_bounds = array<i64: 2, 16>, scalar_prefetch = 0 : i64, scratch_operands = 7 : i64, tpu.core_type = #tpu.core_type<sc_vector_subcore>, window_params = [{transform_indices = #map}, {transform_indices = #map}, {transform_indices = #map}, {transform_indices = #map}, {transform_indices = #map1}]} {
    %mul3A = arith.constant 16 : i32
    %mul3A_0 = arith.muli %arg0, %mul3A : i32
    %add3A = arith.addi %mul3A_0, %arg1 : i32
    %mul3A_1 = arith.constant 80 : i32
    %mul3A_2 = arith.muli %add3A, %mul3A_1 : i32
    "tpu.region"() ({
      %run_scoped3A = tpu.sem_alloc : memref<!tpu.dma_semaphore, #tpu.memory_space<semaphore_mem>>
      %dma_start3A_30 = arith.constant 0 : i32
      %dma_start3A_31 = tpu.memref_slice %arg2[%mul3A_2, %dma_start3A_30] : memref<2560x128xi32, #tpu.memory_space<hbm>> -> memref<80x128xi32, #tpu.memory_space<hbm>>
      %dma_start3A_32 = arith.constant 0 : i32
      %dma_start3A_33 = tpu.memref_slice %arg2[%mul3A_2, %dma_start3A_32] : memref<2560x128xi32, #tpu.memory_space<hbm>> -> memref<80x128xi32, #tpu.memory_space<hbm>>
      tpu.enqueue_dma source(%dma_start3A_33 : memref<80x128xi32, #tpu.memory_space<hbm>>) target(%arg7 : memref<80x128xi32, #tpu.memory_space<vmem>>) target_semaphore(%run_scoped3A : memref<!tpu.dma_semaphore, #tpu.memory_space<semaphore_mem>>)
      %dma_wait3A = arith.constant 0 : i32
      %dma_wait3A_34 = tpu.memref_slice %arg2[%mul3A_2, %dma_wait3A] : memref<2560x128xi32, #tpu.memory_space<hbm>> -> memref<80x128xi32, #tpu.memory_space<hbm>>
      %dma_wait3A_35 = arith.constant 0 : i32
      %dma_wait3A_36 = tpu.memref_slice %arg2[%mul3A_2, %dma_wait3A_35] : memref<2560x128xi32, #tpu.memory_space<hbm>> -> memref<80x128xi32, #tpu.memory_space<hbm>>
      tpu.wait_dma2 semaphore(%run_scoped3A : memref<!tpu.dma_semaphore, #tpu.memory_space<semaphore_mem>>) src(%dma_wait3A_36 : memref<80x128xi32, #tpu.memory_space<hbm>>) dst(%arg7 : memref<80x128xi32, #tpu.memory_space<vmem>>)
      tpu.yield
    }) : () -> ()
    %mul3A_3 = arith.constant 80 : i32
    %mul3A_4 = arith.muli %add3A, %mul3A_3 : i32
    "tpu.region"() ({
      %run_scoped3A = tpu.sem_alloc : memref<!tpu.dma_semaphore, #tpu.memory_space<semaphore_mem>>
      %dma_start3A_30 = arith.constant 0 : i32
      %dma_start3A_31 = tpu.memref_slice %arg3[%mul3A_4, %dma_start3A_30] : memref<2560x128xi32, #tpu.memory_space<hbm>> -> memref<80x128xi32, #tpu.memory_space<hbm>>
      %dma_start3A_32 = arith.constant 0 : i32
      %dma_start3A_33 = tpu.memref_slice %arg3[%mul3A_4, %dma_start3A_32] : memref<2560x128xi32, #tpu.memory_space<hbm>> -> memref<80x128xi32, #tpu.memory_space<hbm>>
      tpu.enqueue_dma source(%dma_start3A_33 : memref<80x128xi32, #tpu.memory_space<hbm>>) target(%arg8 : memref<80x128xi32, #tpu.memory_space<vmem>>) target_semaphore(%run_scoped3A : memref<!tpu.dma_semaphore, #tpu.memory_space<semaphore_mem>>)
      %dma_wait3A = arith.constant 0 : i32
      %dma_wait3A_34 = tpu.memref_slice %arg3[%mul3A_4, %dma_wait3A] : memref<2560x128xi32, #tpu.memory_space<hbm>> -> memref<80x128xi32, #tpu.memory_space<hbm>>
      %dma_wait3A_35 = arith.constant 0 : i32
      %dma_wait3A_36 = tpu.memref_slice %arg3[%mul3A_4, %dma_wait3A_35] : memref<2560x128xi32, #tpu.memory_space<hbm>> -> memref<80x128xi32, #tpu.memory_space<hbm>>
      tpu.wait_dma2 semaphore(%run_scoped3A : memref<!tpu.dma_semaphore, #tpu.memory_space<semaphore_mem>>) src(%dma_wait3A_36 : memref<80x128xi32, #tpu.memory_space<hbm>>) dst(%arg8 : memref<80x128xi32, #tpu.memory_space<vmem>>)
      tpu.yield
    }) : () -> ()
    %mul3A_5 = arith.constant 632 : i32
    %mul3A_6 = arith.muli %arg1, %mul3A_5 : i32
    "tpu.region"() ({
      %run_scoped3A = tpu.sem_alloc : memref<!tpu.dma_semaphore, #tpu.memory_space<semaphore_mem>>
      %dma_start3A_30 = arith.constant 0 : i32
      %dma_start3A_31 = tpu.memref_slice %arg11[%mul3A_6, %dma_start3A_30] : memref<10112x64xf32, #tpu.memory_space<vmem_shared>> -> memref<632x64xf32, #tpu.memory_space<vmem_shared>>
      tpu.enqueue_dma source(%arg5 : memref<632x64xf32, #tpu.memory_space<hbm>>) target(%dma_start3A_31 : memref<632x64xf32, #tpu.memory_space<vmem_shared>>) target_semaphore(%run_scoped3A : memref<!tpu.dma_semaphore, #tpu.memory_space<semaphore_mem>>)
      %dma_wait3A = arith.constant 0 : i32
      %dma_wait3A_32 = tpu.memref_slice %arg11[%mul3A_6, %dma_wait3A] : memref<10112x64xf32, #tpu.memory_space<vmem_shared>> -> memref<632x64xf32, #tpu.memory_space<vmem_shared>>
      tpu.wait_dma2 semaphore(%run_scoped3A : memref<!tpu.dma_semaphore, #tpu.memory_space<semaphore_mem>>) src(%arg5 : memref<632x64xf32, #tpu.memory_space<hbm>>) dst(%dma_wait3A_32 : memref<632x64xf32, #tpu.memory_space<vmem_shared>>)
      tpu.yield
    }) : () -> ()
    %barrier3A = arith.constant 0 : index
    tpu.barrier barrier_id(%barrier3A)
    %dma_start3A = arith.constant 0 : i32
    %dma_start3A_7 = arith.constant 0 : i32
    %dma_start3A_8 = tpu.memref_slice %arg7[%dma_start3A, %dma_start3A_7] : memref<80x128xi32, #tpu.memory_space<vmem>> -> memref<1x128xi32, #tpu.memory_space<vmem>>
    %dma_start3A_9 = tpu.memref_squeeze %dma_start3A_8 : memref<1x128xi32, #tpu.memory_space<vmem>> -> memref<128xi32, #tpu.memory_space<vmem>>
    %dma_start3A_10 = arith.constant 0 : i32
    %dma_start3A_11 = arith.constant 0 : i32
    %dma_start3A_12 = tpu.memref_slice %arg4[%dma_start3A_10, %dma_start3A_11] : memref<10000x64xf32, #tpu.memory_space<hbm>> -> memref<10000x64xf32, #tpu.memory_space<hbm>>
    tpu.enqueue_indirect_dma source(%dma_start3A_12 : memref<10000x64xf32, #tpu.memory_space<hbm>>) target(%arg9 : memref<128x64xf32, #tpu.memory_space<vmem>>) offsets(%dma_start3A_9 : memref<128xi32, #tpu.memory_space<vmem>>) semaphore(%arg12 : memref<!tpu.dma_semaphore, #tpu.memory_space<semaphore_mem>>)
    %dma_start3A_13 = arith.constant 1 : i32
    %dma_start3A_14 = arith.constant 0 : i32
    %dma_start3A_15 = tpu.memref_slice %arg7[%dma_start3A_13, %dma_start3A_14] : memref<80x128xi32, #tpu.memory_space<vmem>> -> memref<1x128xi32, #tpu.memory_space<vmem>>
    %dma_start3A_16 = tpu.memref_squeeze %dma_start3A_15 : memref<1x128xi32, #tpu.memory_space<vmem>> -> memref<128xi32, #tpu.memory_space<vmem>>
    %dma_start3A_17 = arith.constant 0 : i32
    %dma_start3A_18 = arith.constant 0 : i32
    %dma_start3A_19 = tpu.memref_slice %arg4[%dma_start3A_17, %dma_start3A_18] : memref<10000x64xf32, #tpu.memory_space<hbm>> -> memref<10000x64xf32, #tpu.memory_space<hbm>>
    tpu.enqueue_indirect_dma source(%dma_start3A_19 : memref<10000x64xf32, #tpu.memory_space<hbm>>) target(%arg10 : memref<128x64xf32, #tpu.memory_space<vmem>>) offsets(%dma_start3A_16 : memref<128xi32, #tpu.memory_space<vmem>>) semaphore(%arg13 : memref<!tpu.dma_semaphore, #tpu.memory_space<semaphore_mem>>)
    %scan3A = arith.constant 0 : i32
    %scan3A_20 = arith.constant 0 : i32
    %scan3A_21 = arith.constant 40 : i32
    %scan3A_22 = arith.addi %scan3A_20, %scan3A_21 : i32
    %scan3A_23 = arith.constant 1 : i32
    scf.for %scan3A_30 = %scan3A_20 to %scan3A_22 step %scan3A_23  : i32 {
      %mul3A_31 = arith.constant 2 : i32
      %mul3A_32 = arith.muli %mul3A_31, %scan3A_30 : i32
      %add3A_33 = arith.constant 0 : i32
      %add3A_34 = arith.addi %mul3A_32, %add3A_33 : i32
      %dma_wait3A = arith.constant 0 : i32
      %dma_wait3A_35 = tpu.memref_slice %arg7[%add3A_34, %dma_wait3A] : memref<80x128xi32, #tpu.memory_space<vmem>> -> memref<1x128xi32, #tpu.memory_space<vmem>>
      %dma_wait3A_36 = tpu.memref_squeeze %dma_wait3A_35 : memref<1x128xi32, #tpu.memory_space<vmem>> -> memref<128xi32, #tpu.memory_space<vmem>>
      %dma_wait3A_37 = arith.constant 0 : i32
      %dma_wait3A_38 = arith.constant 0 : i32
      %dma_wait3A_39 = tpu.memref_slice %arg4[%dma_wait3A_37, %dma_wait3A_38] : memref<10000x64xf32, #tpu.memory_space<hbm>> -> memref<10000x64xf32, #tpu.memory_space<hbm>>
      tpu.wait_indirect_dma semaphore(%arg12 : memref<!tpu.dma_semaphore, #tpu.memory_space<semaphore_mem>>) src(%dma_wait3A_39 : memref<10000x64xf32, #tpu.memory_space<hbm>>) dst(%arg9 : memref<128x64xf32, #tpu.memory_space<vmem>>)
      "tpu.region"() ({
        %run_scoped3A = tpu.sem_alloc : memref<!tpu.dma_semaphore, #tpu.memory_space<semaphore_mem>>
        %dma_start3A_61 = arith.constant 0 : i32
        %dma_start3A_62 = tpu.memref_slice %arg8[%add3A_34, %dma_start3A_61] : memref<80x128xi32, #tpu.memory_space<vmem>> -> memref<1x128xi32, #tpu.memory_space<vmem>>
        %dma_start3A_63 = tpu.memref_squeeze %dma_start3A_62 : memref<1x128xi32, #tpu.memory_space<vmem>> -> memref<128xi32, #tpu.memory_space<vmem>>
        %dma_start3A_64 = arith.constant 0 : i32
        %dma_start3A_65 = arith.constant 0 : i32
        %dma_start3A_66 = tpu.memref_slice %arg11[%dma_start3A_64, %dma_start3A_65] : memref<10112x64xf32, #tpu.memory_space<vmem_shared>> -> memref<10112x64xf32, #tpu.memory_space<vmem_shared>>
        tpu.enqueue_indirect_dma source(%arg9 : memref<128x64xf32, #tpu.memory_space<vmem>>) target(%dma_start3A_66 : memref<10112x64xf32, #tpu.memory_space<vmem_shared>>) offsets(%dma_start3A_63 : memref<128xi32, #tpu.memory_space<vmem>>) semaphore(%run_scoped3A : memref<!tpu.dma_semaphore, #tpu.memory_space<semaphore_mem>>) {add = true}
        %dma_wait3A_67 = arith.constant 0 : i32
        %dma_wait3A_68 = tpu.memref_slice %arg8[%add3A_34, %dma_wait3A_67] : memref<80x128xi32, #tpu.memory_space<vmem>> -> memref<1x128xi32, #tpu.memory_space<vmem>>
        %dma_wait3A_69 = tpu.memref_squeeze %dma_wait3A_68 : memref<1x128xi32, #tpu.memory_space<vmem>> -> memref<128xi32, #tpu.memory_space<vmem>>
        %dma_wait3A_70 = arith.constant 0 : i32
        %dma_wait3A_71 = arith.constant 0 : i32
        %dma_wait3A_72 = tpu.memref_slice %arg11[%dma_wait3A_70, %dma_wait3A_71] : memref<10112x64xf32, #tpu.memory_space<vmem_shared>> -> memref<10112x64xf32, #tpu.memory_space<vmem_shared>>
        tpu.wait_indirect_dma semaphore(%run_scoped3A : memref<!tpu.dma_semaphore, #tpu.memory_space<semaphore_mem>>) src(%arg9 : memref<128x64xf32, #tpu.memory_space<vmem>>) dst(%dma_wait3A_72 : memref<10112x64xf32, #tpu.memory_space<vmem_shared>>)
        tpu.yield
      }) : () -> ()
      %add3A_40 = arith.constant 2 : i32
      %add3A_41 = arith.addi %add3A_34, %add3A_40 : i32
      %lt3A = arith.constant 80 : i32
      %lt3A_42 = arith.cmpi slt, %add3A_41, %lt3A : i32
      %convert_element_type3A = arith.extui %lt3A_42 : i1 to i32
      %cond3A = arith.constant 0 : i32
      %cond3A_43 = arith.cmpi ne, %convert_element_type3A, %cond3A : i32
      scf.if %cond3A_43 {
        %add3A_61 = arith.constant 2 : i32
        %add3A_62 = arith.addi %add3A_34, %add3A_61 : i32
        %dma_start3A_63 = arith.constant 0 : i32
        %dma_start3A_64 = tpu.memref_slice %arg7[%add3A_62, %dma_start3A_63] : memref<80x128xi32, #tpu.memory_space<vmem>> -> memref<1x128xi32, #tpu.memory_space<vmem>>
        %dma_start3A_65 = tpu.memref_squeeze %dma_start3A_64 : memref<1x128xi32, #tpu.memory_space<vmem>> -> memref<128xi32, #tpu.memory_space<vmem>>
        %dma_start3A_66 = arith.constant 0 : i32
        %dma_start3A_67 = arith.constant 0 : i32
        %dma_start3A_68 = tpu.memref_slice %arg4[%dma_start3A_66, %dma_start3A_67] : memref<10000x64xf32, #tpu.memory_space<hbm>> -> memref<10000x64xf32, #tpu.memory_space<hbm>>
        tpu.enqueue_indirect_dma source(%dma_start3A_68 : memref<10000x64xf32, #tpu.memory_space<hbm>>) target(%arg9 : memref<128x64xf32, #tpu.memory_space<vmem>>) offsets(%dma_start3A_65 : memref<128xi32, #tpu.memory_space<vmem>>) semaphore(%arg12 : memref<!tpu.dma_semaphore, #tpu.memory_space<semaphore_mem>>)
      } else {
      }
      %mul3A_44 = arith.constant 2 : i32
      %mul3A_45 = arith.muli %mul3A_44, %scan3A_30 : i32
      %add3A_46 = arith.constant 1 : i32
      %add3A_47 = arith.addi %mul3A_45, %add3A_46 : i32
      %dma_wait3A_48 = arith.constant 0 : i32
      %dma_wait3A_49 = tpu.memref_slice %arg7[%add3A_47, %dma_wait3A_48] : memref<80x128xi32, #tpu.memory_space<vmem>> -> memref<1x128xi32, #tpu.memory_space<vmem>>
      %dma_wait3A_50 = tpu.memref_squeeze %dma_wait3A_49 : memref<1x128xi32, #tpu.memory_space<vmem>> -> memref<128xi32, #tpu.memory_space<vmem>>
      %dma_wait3A_51 = arith.constant 0 : i32
      %dma_wait3A_52 = arith.constant 0 : i32
      %dma_wait3A_53 = tpu.memref_slice %arg4[%dma_wait3A_51, %dma_wait3A_52] : memref<10000x64xf32, #tpu.memory_space<hbm>> -> memref<10000x64xf32, #tpu.memory_space<hbm>>
      tpu.wait_indirect_dma semaphore(%arg13 : memref<!tpu.dma_semaphore, #tpu.memory_space<semaphore_mem>>) src(%dma_wait3A_53 : memref<10000x64xf32, #tpu.memory_space<hbm>>) dst(%arg10 : memref<128x64xf32, #tpu.memory_space<vmem>>)
      "tpu.region"() ({
        %run_scoped3A = tpu.sem_alloc : memref<!tpu.dma_semaphore, #tpu.memory_space<semaphore_mem>>
        %dma_start3A_61 = arith.constant 0 : i32
        %dma_start3A_62 = tpu.memref_slice %arg8[%add3A_47, %dma_start3A_61] : memref<80x128xi32, #tpu.memory_space<vmem>> -> memref<1x128xi32, #tpu.memory_space<vmem>>
        %dma_start3A_63 = tpu.memref_squeeze %dma_start3A_62 : memref<1x128xi32, #tpu.memory_space<vmem>> -> memref<128xi32, #tpu.memory_space<vmem>>
        %dma_start3A_64 = arith.constant 0 : i32
        %dma_start3A_65 = arith.constant 0 : i32
        %dma_start3A_66 = tpu.memref_slice %arg11[%dma_start3A_64, %dma_start3A_65] : memref<10112x64xf32, #tpu.memory_space<vmem_shared>> -> memref<10112x64xf32, #tpu.memory_space<vmem_shared>>
        tpu.enqueue_indirect_dma source(%arg10 : memref<128x64xf32, #tpu.memory_space<vmem>>) target(%dma_start3A_66 : memref<10112x64xf32, #tpu.memory_space<vmem_shared>>) offsets(%dma_start3A_63 : memref<128xi32, #tpu.memory_space<vmem>>) semaphore(%run_scoped3A : memref<!tpu.dma_semaphore, #tpu.memory_space<semaphore_mem>>) {add = true}
        %dma_wait3A_67 = arith.constant 0 : i32
        %dma_wait3A_68 = tpu.memref_slice %arg8[%add3A_47, %dma_wait3A_67] : memref<80x128xi32, #tpu.memory_space<vmem>> -> memref<1x128xi32, #tpu.memory_space<vmem>>
        %dma_wait3A_69 = tpu.memref_squeeze %dma_wait3A_68 : memref<1x128xi32, #tpu.memory_space<vmem>> -> memref<128xi32, #tpu.memory_space<vmem>>
        %dma_wait3A_70 = arith.constant 0 : i32
        %dma_wait3A_71 = arith.constant 0 : i32
        %dma_wait3A_72 = tpu.memref_slice %arg11[%dma_wait3A_70, %dma_wait3A_71] : memref<10112x64xf32, #tpu.memory_space<vmem_shared>> -> memref<10112x64xf32, #tpu.memory_space<vmem_shared>>
        tpu.wait_indirect_dma semaphore(%run_scoped3A : memref<!tpu.dma_semaphore, #tpu.memory_space<semaphore_mem>>) src(%arg10 : memref<128x64xf32, #tpu.memory_space<vmem>>) dst(%dma_wait3A_72 : memref<10112x64xf32, #tpu.memory_space<vmem_shared>>)
        tpu.yield
      }) : () -> ()
      %add3A_54 = arith.constant 2 : i32
      %add3A_55 = arith.addi %add3A_47, %add3A_54 : i32
      %lt3A_56 = arith.constant 80 : i32
      %lt3A_57 = arith.cmpi slt, %add3A_55, %lt3A_56 : i32
      %convert_element_type3A_58 = arith.extui %lt3A_57 : i1 to i32
      %cond3A_59 = arith.constant 0 : i32
      %cond3A_60 = arith.cmpi ne, %convert_element_type3A_58, %cond3A_59 : i32
      scf.if %cond3A_60 {
        %add3A_61 = arith.constant 2 : i32
        %add3A_62 = arith.addi %add3A_47, %add3A_61 : i32
        %dma_start3A_63 = arith.constant 0 : i32
        %dma_start3A_64 = tpu.memref_slice %arg7[%add3A_62, %dma_start3A_63] : memref<80x128xi32, #tpu.memory_space<vmem>> -> memref<1x128xi32, #tpu.memory_space<vmem>>
        %dma_start3A_65 = tpu.memref_squeeze %dma_start3A_64 : memref<1x128xi32, #tpu.memory_space<vmem>> -> memref<128xi32, #tpu.memory_space<vmem>>
        %dma_start3A_66 = arith.constant 0 : i32
        %dma_start3A_67 = arith.constant 0 : i32
        %dma_start3A_68 = tpu.memref_slice %arg4[%dma_start3A_66, %dma_start3A_67] : memref<10000x64xf32, #tpu.memory_space<hbm>> -> memref<10000x64xf32, #tpu.memory_space<hbm>>
        tpu.enqueue_indirect_dma source(%dma_start3A_68 : memref<10000x64xf32, #tpu.memory_space<hbm>>) target(%arg10 : memref<128x64xf32, #tpu.memory_space<vmem>>) offsets(%dma_start3A_65 : memref<128xi32, #tpu.memory_space<vmem>>) semaphore(%arg13 : memref<!tpu.dma_semaphore, #tpu.memory_space<semaphore_mem>>)
      } else {
      }
    }
    %scan3A_24 = arith.constant 40 : i32
    %barrier3A_25 = arith.constant 0 : index
    tpu.barrier barrier_id(%barrier3A_25)
    %mul3A_26 = arith.constant 632 : i32
    %mul3A_27 = arith.muli %arg1, %mul3A_26 : i32
    %mul3A_28 = arith.constant 632 : i32
    %mul3A_29 = arith.muli %arg1, %mul3A_28 : i32
    "tpu.region"() ({
      %run_scoped3A = tpu.sem_alloc : memref<!tpu.dma_semaphore, #tpu.memory_space<semaphore_mem>>
      %dma_start3A_30 = arith.constant 0 : i32
      %dma_start3A_31 = tpu.memref_slice %arg6[%arg0, %mul3A_29, %dma_start3A_30] : memref<2x10112x64xf32, #tpu.memory_space<hbm>> -> memref<1x632x64xf32, #tpu.memory_space<hbm>>
      %dma_start3A_32 = tpu.memref_squeeze %dma_start3A_31 : memref<1x632x64xf32, #tpu.memory_space<hbm>> -> memref<632x64xf32, #tpu.memory_space<hbm>>
      %dma_start3A_33 = arith.constant 0 : i32
      %dma_start3A_34 = tpu.memref_slice %arg11[%mul3A_27, %dma_start3A_33] : memref<10112x64xf32, #tpu.memory_space<vmem_shared>> -> memref<632x64xf32, #tpu.memory_space<vmem_shared>>
      tpu.enqueue_dma source(%dma_start3A_34 : memref<632x64xf32, #tpu.memory_space<vmem_shared>>) target(%dma_start3A_32 : memref<632x64xf32, #tpu.memory_space<hbm>>) target_semaphore(%run_scoped3A : memref<!tpu.dma_semaphore, #tpu.memory_space<semaphore_mem>>)
      %dma_wait3A = arith.constant 0 : i32
      %dma_wait3A_35 = tpu.memref_slice %arg6[%arg0, %mul3A_29, %dma_wait3A] : memref<2x10112x64xf32, #tpu.memory_space<hbm>> -> memref<1x632x64xf32, #tpu.memory_space<hbm>>
      %dma_wait3A_36 = tpu.memref_squeeze %dma_wait3A_35 : memref<1x632x64xf32, #tpu.memory_space<hbm>> -> memref<632x64xf32, #tpu.memory_space<hbm>>
      %dma_wait3A_37 = arith.constant 0 : i32
      %dma_wait3A_38 = tpu.memref_slice %arg11[%mul3A_27, %dma_wait3A_37] : memref<10112x64xf32, #tpu.memory_space<vmem_shared>> -> memref<632x64xf32, #tpu.memory_space<vmem_shared>>
      tpu.wait_dma2 semaphore(%run_scoped3A : memref<!tpu.dma_semaphore, #tpu.memory_space<semaphore_mem>>) src(%dma_wait3A_38 : memref<632x64xf32, #tpu.memory_space<vmem_shared>>) dst(%dma_wait3A_36 : memref<632x64xf32, #tpu.memory_space<hbm>>)
      tpu.yield
    }) : () -> ()
    return
  }
}

#map = affine_map<(d0, d1) -> (0, 0)>
#map1 = affine_map<(d0, d1) -> (0, 0, 0)>
module attributes {stable_mosaic.version = 14 : i64} {
  func.func @edge_kernel(%arg0: i32, %arg1: i32, %arg2: memref<2560x128xi32, #tpu.memory_space<hbm>>, %arg3: memref<2560x128xi32, #tpu.memory_space<hbm>>, %arg4: memref<10000x64xf32, #tpu.memory_space<hbm>>, %arg5: memref<632x64xf32, #tpu.memory_space<hbm>>, %arg6: memref<2x10112x64xf32, #tpu.memory_space<hbm>>, %arg7: memref<80x128xi32, #tpu.memory_space<vmem>>, %arg8: memref<80x128xi32, #tpu.memory_space<vmem>>, %arg9: memref<128x64xf32, #tpu.memory_space<vmem>>, %arg10: memref<128x64xf32, #tpu.memory_space<vmem>>, %arg11: memref<10112x64xf32, #tpu.memory_space<vmem_shared>>, %arg12: memref<!tpu.dma_semaphore, #tpu.memory_space<semaphore_mem>>, %arg13: memref<!tpu.dma_semaphore, #tpu.memory_space<semaphore_mem>>) attributes {dimension_semantics = [#tpu.dimension_semantics<core_parallel>, #tpu.dimension_semantics<subcore_parallel>], iteration_bounds = array<i64: 2, 16>, scalar_prefetch = 0 : i64, scratch_operands = 7 : i64, tpu.core_type = #tpu.core_type<sc_vector_subcore>, window_params = [{transform_indices = #map}, {transform_indices = #map}, {transform_indices = #map}, {transform_indices = #map}, {transform_indices = #map1}]} {
    %mul3A = arith.constant 16 : i32
    %mul3A_0 = arith.muli %arg0, %mul3A : i32
    %add3A = arith.addi %mul3A_0, %arg1 : i32
    %mul3A_1 = arith.constant 80 : i32
    %mul3A_2 = arith.muli %add3A, %mul3A_1 : i32
    "tpu.region"() ({
      %run_scoped3A = tpu.sem_alloc : memref<!tpu.dma_semaphore, #tpu.memory_space<semaphore_mem>>
      %dma_start3A_30 = arith.constant 0 : i32
      %dma_start3A_31 = tpu.memref_slice %arg2[%mul3A_2, %dma_start3A_30] : memref<2560x128xi32, #tpu.memory_space<hbm>> -> memref<80x128xi32, #tpu.memory_space<hbm>>
      %dma_start3A_32 = arith.constant 0 : i32
      %dma_start3A_33 = tpu.memref_slice %arg2[%mul3A_2, %dma_start3A_32] : memref<2560x128xi32, #tpu.memory_space<hbm>> -> memref<80x128xi32, #tpu.memory_space<hbm>>
      tpu.enqueue_dma source(%dma_start3A_33 : memref<80x128xi32, #tpu.memory_space<hbm>>) target(%arg7 : memref<80x128xi32, #tpu.memory_space<vmem>>) target_semaphore(%run_scoped3A : memref<!tpu.dma_semaphore, #tpu.memory_space<semaphore_mem>>)
      %dma_wait3A = arith.constant 0 : i32
      %dma_wait3A_34 = tpu.memref_slice %arg2[%mul3A_2, %dma_wait3A] : memref<2560x128xi32, #tpu.memory_space<hbm>> -> memref<80x128xi32, #tpu.memory_space<hbm>>
      %dma_wait3A_35 = arith.constant 0 : i32
      %dma_wait3A_36 = tpu.memref_slice %arg2[%mul3A_2, %dma_wait3A_35] : memref<2560x128xi32, #tpu.memory_space<hbm>> -> memref<80x128xi32, #tpu.memory_space<hbm>>
      tpu.wait_dma2 semaphore(%run_scoped3A : memref<!tpu.dma_semaphore, #tpu.memory_space<semaphore_mem>>) src(%dma_wait3A_36 : memref<80x128xi32, #tpu.memory_space<hbm>>) dst(%arg7 : memref<80x128xi32, #tpu.memory_space<vmem>>)
      tpu.yield
    }) : () -> ()
    %mul3A_3 = arith.constant 80 : i32
    %mul3A_4 = arith.muli %add3A, %mul3A_3 : i32
    "tpu.region"() ({
      %run_scoped3A = tpu.sem_alloc : memref<!tpu.dma_semaphore, #tpu.memory_space<semaphore_mem>>
      %dma_start3A_30 = arith.constant 0 : i32
      %dma_start3A_31 = tpu.memref_slice %arg3[%mul3A_4, %dma_start3A_30] : memref<2560x128xi32, #tpu.memory_space<hbm>> -> memref<80x128xi32, #tpu.memory_space<hbm>>
      %dma_start3A_32 = arith.constant 0 : i32
      %dma_start3A_33 = tpu.memref_slice %arg3[%mul3A_4, %dma_start3A_32] : memref<2560x128xi32, #tpu.memory_space<hbm>> -> memref<80x128xi32, #tpu.memory_space<hbm>>
      tpu.enqueue_dma source(%dma_start3A_33 : memref<80x128xi32, #tpu.memory_space<hbm>>) target(%arg8 : memref<80x128xi32, #tpu.memory_space<vmem>>) target_semaphore(%run_scoped3A : memref<!tpu.dma_semaphore, #tpu.memory_space<semaphore_mem>>)
      %dma_wait3A = arith.constant 0 : i32
      %dma_wait3A_34 = tpu.memref_slice %arg3[%mul3A_4, %dma_wait3A] : memref<2560x128xi32, #tpu.memory_space<hbm>> -> memref<80x128xi32, #tpu.memory_space<hbm>>
      %dma_wait3A_35 = arith.constant 0 : i32
      %dma_wait3A_36 = tpu.memref_slice %arg3[%mul3A_4, %dma_wait3A_35] : memref<2560x128xi32, #tpu.memory_space<hbm>> -> memref<80x128xi32, #tpu.memory_space<hbm>>
      tpu.wait_dma2 semaphore(%run_scoped3A : memref<!tpu.dma_semaphore, #tpu.memory_space<semaphore_mem>>) src(%dma_wait3A_36 : memref<80x128xi32, #tpu.memory_space<hbm>>) dst(%arg8 : memref<80x128xi32, #tpu.memory_space<vmem>>)
      tpu.yield
    }) : () -> ()
    %mul3A_5 = arith.constant 632 : i32
    %mul3A_6 = arith.muli %arg1, %mul3A_5 : i32
    "tpu.region"() ({
      %run_scoped3A = tpu.sem_alloc : memref<!tpu.dma_semaphore, #tpu.memory_space<semaphore_mem>>
      %dma_start3A_30 = arith.constant 0 : i32
      %dma_start3A_31 = tpu.memref_slice %arg11[%mul3A_6, %dma_start3A_30] : memref<10112x64xf32, #tpu.memory_space<vmem_shared>> -> memref<632x64xf32, #tpu.memory_space<vmem_shared>>
      tpu.enqueue_dma source(%arg5 : memref<632x64xf32, #tpu.memory_space<hbm>>) target(%dma_start3A_31 : memref<632x64xf32, #tpu.memory_space<vmem_shared>>) target_semaphore(%run_scoped3A : memref<!tpu.dma_semaphore, #tpu.memory_space<semaphore_mem>>)
      %dma_wait3A = arith.constant 0 : i32
      %dma_wait3A_32 = tpu.memref_slice %arg11[%mul3A_6, %dma_wait3A] : memref<10112x64xf32, #tpu.memory_space<vmem_shared>> -> memref<632x64xf32, #tpu.memory_space<vmem_shared>>
      tpu.wait_dma2 semaphore(%run_scoped3A : memref<!tpu.dma_semaphore, #tpu.memory_space<semaphore_mem>>) src(%arg5 : memref<632x64xf32, #tpu.memory_space<hbm>>) dst(%dma_wait3A_32 : memref<632x64xf32, #tpu.memory_space<vmem_shared>>)
      tpu.yield
    }) : () -> ()
    %barrier3A = arith.constant 0 : index
    tpu.barrier barrier_id(%barrier3A)
    %dma_start3A = arith.constant 0 : i32
    %dma_start3A_7 = arith.constant 0 : i32
    %dma_start3A_8 = tpu.memref_slice %arg7[%dma_start3A, %dma_start3A_7] : memref<80x128xi32, #tpu.memory_space<vmem>> -> memref<1x128xi32, #tpu.memory_space<vmem>>
    %dma_start3A_9 = tpu.memref_squeeze %dma_start3A_8 : memref<1x128xi32, #tpu.memory_space<vmem>> -> memref<128xi32, #tpu.memory_space<vmem>>
    %dma_start3A_10 = arith.constant 0 : i32
    %dma_start3A_11 = arith.constant 0 : i32
    %dma_start3A_12 = tpu.memref_slice %arg4[%dma_start3A_10, %dma_start3A_11] : memref<10000x64xf32, #tpu.memory_space<hbm>> -> memref<10000x64xf32, #tpu.memory_space<hbm>>
    tpu.enqueue_indirect_dma source(%dma_start3A_12 : memref<10000x64xf32, #tpu.memory_space<hbm>>) target(%arg9 : memref<128x64xf32, #tpu.memory_space<vmem>>) offsets(%dma_start3A_9 : memref<128xi32, #tpu.memory_space<vmem>>) semaphore(%arg12 : memref<!tpu.dma_semaphore, #tpu.memory_space<semaphore_mem>>)
    %dma_start3A_13 = arith.constant 1 : i32
    %dma_start3A_14 = arith.constant 0 : i32
    %dma_start3A_15 = tpu.memref_slice %arg7[%dma_start3A_13, %dma_start3A_14] : memref<80x128xi32, #tpu.memory_space<vmem>> -> memref<1x128xi32, #tpu.memory_space<vmem>>
    %dma_start3A_16 = tpu.memref_squeeze %dma_start3A_15 : memref<1x128xi32, #tpu.memory_space<vmem>> -> memref<128xi32, #tpu.memory_space<vmem>>
    %dma_start3A_17 = arith.constant 0 : i32
    %dma_start3A_18 = arith.constant 0 : i32
    %dma_start3A_19 = tpu.memref_slice %arg4[%dma_start3A_17, %dma_start3A_18] : memref<10000x64xf32, #tpu.memory_space<hbm>> -> memref<10000x64xf32, #tpu.memory_space<hbm>>
    tpu.enqueue_indirect_dma source(%dma_start3A_19 : memref<10000x64xf32, #tpu.memory_space<hbm>>) target(%arg10 : memref<128x64xf32, #tpu.memory_space<vmem>>) offsets(%dma_start3A_16 : memref<128xi32, #tpu.memory_space<vmem>>) semaphore(%arg13 : memref<!tpu.dma_semaphore, #tpu.memory_space<semaphore_mem>>)
    %scan3A = arith.constant 0 : i32
    %scan3A_20 = arith.constant 0 : i32
    %scan3A_21 = arith.constant 40 : i32
    %scan3A_22 = arith.addi %scan3A_20, %scan3A_21 : i32
    %scan3A_23 = arith.constant 1 : i32
    scf.for %scan3A_30 = %scan3A_20 to %scan3A_22 step %scan3A_23  : i32 {
      %mul3A_31 = arith.constant 2 : i32
      %mul3A_32 = arith.muli %mul3A_31, %scan3A_30 : i32
      %add3A_33 = arith.constant 0 : i32
      %add3A_34 = arith.addi %mul3A_32, %add3A_33 : i32
      %dma_wait3A = arith.constant 0 : i32
      %dma_wait3A_35 = tpu.memref_slice %arg7[%add3A_34, %dma_wait3A] : memref<80x128xi32, #tpu.memory_space<vmem>> -> memref<1x128xi32, #tpu.memory_space<vmem>>
      %dma_wait3A_36 = tpu.memref_squeeze %dma_wait3A_35 : memref<1x128xi32, #tpu.memory_space<vmem>> -> memref<128xi32, #tpu.memory_space<vmem>>
      %dma_wait3A_37 = arith.constant 0 : i32
      %dma_wait3A_38 = arith.constant 0 : i32
      %dma_wait3A_39 = tpu.memref_slice %arg4[%dma_wait3A_37, %dma_wait3A_38] : memref<10000x64xf32, #tpu.memory_space<hbm>> -> memref<10000x64xf32, #tpu.memory_space<hbm>>
      tpu.wait_indirect_dma semaphore(%arg12 : memref<!tpu.dma_semaphore, #tpu.memory_space<semaphore_mem>>) src(%dma_wait3A_39 : memref<10000x64xf32, #tpu.memory_space<hbm>>) dst(%arg9 : memref<128x64xf32, #tpu.memory_space<vmem>>)
      "tpu.region"() ({
        %run_scoped3A = tpu.sem_alloc : memref<!tpu.dma_semaphore, #tpu.memory_space<semaphore_mem>>
        %dma_start3A_61 = arith.constant 0 : i32
        %dma_start3A_62 = tpu.memref_slice %arg8[%add3A_34, %dma_start3A_61] : memref<80x128xi32, #tpu.memory_space<vmem>> -> memref<1x128xi32, #tpu.memory_space<vmem>>
        %dma_start3A_63 = tpu.memref_squeeze %dma_start3A_62 : memref<1x128xi32, #tpu.memory_space<vmem>> -> memref<128xi32, #tpu.memory_space<vmem>>
        %dma_start3A_64 = arith.constant 0 : i32
        %dma_start3A_65 = arith.constant 0 : i32
        %dma_start3A_66 = tpu.memref_slice %arg11[%dma_start3A_64, %dma_start3A_65] : memref<10112x64xf32, #tpu.memory_space<vmem_shared>> -> memref<10112x64xf32, #tpu.memory_space<vmem_shared>>
        tpu.enqueue_indirect_dma source(%arg9 : memref<128x64xf32, #tpu.memory_space<vmem>>) target(%dma_start3A_66 : memref<10112x64xf32, #tpu.memory_space<vmem_shared>>) offsets(%dma_start3A_63 : memref<128xi32, #tpu.memory_space<vmem>>) semaphore(%run_scoped3A : memref<!tpu.dma_semaphore, #tpu.memory_space<semaphore_mem>>) {add = true}
        %dma_wait3A_67 = arith.constant 0 : i32
        %dma_wait3A_68 = tpu.memref_slice %arg8[%add3A_34, %dma_wait3A_67] : memref<80x128xi32, #tpu.memory_space<vmem>> -> memref<1x128xi32, #tpu.memory_space<vmem>>
        %dma_wait3A_69 = tpu.memref_squeeze %dma_wait3A_68 : memref<1x128xi32, #tpu.memory_space<vmem>> -> memref<128xi32, #tpu.memory_space<vmem>>
        %dma_wait3A_70 = arith.constant 0 : i32
        %dma_wait3A_71 = arith.constant 0 : i32
        %dma_wait3A_72 = tpu.memref_slice %arg11[%dma_wait3A_70, %dma_wait3A_71] : memref<10112x64xf32, #tpu.memory_space<vmem_shared>> -> memref<10112x64xf32, #tpu.memory_space<vmem_shared>>
        tpu.wait_indirect_dma semaphore(%run_scoped3A : memref<!tpu.dma_semaphore, #tpu.memory_space<semaphore_mem>>) src(%arg9 : memref<128x64xf32, #tpu.memory_space<vmem>>) dst(%dma_wait3A_72 : memref<10112x64xf32, #tpu.memory_space<vmem_shared>>)
        tpu.yield
      }) : () -> ()
      %add3A_40 = arith.constant 2 : i32
      %add3A_41 = arith.addi %add3A_34, %add3A_40 : i32
      %lt3A = arith.constant 80 : i32
      %lt3A_42 = arith.cmpi slt, %add3A_41, %lt3A : i32
      %convert_element_type3A = arith.extui %lt3A_42 : i1 to i32
      %cond3A = arith.constant 0 : i32
      %cond3A_43 = arith.cmpi ne, %convert_element_type3A, %cond3A : i32
      scf.if %cond3A_43 {
        %add3A_61 = arith.constant 2 : i32
        %add3A_62 = arith.addi %add3A_34, %add3A_61 : i32
        %dma_start3A_63 = arith.constant 0 : i32
        %dma_start3A_64 = tpu.memref_slice %arg7[%add3A_62, %dma_start3A_63] : memref<80x128xi32, #tpu.memory_space<vmem>> -> memref<1x128xi32, #tpu.memory_space<vmem>>
        %dma_start3A_65 = tpu.memref_squeeze %dma_start3A_64 : memref<1x128xi32, #tpu.memory_space<vmem>> -> memref<128xi32, #tpu.memory_space<vmem>>
        %dma_start3A_66 = arith.constant 0 : i32
        %dma_start3A_67 = arith.constant 0 : i32
        %dma_start3A_68 = tpu.memref_slice %arg4[%dma_start3A_66, %dma_start3A_67] : memref<10000x64xf32, #tpu.memory_space<hbm>> -> memref<10000x64xf32, #tpu.memory_space<hbm>>
        tpu.enqueue_indirect_dma source(%dma_start3A_68 : memref<10000x64xf32, #tpu.memory_space<hbm>>) target(%arg9 : memref<128x64xf32, #tpu.memory_space<vmem>>) offsets(%dma_start3A_65 : memref<128xi32, #tpu.memory_space<vmem>>) semaphore(%arg12 : memref<!tpu.dma_semaphore, #tpu.memory_space<semaphore_mem>>)
      } else {
      }
      %mul3A_44 = arith.constant 2 : i32
      %mul3A_45 = arith.muli %mul3A_44, %scan3A_30 : i32
      %add3A_46 = arith.constant 1 : i32
      %add3A_47 = arith.addi %mul3A_45, %add3A_46 : i32
      %dma_wait3A_48 = arith.constant 0 : i32
      %dma_wait3A_49 = tpu.memref_slice %arg7[%add3A_47, %dma_wait3A_48] : memref<80x128xi32, #tpu.memory_space<vmem>> -> memref<1x128xi32, #tpu.memory_space<vmem>>
      %dma_wait3A_50 = tpu.memref_squeeze %dma_wait3A_49 : memref<1x128xi32, #tpu.memory_space<vmem>> -> memref<128xi32, #tpu.memory_space<vmem>>
      %dma_wait3A_51 = arith.constant 0 : i32
      %dma_wait3A_52 = arith.constant 0 : i32
      %dma_wait3A_53 = tpu.memref_slice %arg4[%dma_wait3A_51, %dma_wait3A_52] : memref<10000x64xf32, #tpu.memory_space<hbm>> -> memref<10000x64xf32, #tpu.memory_space<hbm>>
      tpu.wait_indirect_dma semaphore(%arg13 : memref<!tpu.dma_semaphore, #tpu.memory_space<semaphore_mem>>) src(%dma_wait3A_53 : memref<10000x64xf32, #tpu.memory_space<hbm>>) dst(%arg10 : memref<128x64xf32, #tpu.memory_space<vmem>>)
      "tpu.region"() ({
        %run_scoped3A = tpu.sem_alloc : memref<!tpu.dma_semaphore, #tpu.memory_space<semaphore_mem>>
        %dma_start3A_61 = arith.constant 0 : i32
        %dma_start3A_62 = tpu.memref_slice %arg8[%add3A_47, %dma_start3A_61] : memref<80x128xi32, #tpu.memory_space<vmem>> -> memref<1x128xi32, #tpu.memory_space<vmem>>
        %dma_start3A_63 = tpu.memref_squeeze %dma_start3A_62 : memref<1x128xi32, #tpu.memory_space<vmem>> -> memref<128xi32, #tpu.memory_space<vmem>>
        %dma_start3A_64 = arith.constant 0 : i32
        %dma_start3A_65 = arith.constant 0 : i32
        %dma_start3A_66 = tpu.memref_slice %arg11[%dma_start3A_64, %dma_start3A_65] : memref<10112x64xf32, #tpu.memory_space<vmem_shared>> -> memref<10112x64xf32, #tpu.memory_space<vmem_shared>>
        tpu.enqueue_indirect_dma source(%arg10 : memref<128x64xf32, #tpu.memory_space<vmem>>) target(%dma_start3A_66 : memref<10112x64xf32, #tpu.memory_space<vmem_shared>>) offsets(%dma_start3A_63 : memref<128xi32, #tpu.memory_space<vmem>>) semaphore(%run_scoped3A : memref<!tpu.dma_semaphore, #tpu.memory_space<semaphore_mem>>) {add = true}
        %dma_wait3A_67 = arith.constant 0 : i32
        %dma_wait3A_68 = tpu.memref_slice %arg8[%add3A_47, %dma_wait3A_67] : memref<80x128xi32, #tpu.memory_space<vmem>> -> memref<1x128xi32, #tpu.memory_space<vmem>>
        %dma_wait3A_69 = tpu.memref_squeeze %dma_wait3A_68 : memref<1x128xi32, #tpu.memory_space<vmem>> -> memref<128xi32, #tpu.memory_space<vmem>>
        %dma_wait3A_70 = arith.constant 0 : i32
        %dma_wait3A_71 = arith.constant 0 : i32
        %dma_wait3A_72 = tpu.memref_slice %arg11[%dma_wait3A_70, %dma_wait3A_71] : memref<10112x64xf32, #tpu.memory_space<vmem_shared>> -> memref<10112x64xf32, #tpu.memory_space<vmem_shared>>
        tpu.wait_indirect_dma semaphore(%run_scoped3A : memref<!tpu.dma_semaphore, #tpu.memory_space<semaphore_mem>>) src(%arg10 : memref<128x64xf32, #tpu.memory_space<vmem>>) dst(%dma_wait3A_72 : memref<10112x64xf32, #tpu.memory_space<vmem_shared>>)
        tpu.yield
      }) : () -> ()
      %add3A_54 = arith.constant 2 : i32
      %add3A_55 = arith.addi %add3A_47, %add3A_54 : i32
      %lt3A_56 = arith.constant 80 : i32
      %lt3A_57 = arith.cmpi slt, %add3A_55, %lt3A_56 : i32
      %convert_element_type3A_58 = arith.extui %lt3A_57 : i1 to i32
      %cond3A_59 = arith.constant 0 : i32
      %cond3A_60 = arith.cmpi ne, %convert_element_type3A_58, %cond3A_59 : i32
      scf.if %cond3A_60 {
        %add3A_61 = arith.constant 2 : i32
        %add3A_62 = arith.addi %add3A_47, %add3A_61 : i32
        %dma_start3A_63 = arith.constant 0 : i32
        %dma_start3A_64 = tpu.memref_slice %arg7[%add3A_62, %dma_start3A_63] : memref<80x128xi32, #tpu.memory_space<vmem>> -> memref<1x128xi32, #tpu.memory_space<vmem>>
        %dma_start3A_65 = tpu.memref_squeeze %dma_start3A_64 : memref<1x128xi32, #tpu.memory_space<vmem>> -> memref<128xi32, #tpu.memory_space<vmem>>
        %dma_start3A_66 = arith.constant 0 : i32
        %dma_start3A_67 = arith.constant 0 : i32
        %dma_start3A_68 = tpu.memref_slice %arg4[%dma_start3A_66, %dma_start3A_67] : memref<10000x64xf32, #tpu.memory_space<hbm>> -> memref<10000x64xf32, #tpu.memory_space<hbm>>
        tpu.enqueue_indirect_dma source(%dma_start3A_68 : memref<10000x64xf32, #tpu.memory_space<hbm>>) target(%arg10 : memref<128x64xf32, #tpu.memory_space<vmem>>) offsets(%dma_start3A_65 : memref<128xi32, #tpu.memory_space<vmem>>) semaphore(%arg13 : memref<!tpu.dma_semaphore, #tpu.memory_space<semaphore_mem>>)
      } else {
      }
    }
    %scan3A_24 = arith.constant 40 : i32
    %barrier3A_25 = arith.constant 0 : index
    tpu.barrier barrier_id(%barrier3A_25)
    %mul3A_26 = arith.constant 632 : i32
    %mul3A_27 = arith.muli %arg1, %mul3A_26 : i32
    %mul3A_28 = arith.constant 632 : i32
    %mul3A_29 = arith.muli %arg1, %mul3A_28 : i32
    "tpu.region"() ({
      %run_scoped3A = tpu.sem_alloc : memref<!tpu.dma_semaphore, #tpu.memory_space<semaphore_mem>>
      %dma_start3A_30 = arith.constant 0 : i32
      %dma_start3A_31 = tpu.memref_slice %arg6[%arg0, %mul3A_29, %dma_start3A_30] : memref<2x10112x64xf32, #tpu.memory_space<hbm>> -> memref<1x632x64xf32, #tpu.memory_space<hbm>>
      %dma_start3A_32 = tpu.memref_squeeze %dma_start3A_31 : memref<1x632x64xf32, #tpu.memory_space<hbm>> -> memref<632x64xf32, #tpu.memory_space<hbm>>
      %dma_start3A_33 = arith.constant 0 : i32
      %dma_start3A_34 = tpu.memref_slice %arg11[%mul3A_27, %dma_start3A_33] : memref<10112x64xf32, #tpu.memory_space<vmem_shared>> -> memref<632x64xf32, #tpu.memory_space<vmem_shared>>
      tpu.enqueue_dma source(%dma_start3A_34 : memref<632x64xf32, #tpu.memory_space<vmem_shared>>) target(%dma_start3A_32 : memref<632x64xf32, #tpu.memory_space<hbm>>) target_semaphore(%run_scoped3A : memref<!tpu.dma_semaphore, #tpu.memory_space<semaphore_mem>>)
      %dma_wait3A = arith.constant 0 : i32
      %dma_wait3A_35 = tpu.memref_slice %arg6[%arg0, %mul3A_29, %dma_wait3A] : memref<2x10112x64xf32, #tpu.memory_space<hbm>> -> memref<1x632x64xf32, #tpu.memory_space<hbm>>
      %dma_wait3A_36 = tpu.memref_squeeze %dma_wait3A_35 : memref<1x632x64xf32, #tpu.memory_space<hbm>> -> memref<632x64xf32, #tpu.memory_space<hbm>>
      %dma_wait3A_37 = arith.constant 0 : i32
      %dma_wait3A_38 = tpu.memref_slice %arg11[%mul3A_27, %dma_wait3A_37] : memref<10112x64xf32, #tpu.memory_space<vmem_shared>> -> memref<632x64xf32, #tpu.memory_space<vmem_shared>>
      tpu.wait_dma2 semaphore(%run_scoped3A : memref<!tpu.dma_semaphore, #tpu.memory_space<semaphore_mem>>) src(%dma_wait3A_38 : memref<632x64xf32, #tpu.memory_space<vmem_shared>>) dst(%dma_wait3A_36 : memref<632x64xf32, #tpu.memory_space<hbm>>)
      tpu.yield
    }) : () -> ()
    return
  }
}

#map = affine_map<(d0, d1) -> (0, 0)>
#map1 = affine_map<(d0, d1) -> (0, 0, 0)>
module attributes {stable_mosaic.version = 14 : i64} {
  func.func @edge_kernel(%arg0: i32, %arg1: i32, %arg2: memref<2560x128xi32, #tpu.memory_space<hbm>>, %arg3: memref<2560x128xi32, #tpu.memory_space<hbm>>, %arg4: memref<10000x64xf32, #tpu.memory_space<hbm>>, %arg5: memref<632x64xf32, #tpu.memory_space<hbm>>, %arg6: memref<2x10112x64xf32, #tpu.memory_space<hbm>>, %arg7: memref<80x128xi32, #tpu.memory_space<vmem>>, %arg8: memref<80x128xi32, #tpu.memory_space<vmem>>, %arg9: memref<128x64xf32, #tpu.memory_space<vmem>>, %arg10: memref<128x64xf32, #tpu.memory_space<vmem>>, %arg11: memref<10112x64xf32, #tpu.memory_space<vmem_shared>>, %arg12: memref<!tpu.dma_semaphore, #tpu.memory_space<semaphore_mem>>, %arg13: memref<!tpu.dma_semaphore, #tpu.memory_space<semaphore_mem>>) attributes {dimension_semantics = [#tpu.dimension_semantics<core_parallel>, #tpu.dimension_semantics<subcore_parallel>], iteration_bounds = array<i64: 2, 16>, scalar_prefetch = 0 : i64, scratch_operands = 7 : i64, tpu.core_type = #tpu.core_type<sc_vector_subcore>, window_params = [{transform_indices = #map}, {transform_indices = #map}, {transform_indices = #map}, {transform_indices = #map}, {transform_indices = #map1}]} {
    %mul3A = arith.constant 16 : i32
    %mul3A_0 = arith.muli %arg0, %mul3A : i32
    %add3A = arith.addi %mul3A_0, %arg1 : i32
    %mul3A_1 = arith.constant 80 : i32
    %mul3A_2 = arith.muli %add3A, %mul3A_1 : i32
    "tpu.region"() ({
      %run_scoped3A = tpu.sem_alloc : memref<!tpu.dma_semaphore, #tpu.memory_space<semaphore_mem>>
      %dma_start3A_30 = arith.constant 0 : i32
      %dma_start3A_31 = tpu.memref_slice %arg2[%mul3A_2, %dma_start3A_30] : memref<2560x128xi32, #tpu.memory_space<hbm>> -> memref<80x128xi32, #tpu.memory_space<hbm>>
      %dma_start3A_32 = arith.constant 0 : i32
      %dma_start3A_33 = tpu.memref_slice %arg2[%mul3A_2, %dma_start3A_32] : memref<2560x128xi32, #tpu.memory_space<hbm>> -> memref<80x128xi32, #tpu.memory_space<hbm>>
      tpu.enqueue_dma source(%dma_start3A_33 : memref<80x128xi32, #tpu.memory_space<hbm>>) target(%arg7 : memref<80x128xi32, #tpu.memory_space<vmem>>) target_semaphore(%run_scoped3A : memref<!tpu.dma_semaphore, #tpu.memory_space<semaphore_mem>>)
      %dma_wait3A = arith.constant 0 : i32
      %dma_wait3A_34 = tpu.memref_slice %arg2[%mul3A_2, %dma_wait3A] : memref<2560x128xi32, #tpu.memory_space<hbm>> -> memref<80x128xi32, #tpu.memory_space<hbm>>
      %dma_wait3A_35 = arith.constant 0 : i32
      %dma_wait3A_36 = tpu.memref_slice %arg2[%mul3A_2, %dma_wait3A_35] : memref<2560x128xi32, #tpu.memory_space<hbm>> -> memref<80x128xi32, #tpu.memory_space<hbm>>
      tpu.wait_dma2 semaphore(%run_scoped3A : memref<!tpu.dma_semaphore, #tpu.memory_space<semaphore_mem>>) src(%dma_wait3A_36 : memref<80x128xi32, #tpu.memory_space<hbm>>) dst(%arg7 : memref<80x128xi32, #tpu.memory_space<vmem>>)
      tpu.yield
    }) : () -> ()
    %mul3A_3 = arith.constant 80 : i32
    %mul3A_4 = arith.muli %add3A, %mul3A_3 : i32
    "tpu.region"() ({
      %run_scoped3A = tpu.sem_alloc : memref<!tpu.dma_semaphore, #tpu.memory_space<semaphore_mem>>
      %dma_start3A_30 = arith.constant 0 : i32
      %dma_start3A_31 = tpu.memref_slice %arg3[%mul3A_4, %dma_start3A_30] : memref<2560x128xi32, #tpu.memory_space<hbm>> -> memref<80x128xi32, #tpu.memory_space<hbm>>
      %dma_start3A_32 = arith.constant 0 : i32
      %dma_start3A_33 = tpu.memref_slice %arg3[%mul3A_4, %dma_start3A_32] : memref<2560x128xi32, #tpu.memory_space<hbm>> -> memref<80x128xi32, #tpu.memory_space<hbm>>
      tpu.enqueue_dma source(%dma_start3A_33 : memref<80x128xi32, #tpu.memory_space<hbm>>) target(%arg8 : memref<80x128xi32, #tpu.memory_space<vmem>>) target_semaphore(%run_scoped3A : memref<!tpu.dma_semaphore, #tpu.memory_space<semaphore_mem>>)
      %dma_wait3A = arith.constant 0 : i32
      %dma_wait3A_34 = tpu.memref_slice %arg3[%mul3A_4, %dma_wait3A] : memref<2560x128xi32, #tpu.memory_space<hbm>> -> memref<80x128xi32, #tpu.memory_space<hbm>>
      %dma_wait3A_35 = arith.constant 0 : i32
      %dma_wait3A_36 = tpu.memref_slice %arg3[%mul3A_4, %dma_wait3A_35] : memref<2560x128xi32, #tpu.memory_space<hbm>> -> memref<80x128xi32, #tpu.memory_space<hbm>>
      tpu.wait_dma2 semaphore(%run_scoped3A : memref<!tpu.dma_semaphore, #tpu.memory_space<semaphore_mem>>) src(%dma_wait3A_36 : memref<80x128xi32, #tpu.memory_space<hbm>>) dst(%arg8 : memref<80x128xi32, #tpu.memory_space<vmem>>)
      tpu.yield
    }) : () -> ()
    %mul3A_5 = arith.constant 632 : i32
    %mul3A_6 = arith.muli %arg1, %mul3A_5 : i32
    "tpu.region"() ({
      %run_scoped3A = tpu.sem_alloc : memref<!tpu.dma_semaphore, #tpu.memory_space<semaphore_mem>>
      %dma_start3A_30 = arith.constant 0 : i32
      %dma_start3A_31 = tpu.memref_slice %arg11[%mul3A_6, %dma_start3A_30] : memref<10112x64xf32, #tpu.memory_space<vmem_shared>> -> memref<632x64xf32, #tpu.memory_space<vmem_shared>>
      tpu.enqueue_dma source(%arg5 : memref<632x64xf32, #tpu.memory_space<hbm>>) target(%dma_start3A_31 : memref<632x64xf32, #tpu.memory_space<vmem_shared>>) target_semaphore(%run_scoped3A : memref<!tpu.dma_semaphore, #tpu.memory_space<semaphore_mem>>)
      %dma_wait3A = arith.constant 0 : i32
      %dma_wait3A_32 = tpu.memref_slice %arg11[%mul3A_6, %dma_wait3A] : memref<10112x64xf32, #tpu.memory_space<vmem_shared>> -> memref<632x64xf32, #tpu.memory_space<vmem_shared>>
      tpu.wait_dma2 semaphore(%run_scoped3A : memref<!tpu.dma_semaphore, #tpu.memory_space<semaphore_mem>>) src(%arg5 : memref<632x64xf32, #tpu.memory_space<hbm>>) dst(%dma_wait3A_32 : memref<632x64xf32, #tpu.memory_space<vmem_shared>>)
      tpu.yield
    }) : () -> ()
    %barrier3A = arith.constant 0 : index
    tpu.barrier barrier_id(%barrier3A)
    %dma_start3A = arith.constant 0 : i32
    %dma_start3A_7 = arith.constant 0 : i32
    %dma_start3A_8 = tpu.memref_slice %arg7[%dma_start3A, %dma_start3A_7] : memref<80x128xi32, #tpu.memory_space<vmem>> -> memref<1x128xi32, #tpu.memory_space<vmem>>
    %dma_start3A_9 = tpu.memref_squeeze %dma_start3A_8 : memref<1x128xi32, #tpu.memory_space<vmem>> -> memref<128xi32, #tpu.memory_space<vmem>>
    %dma_start3A_10 = arith.constant 0 : i32
    %dma_start3A_11 = arith.constant 0 : i32
    %dma_start3A_12 = tpu.memref_slice %arg4[%dma_start3A_10, %dma_start3A_11] : memref<10000x64xf32, #tpu.memory_space<hbm>> -> memref<10000x64xf32, #tpu.memory_space<hbm>>
    tpu.enqueue_indirect_dma source(%dma_start3A_12 : memref<10000x64xf32, #tpu.memory_space<hbm>>) target(%arg9 : memref<128x64xf32, #tpu.memory_space<vmem>>) offsets(%dma_start3A_9 : memref<128xi32, #tpu.memory_space<vmem>>) semaphore(%arg12 : memref<!tpu.dma_semaphore, #tpu.memory_space<semaphore_mem>>)
    %dma_start3A_13 = arith.constant 1 : i32
    %dma_start3A_14 = arith.constant 0 : i32
    %dma_start3A_15 = tpu.memref_slice %arg7[%dma_start3A_13, %dma_start3A_14] : memref<80x128xi32, #tpu.memory_space<vmem>> -> memref<1x128xi32, #tpu.memory_space<vmem>>
    %dma_start3A_16 = tpu.memref_squeeze %dma_start3A_15 : memref<1x128xi32, #tpu.memory_space<vmem>> -> memref<128xi32, #tpu.memory_space<vmem>>
    %dma_start3A_17 = arith.constant 0 : i32
    %dma_start3A_18 = arith.constant 0 : i32
    %dma_start3A_19 = tpu.memref_slice %arg4[%dma_start3A_17, %dma_start3A_18] : memref<10000x64xf32, #tpu.memory_space<hbm>> -> memref<10000x64xf32, #tpu.memory_space<hbm>>
    tpu.enqueue_indirect_dma source(%dma_start3A_19 : memref<10000x64xf32, #tpu.memory_space<hbm>>) target(%arg10 : memref<128x64xf32, #tpu.memory_space<vmem>>) offsets(%dma_start3A_16 : memref<128xi32, #tpu.memory_space<vmem>>) semaphore(%arg13 : memref<!tpu.dma_semaphore, #tpu.memory_space<semaphore_mem>>)
    %scan3A = arith.constant 0 : i32
    %scan3A_20 = arith.constant 0 : i32
    %scan3A_21 = arith.constant 40 : i32
    %scan3A_22 = arith.addi %scan3A_20, %scan3A_21 : i32
    %scan3A_23 = arith.constant 1 : i32
    scf.for %scan3A_30 = %scan3A_20 to %scan3A_22 step %scan3A_23  : i32 {
      %mul3A_31 = arith.constant 2 : i32
      %mul3A_32 = arith.muli %mul3A_31, %scan3A_30 : i32
      %add3A_33 = arith.constant 0 : i32
      %add3A_34 = arith.addi %mul3A_32, %add3A_33 : i32
      %dma_wait3A = arith.constant 0 : i32
      %dma_wait3A_35 = tpu.memref_slice %arg7[%add3A_34, %dma_wait3A] : memref<80x128xi32, #tpu.memory_space<vmem>> -> memref<1x128xi32, #tpu.memory_space<vmem>>
      %dma_wait3A_36 = tpu.memref_squeeze %dma_wait3A_35 : memref<1x128xi32, #tpu.memory_space<vmem>> -> memref<128xi32, #tpu.memory_space<vmem>>
      %dma_wait3A_37 = arith.constant 0 : i32
      %dma_wait3A_38 = arith.constant 0 : i32
      %dma_wait3A_39 = tpu.memref_slice %arg4[%dma_wait3A_37, %dma_wait3A_38] : memref<10000x64xf32, #tpu.memory_space<hbm>> -> memref<10000x64xf32, #tpu.memory_space<hbm>>
      tpu.wait_indirect_dma semaphore(%arg12 : memref<!tpu.dma_semaphore, #tpu.memory_space<semaphore_mem>>) src(%dma_wait3A_39 : memref<10000x64xf32, #tpu.memory_space<hbm>>) dst(%arg9 : memref<128x64xf32, #tpu.memory_space<vmem>>)
      "tpu.region"() ({
        %run_scoped3A = tpu.sem_alloc : memref<!tpu.dma_semaphore, #tpu.memory_space<semaphore_mem>>
        %dma_start3A_61 = arith.constant 0 : i32
        %dma_start3A_62 = tpu.memref_slice %arg8[%add3A_34, %dma_start3A_61] : memref<80x128xi32, #tpu.memory_space<vmem>> -> memref<1x128xi32, #tpu.memory_space<vmem>>
        %dma_start3A_63 = tpu.memref_squeeze %dma_start3A_62 : memref<1x128xi32, #tpu.memory_space<vmem>> -> memref<128xi32, #tpu.memory_space<vmem>>
        %dma_start3A_64 = arith.constant 0 : i32
        %dma_start3A_65 = arith.constant 0 : i32
        %dma_start3A_66 = tpu.memref_slice %arg11[%dma_start3A_64, %dma_start3A_65] : memref<10112x64xf32, #tpu.memory_space<vmem_shared>> -> memref<10112x64xf32, #tpu.memory_space<vmem_shared>>
        tpu.enqueue_indirect_dma source(%arg9 : memref<128x64xf32, #tpu.memory_space<vmem>>) target(%dma_start3A_66 : memref<10112x64xf32, #tpu.memory_space<vmem_shared>>) offsets(%dma_start3A_63 : memref<128xi32, #tpu.memory_space<vmem>>) semaphore(%run_scoped3A : memref<!tpu.dma_semaphore, #tpu.memory_space<semaphore_mem>>) {add = true}
        %dma_wait3A_67 = arith.constant 0 : i32
        %dma_wait3A_68 = tpu.memref_slice %arg8[%add3A_34, %dma_wait3A_67] : memref<80x128xi32, #tpu.memory_space<vmem>> -> memref<1x128xi32, #tpu.memory_space<vmem>>
        %dma_wait3A_69 = tpu.memref_squeeze %dma_wait3A_68 : memref<1x128xi32, #tpu.memory_space<vmem>> -> memref<128xi32, #tpu.memory_space<vmem>>
        %dma_wait3A_70 = arith.constant 0 : i32
        %dma_wait3A_71 = arith.constant 0 : i32
        %dma_wait3A_72 = tpu.memref_slice %arg11[%dma_wait3A_70, %dma_wait3A_71] : memref<10112x64xf32, #tpu.memory_space<vmem_shared>> -> memref<10112x64xf32, #tpu.memory_space<vmem_shared>>
        tpu.wait_indirect_dma semaphore(%run_scoped3A : memref<!tpu.dma_semaphore, #tpu.memory_space<semaphore_mem>>) src(%arg9 : memref<128x64xf32, #tpu.memory_space<vmem>>) dst(%dma_wait3A_72 : memref<10112x64xf32, #tpu.memory_space<vmem_shared>>)
        tpu.yield
      }) : () -> ()
      %add3A_40 = arith.constant 2 : i32
      %add3A_41 = arith.addi %add3A_34, %add3A_40 : i32
      %lt3A = arith.constant 80 : i32
      %lt3A_42 = arith.cmpi slt, %add3A_41, %lt3A : i32
      %convert_element_type3A = arith.extui %lt3A_42 : i1 to i32
      %cond3A = arith.constant 0 : i32
      %cond3A_43 = arith.cmpi ne, %convert_element_type3A, %cond3A : i32
      scf.if %cond3A_43 {
        %add3A_61 = arith.constant 2 : i32
        %add3A_62 = arith.addi %add3A_34, %add3A_61 : i32
        %dma_start3A_63 = arith.constant 0 : i32
        %dma_start3A_64 = tpu.memref_slice %arg7[%add3A_62, %dma_start3A_63] : memref<80x128xi32, #tpu.memory_space<vmem>> -> memref<1x128xi32, #tpu.memory_space<vmem>>
        %dma_start3A_65 = tpu.memref_squeeze %dma_start3A_64 : memref<1x128xi32, #tpu.memory_space<vmem>> -> memref<128xi32, #tpu.memory_space<vmem>>
        %dma_start3A_66 = arith.constant 0 : i32
        %dma_start3A_67 = arith.constant 0 : i32
        %dma_start3A_68 = tpu.memref_slice %arg4[%dma_start3A_66, %dma_start3A_67] : memref<10000x64xf32, #tpu.memory_space<hbm>> -> memref<10000x64xf32, #tpu.memory_space<hbm>>
        tpu.enqueue_indirect_dma source(%dma_start3A_68 : memref<10000x64xf32, #tpu.memory_space<hbm>>) target(%arg9 : memref<128x64xf32, #tpu.memory_space<vmem>>) offsets(%dma_start3A_65 : memref<128xi32, #tpu.memory_space<vmem>>) semaphore(%arg12 : memref<!tpu.dma_semaphore, #tpu.memory_space<semaphore_mem>>)
      } else {
      }
      %mul3A_44 = arith.constant 2 : i32
      %mul3A_45 = arith.muli %mul3A_44, %scan3A_30 : i32
      %add3A_46 = arith.constant 1 : i32
      %add3A_47 = arith.addi %mul3A_45, %add3A_46 : i32
      %dma_wait3A_48 = arith.constant 0 : i32
      %dma_wait3A_49 = tpu.memref_slice %arg7[%add3A_47, %dma_wait3A_48] : memref<80x128xi32, #tpu.memory_space<vmem>> -> memref<1x128xi32, #tpu.memory_space<vmem>>
      %dma_wait3A_50 = tpu.memref_squeeze %dma_wait3A_49 : memref<1x128xi32, #tpu.memory_space<vmem>> -> memref<128xi32, #tpu.memory_space<vmem>>
      %dma_wait3A_51 = arith.constant 0 : i32
      %dma_wait3A_52 = arith.constant 0 : i32
      %dma_wait3A_53 = tpu.memref_slice %arg4[%dma_wait3A_51, %dma_wait3A_52] : memref<10000x64xf32, #tpu.memory_space<hbm>> -> memref<10000x64xf32, #tpu.memory_space<hbm>>
      tpu.wait_indirect_dma semaphore(%arg13 : memref<!tpu.dma_semaphore, #tpu.memory_space<semaphore_mem>>) src(%dma_wait3A_53 : memref<10000x64xf32, #tpu.memory_space<hbm>>) dst(%arg10 : memref<128x64xf32, #tpu.memory_space<vmem>>)
      "tpu.region"() ({
        %run_scoped3A = tpu.sem_alloc : memref<!tpu.dma_semaphore, #tpu.memory_space<semaphore_mem>>
        %dma_start3A_61 = arith.constant 0 : i32
        %dma_start3A_62 = tpu.memref_slice %arg8[%add3A_47, %dma_start3A_61] : memref<80x128xi32, #tpu.memory_space<vmem>> -> memref<1x128xi32, #tpu.memory_space<vmem>>
        %dma_start3A_63 = tpu.memref_squeeze %dma_start3A_62 : memref<1x128xi32, #tpu.memory_space<vmem>> -> memref<128xi32, #tpu.memory_space<vmem>>
        %dma_start3A_64 = arith.constant 0 : i32
        %dma_start3A_65 = arith.constant 0 : i32
        %dma_start3A_66 = tpu.memref_slice %arg11[%dma_start3A_64, %dma_start3A_65] : memref<10112x64xf32, #tpu.memory_space<vmem_shared>> -> memref<10112x64xf32, #tpu.memory_space<vmem_shared>>
        tpu.enqueue_indirect_dma source(%arg10 : memref<128x64xf32, #tpu.memory_space<vmem>>) target(%dma_start3A_66 : memref<10112x64xf32, #tpu.memory_space<vmem_shared>>) offsets(%dma_start3A_63 : memref<128xi32, #tpu.memory_space<vmem>>) semaphore(%run_scoped3A : memref<!tpu.dma_semaphore, #tpu.memory_space<semaphore_mem>>) {add = true}
        %dma_wait3A_67 = arith.constant 0 : i32
        %dma_wait3A_68 = tpu.memref_slice %arg8[%add3A_47, %dma_wait3A_67] : memref<80x128xi32, #tpu.memory_space<vmem>> -> memref<1x128xi32, #tpu.memory_space<vmem>>
        %dma_wait3A_69 = tpu.memref_squeeze %dma_wait3A_68 : memref<1x128xi32, #tpu.memory_space<vmem>> -> memref<128xi32, #tpu.memory_space<vmem>>
        %dma_wait3A_70 = arith.constant 0 : i32
        %dma_wait3A_71 = arith.constant 0 : i32
        %dma_wait3A_72 = tpu.memref_slice %arg11[%dma_wait3A_70, %dma_wait3A_71] : memref<10112x64xf32, #tpu.memory_space<vmem_shared>> -> memref<10112x64xf32, #tpu.memory_space<vmem_shared>>
        tpu.wait_indirect_dma semaphore(%run_scoped3A : memref<!tpu.dma_semaphore, #tpu.memory_space<semaphore_mem>>) src(%arg10 : memref<128x64xf32, #tpu.memory_space<vmem>>) dst(%dma_wait3A_72 : memref<10112x64xf32, #tpu.memory_space<vmem_shared>>)
        tpu.yield
      }) : () -> ()
      %add3A_54 = arith.constant 2 : i32
      %add3A_55 = arith.addi %add3A_47, %add3A_54 : i32
      %lt3A_56 = arith.constant 80 : i32
      %lt3A_57 = arith.cmpi slt, %add3A_55, %lt3A_56 : i32
      %convert_element_type3A_58 = arith.extui %lt3A_57 : i1 to i32
      %cond3A_59 = arith.constant 0 : i32
      %cond3A_60 = arith.cmpi ne, %convert_element_type3A_58, %cond3A_59 : i32
      scf.if %cond3A_60 {
        %add3A_61 = arith.constant 2 : i32
        %add3A_62 = arith.addi %add3A_47, %add3A_61 : i32
        %dma_start3A_63 = arith.constant 0 : i32
        %dma_start3A_64 = tpu.memref_slice %arg7[%add3A_62, %dma_start3A_63] : memref<80x128xi32, #tpu.memory_space<vmem>> -> memref<1x128xi32, #tpu.memory_space<vmem>>
        %dma_start3A_65 = tpu.memref_squeeze %dma_start3A_64 : memref<1x128xi32, #tpu.memory_space<vmem>> -> memref<128xi32, #tpu.memory_space<vmem>>
        %dma_start3A_66 = arith.constant 0 : i32
        %dma_start3A_67 = arith.constant 0 : i32
        %dma_start3A_68 = tpu.memref_slice %arg4[%dma_start3A_66, %dma_start3A_67] : memref<10000x64xf32, #tpu.memory_space<hbm>> -> memref<10000x64xf32, #tpu.memory_space<hbm>>
        tpu.enqueue_indirect_dma source(%dma_start3A_68 : memref<10000x64xf32, #tpu.memory_space<hbm>>) target(%arg10 : memref<128x64xf32, #tpu.memory_space<vmem>>) offsets(%dma_start3A_65 : memref<128xi32, #tpu.memory_space<vmem>>) semaphore(%arg13 : memref<!tpu.dma_semaphore, #tpu.memory_space<semaphore_mem>>)
      } else {
      }
    }
    %scan3A_24 = arith.constant 40 : i32
    %barrier3A_25 = arith.constant 0 : index
    tpu.barrier barrier_id(%barrier3A_25)
    %mul3A_26 = arith.constant 632 : i32
    %mul3A_27 = arith.muli %arg1, %mul3A_26 : i32
    %mul3A_28 = arith.constant 632 : i32
    %mul3A_29 = arith.muli %arg1, %mul3A_28 : i32
    "tpu.region"() ({
      %run_scoped3A = tpu.sem_alloc : memref<!tpu.dma_semaphore, #tpu.memory_space<semaphore_mem>>
      %dma_start3A_30 = arith.constant 0 : i32
      %dma_start3A_31 = tpu.memref_slice %arg6[%arg0, %mul3A_29, %dma_start3A_30] : memref<2x10112x64xf32, #tpu.memory_space<hbm>> -> memref<1x632x64xf32, #tpu.memory_space<hbm>>
      %dma_start3A_32 = tpu.memref_squeeze %dma_start3A_31 : memref<1x632x64xf32, #tpu.memory_space<hbm>> -> memref<632x64xf32, #tpu.memory_space<hbm>>
      %dma_start3A_33 = arith.constant 0 : i32
      %dma_start3A_34 = tpu.memref_slice %arg11[%mul3A_27, %dma_start3A_33] : memref<10112x64xf32, #tpu.memory_space<vmem_shared>> -> memref<632x64xf32, #tpu.memory_space<vmem_shared>>
      tpu.enqueue_dma source(%dma_start3A_34 : memref<632x64xf32, #tpu.memory_space<vmem_shared>>) target(%dma_start3A_32 : memref<632x64xf32, #tpu.memory_space<hbm>>) target_semaphore(%run_scoped3A : memref<!tpu.dma_semaphore, #tpu.memory_space<semaphore_mem>>)
      %dma_wait3A = arith.constant 0 : i32
      %dma_wait3A_35 = tpu.memref_slice %arg6[%arg0, %mul3A_29, %dma_wait3A] : memref<2x10112x64xf32, #tpu.memory_space<hbm>> -> memref<1x632x64xf32, #tpu.memory_space<hbm>>
      %dma_wait3A_36 = tpu.memref_squeeze %dma_wait3A_35 : memref<1x632x64xf32, #tpu.memory_space<hbm>> -> memref<632x64xf32, #tpu.memory_space<hbm>>
      %dma_wait3A_37 = arith.constant 0 : i32
      %dma_wait3A_38 = tpu.memref_slice %arg11[%mul3A_27, %dma_wait3A_37] : memref<10112x64xf32, #tpu.memory_space<vmem_shared>> -> memref<632x64xf32, #tpu.memory_space<vmem_shared>>
      tpu.wait_dma2 semaphore(%run_scoped3A : memref<!tpu.dma_semaphore, #tpu.memory_space<semaphore_mem>>) src(%dma_wait3A_38 : memref<632x64xf32, #tpu.memory_space<vmem_shared>>) dst(%dma_wait3A_36 : memref<632x64xf32, #tpu.memory_space<hbm>>)
      tpu.yield
    }) : () -> ()
    return
  }
}

#map = affine_map<(d0, d1) -> (0, 0)>
#map1 = affine_map<(d0, d1) -> (0, 0, 0)>
module attributes {stable_mosaic.version = 14 : i64} {
  func.func @edge_kernel(%arg0: i32, %arg1: i32, %arg2: memref<2560x128xi32, #tpu.memory_space<hbm>>, %arg3: memref<2560x128xi32, #tpu.memory_space<hbm>>, %arg4: memref<10000x64xf32, #tpu.memory_space<hbm>>, %arg5: memref<632x64xf32, #tpu.memory_space<hbm>>, %arg6: memref<2x10112x64xf32, #tpu.memory_space<hbm>>, %arg7: memref<80x128xi32, #tpu.memory_space<vmem>>, %arg8: memref<80x128xi32, #tpu.memory_space<vmem>>, %arg9: memref<128x64xf32, #tpu.memory_space<vmem>>, %arg10: memref<128x64xf32, #tpu.memory_space<vmem>>, %arg11: memref<10112x64xf32, #tpu.memory_space<vmem_shared>>, %arg12: memref<!tpu.dma_semaphore, #tpu.memory_space<semaphore_mem>>, %arg13: memref<!tpu.dma_semaphore, #tpu.memory_space<semaphore_mem>>) attributes {dimension_semantics = [#tpu.dimension_semantics<core_parallel>, #tpu.dimension_semantics<subcore_parallel>], iteration_bounds = array<i64: 2, 16>, scalar_prefetch = 0 : i64, scratch_operands = 7 : i64, tpu.core_type = #tpu.core_type<sc_vector_subcore>, window_params = [{transform_indices = #map}, {transform_indices = #map}, {transform_indices = #map}, {transform_indices = #map}, {transform_indices = #map1}]} {
    %mul3A = arith.constant 16 : i32
    %mul3A_0 = arith.muli %arg0, %mul3A : i32
    %add3A = arith.addi %mul3A_0, %arg1 : i32
    %mul3A_1 = arith.constant 80 : i32
    %mul3A_2 = arith.muli %add3A, %mul3A_1 : i32
    "tpu.region"() ({
      %run_scoped3A = tpu.sem_alloc : memref<!tpu.dma_semaphore, #tpu.memory_space<semaphore_mem>>
      %dma_start3A_30 = arith.constant 0 : i32
      %dma_start3A_31 = tpu.memref_slice %arg2[%mul3A_2, %dma_start3A_30] : memref<2560x128xi32, #tpu.memory_space<hbm>> -> memref<80x128xi32, #tpu.memory_space<hbm>>
      %dma_start3A_32 = arith.constant 0 : i32
      %dma_start3A_33 = tpu.memref_slice %arg2[%mul3A_2, %dma_start3A_32] : memref<2560x128xi32, #tpu.memory_space<hbm>> -> memref<80x128xi32, #tpu.memory_space<hbm>>
      tpu.enqueue_dma source(%dma_start3A_33 : memref<80x128xi32, #tpu.memory_space<hbm>>) target(%arg7 : memref<80x128xi32, #tpu.memory_space<vmem>>) target_semaphore(%run_scoped3A : memref<!tpu.dma_semaphore, #tpu.memory_space<semaphore_mem>>)
      %dma_wait3A = arith.constant 0 : i32
      %dma_wait3A_34 = tpu.memref_slice %arg2[%mul3A_2, %dma_wait3A] : memref<2560x128xi32, #tpu.memory_space<hbm>> -> memref<80x128xi32, #tpu.memory_space<hbm>>
      %dma_wait3A_35 = arith.constant 0 : i32
      %dma_wait3A_36 = tpu.memref_slice %arg2[%mul3A_2, %dma_wait3A_35] : memref<2560x128xi32, #tpu.memory_space<hbm>> -> memref<80x128xi32, #tpu.memory_space<hbm>>
      tpu.wait_dma2 semaphore(%run_scoped3A : memref<!tpu.dma_semaphore, #tpu.memory_space<semaphore_mem>>) src(%dma_wait3A_36 : memref<80x128xi32, #tpu.memory_space<hbm>>) dst(%arg7 : memref<80x128xi32, #tpu.memory_space<vmem>>)
      tpu.yield
    }) : () -> ()
    %mul3A_3 = arith.constant 80 : i32
    %mul3A_4 = arith.muli %add3A, %mul3A_3 : i32
    "tpu.region"() ({
      %run_scoped3A = tpu.sem_alloc : memref<!tpu.dma_semaphore, #tpu.memory_space<semaphore_mem>>
      %dma_start3A_30 = arith.constant 0 : i32
      %dma_start3A_31 = tpu.memref_slice %arg3[%mul3A_4, %dma_start3A_30] : memref<2560x128xi32, #tpu.memory_space<hbm>> -> memref<80x128xi32, #tpu.memory_space<hbm>>
      %dma_start3A_32 = arith.constant 0 : i32
      %dma_start3A_33 = tpu.memref_slice %arg3[%mul3A_4, %dma_start3A_32] : memref<2560x128xi32, #tpu.memory_space<hbm>> -> memref<80x128xi32, #tpu.memory_space<hbm>>
      tpu.enqueue_dma source(%dma_start3A_33 : memref<80x128xi32, #tpu.memory_space<hbm>>) target(%arg8 : memref<80x128xi32, #tpu.memory_space<vmem>>) target_semaphore(%run_scoped3A : memref<!tpu.dma_semaphore, #tpu.memory_space<semaphore_mem>>)
      %dma_wait3A = arith.constant 0 : i32
      %dma_wait3A_34 = tpu.memref_slice %arg3[%mul3A_4, %dma_wait3A] : memref<2560x128xi32, #tpu.memory_space<hbm>> -> memref<80x128xi32, #tpu.memory_space<hbm>>
      %dma_wait3A_35 = arith.constant 0 : i32
      %dma_wait3A_36 = tpu.memref_slice %arg3[%mul3A_4, %dma_wait3A_35] : memref<2560x128xi32, #tpu.memory_space<hbm>> -> memref<80x128xi32, #tpu.memory_space<hbm>>
      tpu.wait_dma2 semaphore(%run_scoped3A : memref<!tpu.dma_semaphore, #tpu.memory_space<semaphore_mem>>) src(%dma_wait3A_36 : memref<80x128xi32, #tpu.memory_space<hbm>>) dst(%arg8 : memref<80x128xi32, #tpu.memory_space<vmem>>)
      tpu.yield
    }) : () -> ()
    %mul3A_5 = arith.constant 632 : i32
    %mul3A_6 = arith.muli %arg1, %mul3A_5 : i32
    "tpu.region"() ({
      %run_scoped3A = tpu.sem_alloc : memref<!tpu.dma_semaphore, #tpu.memory_space<semaphore_mem>>
      %dma_start3A_30 = arith.constant 0 : i32
      %dma_start3A_31 = tpu.memref_slice %arg11[%mul3A_6, %dma_start3A_30] : memref<10112x64xf32, #tpu.memory_space<vmem_shared>> -> memref<632x64xf32, #tpu.memory_space<vmem_shared>>
      tpu.enqueue_dma source(%arg5 : memref<632x64xf32, #tpu.memory_space<hbm>>) target(%dma_start3A_31 : memref<632x64xf32, #tpu.memory_space<vmem_shared>>) target_semaphore(%run_scoped3A : memref<!tpu.dma_semaphore, #tpu.memory_space<semaphore_mem>>)
      %dma_wait3A = arith.constant 0 : i32
      %dma_wait3A_32 = tpu.memref_slice %arg11[%mul3A_6, %dma_wait3A] : memref<10112x64xf32, #tpu.memory_space<vmem_shared>> -> memref<632x64xf32, #tpu.memory_space<vmem_shared>>
      tpu.wait_dma2 semaphore(%run_scoped3A : memref<!tpu.dma_semaphore, #tpu.memory_space<semaphore_mem>>) src(%arg5 : memref<632x64xf32, #tpu.memory_space<hbm>>) dst(%dma_wait3A_32 : memref<632x64xf32, #tpu.memory_space<vmem_shared>>)
      tpu.yield
    }) : () -> ()
    %barrier3A = arith.constant 0 : index
    tpu.barrier barrier_id(%barrier3A)
    %dma_start3A = arith.constant 0 : i32
    %dma_start3A_7 = arith.constant 0 : i32
    %dma_start3A_8 = tpu.memref_slice %arg7[%dma_start3A, %dma_start3A_7] : memref<80x128xi32, #tpu.memory_space<vmem>> -> memref<1x128xi32, #tpu.memory_space<vmem>>
    %dma_start3A_9 = tpu.memref_squeeze %dma_start3A_8 : memref<1x128xi32, #tpu.memory_space<vmem>> -> memref<128xi32, #tpu.memory_space<vmem>>
    %dma_start3A_10 = arith.constant 0 : i32
    %dma_start3A_11 = arith.constant 0 : i32
    %dma_start3A_12 = tpu.memref_slice %arg4[%dma_start3A_10, %dma_start3A_11] : memref<10000x64xf32, #tpu.memory_space<hbm>> -> memref<10000x64xf32, #tpu.memory_space<hbm>>
    tpu.enqueue_indirect_dma source(%dma_start3A_12 : memref<10000x64xf32, #tpu.memory_space<hbm>>) target(%arg9 : memref<128x64xf32, #tpu.memory_space<vmem>>) offsets(%dma_start3A_9 : memref<128xi32, #tpu.memory_space<vmem>>) semaphore(%arg12 : memref<!tpu.dma_semaphore, #tpu.memory_space<semaphore_mem>>)
    %dma_start3A_13 = arith.constant 1 : i32
    %dma_start3A_14 = arith.constant 0 : i32
    %dma_start3A_15 = tpu.memref_slice %arg7[%dma_start3A_13, %dma_start3A_14] : memref<80x128xi32, #tpu.memory_space<vmem>> -> memref<1x128xi32, #tpu.memory_space<vmem>>
    %dma_start3A_16 = tpu.memref_squeeze %dma_start3A_15 : memref<1x128xi32, #tpu.memory_space<vmem>> -> memref<128xi32, #tpu.memory_space<vmem>>
    %dma_start3A_17 = arith.constant 0 : i32
    %dma_start3A_18 = arith.constant 0 : i32
    %dma_start3A_19 = tpu.memref_slice %arg4[%dma_start3A_17, %dma_start3A_18] : memref<10000x64xf32, #tpu.memory_space<hbm>> -> memref<10000x64xf32, #tpu.memory_space<hbm>>
    tpu.enqueue_indirect_dma source(%dma_start3A_19 : memref<10000x64xf32, #tpu.memory_space<hbm>>) target(%arg10 : memref<128x64xf32, #tpu.memory_space<vmem>>) offsets(%dma_start3A_16 : memref<128xi32, #tpu.memory_space<vmem>>) semaphore(%arg13 : memref<!tpu.dma_semaphore, #tpu.memory_space<semaphore_mem>>)
    %scan3A = arith.constant 0 : i32
    %scan3A_20 = arith.constant 0 : i32
    %scan3A_21 = arith.constant 40 : i32
    %scan3A_22 = arith.addi %scan3A_20, %scan3A_21 : i32
    %scan3A_23 = arith.constant 1 : i32
    scf.for %scan3A_30 = %scan3A_20 to %scan3A_22 step %scan3A_23  : i32 {
      %mul3A_31 = arith.constant 2 : i32
      %mul3A_32 = arith.muli %mul3A_31, %scan3A_30 : i32
      %add3A_33 = arith.constant 0 : i32
      %add3A_34 = arith.addi %mul3A_32, %add3A_33 : i32
      %dma_wait3A = arith.constant 0 : i32
      %dma_wait3A_35 = tpu.memref_slice %arg7[%add3A_34, %dma_wait3A] : memref<80x128xi32, #tpu.memory_space<vmem>> -> memref<1x128xi32, #tpu.memory_space<vmem>>
      %dma_wait3A_36 = tpu.memref_squeeze %dma_wait3A_35 : memref<1x128xi32, #tpu.memory_space<vmem>> -> memref<128xi32, #tpu.memory_space<vmem>>
      %dma_wait3A_37 = arith.constant 0 : i32
      %dma_wait3A_38 = arith.constant 0 : i32
      %dma_wait3A_39 = tpu.memref_slice %arg4[%dma_wait3A_37, %dma_wait3A_38] : memref<10000x64xf32, #tpu.memory_space<hbm>> -> memref<10000x64xf32, #tpu.memory_space<hbm>>
      tpu.wait_indirect_dma semaphore(%arg12 : memref<!tpu.dma_semaphore, #tpu.memory_space<semaphore_mem>>) src(%dma_wait3A_39 : memref<10000x64xf32, #tpu.memory_space<hbm>>) dst(%arg9 : memref<128x64xf32, #tpu.memory_space<vmem>>)
      "tpu.region"() ({
        %run_scoped3A = tpu.sem_alloc : memref<!tpu.dma_semaphore, #tpu.memory_space<semaphore_mem>>
        %dma_start3A_61 = arith.constant 0 : i32
        %dma_start3A_62 = tpu.memref_slice %arg8[%add3A_34, %dma_start3A_61] : memref<80x128xi32, #tpu.memory_space<vmem>> -> memref<1x128xi32, #tpu.memory_space<vmem>>
        %dma_start3A_63 = tpu.memref_squeeze %dma_start3A_62 : memref<1x128xi32, #tpu.memory_space<vmem>> -> memref<128xi32, #tpu.memory_space<vmem>>
        %dma_start3A_64 = arith.constant 0 : i32
        %dma_start3A_65 = arith.constant 0 : i32
        %dma_start3A_66 = tpu.memref_slice %arg11[%dma_start3A_64, %dma_start3A_65] : memref<10112x64xf32, #tpu.memory_space<vmem_shared>> -> memref<10112x64xf32, #tpu.memory_space<vmem_shared>>
        tpu.enqueue_indirect_dma source(%arg9 : memref<128x64xf32, #tpu.memory_space<vmem>>) target(%dma_start3A_66 : memref<10112x64xf32, #tpu.memory_space<vmem_shared>>) offsets(%dma_start3A_63 : memref<128xi32, #tpu.memory_space<vmem>>) semaphore(%run_scoped3A : memref<!tpu.dma_semaphore, #tpu.memory_space<semaphore_mem>>) {add = true}
        %dma_wait3A_67 = arith.constant 0 : i32
        %dma_wait3A_68 = tpu.memref_slice %arg8[%add3A_34, %dma_wait3A_67] : memref<80x128xi32, #tpu.memory_space<vmem>> -> memref<1x128xi32, #tpu.memory_space<vmem>>
        %dma_wait3A_69 = tpu.memref_squeeze %dma_wait3A_68 : memref<1x128xi32, #tpu.memory_space<vmem>> -> memref<128xi32, #tpu.memory_space<vmem>>
        %dma_wait3A_70 = arith.constant 0 : i32
        %dma_wait3A_71 = arith.constant 0 : i32
        %dma_wait3A_72 = tpu.memref_slice %arg11[%dma_wait3A_70, %dma_wait3A_71] : memref<10112x64xf32, #tpu.memory_space<vmem_shared>> -> memref<10112x64xf32, #tpu.memory_space<vmem_shared>>
        tpu.wait_indirect_dma semaphore(%run_scoped3A : memref<!tpu.dma_semaphore, #tpu.memory_space<semaphore_mem>>) src(%arg9 : memref<128x64xf32, #tpu.memory_space<vmem>>) dst(%dma_wait3A_72 : memref<10112x64xf32, #tpu.memory_space<vmem_shared>>)
        tpu.yield
      }) : () -> ()
      %add3A_40 = arith.constant 2 : i32
      %add3A_41 = arith.addi %add3A_34, %add3A_40 : i32
      %lt3A = arith.constant 80 : i32
      %lt3A_42 = arith.cmpi slt, %add3A_41, %lt3A : i32
      %convert_element_type3A = arith.extui %lt3A_42 : i1 to i32
      %cond3A = arith.constant 0 : i32
      %cond3A_43 = arith.cmpi ne, %convert_element_type3A, %cond3A : i32
      scf.if %cond3A_43 {
        %add3A_61 = arith.constant 2 : i32
        %add3A_62 = arith.addi %add3A_34, %add3A_61 : i32
        %dma_start3A_63 = arith.constant 0 : i32
        %dma_start3A_64 = tpu.memref_slice %arg7[%add3A_62, %dma_start3A_63] : memref<80x128xi32, #tpu.memory_space<vmem>> -> memref<1x128xi32, #tpu.memory_space<vmem>>
        %dma_start3A_65 = tpu.memref_squeeze %dma_start3A_64 : memref<1x128xi32, #tpu.memory_space<vmem>> -> memref<128xi32, #tpu.memory_space<vmem>>
        %dma_start3A_66 = arith.constant 0 : i32
        %dma_start3A_67 = arith.constant 0 : i32
        %dma_start3A_68 = tpu.memref_slice %arg4[%dma_start3A_66, %dma_start3A_67] : memref<10000x64xf32, #tpu.memory_space<hbm>> -> memref<10000x64xf32, #tpu.memory_space<hbm>>
        tpu.enqueue_indirect_dma source(%dma_start3A_68 : memref<10000x64xf32, #tpu.memory_space<hbm>>) target(%arg9 : memref<128x64xf32, #tpu.memory_space<vmem>>) offsets(%dma_start3A_65 : memref<128xi32, #tpu.memory_space<vmem>>) semaphore(%arg12 : memref<!tpu.dma_semaphore, #tpu.memory_space<semaphore_mem>>)
      } else {
      }
      %mul3A_44 = arith.constant 2 : i32
      %mul3A_45 = arith.muli %mul3A_44, %scan3A_30 : i32
      %add3A_46 = arith.constant 1 : i32
      %add3A_47 = arith.addi %mul3A_45, %add3A_46 : i32
      %dma_wait3A_48 = arith.constant 0 : i32
      %dma_wait3A_49 = tpu.memref_slice %arg7[%add3A_47, %dma_wait3A_48] : memref<80x128xi32, #tpu.memory_space<vmem>> -> memref<1x128xi32, #tpu.memory_space<vmem>>
      %dma_wait3A_50 = tpu.memref_squeeze %dma_wait3A_49 : memref<1x128xi32, #tpu.memory_space<vmem>> -> memref<128xi32, #tpu.memory_space<vmem>>
      %dma_wait3A_51 = arith.constant 0 : i32
      %dma_wait3A_52 = arith.constant 0 : i32
      %dma_wait3A_53 = tpu.memref_slice %arg4[%dma_wait3A_51, %dma_wait3A_52] : memref<10000x64xf32, #tpu.memory_space<hbm>> -> memref<10000x64xf32, #tpu.memory_space<hbm>>
      tpu.wait_indirect_dma semaphore(%arg13 : memref<!tpu.dma_semaphore, #tpu.memory_space<semaphore_mem>>) src(%dma_wait3A_53 : memref<10000x64xf32, #tpu.memory_space<hbm>>) dst(%arg10 : memref<128x64xf32, #tpu.memory_space<vmem>>)
      "tpu.region"() ({
        %run_scoped3A = tpu.sem_alloc : memref<!tpu.dma_semaphore, #tpu.memory_space<semaphore_mem>>
        %dma_start3A_61 = arith.constant 0 : i32
        %dma_start3A_62 = tpu.memref_slice %arg8[%add3A_47, %dma_start3A_61] : memref<80x128xi32, #tpu.memory_space<vmem>> -> memref<1x128xi32, #tpu.memory_space<vmem>>
        %dma_start3A_63 = tpu.memref_squeeze %dma_start3A_62 : memref<1x128xi32, #tpu.memory_space<vmem>> -> memref<128xi32, #tpu.memory_space<vmem>>
        %dma_start3A_64 = arith.constant 0 : i32
        %dma_start3A_65 = arith.constant 0 : i32
        %dma_start3A_66 = tpu.memref_slice %arg11[%dma_start3A_64, %dma_start3A_65] : memref<10112x64xf32, #tpu.memory_space<vmem_shared>> -> memref<10112x64xf32, #tpu.memory_space<vmem_shared>>
        tpu.enqueue_indirect_dma source(%arg10 : memref<128x64xf32, #tpu.memory_space<vmem>>) target(%dma_start3A_66 : memref<10112x64xf32, #tpu.memory_space<vmem_shared>>) offsets(%dma_start3A_63 : memref<128xi32, #tpu.memory_space<vmem>>) semaphore(%run_scoped3A : memref<!tpu.dma_semaphore, #tpu.memory_space<semaphore_mem>>) {add = true}
        %dma_wait3A_67 = arith.constant 0 : i32
        %dma_wait3A_68 = tpu.memref_slice %arg8[%add3A_47, %dma_wait3A_67] : memref<80x128xi32, #tpu.memory_space<vmem>> -> memref<1x128xi32, #tpu.memory_space<vmem>>
        %dma_wait3A_69 = tpu.memref_squeeze %dma_wait3A_68 : memref<1x128xi32, #tpu.memory_space<vmem>> -> memref<128xi32, #tpu.memory_space<vmem>>
        %dma_wait3A_70 = arith.constant 0 : i32
        %dma_wait3A_71 = arith.constant 0 : i32
        %dma_wait3A_72 = tpu.memref_slice %arg11[%dma_wait3A_70, %dma_wait3A_71] : memref<10112x64xf32, #tpu.memory_space<vmem_shared>> -> memref<10112x64xf32, #tpu.memory_space<vmem_shared>>
        tpu.wait_indirect_dma semaphore(%run_scoped3A : memref<!tpu.dma_semaphore, #tpu.memory_space<semaphore_mem>>) src(%arg10 : memref<128x64xf32, #tpu.memory_space<vmem>>) dst(%dma_wait3A_72 : memref<10112x64xf32, #tpu.memory_space<vmem_shared>>)
        tpu.yield
      }) : () -> ()
      %add3A_54 = arith.constant 2 : i32
      %add3A_55 = arith.addi %add3A_47, %add3A_54 : i32
      %lt3A_56 = arith.constant 80 : i32
      %lt3A_57 = arith.cmpi slt, %add3A_55, %lt3A_56 : i32
      %convert_element_type3A_58 = arith.extui %lt3A_57 : i1 to i32
      %cond3A_59 = arith.constant 0 : i32
      %cond3A_60 = arith.cmpi ne, %convert_element_type3A_58, %cond3A_59 : i32
      scf.if %cond3A_60 {
        %add3A_61 = arith.constant 2 : i32
        %add3A_62 = arith.addi %add3A_47, %add3A_61 : i32
        %dma_start3A_63 = arith.constant 0 : i32
        %dma_start3A_64 = tpu.memref_slice %arg7[%add3A_62, %dma_start3A_63] : memref<80x128xi32, #tpu.memory_space<vmem>> -> memref<1x128xi32, #tpu.memory_space<vmem>>
        %dma_start3A_65 = tpu.memref_squeeze %dma_start3A_64 : memref<1x128xi32, #tpu.memory_space<vmem>> -> memref<128xi32, #tpu.memory_space<vmem>>
        %dma_start3A_66 = arith.constant 0 : i32
        %dma_start3A_67 = arith.constant 0 : i32
        %dma_start3A_68 = tpu.memref_slice %arg4[%dma_start3A_66, %dma_start3A_67] : memref<10000x64xf32, #tpu.memory_space<hbm>> -> memref<10000x64xf32, #tpu.memory_space<hbm>>
        tpu.enqueue_indirect_dma source(%dma_start3A_68 : memref<10000x64xf32, #tpu.memory_space<hbm>>) target(%arg10 : memref<128x64xf32, #tpu.memory_space<vmem>>) offsets(%dma_start3A_65 : memref<128xi32, #tpu.memory_space<vmem>>) semaphore(%arg13 : memref<!tpu.dma_semaphore, #tpu.memory_space<semaphore_mem>>)
      } else {
      }
    }
    %scan3A_24 = arith.constant 40 : i32
    %barrier3A_25 = arith.constant 0 : index
    tpu.barrier barrier_id(%barrier3A_25)
    %mul3A_26 = arith.constant 632 : i32
    %mul3A_27 = arith.muli %arg1, %mul3A_26 : i32
    %mul3A_28 = arith.constant 632 : i32
    %mul3A_29 = arith.muli %arg1, %mul3A_28 : i32
    "tpu.region"() ({
      %run_scoped3A = tpu.sem_alloc : memref<!tpu.dma_semaphore, #tpu.memory_space<semaphore_mem>>
      %dma_start3A_30 = arith.constant 0 : i32
      %dma_start3A_31 = tpu.memref_slice %arg6[%arg0, %mul3A_29, %dma_start3A_30] : memref<2x10112x64xf32, #tpu.memory_space<hbm>> -> memref<1x632x64xf32, #tpu.memory_space<hbm>>
      %dma_start3A_32 = tpu.memref_squeeze %dma_start3A_31 : memref<1x632x64xf32, #tpu.memory_space<hbm>> -> memref<632x64xf32, #tpu.memory_space<hbm>>
      %dma_start3A_33 = arith.constant 0 : i32
      %dma_start3A_34 = tpu.memref_slice %arg11[%mul3A_27, %dma_start3A_33] : memref<10112x64xf32, #tpu.memory_space<vmem_shared>> -> memref<632x64xf32, #tpu.memory_space<vmem_shared>>
      tpu.enqueue_dma source(%dma_start3A_34 : memref<632x64xf32, #tpu.memory_space<vmem_shared>>) target(%dma_start3A_32 : memref<632x64xf32, #tpu.memory_space<hbm>>) target_semaphore(%run_scoped3A : memref<!tpu.dma_semaphore, #tpu.memory_space<semaphore_mem>>)
      %dma_wait3A = arith.constant 0 : i32
      %dma_wait3A_35 = tpu.memref_slice %arg6[%arg0, %mul3A_29, %dma_wait3A] : memref<2x10112x64xf32, #tpu.memory_space<hbm>> -> memref<1x632x64xf32, #tpu.memory_space<hbm>>
      %dma_wait3A_36 = tpu.memref_squeeze %dma_wait3A_35 : memref<1x632x64xf32, #tpu.memory_space<hbm>> -> memref<632x64xf32, #tpu.memory_space<hbm>>
      %dma_wait3A_37 = arith.constant 0 : i32
      %dma_wait3A_38 = tpu.memref_slice %arg11[%mul3A_27, %dma_wait3A_37] : memref<10112x64xf32, #tpu.memory_space<vmem_shared>> -> memref<632x64xf32, #tpu.memory_space<vmem_shared>>
      tpu.wait_dma2 semaphore(%run_scoped3A : memref<!tpu.dma_semaphore, #tpu.memory_space<semaphore_mem>>) src(%dma_wait3A_38 : memref<632x64xf32, #tpu.memory_space<vmem_shared>>) dst(%dma_wait3A_36 : memref<632x64xf32, #tpu.memory_space<hbm>>)
      tpu.yield
    }) : () -> ()
    return
  }
}

module attributes {stable_mosaic.version = 14 : i64} {
  func.func @_mlp_body(%arg0: i32, %arg1: memref<400x128xf32, #tpu.memory_space<vmem>>, %arg2: memref<128x128xf32, #tpu.memory_space<vmem>>, %arg3: memref<1x128xf32, #tpu.memory_space<vmem>>, %arg4: memref<128x64xf32, #tpu.memory_space<vmem>>, %arg5: memref<1x64xf32, #tpu.memory_space<vmem>>, %arg6: memref<400x64xf32, #tpu.memory_space<vmem>>, %arg7: memref<400x64xf32, #tpu.memory_space<vmem>>) attributes {dimension_semantics = [#tpu.dimension_semantics<arbitrary>], iteration_bounds = array<i64: 25>, scalar_prefetch = 0 : i64, scratch_operands = 0 : i64, tpu.core_type = #tpu.core_type<tc>, window_params = [{transform_indices = @transform_0, window_bounds = array<i64: 400, 128>}, {pipeline_mode = #tpu.pipeline_mode<synchronous>, transform_indices = @transform_1, window_bounds = array<i64: 128, 128>}, {pipeline_mode = #tpu.pipeline_mode<synchronous>, transform_indices = @transform_2, window_bounds = array<i64: 1, 128>}, {pipeline_mode = #tpu.pipeline_mode<synchronous>, transform_indices = @transform_3, window_bounds = array<i64: 128, 64>}, {pipeline_mode = #tpu.pipeline_mode<synchronous>, transform_indices = @transform_4, window_bounds = array<i64: 1, 64>}, {transform_indices = @transform_5, window_bounds = array<i64: 400, 64>}, {transform_indices = @transform_6, window_bounds = array<i64: 400, 64>}]} {
    %get3A = arith.constant 0 : index
    %get3A_0 = arith.constant 0 : index
    %get3A_1 = vector.load %arg1[%get3A, %get3A_0] : memref<400x128xf32, #tpu.memory_space<vmem>>, vector<400x128xf32>
    %get3A_2 = arith.constant 0 : index
    %get3A_3 = arith.constant 0 : index
    %get3A_4 = vector.load %arg2[%get3A_2, %get3A_3] : memref<128x128xf32, #tpu.memory_space<vmem>>, vector<128x128xf32>
    %dot_general3A = arith.constant dense<0.000000e+00> : vector<400x128xf32>
    %dot_general3A_5 = tpu.matmul %get3A_1, %get3A_4, %dot_general3A {dimension_numbers = #tpu.dot_dimension_numbers<[1], [0], [0], [1], [0, 0, 1, 1], [], []>, transpose_lhs_hint = false} : vector<400x128xf32>, vector<128x128xf32>, vector<400x128xf32> -> vector<400x128xf32>
    %get3A_6 = arith.constant 0 : index
    %get3A_7 = arith.constant 0 : index
    %get3A_8 = vector.load %arg3[%get3A_6, %get3A_7] : memref<1x128xf32, #tpu.memory_space<vmem>>, vector<1x128xf32>
    %add3A = vector.broadcast %get3A_8 : vector<1x128xf32> to vector<400x128xf32>
    %add3A_9 = arith.addf %dot_general3A_5, %add3A : vector<400x128xf32>
    %max3A = arith.constant 0.000000e+00 : f32
    %max3A_10 = vector.broadcast %max3A : f32 to vector<400x128xf32>
    %max3A_11 = arith.maximumf %add3A_9, %max3A_10 : vector<400x128xf32>
    %get3A_12 = arith.constant 0 : index
    %get3A_13 = arith.constant 0 : index
    %get3A_14 = vector.load %arg4[%get3A_12, %get3A_13] : memref<128x64xf32, #tpu.memory_space<vmem>>, vector<128x64xf32>
    %dot_general3A_15 = arith.constant dense<0.000000e+00> : vector<400x64xf32>
    %dot_general3A_16 = tpu.matmul %max3A_11, %get3A_14, %dot_general3A_15 {dimension_numbers = #tpu.dot_dimension_numbers<[1], [0], [0], [1], [0, 0, 1, 1], [], []>, transpose_lhs_hint = false} : vector<400x128xf32>, vector<128x64xf32>, vector<400x64xf32> -> vector<400x64xf32>
    %get3A_17 = arith.constant 0 : index
    %get3A_18 = arith.constant 0 : index
    %get3A_19 = vector.load %arg5[%get3A_17, %get3A_18] : memref<1x64xf32, #tpu.memory_space<vmem>>, vector<1x64xf32>
    %add3A_20 = vector.broadcast %get3A_19 : vector<1x64xf32> to vector<400x64xf32>
    %add3A_21 = arith.addf %dot_general3A_16, %add3A_20 : vector<400x64xf32>
    %swap3A = arith.constant 0 : index
    %swap3A_22 = arith.constant 0 : index
    %swap3A_23 = vector.load %arg6[%swap3A, %swap3A_22] : memref<400x64xf32, #tpu.memory_space<vmem>>, vector<400x64xf32>
    tpu.vector_store %arg6[%swap3A, %swap3A_22], %add3A_21 {strides = array<i32>} : memref<400x64xf32, #tpu.memory_space<vmem>>, vector<400x64xf32>,
    %mul3A = arith.constant 1.000000e-01 : f32
    %mul3A_24 = vector.broadcast %mul3A : f32 to vector<400x64xf32>
    %mul3A_25 = arith.mulf %mul3A_24, %add3A_21 : vector<400x64xf32>
    %swap3A_26 = arith.constant 0 : index
    %swap3A_27 = arith.constant 0 : index
    %swap3A_28 = vector.load %arg7[%swap3A_26, %swap3A_27] : memref<400x64xf32, #tpu.memory_space<vmem>>, vector<400x64xf32>
    tpu.vector_store %arg7[%swap3A_26, %swap3A_27], %mul3A_25 {strides = array<i32>} : memref<400x64xf32, #tpu.memory_space<vmem>>, vector<400x64xf32>,
    return
  }
  func.func @transform_0(%arg0: i32) -> (i32, i32) {
    %c0_i32 = arith.constant 0 : i32
    %c0_i32_0 = arith.constant 0 : i32
    return %arg0, %c0_i32 : i32, i32
  }
  func.func @transform_1(%arg0: i32) -> (i32, i32) {
    %c0_i32 = arith.constant 0 : i32
    %c0_i32_0 = arith.constant 0 : i32
    %c0_i32_1 = arith.constant 0 : i32
    return %c0_i32, %c0_i32_0 : i32, i32
  }
  func.func @transform_2(%arg0: i32) -> (i32, i32) {
    %c0_i32 = arith.constant 0 : i32
    %c0_i32_0 = arith.constant 0 : i32
    %c0_i32_1 = arith.constant 0 : i32
    return %c0_i32, %c0_i32_0 : i32, i32
  }
  func.func @transform_3(%arg0: i32) -> (i32, i32) {
    %c0_i32 = arith.constant 0 : i32
    %c0_i32_0 = arith.constant 0 : i32
    %c0_i32_1 = arith.constant 0 : i32
    return %c0_i32, %c0_i32_0 : i32, i32
  }
  func.func @transform_4(%arg0: i32) -> (i32, i32) {
    %c0_i32 = arith.constant 0 : i32
    %c0_i32_0 = arith.constant 0 : i32
    %c0_i32_1 = arith.constant 0 : i32
    return %c0_i32, %c0_i32_0 : i32, i32
  }
  func.func @transform_5(%arg0: i32) -> (i32, i32) {
    %c0_i32 = arith.constant 0 : i32
    %c0_i32_0 = arith.constant 0 : i32
    return %arg0, %c0_i32 : i32, i32
  }
  func.func @transform_6(%arg0: i32) -> (i32, i32) {
    %c0_i32 = arith.constant 0 : i32
    %c0_i32_0 = arith.constant 0 : i32
    return %arg0, %c0_i32 : i32, i32
  }
}

module attributes {stable_mosaic.version = 14 : i64} {
  func.func @_prep2_body(%arg0: i32, %arg1: memref<400x64xf32, #tpu.memory_space<vmem>>, %arg2: memref<400x16xf32, #tpu.memory_space<vmem>>, %arg3: memref<400x16xf32, #tpu.memory_space<vmem>>, %arg4: memref<400x64xf32, #tpu.memory_space<vmem>>) attributes {dimension_semantics = [#tpu.dimension_semantics<arbitrary>], iteration_bounds = array<i64: 25>, scalar_prefetch = 0 : i64, scratch_operands = 0 : i64, tpu.core_type = #tpu.core_type<tc>, window_params = [{transform_indices = @transform_0, window_bounds = array<i64: 400, 64>}, {transform_indices = @transform_1, window_bounds = array<i64: 400, 16>}, {transform_indices = @transform_2, window_bounds = array<i64: 400, 16>}, {transform_indices = @transform_3, window_bounds = array<i64: 400, 64>}]} {
    %get3A = arith.constant 0 : index
    %get3A_0 = arith.constant 0 : index
    %get3A_1 = vector.load %arg2[%get3A, %get3A_0] : memref<400x16xf32, #tpu.memory_space<vmem>>, vector<400x1xf32>
    %get3A_2 = arith.constant 0 : index
    %get3A_3 = arith.constant 0 : index
    %get3A_4 = vector.load %arg3[%get3A_2, %get3A_3] : memref<400x16xf32, #tpu.memory_space<vmem>>, vector<400x1xf32>
    %add3A = arith.addf %get3A_1, %get3A_4 : vector<400x1xf32>
    %add3A_5 = arith.constant 1.000000e+00 : f32
    %add3A_6 = vector.broadcast %add3A_5 : f32 to vector<400x1xf32>
    %add3A_7 = arith.addf %add3A, %add3A_6 : vector<400x1xf32>
    %rsqrt3A = math.rsqrt %add3A_7 : vector<400x1xf32>
    %get3A_8 = arith.constant 0 : index
    %get3A_9 = arith.constant 0 : index
    %get3A_10 = vector.load %arg1[%get3A_8, %get3A_9] : memref<400x64xf32, #tpu.memory_space<vmem>>, vector<400x64xf32>
    %mul3A = vector.broadcast %rsqrt3A : vector<400x1xf32> to vector<400x64xf32>
    %mul3A_11 = arith.mulf %mul3A, %get3A_10 : vector<400x64xf32>
    %swap3A = arith.constant 0 : index
    %swap3A_12 = arith.constant 0 : index
    %swap3A_13 = vector.load %arg4[%swap3A, %swap3A_12] : memref<400x64xf32, #tpu.memory_space<vmem>>, vector<400x64xf32>
    tpu.vector_store %arg4[%swap3A, %swap3A_12], %mul3A_11 {strides = array<i32>} : memref<400x64xf32, #tpu.memory_space<vmem>>, vector<400x64xf32>,
    return
  }
  func.func @transform_0(%arg0: i32) -> (i32, i32) {
    %c0_i32 = arith.constant 0 : i32
    %c0_i32_0 = arith.constant 0 : i32
    return %arg0, %c0_i32 : i32, i32
  }
  func.func @transform_1(%arg0: i32) -> (i32, i32) {
    %c0_i32 = arith.constant 0 : i32
    %c0_i32_0 = arith.constant 0 : i32
    return %arg0, %c0_i32 : i32, i32
  }
  func.func @transform_2(%arg0: i32) -> (i32, i32) {
    %c0_i32 = arith.constant 0 : i32
    %c0_i32_0 = arith.constant 0 : i32
    return %arg0, %c0_i32 : i32, i32
  }
  func.func @transform_3(%arg0: i32) -> (i32, i32) {
    %c0_i32 = arith.constant 0 : i32
    %c0_i32_0 = arith.constant 0 : i32
    return %arg0, %c0_i32 : i32, i32
  }
}

module attributes {stable_mosaic.version = 14 : i64} {
  func.func @_combine_body(%arg0: i32, %arg1: memref<400x64xf32, #tpu.memory_space<vmem>>, %arg2: memref<400x64xf32, #tpu.memory_space<vmem>>, %arg3: memref<400x64xf32, #tpu.memory_space<vmem>>, %arg4: memref<400x64xf32, #tpu.memory_space<vmem>>, %arg5: memref<400x16xf32, #tpu.memory_space<vmem>>, %arg6: memref<400x16xf32, #tpu.memory_space<vmem>>, %arg7: memref<400x64xf32, #tpu.memory_space<vmem>>, %arg8: memref<400x64xf32, #tpu.memory_space<vmem>>) attributes {dimension_semantics = [#tpu.dimension_semantics<arbitrary>], iteration_bounds = array<i64: 25>, scalar_prefetch = 0 : i64, scratch_operands = 0 : i64, tpu.core_type = #tpu.core_type<tc>, window_params = [{transform_indices = @transform_0, window_bounds = array<i64: 400, 64>}, {transform_indices = @transform_1, window_bounds = array<i64: 400, 64>}, {transform_indices = @transform_2, window_bounds = array<i64: 400, 64>}, {transform_indices = @transform_3, window_bounds = array<i64: 400, 64>}, {transform_indices = @transform_4, window_bounds = array<i64: 400, 16>}, {transform_indices = @transform_5, window_bounds = array<i64: 400, 16>}, {transform_indices = @transform_6, window_bounds = array<i64: 400, 64>}, {transform_indices = @transform_7, window_bounds = array<i64: 400, 64>}]} {
    %get3A = arith.constant 0 : index
    %get3A_0 = arith.constant 0 : index
    %get3A_1 = vector.load %arg5[%get3A, %get3A_0] : memref<400x16xf32, #tpu.memory_space<vmem>>, vector<400x1xf32>
    %get3A_2 = arith.constant 0 : index
    %get3A_3 = arith.constant 0 : index
    %get3A_4 = vector.load %arg6[%get3A_2, %get3A_3] : memref<400x16xf32, #tpu.memory_space<vmem>>, vector<400x1xf32>
    %add3A = arith.addf %get3A_1, %get3A_4 : vector<400x1xf32>
    %add3A_5 = arith.constant 1.000000e+00 : f32
    %add3A_6 = vector.broadcast %add3A_5 : f32 to vector<400x1xf32>
    %add3A_7 = arith.addf %add3A, %add3A_6 : vector<400x1xf32>
    %rsqrt3A = math.rsqrt %add3A_7 : vector<400x1xf32>
    %get3A_8 = arith.constant 0 : index
    %get3A_9 = arith.constant 0 : index
    %get3A_10 = vector.load %arg1[%get3A_8, %get3A_9] : memref<400x64xf32, #tpu.memory_space<vmem>>, vector<400x64xf32>
    %get3A_11 = arith.constant 0 : index
    %get3A_12 = arith.constant 0 : index
    %get3A_13 = vector.load %arg2[%get3A_11, %get3A_12] : memref<400x64xf32, #tpu.memory_space<vmem>>, vector<400x64xf32>
    %add3A_14 = arith.addf %get3A_10, %get3A_13 : vector<400x64xf32>
    %mul3A = arith.constant 0.899999976 : f32
    %mul3A_15 = vector.broadcast %mul3A : f32 to vector<400x1xf32>
    %mul3A_16 = arith.mulf %mul3A_15, %rsqrt3A : vector<400x1xf32>
    %mul3A_17 = vector.broadcast %mul3A_16 : vector<400x1xf32> to vector<400x64xf32>
    %mul3A_18 = arith.mulf %mul3A_17, %add3A_14 : vector<400x64xf32>
    %div3A = arith.constant 0.899999976 : f32
    %div3A_19 = vector.broadcast %div3A : f32 to vector<400x1xf32>
    %div3A_20 = arith.divf %div3A_19, %add3A_7 : vector<400x1xf32>
    %get3A_21 = arith.constant 0 : index
    %get3A_22 = arith.constant 0 : index
    %get3A_23 = vector.load %arg3[%get3A_21, %get3A_22] : memref<400x64xf32, #tpu.memory_space<vmem>>, vector<400x64xf32>
    %mul3A_24 = vector.broadcast %div3A_20 : vector<400x1xf32> to vector<400x64xf32>
    %mul3A_25 = arith.mulf %mul3A_24, %get3A_23 : vector<400x64xf32>
    %add3A_26 = arith.addf %mul3A_18, %mul3A_25 : vector<400x64xf32>
    %get3A_27 = arith.constant 0 : index
    %get3A_28 = arith.constant 0 : index
    %get3A_29 = vector.load %arg4[%get3A_27, %get3A_28] : memref<400x64xf32, #tpu.memory_space<vmem>>, vector<400x64xf32>
    %add3A_30 = arith.addf %add3A_26, %get3A_29 : vector<400x64xf32>
    %swap3A = arith.constant 0 : index
    %swap3A_31 = arith.constant 0 : index
    %swap3A_32 = vector.load %arg7[%swap3A, %swap3A_31] : memref<400x64xf32, #tpu.memory_space<vmem>>, vector<400x64xf32>
    tpu.vector_store %arg7[%swap3A, %swap3A_31], %add3A_30 {strides = array<i32>} : memref<400x64xf32, #tpu.memory_space<vmem>>, vector<400x64xf32>,
    %mul3A_33 = vector.broadcast %rsqrt3A : vector<400x1xf32> to vector<400x64xf32>
    %mul3A_34 = arith.mulf %mul3A_33, %add3A_30 : vector<400x64xf32>
    %swap3A_35 = arith.constant 0 : index
    %swap3A_36 = arith.constant 0 : index
    %swap3A_37 = vector.load %arg8[%swap3A_35, %swap3A_36] : memref<400x64xf32, #tpu.memory_space<vmem>>, vector<400x64xf32>
    tpu.vector_store %arg8[%swap3A_35, %swap3A_36], %mul3A_34 {strides = array<i32>} : memref<400x64xf32, #tpu.memory_space<vmem>>, vector<400x64xf32>,
    return
  }
  func.func @transform_0(%arg0: i32) -> (i32, i32) {
    %c0_i32 = arith.constant 0 : i32
    %c0_i32_0 = arith.constant 0 : i32
    return %arg0, %c0_i32 : i32, i32
  }
  func.func @transform_1(%arg0: i32) -> (i32, i32) {
    %c0_i32 = arith.constant 0 : i32
    %c0_i32_0 = arith.constant 0 : i32
    return %arg0, %c0_i32 : i32, i32
  }
  func.func @transform_2(%arg0: i32) -> (i32, i32) {
    %c0_i32 = arith.constant 0 : i32
    %c0_i32_0 = arith.constant 0 : i32
    return %arg0, %c0_i32 : i32, i32
  }
  func.func @transform_3(%arg0: i32) -> (i32, i32) {
    %c0_i32 = arith.constant 0 : i32
    %c0_i32_0 = arith.constant 0 : i32
    return %arg0, %c0_i32 : i32, i32
  }
  func.func @transform_4(%arg0: i32) -> (i32, i32) {
    %c0_i32 = arith.constant 0 : i32
    %c0_i32_0 = arith.constant 0 : i32
    return %arg0, %c0_i32 : i32, i32
  }
  func.func @transform_5(%arg0: i32) -> (i32, i32) {
    %c0_i32 = arith.constant 0 : i32
    %c0_i32_0 = arith.constant 0 : i32
    return %arg0, %c0_i32 : i32, i32
  }
  func.func @transform_6(%arg0: i32) -> (i32, i32) {
    %c0_i32 = arith.constant 0 : i32
    %c0_i32_0 = arith.constant 0 : i32
    return %arg0, %c0_i32 : i32, i32
  }
  func.func @transform_7(%arg0: i32) -> (i32, i32) {
    %c0_i32 = arith.constant 0 : i32
    %c0_i32_0 = arith.constant 0 : i32
    return %arg0, %c0_i32 : i32, i32
  }
}

module attributes {stable_mosaic.version = 14 : i64} {
  func.func @_final_body(%arg0: i32, %arg1: memref<400x64xf32, #tpu.memory_space<vmem>>, %arg2: memref<400x64xf32, #tpu.memory_space<vmem>>, %arg3: memref<400x64xf32, #tpu.memory_space<vmem>>, %arg4: memref<400x64xf32, #tpu.memory_space<vmem>>, %arg5: memref<400x16xf32, #tpu.memory_space<vmem>>, %arg6: memref<400x16xf32, #tpu.memory_space<vmem>>, %arg7: memref<400x64xf32, #tpu.memory_space<vmem>>) attributes {dimension_semantics = [#tpu.dimension_semantics<arbitrary>], iteration_bounds = array<i64: 25>, scalar_prefetch = 0 : i64, scratch_operands = 0 : i64, tpu.core_type = #tpu.core_type<tc>, window_params = [{transform_indices = @transform_0, window_bounds = array<i64: 400, 64>}, {transform_indices = @transform_1, window_bounds = array<i64: 400, 64>}, {transform_indices = @transform_2, window_bounds = array<i64: 400, 64>}, {transform_indices = @transform_3, window_bounds = array<i64: 400, 64>}, {transform_indices = @transform_4, window_bounds = array<i64: 400, 16>}, {transform_indices = @transform_5, window_bounds = array<i64: 400, 16>}, {transform_indices = @transform_6, window_bounds = array<i64: 400, 64>}]} {
    %get3A = arith.constant 0 : index
    %get3A_0 = arith.constant 0 : index
    %get3A_1 = vector.load %arg5[%get3A, %get3A_0] : memref<400x16xf32, #tpu.memory_space<vmem>>, vector<400x1xf32>
    %get3A_2 = arith.constant 0 : index
    %get3A_3 = arith.constant 0 : index
    %get3A_4 = vector.load %arg6[%get3A_2, %get3A_3] : memref<400x16xf32, #tpu.memory_space<vmem>>, vector<400x1xf32>
    %add3A = arith.addf %get3A_1, %get3A_4 : vector<400x1xf32>
    %add3A_5 = arith.constant 1.000000e+00 : f32
    %add3A_6 = vector.broadcast %add3A_5 : f32 to vector<400x1xf32>
    %add3A_7 = arith.addf %add3A, %add3A_6 : vector<400x1xf32>
    %rsqrt3A = math.rsqrt %add3A_7 : vector<400x1xf32>
    %get3A_8 = arith.constant 0 : index
    %get3A_9 = arith.constant 0 : index
    %get3A_10 = vector.load %arg1[%get3A_8, %get3A_9] : memref<400x64xf32, #tpu.memory_space<vmem>>, vector<400x64xf32>
    %get3A_11 = arith.constant 0 : index
    %get3A_12 = arith.constant 0 : index
    %get3A_13 = vector.load %arg2[%get3A_11, %get3A_12] : memref<400x64xf32, #tpu.memory_space<vmem>>, vector<400x64xf32>
    %add3A_14 = arith.addf %get3A_10, %get3A_13 : vector<400x64xf32>
    %mul3A = arith.constant 0.899999976 : f32
    %mul3A_15 = vector.broadcast %mul3A : f32 to vector<400x1xf32>
    %mul3A_16 = arith.mulf %mul3A_15, %rsqrt3A : vector<400x1xf32>
    %mul3A_17 = vector.broadcast %mul3A_16 : vector<400x1xf32> to vector<400x64xf32>
    %mul3A_18 = arith.mulf %mul3A_17, %add3A_14 : vector<400x64xf32>
    %div3A = arith.constant 0.899999976 : f32
    %div3A_19 = vector.broadcast %div3A : f32 to vector<400x1xf32>
    %div3A_20 = arith.divf %div3A_19, %add3A_7 : vector<400x1xf32>
    %get3A_21 = arith.constant 0 : index
    %get3A_22 = arith.constant 0 : index
    %get3A_23 = vector.load %arg3[%get3A_21, %get3A_22] : memref<400x64xf32, #tpu.memory_space<vmem>>, vector<400x64xf32>
    %mul3A_24 = vector.broadcast %div3A_20 : vector<400x1xf32> to vector<400x64xf32>
    %mul3A_25 = arith.mulf %mul3A_24, %get3A_23 : vector<400x64xf32>
    %add3A_26 = arith.addf %mul3A_18, %mul3A_25 : vector<400x64xf32>
    %get3A_27 = arith.constant 0 : index
    %get3A_28 = arith.constant 0 : index
    %get3A_29 = vector.load %arg4[%get3A_27, %get3A_28] : memref<400x64xf32, #tpu.memory_space<vmem>>, vector<400x64xf32>
    %add3A_30 = arith.addf %add3A_26, %get3A_29 : vector<400x64xf32>
    %reduce_max3A = arith.constant dense<0xFF800000> : vector<400xf32>
    %reduce_max3A_31 = vector.multi_reduction <maximumf>, %add3A_30, %reduce_max3A [1] : vector<400x64xf32> to vector<400xf32>
    %broadcast_in_dim3A = vector.shape_cast %reduce_max3A_31 : vector<400xf32> to vector<400x1xf32>
    %sub3A = vector.broadcast %broadcast_in_dim3A : vector<400x1xf32> to vector<400x64xf32>
    %sub3A_32 = arith.subf %add3A_30, %sub3A : vector<400x64xf32>
    %exp3A = math.exp %sub3A_32 : vector<400x64xf32>
    %reduce_sum3A = arith.constant dense<0.000000e+00> : vector<400xf32>
    %reduce_sum3A_33 = vector.multi_reduction <add>, %exp3A, %reduce_sum3A [1] : vector<400x64xf32> to vector<400xf32>
    %broadcast_in_dim3A_34 = vector.shape_cast %reduce_sum3A_33 : vector<400xf32> to vector<400x1xf32>
    %log3A = math.log %broadcast_in_dim3A_34 : vector<400x1xf32>
    %sub3A_35 = vector.broadcast %broadcast_in_dim3A : vector<400x1xf32> to vector<400x64xf32>
    %sub3A_36 = arith.subf %add3A_30, %sub3A_35 : vector<400x64xf32>
    %sub3A_37 = vector.broadcast %log3A : vector<400x1xf32> to vector<400x64xf32>
    %sub3A_38 = arith.subf %sub3A_36, %sub3A_37 : vector<400x64xf32>
    %swap3A = arith.constant 0 : index
    %swap3A_39 = arith.constant 0 : index
    %swap3A_40 = vector.load %arg7[%swap3A, %swap3A_39] : memref<400x64xf32, #tpu.memory_space<vmem>>, vector<400x64xf32>
    tpu.vector_store %arg7[%swap3A, %swap3A_39], %sub3A_38 {strides = array<i32>} : memref<400x64xf32, #tpu.memory_space<vmem>>, vector<400x64xf32>,
    return
  }
  func.func @transform_0(%arg0: i32) -> (i32, i32) {
    %c0_i32 = arith.constant 0 : i32
    %c0_i32_0 = arith.constant 0 : i32
    return %arg0, %c0_i32 : i32, i32
  }
  func.func @transform_1(%arg0: i32) -> (i32, i32) {
    %c0_i32 = arith.constant 0 : i32
    %c0_i32_0 = arith.constant 0 : i32
    return %arg0, %c0_i32 : i32, i32
  }
  func.func @transform_2(%arg0: i32) -> (i32, i32) {
    %c0_i32 = arith.constant 0 : i32
    %c0_i32_0 = arith.constant 0 : i32
    return %arg0, %c0_i32 : i32, i32
  }
  func.func @transform_3(%arg0: i32) -> (i32, i32) {
    %c0_i32 = arith.constant 0 : i32
    %c0_i32_0 = arith.constant 0 : i32
    return %arg0, %c0_i32 : i32, i32
  }
  func.func @transform_4(%arg0: i32) -> (i32, i32) {
    %c0_i32 = arith.constant 0 : i32
    %c0_i32_0 = arith.constant 0 : i32
    return %arg0, %c0_i32 : i32, i32
  }
  func.func @transform_5(%arg0: i32) -> (i32, i32) {
    %c0_i32 = arith.constant 0 : i32
    %c0_i32_0 = arith.constant 0 : i32
    return %arg0, %c0_i32 : i32, i32
  }
  func.func @transform_6(%arg0: i32) -> (i32, i32) {
    %c0_i32 = arith.constant 0 : i32
    %c0_i32_0 = arith.constant 0 : i32
    return %arg0, %c0_i32 : i32, i32
  }
}

</mosaic_0001>

<sc_bundles>
// kernel: kernel.25.cloned.1.call-start
scs
__scs_entry_jumppad:
0x0: {  	(pc) =	sbr.rel $0x88, $3  }
0x1: {  	(tag) =	ssettag $0x0;
	lr =	simm.s32 $0x1  }
0x2: {  	[smem:$0x3F9B] =	sst lr;
	_ =	strace $0xD0000000  }
0x3: {  	_ = 	snop  }
0x4: {  	_ = 	snop  }
0x5: {  	_ = 	snop  }
0x6: {  	_ = 	snop  }
0x7: {  	_ = 	snop  }
__scs_overlays_trampoline_lowered:
0x8: {  	[smem:$0x3FAA] =	sst s0  }
0x9: {  	[smem:$0x3FAB] =	sst s1  }
0xa: {  	[smem:$0x3FAC] =	sst s2  }
0xb: {  	[smem:$0x3FAD] =	sst s3  }
0xc: {  	[smem:$0x3FAE] =	sst s4  }
0xd: {  	[smem:$0x3FAF] =	sst s5  }
0xe: {  	[smem:$0x3FB0] =	sst s6  }
0xf: {  	[smem:$0x3FB1] =	sst s7  }
0x10: {  	[smem:$0x3FB2] =	sst s8  }
0x11: {  	[smem:$0x3FB3] =	sst s9;
	s0 =	simm.s32 @!p0 $0x0  }
0x12: {  	s1 =	sld [smem:$0x3F99];
	s0 =	simm.s32 @p0 $0x1  }
0x13: {  	[smem:$0x3FB4] =	sst s0;
	s0 =	simm.s32 @!p1 $0x0  }
0x14: {  	s2 =	sld [smem:$0x3F98];
	s0 =	simm.s32 @p1 $0x1  }
0x15: {  	[smem:$0x3FB5] =	sst s0;
	s0 =	simm.s32 @!p2 $0x0  }
0x16: {  	s3 =	sld [smem:$0x3FDB];
	s0 =	simm.s32 @p2 $0x1  }
0x17: {  	s4 =	simm.s32 $0x1BF5;
	[smem:$0x3FB7] =	sst s0  }
0x18: {  	s0 =	sld [smem:$0x3F9A];
	_ =	swait.ge [sflag:s4], $0x0  }
0x19: {  	s7 =	sld [smem:$0x3F9B]  }
0x1a: {  	s8 =	sadd.s32 $0xFFFFE003, lr  }
0x1b: {  	s9 =	sadd.s32 $0xFFFFFEF7, lr;
	s5 =	simm.s32 $0xFFFFFFFF;
	p2 =	slt.u32 s8, $0xFFFFF086  }
0x1c: {  	p1 =	slt.u32 s9, $0xF7A;
	s5 =	simm.s32 @!p2 $0x0  }
0x1d: {  	s5 =	simm.s32 @p1 $0x1;
	p0 =	seq.s32 s7, s2  }
0x1e: {  	s7 =	smul.u32 @!p0 $0xF7A, s2;
	p2 =	seq.s32 @!p0 s5, $0x0  }
0x1f: {  	s9 =	smul.u32 $0xF7A, s1;
	s8 =	simm.s32 @!p0 $0x1BF5;
	p2 =	por !p2, p0  }
0x20: {  	[sflag:s8] =	ssyncset.s32 @!p0 $0xFFFFF086;
	s6 =	sadd.s32 @!p0 s3, s7;
	s7 =	simm.s32 @!p0 $0x108  }
0x21: {  	s3 =	sadd.s32 s3, s9;
	s6 =	sadd.s32 @!p0 $0x88, s6;
	s7 =	simm.s32 @p2 $0x1082  }
0x22: {  	[simem:s7], [sflag:s8] =	dma.local @!p0 [hbm:s6], $0xF7A  }
0x23: {  	s9 =	sor.u32 $0xD0000000, s2;
	s6 =	simm.s32 $0x108;
	_ =	swait.ge @!p0 [sflag:s8], $0x0  }
0x24: {  	s3 =	sadd.s32 $0x88, s3;
	s6 =	simm.s32 @!p1 $0x1082;
	[sflag:s4] =	ssyncset.s32 $0xFFFFF086  }
0x25: {  	[simem:s6], [sflag:s4] =	dma.local [hbm:s3], $0xF7A  }
0x26: {  	[smem:$0x3F9B] =	sst s1;
	(tag) =	ssettag s2;
	_ =	strace s9  }
0x27: {  	s1 =	sld [smem:$0x3FAB]  }
0x28: {  	s2 =	sld [smem:$0x3FAC]  }
0x29: {  	s4 =	sld [smem:$0x3FAE]  }
0x2a: {  	p0 =	seq.s32 s5, $0x0;
	s5 =	sld [smem:$0x3FAF]  }
0x2b: {  	s6 =	sld [smem:$0x3FB0]  }
0x2c: {  	s7 =	sld [smem:$0x3FB1]  }
0x2d: {  	s3 =	simm.s32 $0x108;
	s8 =	sld [smem:$0x3FB2]  }
0x2e: {  	s3 =	simm.s32 @!p0 $0x1082;
	s9 =	sld [smem:$0x3FB3]  }
0x2f: {  	lr =	sadd.s32 s0, s3;
	s0 =	sld [smem:$0x3FAA]  }
0x30: {  	s3 =	sld [smem:$0x3FAD]  }
0x31: {  	[smem:$0x3FB6] =	sst s10  }
0x32: {  	s10 =	sld [smem:$0x3FB4];
	_ =	sdelay $0x3  }
0x33: {  	p0 =	seq.s32 s10, $0x1;
	s10 =	sld [smem:$0x3FB6];
	_ =	sdelay $0x3  }
0x34: {  	[smem:$0x3FB6] =	sst s10  }
0x35: {  	s10 =	sld [smem:$0x3FB5];
	_ =	sdelay $0x3  }
0x36: {  	p1 =	seq.s32 s10, $0x1;
	s10 =	sld [smem:$0x3FB6];
	_ =	sdelay $0x3  }
0x37: {  	[smem:$0x3FB6] =	sst s10  }
0x38: {  	s10 =	sld [smem:$0x3FB7]  }
0x39: {  	_ = 	snop;
	(pc) =	sbr.ind lr, $3  }
0x3a: {  	_ = 	snop  }
0x3b: {  	_ = 	snop  }
0x3c: {  	p2 =	seq.s32 s10, $0x1;
	s10 =	sld [smem:$0x3FB6]  }
0x3d: {  	_ =	shalt  }
0x3e: {  	_ =	shalt  }
0x3f: {  	_ =	shalt  }
0x40: {  	_ =	shalt  }
0x41: {  	_ =	shalt  }
0x42: {  	_ =	shalt  }
0x43: {  	_ =	shalt  }
0x44: {  	_ =	shalt  }
0x45: {  	_ =	shalt  }
0x46: {  	_ =	shalt  }
0x47: {  	_ =	shalt  }
0x48: {  	_ =	shalt  }
0x49: {  	_ =	shalt  }
0x4a: {  	_ =	shalt  }
0x4b: {  	_ =	shalt  }
0x4c: {  	_ =	shalt  }
0x4d: {  	_ =	shalt  }
0x4e: {  	_ =	shalt  }
0x4f: {  	_ =	shalt  }
0x50: {  	_ =	shalt  }
0x51: {  	_ =	shalt  }
0x52: {  	_ =	shalt  }
0x53: {  	_ =	shalt  }
0x54: {  	_ =	shalt  }
0x55: {  	_ =	shalt  }
0x56: {  	_ =	shalt  }
0x57: {  	_ =	shalt  }
0x58: {  	_ =	shalt  }
0x59: {  	_ =	shalt  }
0x5a: {  	_ =	shalt  }
0x5b: {  	_ =	shalt  }
0x5c: {  	_ =	shalt  }
0x5d: {  	_ =	shalt  }
0x5e: {  	_ =	shalt  }
0x5f: {  	_ =	shalt  }
0x60: {  	_ =	shalt  }
0x61: {  	_ =	shalt  }
0x62: {  	_ =	shalt  }
0x63: {  	_ =	shalt  }
0x64: {  	_ =	shalt  }
0x65: {  	_ =	shalt  }
0x66: {  	_ =	shalt  }
0x67: {  	_ =	shalt  }
0x68: {  	_ =	shalt  }
0x69: {  	_ =	shalt  }
0x6a: {  	_ =	shalt  }
0x6b: {  	_ =	shalt  }
0x6c: {  	_ =	shalt  }
0x6d: {  	_ =	shalt  }
0x6e: {  	_ =	shalt  }
0x6f: {  	_ =	shalt  }
0x70: {  	_ =	shalt  }
0x71: {  	_ =	shalt  }
0x72: {  	_ =	shalt  }
0x73: {  	_ =	shalt  }
0x74: {  	_ =	shalt  }
0x75: {  	_ =	shalt  }
0x76: {  	_ =	shalt  }
0x77: {  	_ =	shalt  }
0x78: {  	_ =	shalt  }
0x79: {  	_ =	shalt  }
0x7a: {  	_ =	shalt  }
0x7b: {  	_ =	shalt  }
0x7c: {  	_ =	shalt  }
0x7d: {  	_ =	shalt  }
0x7e: {  	_ =	shalt  }
0x7f: {  	_ =	shalt  }
0x80: {  	_ =	shalt  }
0x81: {  	_ =	shalt  }
0x82: {  	_ =	shalt  }
0x83: {  	_ =	shalt  }
0x84: {  	_ =	shalt  }
0x85: {  	_ =	shalt  }
0x86: {  	_ =	shalt  }
0x87: {  	_ =	shalt  }
.Lfunc_end0:
.L_simem_size_0:
called_computation_lowered:
.L_overlay_start_0:
0x88: {  	s2 =	sld [smem:$0x3FD9]  }
0x89: {  	s3 =	sld [smem:$0x3FFE];
	_ =	sdelay $0x1  }
0x8a: {  	s1 =	srdreg.scid  }
0x8b: {  	s0 =	sand.u32 $0x1, s1  }
0x8c: {  	s17 =	sshll.u32 s0, $0xA;
	s2 =	sadd.s32 s3, s2  }
0x8d: {  	s2 =	sadd.s32 s2, s17  }
0x8e: {  	[smem:$0x3FC2] =	sst s2  }
0x8f: {  	_ = 	snop  }
0x90: {  	s2 =	sld [smem:$0x3FD0];
	(tm) =	ssettm $0x1  }
0x91: {  	s18 =	sld [smem:$0x3FFB];
	_ =	sdelay $0x3  }
0x92: {  	_ =	strace s18  }
0x93: {  	s3 =	sld [smem:$0x3FFC];
	_ =	sdelay $0x3  }
0x94: {  	_ =	strace s3  }
0x95: {  	s3 =	sld [smem:$0x3FFD];
	_ =	sdelay $0x3  }
0x96: {  	_ =	strace s3  }
0x97: {  	_ =	strace $0x8FFFFFFF  }
0x98: {  	s19 =	sld [smem:$0x3FDB];
	_ =	sdelay $0x1  }
0x99: {  	s4 =	simm.s32 $_scs_section_size  }
0x9a: {  	s5 =	simm.s32 $_size__tile_overlayer_lowered;
	s6 =	simm.s32 $_tile_overlayer_lowered  }
0x9b: {  	s22 =	simm.s32 $0x1BFF;
	s21 =	sshll.u32 s6, $0x1;
	s3 =	sadd.s32 s4, s19  }
0x9c: {  	s7 =	simm.s32 $0x0;
	s20 =	sshll.u32 s5, $0x1;
	s5 =	sadd.s32 s21, s3  }
0x9d: {  	[timem:s7], [sflag:s22] =	dma.local [hbm:s5], s20  }
0x9e: {  	_ =	swait.ge [sflag:s22], s20  }
0x9f: {  	s4 =	ssub.s32 $0x0, s20;
	[sflag:s22] =	ssyncset.done $0x0  }
0xa0: {  	[sflag:s22] =	ssyncadd.s32 s4;
	_ =	sdelay $0x1  }
0xa1: {  	s23 =	simm.s32 $0x1B8B  }
0xa2: {  	_ =	swait.ge [sflag:s23], $0x1  }
0xa3: {  	[sflag:s23] =	ssyncset.done $0x0  }
0xa4: {  	s25 =	simm.s32 $0x1B8E;
	s24 =	sld [smem:$0x3FFE];
	[sflag:s23] =	ssyncadd.s32 $0xFFFFFFFF  }
0xa5: {  	s26 =	simm.s32 $execute0_lowered;
	[smem:$0x3FD2] =	sst s25  }
0xa6: {  	s5 =	sshll.u32 s26, $0x1;
	_ =	strace $0x80000046;
	[dreg:$0x1] =	wrdreg $0xFFFFFFFF  }
0xa7: {  	s28 =	simm.s32 $_size_execute0_lowered;
	s3 =	sadd.s32 s3, s5;
	[dreg:$0x0] =	wrdreg $0x0  }
0xa8: {  	s5 =	sshll.u32 s28, $0x1;
	[dreg:$0x2] =	wrdreg s3  }
0xa9: {  	[dreg:$0x3] =	wrdreg s5  }
0xaa: {  	[dreg:$0x4] =	wrdreg $0xC0  }
0xab: {  	_ =	task [dreg:s7], $0x5FFFF  }
0xac: {  	[dreg:$0x1] =	wrdreg $0xFFFFFFFF  }
0xad: {  	[dreg:$0x0] =	wrdreg $0x60  }
0xae: {  	[dreg:$0x2] =	wrdreg s24  }
0xaf: {  	[dreg:$0x3] =	wrdreg s2  }
0xb0: {  	[dreg:$0x4] =	wrdreg $0x60000  }
0xb1: {  	[dreg:$0x5] =	wrdreg $0x9  }
0xb2: {  	_ =	task.clear_ibuf [dreg:s7], $0x6FFFF;
	_ =	strace $0x90000046  }
0xb3: {  	s29 =	simm.s32 $0x9;
	_ =	strace $0x80000048  }
0xb4: {  	_ =	swait.ge [sflag:s29], $0x1  }
0xb5: {  	[sflag:s29] =	ssyncadd.s32 $0xFFFFFFFF  }
0xb6: {  	_ =	strace $0x90000048  }
0xb7: {  	_ =	sfence  }
0xb8: {  	s30 =	sld [smem:$0x0];
	_ =	sdelay $0x2  }
0xb9: {  	s31 =	sshll.u32 s1, $0xD;
	s1 =	sshrl.u32 s1, $0x2  }
0xba: {  	s3 =	sand.u32 $0x4000, s31;
	s1 =	sadd.s32 s1, s30  }
0xbb: {  	s0 =	sor.u32 s3, s0;
	s1 =	sshll.u32 s1, $0x11  }
0xbc: {  	s0 =	sor.u32 s1, s0  }
0xbd: {  	s0 =	sadd.s32 $0x8F2B, s0  }
0xbe: {  	[sflag:s0] =	ssyncadd.remote.s32 $0x1  }
0xbf: {  	_ =	sfence.sel $0xFFFF  }
0xc0: {  	[dreg:$0x0] =	wrdreg $0xFFFFFFFF;
	(pc) =	sbr.abs _section_cstart, $3  }
0xc1: {  	[dreg:$0x1] =	wrdreg $0xFFFFFFFF  }
0xc2: {  	_ =	task.clear_ibuf [dreg:s7], $0x2FFFF;
	_ =	strace $0x9FFFFFFF  }
0xc3: {  	(tm) =	ssettm $0x7FFFFFFF  }
tec
execute0_lowered:
.L_overlay_start_1:
0x0: {  	(tag) =	ssettag $0x1  }
0x1: {  	s5 =	rddreg [dreg:$0x0]  }
0x2: {  	s0 =	srdreg.scid;
	s8 =	rddreg [dreg:$0x1]  }
0x3: {  	s2 =	rddreg [dreg:$0x2];
	s1 =	stileid.u32  }
0x4: {  	s3 =	simm.s32 $0x0;
	s14 =	simm.s32 $0x80;
	s15 =	simm.s32 $0x5000  }
0x5: {  	s16 =	simm.s32 $0x5800;
	s17 =	simm.s32 $0x1;
	s18 =	simm.s32 $0x2  }
0x6: {  	s19 =	simm.s32 $0x4F00;
	s4 =	sand.u32 $0x1, s0;
	s0 =	rddreg [dreg:$0x3]  }
0x7: {  	s20 =	simm.s32 $0x4F80;
	s21 =	simm.s32 $0x0;
	[smem:$0x7FF] =	sst s3  }
0x8: {  	s9 =	smul.u32 $0x2780, s1;
	s12 =	sshll.u32 s1, $0x6;
	s6 =	sshll.u32 s4, $0x4  }
0x9: {  	_ =	strace $0x80000047;
	s30 =	ssub.s32 $0x2, s4;
	s10 =	smul.u32 $0x27800, s4  }
0xa: {  	s4 =	sadd.s32 $0x1BE00, s5;
	s12 =	sor.u32 $0x1C03, s12;
	s6 =	sor.u32 s1, s6  }
0xb: {  	s11 =	sshrl.u32 s30, $0x1;
	s13 =	sadd.s32 s9, s2;
	s6 =	smul.u32 $0x500, s6  }
0xc: {  	s11 =	ssub.s32 s30, s11;
	s10 =	sadd.s32 s9, s10;
	s13 =	sshrl.u32 s13, $0x3  }
0xd: {  	s31 =	sshrl.u32 s10, $0x3;
	s9 =	smax.u32 s11, $0x1;
	s10 =	simm.s32 $0x3  }
0xe: {  	s11 =	simm.s32 $0x2800;
	s7 =	sadd.s32 s6, s5;
	s5 =	sadd.s32 $0x1B800, s5  }
0xf: {  	s8 =	sadd.s32 s8, s31;
	s6 =	sadd.s32 $0x11800, s7;
	s7 =	sadd.s32 $0x7800, s7  }
.LBB2_1:
0x10: {  	[tilespmem:s3], [sflag:$0x3] =	stream.linear.gather [hbm4b:s6+s3], $0x2800, $0x38;
	[tilespmem:$0x8780] =	vst v63  }
0x11: {  	_ =	swait.ge [sflag:s10], $0x2800  }
0x12: {  	[sflag:s10] =	ssyncset.done $0x0  }
0x13: {  	[sflag:s10] =	ssyncadd.s32 $0xFFFFD800  }
0x14: {  	[tilespmem:s11], [sflag:$0x3] =	stream.linear.gather [hbm4b:s7+s3], $0x2800, $0x38;
	[tilespmem:$0x8780] =	vst v63  }
0x15: {  	_ =	swait.ge [sflag:s10], $0x2800  }
0x16: {  	[sflag:s10] =	ssyncset.done $0x0  }
0x17: {  	[sflag:s10] =	ssyncadd.s32 $0xFFFFD800  }
0x18: {  	[spmem:s13], [sflag:s12] =	dma.local [hbm:s5], $0x4F0  }
0x19: {  	_ =	swait.ge [sflag:s10], $0x4F0  }
0x1a: {  	[sflag:s10] =	ssyncset.done $0x0  }
0x1b: {  	[sflag:s10] =	ssyncadd.s32 $0xFFFFFB10  }
0x1c: {  	[bflag:$0x0] =	sbarrier.arrive $0xFFFF  }
0x1d: {  	[tilespmem:s15], [sflag:$0x1] =	stream.indirect.gather [hbm4b:s4+s14], $0x10, s3, s14, $0xb8;
	[tilespmem:$0x8780] =	vst v63  }
0x1e: {  	_ = 	snop  }
0x1f: {  	[tilespmem:s16], [sflag:$0x2] =	stream.indirect.gather [hbm4b:s4+s14], $0x10, s14, s14, $0xb8;
	[tilespmem:$0x8780] =	vst v63  }
0x20: {  	_ =	swait.ge [sflag:s17], $0x800  }
0x21: {  	[sflag:s17] =	ssyncset.done $0x0  }
0x22: {  	s22 =	simm.s32 $0x2800;
	[sflag:s17] =	ssyncadd.s32 $0xFFFFF800  }
0x23: {  	[spmem:s2] =	stream.indirect.scatter.add.f32 [tilespmem:s15], [sflag:$0x3], $0x10, s22, s14, $0xb8;
	[tilespmem:$0x8780] =	vst v63  }
0x24: {  	_ =	swait.ge [sflag:s10], $0x800  }
0x25: {  	[sflag:s10] =	ssyncset.done $0x0  }
0x26: {  	s30 =	simm.s32 $0x100;
	[sflag:s10] =	ssyncadd.s32 $0xFFFFF800  }
0x27: {  	[tilespmem:s15], [sflag:$0x1] =	stream.indirect.gather [hbm4b:s4+s14], $0x10, s30, s14, $0xb8;
	[tilespmem:$0x8780] =	vst v63  }
0x28: {  	_ =	swait.ge [sflag:s18], $0x800  }
0x29: {  	[sflag:s18] =	ssyncset.done $0x0  }
0x2a: {  	s31 =	simm.s32 $0x2880;
	[sflag:s18] =	ssyncadd.s32 $0xFFFFF800  }
0x2b: {  	[spmem:s2] =	stream.indirect.scatter.add.f32 [tilespmem:s16], [sflag:$0x3], $0x10, s31, s14, $0xb8;
	[tilespmem:$0x8780] =	vst v63  }
0x2c: {  	_ =	swait.ge [sflag:s10], $0x800  }
0x2d: {  	[sflag:s10] =	ssyncset.done $0x0  }
0x2e: {  	s23 =	simm.s32 $0x180;
	s22 =	simm.s32 $0x400;
	[sflag:s10] =	ssyncadd.s32 $0xFFFFF800  }
.LBB2_2:
0x2f: {  	[tilespmem:s16], [sflag:$0x2] =	stream.indirect.gather [hbm4b:s4+s14], $0x10, s23, s14, $0xb8;
	[tilespmem:$0x8780] =	vst v63  }
0x30: {  	s23 =	smov.u32 s22  }
0x31: {  	p0 =	sne.s32 s22, $0x9800;
	s22 =	sadd.s32 $0x400, s22;
	_ =	swait.ge [sflag:s17], $0x800  }
0x32: {  	s23 =	sshra.s32 s23, $0x2;
	[sflag:s17] =	ssyncset.done $0x0  }
0x33: {  	s24 =	sadd.s32 $0x2800, s23;
	[sflag:s17] =	ssyncadd.s32 $0xFFFFF800  }
0x34: {  	[spmem:s2] =	stream.indirect.scatter.add.f32 [tilespmem:s15], [sflag:$0x3], $0x10, s24, s14, $0xb8;
	[tilespmem:$0x8780] =	vst v63  }
0x35: {  	_ =	swait.ge [sflag:s10], $0x800  }
0x36: {  	[sflag:s10] =	ssyncset.done $0x0  }
0x37: {  	s24 =	sadd.s32 $0x100, s23;
	[sflag:s10] =	ssyncadd.s32 $0xFFFFF800  }
0x38: {  	[tilespmem:s15], [sflag:$0x1] =	stream.indirect.gather [hbm4b:s4+s14], $0x10, s24, s14, $0xb8;
	[tilespmem:$0x8780] =	vst v63  }
0x39: {  	_ =	swait.ge [sflag:s18], $0x800  }
0x3a: {  	[sflag:s18] =	ssyncset.done $0x0  }
.Ltmp0:
0x3b: {  	s24 =	sadd.s32 $0x2880, s23;
	[sflag:s18] =	ssyncadd.s32 $0xFFFFF800;
	(pc) =	sbr.rel @p0 .LBB2_2-.Ltmp0, $4  }
0x3c: {  	[spmem:s2] =	stream.indirect.scatter.add.f32 [tilespmem:s16], [sflag:$0x3], $0x10, s24, s14, $0xb8;
	[tilespmem:$0x8780] =	vst v63  }
0x3d: {  	_ =	swait.ge [sflag:s10], $0x800  }
0x3e: {  	[sflag:s10] =	ssyncset.done $0x0  }
0x3f: {  	s23 =	sadd.s32 $0x180, s23;
	[sflag:s10] =	ssyncadd.s32 $0xFFFFF800  }
0x40: {  	[tilespmem:s16], [sflag:$0x2] =	stream.indirect.gather [hbm4b:s4+s14], $0x10, s23, s14, $0xb8;
	[tilespmem:$0x8780] =	vst v63  }
0x41: {  	_ =	swait.ge [sflag:s17], $0x800  }
0x42: {  	[sflag:s17] =	ssyncset.done $0x0  }
0x43: {  	[sflag:s17] =	ssyncadd.s32 $0xFFFFF800  }
0x44: {  	[spmem:s2] =	stream.indirect.scatter.add.f32 [tilespmem:s15], [sflag:$0x3], $0x10, s19, s14, $0xb8;
	[tilespmem:$0x8780] =	vst v63  }
0x45: {  	_ =	swait.ge [sflag:s10], $0x800  }
0x46: {  	[sflag:s10] =	ssyncset.done $0x0  }
0x47: {  	[sflag:s10] =	ssyncadd.s32 $0xFFFFF800  }
0x48: {  	_ =	swait.ge [sflag:s18], $0x800  }
0x49: {  	[sflag:s18] =	ssyncset.done $0x0  }
0x4a: {  	[sflag:s18] =	ssyncadd.s32 $0xFFFFF800  }
0x4b: {  	[spmem:s2] =	stream.indirect.scatter.add.f32 [tilespmem:s16], [sflag:$0x3], $0x10, s20, s14, $0xb8;
	[tilespmem:$0x8780] =	vst v63  }
0x4c: {  	_ =	swait.ge [sflag:s10], $0x800  }
0x4d: {  	s21 =	sadd.s32 $0x1, s21;
	[sflag:s10] =	ssyncset.done $0x0  }
0x4e: {  	p0 =	sne.s32 s21, s9;
	[sflag:s10] =	ssyncadd.s32 $0xFFFFF800  }
.Ltmp1:
0x4f: {  	[bflag:$0x0] =	sbarrier.arrive $0xFFFF;
	(pc) =	sbr.rel @p0 .LBB2_1-.Ltmp1, $4  }
0x50: {  	[hbm:s8], [sflag:s12] =	dma.local [spmem:s13], $0x4F0  }
0x51: {  	_ =	swait.ge [sflag:s10], $0x4F0  }
0x52: {  	[sflag:s10] =	ssyncset.done $0x0  }
0x53: {  	[sflag:s10] =	ssyncadd.s32 $0xFFFFFB10  }
0x54: {  	_ =	sfence.sel $0x180000  }
0x55: {  	[bflag:$0x0] =	sbarrier.arrive $0xFFFF  }
0x56: {  	p0 =	sne.s32 s1, $0x0;
	_ =	strace $0x90000047  }
0x57: {  	s0 =	sadd.s32 @!p0 $0x100000, s0;
	[bflag:$0x2] =	sbarrier.arrive $0xFFFF  }
0x58: {  	[sflag:s0] =	ssyncadd.tile.s32 @!p0 $0x1;
	_ =	shalt  }
.Lfunc_end2:
_tile_overlayer_lowered:
.L_overlay_start_2:
0x59: {  	(tag) =	ssettag $0x2  }
0x5a: {  	s0 =	rddreg [dreg:$0x0];
	s2 =	stileid.u32  }
0x5b: {  	s1 =	rddreg [dreg:$0x1];
	p0 =	sne.s32 s2, $0x0  }
0x5c: {  	s3 =	rddreg [dreg:$0x2];
	[bflag:$0x3] =	sbarrier.arrive $0xFFFF;
	s2 =	simm.s32 @!p0 $0x1C03  }
0x5d: {  	[timem:s3], [sflag:s2] =	dma.local @!p0 [hbm:s0], s1  }
0x5e: {  	s0 =	simm.s32 @!p0 $0x3  }
0x5f: {  	_ =	swait.ge @!p0 [sflag:s0], s1  }
0x60: {  	s1 =	ssub.s32 @!p0 $0x0, s1;
	[sflag:s0] =	ssyncset.done @!p0 $0x0  }
0x61: {  	[sflag:s0] =	ssyncadd.s32 @!p0 s1  }
0x62: {  	[bflag:$0x3] =	sbarrier.arrive $0xFFFF  }
0x63: {  	_ =	shalt  }

// kernel: kernel.28.cloned.1.call-start
scs
__scs_entry_jumppad:
0x0: {  	(pc) =	sbr.rel $0x88, $3  }
0x1: {  	(tag) =	ssettag $0x0;
	lr =	simm.s32 $0x1  }
0x2: {  	[smem:$0x3F9B] =	sst lr;
	_ =	strace $0xD0000000  }
0x3: {  	_ = 	snop  }
0x4: {  	_ = 	snop  }
0x5: {  	_ = 	snop  }
0x6: {  	_ = 	snop  }
0x7: {  	_ = 	snop  }
__scs_overlays_trampoline_lowered:
0x8: {  	[smem:$0x3FAA] =	sst s0  }
0x9: {  	[smem:$0x3FAB] =	sst s1  }
0xa: {  	[smem:$0x3FAC] =	sst s2  }
0xb: {  	[smem:$0x3FAD] =	sst s3  }
0xc: {  	[smem:$0x3FAE] =	sst s4  }
0xd: {  	[smem:$0x3FAF] =	sst s5  }
0xe: {  	[smem:$0x3FB0] =	sst s6  }
0xf: {  	[smem:$0x3FB1] =	sst s7  }
0x10: {  	[smem:$0x3FB2] =	sst s8  }
0x11: {  	[smem:$0x3FB3] =	sst s9;
	s0 =	simm.s32 @!p0 $0x0  }
0x12: {  	s1 =	sld [smem:$0x3F99];
	s0 =	simm.s32 @p0 $0x1  }
0x13: {  	[smem:$0x3FB4] =	sst s0;
	s0 =	simm.s32 @!p1 $0x0  }
0x14: {  	s2 =	sld [smem:$0x3F98];
	s0 =	simm.s32 @p1 $0x1  }
0x15: {  	[smem:$0x3FB5] =	sst s0;
	s0 =	simm.s32 @!p2 $0x0  }
0x16: {  	s3 =	sld [smem:$0x3FDB];
	s0 =	simm.s32 @p2 $0x1  }
0x17: {  	s4 =	simm.s32 $0x1BF5;
	[smem:$0x3FB7] =	sst s0  }
0x18: {  	s0 =	sld [smem:$0x3F9A];
	_ =	swait.ge [sflag:s4], $0x0  }
0x19: {  	s7 =	sld [smem:$0x3F9B]  }
0x1a: {  	s8 =	sadd.s32 $0xFFFFE003, lr  }
0x1b: {  	s9 =	sadd.s32 $0xFFFFFEF7, lr;
	s5 =	simm.s32 $0xFFFFFFFF;
	p2 =	slt.u32 s8, $0xFFFFF086  }
0x1c: {  	p1 =	slt.u32 s9, $0xF7A;
	s5 =	simm.s32 @!p2 $0x0  }
0x1d: {  	s5 =	simm.s32 @p1 $0x1;
	p0 =	seq.s32 s7, s2  }
0x1e: {  	s7 =	smul.u32 @!p0 $0xF7A, s2;
	p2 =	seq.s32 @!p0 s5, $0x0  }
0x1f: {  	s9 =	smul.u32 $0xF7A, s1;
	s8 =	simm.s32 @!p0 $0x1BF5;
	p2 =	por !p2, p0  }
0x20: {  	[sflag:s8] =	ssyncset.s32 @!p0 $0xFFFFF086;
	s6 =	sadd.s32 @!p0 s3, s7;
	s7 =	simm.s32 @!p0 $0x108  }
0x21: {  	s3 =	sadd.s32 s3, s9;
	s6 =	sadd.s32 @!p0 $0x88, s6;
	s7 =	simm.s32 @p2 $0x1082  }
0x22: {  	[simem:s7], [sflag:s8] =	dma.local @!p0 [hbm:s6], $0xF7A  }
0x23: {  	s9 =	sor.u32 $0xD0000000, s2;
	s6 =	simm.s32 $0x108;
	_ =	swait.ge @!p0 [sflag:s8], $0x0  }
0x24: {  	s3 =	sadd.s32 $0x88, s3;
	s6 =	simm.s32 @!p1 $0x1082;
	[sflag:s4] =	ssyncset.s32 $0xFFFFF086  }
0x25: {  	[simem:s6], [sflag:s4] =	dma.local [hbm:s3], $0xF7A  }
0x26: {  	[smem:$0x3F9B] =	sst s1;
	(tag) =	ssettag s2;
	_ =	strace s9  }
0x27: {  	s1 =	sld [smem:$0x3FAB]  }
0x28: {  	s2 =	sld [smem:$0x3FAC]  }
0x29: {  	s4 =	sld [smem:$0x3FAE]  }
0x2a: {  	p0 =	seq.s32 s5, $0x0;
	s5 =	sld [smem:$0x3FAF]  }
0x2b: {  	s6 =	sld [smem:$0x3FB0]  }
0x2c: {  	s7 =	sld [smem:$0x3FB1]  }
0x2d: {  	s3 =	simm.s32 $0x108;
	s8 =	sld [smem:$0x3FB2]  }
0x2e: {  	s3 =	simm.s32 @!p0 $0x1082;
	s9 =	sld [smem:$0x3FB3]  }
0x2f: {  	lr =	sadd.s32 s0, s3;
	s0 =	sld [smem:$0x3FAA]  }
0x30: {  	s3 =	sld [smem:$0x3FAD]  }
0x31: {  	[smem:$0x3FB6] =	sst s10  }
0x32: {  	s10 =	sld [smem:$0x3FB4];
	_ =	sdelay $0x3  }
0x33: {  	p0 =	seq.s32 s10, $0x1;
	s10 =	sld [smem:$0x3FB6];
	_ =	sdelay $0x3  }
0x34: {  	[smem:$0x3FB6] =	sst s10  }
0x35: {  	s10 =	sld [smem:$0x3FB5];
	_ =	sdelay $0x3  }
0x36: {  	p1 =	seq.s32 s10, $0x1;
	s10 =	sld [smem:$0x3FB6];
	_ =	sdelay $0x3  }
0x37: {  	[smem:$0x3FB6] =	sst s10  }
0x38: {  	s10 =	sld [smem:$0x3FB7]  }
0x39: {  	_ = 	snop;
	(pc) =	sbr.ind lr, $3  }
0x3a: {  	_ = 	snop  }
0x3b: {  	_ = 	snop  }
0x3c: {  	p2 =	seq.s32 s10, $0x1;
	s10 =	sld [smem:$0x3FB6]  }
0x3d: {  	_ =	shalt  }
0x3e: {  	_ =	shalt  }
0x3f: {  	_ =	shalt  }
0x40: {  	_ =	shalt  }
0x41: {  	_ =	shalt  }
0x42: {  	_ =	shalt  }
0x43: {  	_ =	shalt  }
0x44: {  	_ =	shalt  }
0x45: {  	_ =	shalt  }
0x46: {  	_ =	shalt  }
0x47: {  	_ =	shalt  }
0x48: {  	_ =	shalt  }
0x49: {  	_ =	shalt  }
0x4a: {  	_ =	shalt  }
0x4b: {  	_ =	shalt  }
0x4c: {  	_ =	shalt  }
0x4d: {  	_ =	shalt  }
0x4e: {  	_ =	shalt  }
0x4f: {  	_ =	shalt  }
0x50: {  	_ =	shalt  }
0x51: {  	_ =	shalt  }
0x52: {  	_ =	shalt  }
0x53: {  	_ =	shalt  }
0x54: {  	_ =	shalt  }
0x55: {  	_ =	shalt  }
0x56: {  	_ =	shalt  }
0x57: {  	_ =	shalt  }
0x58: {  	_ =	shalt  }
0x59: {  	_ =	shalt  }
0x5a: {  	_ =	shalt  }
0x5b: {  	_ =	shalt  }
0x5c: {  	_ =	shalt  }
0x5d: {  	_ =	shalt  }
0x5e: {  	_ =	shalt  }
0x5f: {  	_ =	shalt  }
0x60: {  	_ =	shalt  }
0x61: {  	_ =	shalt  }
0x62: {  	_ =	shalt  }
0x63: {  	_ =	shalt  }
0x64: {  	_ =	shalt  }
0x65: {  	_ =	shalt  }
0x66: {  	_ =	shalt  }
0x67: {  	_ =	shalt  }
0x68: {  	_ =	shalt  }
0x69: {  	_ =	shalt  }
0x6a: {  	_ =	shalt  }
0x6b: {  	_ =	shalt  }
0x6c: {  	_ =	shalt  }
0x6d: {  	_ =	shalt  }
0x6e: {  	_ =	shalt  }
0x6f: {  	_ =	shalt  }
0x70: {  	_ =	shalt  }
0x71: {  	_ =	shalt  }
0x72: {  	_ =	shalt  }
0x73: {  	_ =	shalt  }
0x74: {  	_ =	shalt  }
0x75: {  	_ =	shalt  }
0x76: {  	_ =	shalt  }
0x77: {  	_ =	shalt  }
0x78: {  	_ =	shalt  }
0x79: {  	_ =	shalt  }
0x7a: {  	_ =	shalt  }
0x7b: {  	_ =	shalt  }
0x7c: {  	_ =	shalt  }
0x7d: {  	_ =	shalt  }
0x7e: {  	_ =	shalt  }
0x7f: {  	_ =	shalt  }
0x80: {  	_ =	shalt  }
0x81: {  	_ =	shalt  }
0x82: {  	_ =	shalt  }
0x83: {  	_ =	shalt  }
0x84: {  	_ =	shalt  }
0x85: {  	_ =	shalt  }
0x86: {  	_ =	shalt  }
0x87: {  	_ =	shalt  }
.Lfunc_end0:
.L_simem_size_0:
called_computation.1_lowered:
.L_overlay_start_0:
0x88: {  	s2 =	sld [smem:$0x3FD9]  }
0x89: {  	s3 =	sld [smem:$0x3FFE];
	_ =	sdelay $0x1  }
0x8a: {  	s1 =	srdreg.scid  }
0x8b: {  	s0 =	sand.u32 $0x1, s1  }
0x8c: {  	s17 =	sshll.u32 s0, $0xA;
	s2 =	sadd.s32 s3, s2  }
0x8d: {  	s2 =	sadd.s32 s2, s17  }
0x8e: {  	[smem:$0x3FC2] =	sst s2  }
0x8f: {  	_ = 	snop  }
0x90: {  	s2 =	sld [smem:$0x3FD0];
	(tm) =	ssettm $0x1  }
0x91: {  	s18 =	sld [smem:$0x3FFB];
	_ =	sdelay $0x3  }
0x92: {  	_ =	strace s18  }
0x93: {  	s3 =	sld [smem:$0x3FFC];
	_ =	sdelay $0x3  }
0x94: {  	_ =	strace s3  }
0x95: {  	s3 =	sld [smem:$0x3FFD];
	_ =	sdelay $0x3  }
0x96: {  	_ =	strace s3  }
0x97: {  	_ =	strace $0x8FFFFFFF  }
0x98: {  	s19 =	sld [smem:$0x3FDB];
	_ =	sdelay $0x1  }
0x99: {  	s4 =	simm.s32 $_scs_section_size  }
0x9a: {  	s5 =	simm.s32 $_size__tile_overlayer_lowered;
	s6 =	simm.s32 $_tile_overlayer_lowered  }
0x9b: {  	s22 =	simm.s32 $0x1BFF;
	s21 =	sshll.u32 s6, $0x1;
	s3 =	sadd.s32 s4, s19  }
0x9c: {  	s7 =	simm.s32 $0x0;
	s20 =	sshll.u32 s5, $0x1;
	s5 =	sadd.s32 s21, s3  }
0x9d: {  	[timem:s7], [sflag:s22] =	dma.local [hbm:s5], s20  }
0x9e: {  	_ =	swait.ge [sflag:s22], s20  }
0x9f: {  	s4 =	ssub.s32 $0x0, s20;
	[sflag:s22] =	ssyncset.done $0x0  }
0xa0: {  	[sflag:s22] =	ssyncadd.s32 s4;
	_ =	sdelay $0x1  }
0xa1: {  	s23 =	simm.s32 $0x1B8B  }
0xa2: {  	_ =	swait.ge [sflag:s23], $0x1  }
0xa3: {  	[sflag:s23] =	ssyncset.done $0x0  }
0xa4: {  	s25 =	simm.s32 $0x1B8E;
	s24 =	sld [smem:$0x3FFE];
	[sflag:s23] =	ssyncadd.s32 $0xFFFFFFFF  }
0xa5: {  	s26 =	simm.s32 $execute0_lowered;
	[smem:$0x3FD2] =	sst s25  }
0xa6: {  	s5 =	sshll.u32 s26, $0x1;
	_ =	strace $0x80000049;
	[dreg:$0x1] =	wrdreg $0xFFFFFFFF  }
0xa7: {  	s28 =	simm.s32 $_size_execute0_lowered;
	s3 =	sadd.s32 s3, s5;
	[dreg:$0x0] =	wrdreg $0x0  }
0xa8: {  	s5 =	sshll.u32 s28, $0x1;
	[dreg:$0x2] =	wrdreg s3  }
0xa9: {  	[dreg:$0x3] =	wrdreg s5  }
0xaa: {  	[dreg:$0x4] =	wrdreg $0xC0  }
0xab: {  	_ =	task [dreg:s7], $0x5FFFF  }
0xac: {  	[dreg:$0x1] =	wrdreg $0xFFFFFFFF  }
0xad: {  	[dreg:$0x0] =	wrdreg $0x60  }
0xae: {  	[dreg:$0x2] =	wrdreg s24  }
0xaf: {  	[dreg:$0x3] =	wrdreg s2  }
0xb0: {  	[dreg:$0x4] =	wrdreg $0x90000  }
0xb1: {  	[dreg:$0x5] =	wrdreg $0x9  }
0xb2: {  	_ =	task.clear_ibuf [dreg:s7], $0x6FFFF;
	_ =	strace $0x90000049  }
0xb3: {  	s29 =	simm.s32 $0x9;
	_ =	strace $0x8000004B  }
0xb4: {  	_ =	swait.ge [sflag:s29], $0x1  }
0xb5: {  	[sflag:s29] =	ssyncadd.s32 $0xFFFFFFFF  }
0xb6: {  	_ =	strace $0x9000004B  }
0xb7: {  	_ =	sfence  }
0xb8: {  	s30 =	sld [smem:$0x0];
	_ =	sdelay $0x2  }
0xb9: {  	s31 =	sshll.u32 s1, $0xD;
	s1 =	sshrl.u32 s1, $0x2  }
0xba: {  	s3 =	sand.u32 $0x4000, s31;
	s1 =	sadd.s32 s1, s30  }
0xbb: {  	s0 =	sor.u32 s3, s0;
	s1 =	sshll.u32 s1, $0x11  }
0xbc: {  	s0 =	sor.u32 s1, s0  }
0xbd: {  	s0 =	sadd.s32 $0x8F2B, s0  }
0xbe: {  	[sflag:s0] =	ssyncadd.remote.s32 $0x1  }
0xbf: {  	_ =	sfence.sel $0xFFFF  }
0xc0: {  	[dreg:$0x0] =	wrdreg $0xFFFFFFFF;
	(pc) =	sbr.abs _section_cstart, $3  }
0xc1: {  	[dreg:$0x1] =	wrdreg $0xFFFFFFFF  }
0xc2: {  	_ =	task.clear_ibuf [dreg:s7], $0x2FFFF;
	_ =	strace $0x9FFFFFFF  }
0xc3: {  	(tm) =	ssettm $0x7FFFFFFF  }
tec
execute0_lowered:
.L_overlay_start_1:
0x0: {  	(tag) =	ssettag $0x1  }
0x1: {  	s6 =	rddreg [dreg:$0x0]  }
0x2: {  	s2 =	rddreg [dreg:$0x1];
	s0 =	srdreg.scid  }
0x3: {  	s3 =	rddreg [dreg:$0x2];
	s1 =	stileid.u32  }
0x4: {  	s4 =	simm.s32 $0x0;
	s14 =	simm.s32 $0x80;
	s15 =	simm.s32 $0x5000  }
0x5: {  	s16 =	simm.s32 $0x7000;
	s17 =	simm.s32 $0x1;
	s18 =	simm.s32 $0x2  }
0x6: {  	s19 =	simm.s32 $0x4F00;
	s20 =	simm.s32 $0x4F80;
	s21 =	simm.s32 $0x0  }
0x7: {  	s5 =	sand.u32 $0x1, s0;
	s0 =	rddreg [dreg:$0x3];
	s8 =	smul.u32 $0x9E00, s1  }
0x8: {  	[smem:$0x7FF] =	sst s4;
	s12 =	sshll.u32 s1, $0x6;
	s7 =	sshll.u32 s5, $0x4  }
0x9: {  	s9 =	smul.u32 $0x9E000, s5;
	_ =	strace $0x8000004A;
	s10 =	ssub.s32 $0x2, s5  }
0xa: {  	s5 =	sadd.s32 $0x1B800, s6;
	s12 =	sor.u32 $0x1C03, s12;
	s7 =	sor.u32 s1, s7  }
0xb: {  	s11 =	sshrl.u32 s10, $0x1;
	s13 =	sadd.s32 s8, s3;
	s7 =	smul.u32 $0x500, s7  }
0xc: {  	s9 =	sadd.s32 s8, s9;
	s10 =	ssub.s32 s10, s11;
	s11 =	simm.s32 $0x2800  }
0xd: {  	s13 =	sshrl.u32 s13, $0x3;
	s9 =	sshrl.u32 s9, $0x3;
	s7 =	sadd.s32 s7, s6  }
0xe: {  	s9 =	sadd.s32 s9, s6;
	s6 =	sadd.s32 $0x11800, s7;
	s7 =	sadd.s32 $0x7800, s7  }
0xf: {  	s8 =	sadd.s32 $0xBD600, s9;
	s9 =	smax.u32 s10, $0x1;
	s10 =	simm.s32 $0x3  }
.LBB2_1:
0x10: {  	[tilespmem:s4], [sflag:$0x3] =	stream.linear.gather [hbm4b:s6+s4], $0x2800, $0x38;
	[tilespmem:$0x12E00] =	vst v63  }
0x11: {  	_ =	swait.ge [sflag:s10], $0x2800  }
0x12: {  	[sflag:s10] =	ssyncset.done $0x0  }
0x13: {  	[sflag:s10] =	ssyncadd.s32 $0xFFFFD800  }
0x14: {  	[tilespmem:s11], [sflag:$0x3] =	stream.linear.gather [hbm4b:s7+s4], $0x2800, $0x38;
	[tilespmem:$0x12E00] =	vst v63  }
0x15: {  	_ =	swait.ge [sflag:s10], $0x2800  }
0x16: {  	[sflag:s10] =	ssyncset.done $0x0  }
0x17: {  	[sflag:s10] =	ssyncadd.s32 $0xFFFFD800  }
0x18: {  	[spmem:s13], [sflag:s12] =	dma.local [hbm:s5], $0x13C0  }
0x19: {  	_ =	swait.ge [sflag:s10], $0x13C0  }
0x1a: {  	[sflag:s10] =	ssyncset.done $0x0  }
0x1b: {  	[sflag:s10] =	ssyncadd.s32 $0xFFFFEC40  }
0x1c: {  	[bflag:$0x0] =	sbarrier.arrive $0xFFFF  }
0x1d: {  	[tilespmem:s15], [sflag:$0x1] =	stream.indirect.gather [hbm4b:s2+s14], $0x40, s4, s14, $0xb8;
	[tilespmem:$0x12E00] =	vst v63  }
0x1e: {  	_ = 	snop  }
0x1f: {  	[tilespmem:s16], [sflag:$0x2] =	stream.indirect.gather [hbm4b:s2+s14], $0x40, s14, s14, $0xb8;
	[tilespmem:$0x12E00] =	vst v63  }
0x20: {  	_ =	swait.ge [sflag:s17], $0x2000  }
0x21: {  	[sflag:s17] =	ssyncset.done $0x0  }
0x22: {  	s22 =	simm.s32 $0x2800;
	[sflag:s17] =	ssyncadd.s32 $0xFFFFE000  }
0x23: {  	[spmem:s3] =	stream.indirect.scatter.add.f32 [tilespmem:s15], [sflag:$0x3], $0x40, s22, s14, $0xb8;
	[tilespmem:$0x12E00] =	vst v63  }
0x24: {  	_ =	swait.ge [sflag:s10], $0x2000  }
0x25: {  	[sflag:s10] =	ssyncset.done $0x0  }
0x26: {  	s30 =	simm.s32 $0x100;
	[sflag:s10] =	ssyncadd.s32 $0xFFFFE000  }
0x27: {  	[tilespmem:s15], [sflag:$0x1] =	stream.indirect.gather [hbm4b:s2+s14], $0x40, s30, s14, $0xb8;
	[tilespmem:$0x12E00] =	vst v63  }
0x28: {  	_ =	swait.ge [sflag:s18], $0x2000  }
0x29: {  	[sflag:s18] =	ssyncset.done $0x0  }
0x2a: {  	s31 =	simm.s32 $0x2880;
	[sflag:s18] =	ssyncadd.s32 $0xFFFFE000  }
0x2b: {  	[spmem:s3] =	stream.indirect.scatter.add.f32 [tilespmem:s16], [sflag:$0x3], $0x40, s31, s14, $0xb8;
	[tilespmem:$0x12E00] =	vst v63  }
0x2c: {  	_ =	swait.ge [sflag:s10], $0x2000  }
0x2d: {  	[sflag:s10] =	ssyncset.done $0x0  }
0x2e: {  	s23 =	simm.s32 $0x180;
	s22 =	simm.s32 $0x400;
	[sflag:s10] =	ssyncadd.s32 $0xFFFFE000  }
.LBB2_2:
0x2f: {  	[tilespmem:s16], [sflag:$0x2] =	stream.indirect.gather [hbm4b:s2+s14], $0x40, s23, s14, $0xb8;
	[tilespmem:$0x12E00] =	vst v63  }
0x30: {  	s23 =	smov.u32 s22  }
0x31: {  	p0 =	sne.s32 s22, $0x9800;
	s22 =	sadd.s32 $0x400, s22;
	_ =	swait.ge [sflag:s17], $0x2000  }
0x32: {  	s23 =	sshra.s32 s23, $0x2;
	[sflag:s17] =	ssyncset.done $0x0  }
0x33: {  	s24 =	sadd.s32 $0x2800, s23;
	[sflag:s17] =	ssyncadd.s32 $0xFFFFE000  }
0x34: {  	[spmem:s3] =	stream.indirect.scatter.add.f32 [tilespmem:s15], [sflag:$0x3], $0x40, s24, s14, $0xb8;
	[tilespmem:$0x12E00] =	vst v63  }
0x35: {  	_ =	swait.ge [sflag:s10], $0x2000  }
0x36: {  	[sflag:s10] =	ssyncset.done $0x0  }
0x37: {  	s24 =	sadd.s32 $0x100, s23;
	[sflag:s10] =	ssyncadd.s32 $0xFFFFE000  }
0x38: {  	[tilespmem:s15], [sflag:$0x1] =	stream.indirect.gather [hbm4b:s2+s14], $0x40, s24, s14, $0xb8;
	[tilespmem:$0x12E00] =	vst v63  }
0x39: {  	_ =	swait.ge [sflag:s18], $0x2000  }
0x3a: {  	[sflag:s18] =	ssyncset.done $0x0  }
.Ltmp0:
0x3b: {  	s24 =	sadd.s32 $0x2880, s23;
	[sflag:s18] =	ssyncadd.s32 $0xFFFFE000;
	(pc) =	sbr.rel @p0 .LBB2_2-.Ltmp0, $4  }
0x3c: {  	[spmem:s3] =	stream.indirect.scatter.add.f32 [tilespmem:s16], [sflag:$0x3], $0x40, s24, s14, $0xb8;
	[tilespmem:$0x12E00] =	vst v63  }
0x3d: {  	_ =	swait.ge [sflag:s10], $0x2000  }
0x3e: {  	[sflag:s10] =	ssyncset.done $0x0  }
0x3f: {  	s23 =	sadd.s32 $0x180, s23;
	[sflag:s10] =	ssyncadd.s32 $0xFFFFE000  }
0x40: {  	[tilespmem:s16], [sflag:$0x2] =	stream.indirect.gather [hbm4b:s2+s14], $0x40, s23, s14, $0xb8;
	[tilespmem:$0x12E00] =	vst v63  }
0x41: {  	_ =	swait.ge [sflag:s17], $0x2000  }
0x42: {  	[sflag:s17] =	ssyncset.done $0x0  }
0x43: {  	[sflag:s17] =	ssyncadd.s32 $0xFFFFE000  }
0x44: {  	[spmem:s3] =	stream.indirect.scatter.add.f32 [tilespmem:s15], [sflag:$0x3], $0x40, s19, s14, $0xb8;
	[tilespmem:$0x12E00] =	vst v63  }
0x45: {  	_ =	swait.ge [sflag:s10], $0x2000  }
0x46: {  	[sflag:s10] =	ssyncset.done $0x0  }
0x47: {  	[sflag:s10] =	ssyncadd.s32 $0xFFFFE000  }
0x48: {  	_ =	swait.ge [sflag:s18], $0x2000  }
0x49: {  	[sflag:s18] =	ssyncset.done $0x0  }
0x4a: {  	[sflag:s18] =	ssyncadd.s32 $0xFFFFE000  }
0x4b: {  	[spmem:s3] =	stream.indirect.scatter.add.f32 [tilespmem:s16], [sflag:$0x3], $0x40, s20, s14, $0xb8;
	[tilespmem:$0x12E00] =	vst v63  }
0x4c: {  	_ =	swait.ge [sflag:s10], $0x2000  }
0x4d: {  	s21 =	sadd.s32 $0x1, s21;
	[sflag:s10] =	ssyncset.done $0x0  }
0x4e: {  	p0 =	sne.s32 s21, s9;
	[sflag:s10] =	ssyncadd.s32 $0xFFFFE000  }
.Ltmp1:
0x4f: {  	[bflag:$0x0] =	sbarrier.arrive $0xFFFF;
	(pc) =	sbr.rel @p0 .LBB2_1-.Ltmp1, $4  }
0x50: {  	[hbm:s8], [sflag:s12] =	dma.local [spmem:s13], $0x13C0  }
0x51: {  	_ =	swait.ge [sflag:s10], $0x13C0  }
0x52: {  	[sflag:s10] =	ssyncset.done $0x0  }
0x53: {  	[sflag:s10] =	ssyncadd.s32 $0xFFFFEC40  }
0x54: {  	_ =	sfence.sel $0x180000  }
0x55: {  	[bflag:$0x0] =	sbarrier.arrive $0xFFFF  }
0x56: {  	p0 =	sne.s32 s1, $0x0;
	_ =	strace $0x9000004A  }
0x57: {  	s0 =	sadd.s32 @!p0 $0x100000, s0;
	[bflag:$0x2] =	sbarrier.arrive $0xFFFF  }
0x58: {  	[sflag:s0] =	ssyncadd.tile.s32 @!p0 $0x1;
	_ =	shalt  }
.Lfunc_end2:
_tile_overlayer_lowered:
.L_overlay_start_2:
0x59: {  	(tag) =	ssettag $0x2  }
0x5a: {  	s0 =	rddreg [dreg:$0x0];
	s2 =	stileid.u32  }
0x5b: {  	s1 =	rddreg [dreg:$0x1];
	p0 =	sne.s32 s2, $0x0  }
0x5c: {  	s3 =	rddreg [dreg:$0x2];
	[bflag:$0x3] =	sbarrier.arrive $0xFFFF;
	s2 =	simm.s32 @!p0 $0x1C03  }
0x5d: {  	[timem:s3], [sflag:s2] =	dma.local @!p0 [hbm:s0], s1  }
0x5e: {  	s0 =	simm.s32 @!p0 $0x3  }
0x5f: {  	_ =	swait.ge @!p0 [sflag:s0], s1  }
0x60: {  	s1 =	ssub.s32 @!p0 $0x0, s1;
	[sflag:s0] =	ssyncset.done @!p0 $0x0  }
0x61: {  	[sflag:s0] =	ssyncadd.s32 @!p0 s1  }
0x62: {  	[bflag:$0x3] =	sbarrier.arrive $0xFFFF  }
0x63: {  	_ =	shalt  }

// kernel: kernel.31.cloned.1.call-start
scs
__scs_entry_jumppad:
0x0: {  	(pc) =	sbr.rel $0x88, $3  }
0x1: {  	(tag) =	ssettag $0x0;
	lr =	simm.s32 $0x1  }
0x2: {  	[smem:$0x3F9B] =	sst lr;
	_ =	strace $0xD0000000  }
0x3: {  	_ = 	snop  }
0x4: {  	_ = 	snop  }
0x5: {  	_ = 	snop  }
0x6: {  	_ = 	snop  }
0x7: {  	_ = 	snop  }
__scs_overlays_trampoline_lowered:
0x8: {  	[smem:$0x3FAA] =	sst s0  }
0x9: {  	[smem:$0x3FAB] =	sst s1  }
0xa: {  	[smem:$0x3FAC] =	sst s2  }
0xb: {  	[smem:$0x3FAD] =	sst s3  }
0xc: {  	[smem:$0x3FAE] =	sst s4  }
0xd: {  	[smem:$0x3FAF] =	sst s5  }
0xe: {  	[smem:$0x3FB0] =	sst s6  }
0xf: {  	[smem:$0x3FB1] =	sst s7  }
0x10: {  	[smem:$0x3FB2] =	sst s8  }
0x11: {  	[smem:$0x3FB3] =	sst s9;
	s0 =	simm.s32 @!p0 $0x0  }
0x12: {  	s1 =	sld [smem:$0x3F99];
	s0 =	simm.s32 @p0 $0x1  }
0x13: {  	[smem:$0x3FB4] =	sst s0;
	s0 =	simm.s32 @!p1 $0x0  }
0x14: {  	s2 =	sld [smem:$0x3F98];
	s0 =	simm.s32 @p1 $0x1  }
0x15: {  	[smem:$0x3FB5] =	sst s0;
	s0 =	simm.s32 @!p2 $0x0  }
0x16: {  	s3 =	sld [smem:$0x3FDB];
	s0 =	simm.s32 @p2 $0x1  }
0x17: {  	s4 =	simm.s32 $0x1BF5;
	[smem:$0x3FB7] =	sst s0  }
0x18: {  	s0 =	sld [smem:$0x3F9A];
	_ =	swait.ge [sflag:s4], $0x0  }
0x19: {  	s7 =	sld [smem:$0x3F9B]  }
0x1a: {  	s8 =	sadd.s32 $0xFFFFE003, lr  }
0x1b: {  	s9 =	sadd.s32 $0xFFFFFEF7, lr;
	s5 =	simm.s32 $0xFFFFFFFF;
	p2 =	slt.u32 s8, $0xFFFFF086  }
0x1c: {  	p1 =	slt.u32 s9, $0xF7A;
	s5 =	simm.s32 @!p2 $0x0  }
0x1d: {  	s5 =	simm.s32 @p1 $0x1;
	p0 =	seq.s32 s7, s2  }
0x1e: {  	s7 =	smul.u32 @!p0 $0xF7A, s2;
	p2 =	seq.s32 @!p0 s5, $0x0  }
0x1f: {  	s9 =	smul.u32 $0xF7A, s1;
	s8 =	simm.s32 @!p0 $0x1BF5;
	p2 =	por !p2, p0  }
0x20: {  	[sflag:s8] =	ssyncset.s32 @!p0 $0xFFFFF086;
	s6 =	sadd.s32 @!p0 s3, s7;
	s7 =	simm.s32 @!p0 $0x108  }
0x21: {  	s3 =	sadd.s32 s3, s9;
	s6 =	sadd.s32 @!p0 $0x88, s6;
	s7 =	simm.s32 @p2 $0x1082  }
0x22: {  	[simem:s7], [sflag:s8] =	dma.local @!p0 [hbm:s6], $0xF7A  }
0x23: {  	s9 =	sor.u32 $0xD0000000, s2;
	s6 =	simm.s32 $0x108;
	_ =	swait.ge @!p0 [sflag:s8], $0x0  }
0x24: {  	s3 =	sadd.s32 $0x88, s3;
	s6 =	simm.s32 @!p1 $0x1082;
	[sflag:s4] =	ssyncset.s32 $0xFFFFF086  }
0x25: {  	[simem:s6], [sflag:s4] =	dma.local [hbm:s3], $0xF7A  }
0x26: {  	[smem:$0x3F9B] =	sst s1;
	(tag) =	ssettag s2;
	_ =	strace s9  }
0x27: {  	s1 =	sld [smem:$0x3FAB]  }
0x28: {  	s2 =	sld [smem:$0x3FAC]  }
0x29: {  	s4 =	sld [smem:$0x3FAE]  }
0x2a: {  	p0 =	seq.s32 s5, $0x0;
	s5 =	sld [smem:$0x3FAF]  }
0x2b: {  	s6 =	sld [smem:$0x3FB0]  }
0x2c: {  	s7 =	sld [smem:$0x3FB1]  }
0x2d: {  	s3 =	simm.s32 $0x108;
	s8 =	sld [smem:$0x3FB2]  }
0x2e: {  	s3 =	simm.s32 @!p0 $0x1082;
	s9 =	sld [smem:$0x3FB3]  }
0x2f: {  	lr =	sadd.s32 s0, s3;
	s0 =	sld [smem:$0x3FAA]  }
0x30: {  	s3 =	sld [smem:$0x3FAD]  }
0x31: {  	[smem:$0x3FB6] =	sst s10  }
0x32: {  	s10 =	sld [smem:$0x3FB4];
	_ =	sdelay $0x3  }
0x33: {  	p0 =	seq.s32 s10, $0x1;
	s10 =	sld [smem:$0x3FB6];
	_ =	sdelay $0x3  }
0x34: {  	[smem:$0x3FB6] =	sst s10  }
0x35: {  	s10 =	sld [smem:$0x3FB5];
	_ =	sdelay $0x3  }
0x36: {  	p1 =	seq.s32 s10, $0x1;
	s10 =	sld [smem:$0x3FB6];
	_ =	sdelay $0x3  }
0x37: {  	[smem:$0x3FB6] =	sst s10  }
0x38: {  	s10 =	sld [smem:$0x3FB7]  }
0x39: {  	_ = 	snop;
	(pc) =	sbr.ind lr, $3  }
0x3a: {  	_ = 	snop  }
0x3b: {  	_ = 	snop  }
0x3c: {  	p2 =	seq.s32 s10, $0x1;
	s10 =	sld [smem:$0x3FB6]  }
0x3d: {  	_ =	shalt  }
0x3e: {  	_ =	shalt  }
0x3f: {  	_ =	shalt  }
0x40: {  	_ =	shalt  }
0x41: {  	_ =	shalt  }
0x42: {  	_ =	shalt  }
0x43: {  	_ =	shalt  }
0x44: {  	_ =	shalt  }
0x45: {  	_ =	shalt  }
0x46: {  	_ =	shalt  }
0x47: {  	_ =	shalt  }
0x48: {  	_ =	shalt  }
0x49: {  	_ =	shalt  }
0x4a: {  	_ =	shalt  }
0x4b: {  	_ =	shalt  }
0x4c: {  	_ =	shalt  }
0x4d: {  	_ =	shalt  }
0x4e: {  	_ =	shalt  }
0x4f: {  	_ =	shalt  }
0x50: {  	_ =	shalt  }
0x51: {  	_ =	shalt  }
0x52: {  	_ =	shalt  }
0x53: {  	_ =	shalt  }
0x54: {  	_ =	shalt  }
0x55: {  	_ =	shalt  }
0x56: {  	_ =	shalt  }
0x57: {  	_ =	shalt  }
0x58: {  	_ =	shalt  }
0x59: {  	_ =	shalt  }
0x5a: {  	_ =	shalt  }
0x5b: {  	_ =	shalt  }
0x5c: {  	_ =	shalt  }
0x5d: {  	_ =	shalt  }
0x5e: {  	_ =	shalt  }
0x5f: {  	_ =	shalt  }
0x60: {  	_ =	shalt  }
0x61: {  	_ =	shalt  }
0x62: {  	_ =	shalt  }
0x63: {  	_ =	shalt  }
0x64: {  	_ =	shalt  }
0x65: {  	_ =	shalt  }
0x66: {  	_ =	shalt  }
0x67: {  	_ =	shalt  }
0x68: {  	_ =	shalt  }
0x69: {  	_ =	shalt  }
0x6a: {  	_ =	shalt  }
0x6b: {  	_ =	shalt  }
0x6c: {  	_ =	shalt  }
0x6d: {  	_ =	shalt  }
0x6e: {  	_ =	shalt  }
0x6f: {  	_ =	shalt  }
0x70: {  	_ =	shalt  }
0x71: {  	_ =	shalt  }
0x72: {  	_ =	shalt  }
0x73: {  	_ =	shalt  }
0x74: {  	_ =	shalt  }
0x75: {  	_ =	shalt  }
0x76: {  	_ =	shalt  }
0x77: {  	_ =	shalt  }
0x78: {  	_ =	shalt  }
0x79: {  	_ =	shalt  }
0x7a: {  	_ =	shalt  }
0x7b: {  	_ =	shalt  }
0x7c: {  	_ =	shalt  }
0x7d: {  	_ =	shalt  }
0x7e: {  	_ =	shalt  }
0x7f: {  	_ =	shalt  }
0x80: {  	_ =	shalt  }
0x81: {  	_ =	shalt  }
0x82: {  	_ =	shalt  }
0x83: {  	_ =	shalt  }
0x84: {  	_ =	shalt  }
0x85: {  	_ =	shalt  }
0x86: {  	_ =	shalt  }
0x87: {  	_ =	shalt  }
.Lfunc_end0:
.L_simem_size_0:
called_computation.2_lowered:
.L_overlay_start_0:
0x88: {  	s2 =	sld [smem:$0x3FD9]  }
0x89: {  	s3 =	sld [smem:$0x3FFE];
	_ =	sdelay $0x1  }
0x8a: {  	s1 =	srdreg.scid  }
0x8b: {  	s0 =	sand.u32 $0x1, s1  }
0x8c: {  	s17 =	sshll.u32 s0, $0xA;
	s2 =	sadd.s32 s3, s2  }
0x8d: {  	s2 =	sadd.s32 s2, s17  }
0x8e: {  	[smem:$0x3FC2] =	sst s2  }
0x8f: {  	_ = 	snop  }
0x90: {  	s2 =	sld [smem:$0x3FD0];
	(tm) =	ssettm $0x1  }
0x91: {  	s18 =	sld [smem:$0x3FFB];
	_ =	sdelay $0x3  }
0x92: {  	_ =	strace s18  }
0x93: {  	s3 =	sld [smem:$0x3FFC];
	_ =	sdelay $0x3  }
0x94: {  	_ =	strace s3  }
0x95: {  	s3 =	sld [smem:$0x3FFD];
	_ =	sdelay $0x3  }
0x96: {  	_ =	strace s3  }
0x97: {  	_ =	strace $0x8FFFFFFF  }
0x98: {  	s19 =	sld [smem:$0x3FDB];
	_ =	sdelay $0x1  }
0x99: {  	s4 =	simm.s32 $_scs_section_size  }
0x9a: {  	s5 =	simm.s32 $_size__tile_overlayer_lowered;
	s6 =	simm.s32 $_tile_overlayer_lowered  }
0x9b: {  	s22 =	simm.s32 $0x1BFF;
	s21 =	sshll.u32 s6, $0x1;
	s3 =	sadd.s32 s4, s19  }
0x9c: {  	s7 =	simm.s32 $0x0;
	s20 =	sshll.u32 s5, $0x1;
	s5 =	sadd.s32 s21, s3  }
0x9d: {  	[timem:s7], [sflag:s22] =	dma.local [hbm:s5], s20  }
0x9e: {  	_ =	swait.ge [sflag:s22], s20  }
0x9f: {  	s4 =	ssub.s32 $0x0, s20;
	[sflag:s22] =	ssyncset.done $0x0  }
0xa0: {  	[sflag:s22] =	ssyncadd.s32 s4;
	_ =	sdelay $0x1  }
0xa1: {  	s23 =	simm.s32 $0x1B8B  }
0xa2: {  	_ =	swait.ge [sflag:s23], $0x1  }
0xa3: {  	[sflag:s23] =	ssyncset.done $0x0  }
0xa4: {  	s25 =	simm.s32 $0x1B8E;
	s24 =	sld [smem:$0x3FFE];
	[sflag:s23] =	ssyncadd.s32 $0xFFFFFFFF  }
0xa5: {  	s26 =	simm.s32 $execute0_lowered;
	[smem:$0x3FD2] =	sst s25  }
0xa6: {  	s5 =	sshll.u32 s26, $0x1;
	_ =	strace $0x8000004C;
	[dreg:$0x1] =	wrdreg $0xFFFFFFFF  }
0xa7: {  	s28 =	simm.s32 $_size_execute0_lowered;
	s3 =	sadd.s32 s3, s5;
	[dreg:$0x0] =	wrdreg $0x0  }
0xa8: {  	s5 =	sshll.u32 s28, $0x1;
	[dreg:$0x2] =	wrdreg s3  }
0xa9: {  	[dreg:$0x3] =	wrdreg s5  }
0xaa: {  	[dreg:$0x4] =	wrdreg $0xC0  }
0xab: {  	_ =	task [dreg:s7], $0x5FFFF  }
0xac: {  	[dreg:$0x1] =	wrdreg $0xFFFFFFFF  }
0xad: {  	[dreg:$0x0] =	wrdreg $0x60  }
0xae: {  	[dreg:$0x2] =	wrdreg s24  }
0xaf: {  	[dreg:$0x3] =	wrdreg s2  }
0xb0: {  	[dreg:$0x4] =	wrdreg $0x90000  }
0xb1: {  	[dreg:$0x5] =	wrdreg $0x9  }
0xb2: {  	_ =	task.clear_ibuf [dreg:s7], $0x6FFFF;
	_ =	strace $0x9000004C  }
0xb3: {  	s29 =	simm.s32 $0x9;
	_ =	strace $0x8000004E  }
0xb4: {  	_ =	swait.ge [sflag:s29], $0x1  }
0xb5: {  	[sflag:s29] =	ssyncadd.s32 $0xFFFFFFFF  }
0xb6: {  	_ =	strace $0x9000004E  }
0xb7: {  	_ =	sfence  }
0xb8: {  	s30 =	sld [smem:$0x0];
	_ =	sdelay $0x2  }
0xb9: {  	s31 =	sshll.u32 s1, $0xD;
	s1 =	sshrl.u32 s1, $0x2  }
0xba: {  	s3 =	sand.u32 $0x4000, s31;
	s1 =	sadd.s32 s1, s30  }
0xbb: {  	s0 =	sor.u32 s3, s0;
	s1 =	sshll.u32 s1, $0x11  }
0xbc: {  	s0 =	sor.u32 s1, s0  }
0xbd: {  	s0 =	sadd.s32 $0x8F2B, s0  }
0xbe: {  	[sflag:s0] =	ssyncadd.remote.s32 $0x1  }
0xbf: {  	_ =	sfence.sel $0xFFFF  }
0xc0: {  	[dreg:$0x0] =	wrdreg $0xFFFFFFFF;
	(pc) =	sbr.abs _section_cstart, $3  }
0xc1: {  	[dreg:$0x1] =	wrdreg $0xFFFFFFFF  }
0xc2: {  	_ =	task.clear_ibuf [dreg:s7], $0x2FFFF;
	_ =	strace $0x9FFFFFFF  }
0xc3: {  	(tm) =	ssettm $0x7FFFFFFF  }
tec
execute0_lowered:
.L_overlay_start_1:
0x0: {  	(tag) =	ssettag $0x1  }
0x1: {  	s6 =	rddreg [dreg:$0x0]  }
0x2: {  	s2 =	rddreg [dreg:$0x1];
	s0 =	srdreg.scid  }
0x3: {  	s3 =	rddreg [dreg:$0x2];
	s1 =	stileid.u32  }
0x4: {  	s4 =	simm.s32 $0x0;
	s14 =	simm.s32 $0x80;
	s15 =	simm.s32 $0x5000  }
0x5: {  	s16 =	simm.s32 $0x7000;
	s17 =	simm.s32 $0x1;
	s18 =	simm.s32 $0x2  }
0x6: {  	s19 =	simm.s32 $0x4F00;
	s20 =	simm.s32 $0x4F80;
	s21 =	simm.s32 $0x0  }
0x7: {  	s5 =	sand.u32 $0x1, s0;
	s0 =	rddreg [dreg:$0x3];
	s8 =	smul.u32 $0x9E00, s1  }
0x8: {  	[smem:$0x7FF] =	sst s4;
	s12 =	sshll.u32 s1, $0x6;
	s7 =	sshll.u32 s5, $0x4  }
0x9: {  	s9 =	smul.u32 $0x9E000, s5;
	_ =	strace $0x8000004D;
	s10 =	ssub.s32 $0x2, s5  }
0xa: {  	s5 =	sadd.s32 $0x1B800, s6;
	s12 =	sor.u32 $0x1C03, s12;
	s7 =	sor.u32 s1, s7  }
0xb: {  	s11 =	sshrl.u32 s10, $0x1;
	s13 =	sadd.s32 s8, s3;
	s7 =	smul.u32 $0x500, s7  }
0xc: {  	s9 =	sadd.s32 s8, s9;
	s10 =	ssub.s32 s10, s11;
	s11 =	simm.s32 $0x2800  }
0xd: {  	s13 =	sshrl.u32 s13, $0x3;
	s9 =	sshrl.u32 s9, $0x3;
	s7 =	sadd.s32 s7, s6  }
0xe: {  	s9 =	sadd.s32 s9, s6;
	s6 =	sadd.s32 $0x11800, s7;
	s7 =	sadd.s32 $0x7800, s7  }
0xf: {  	s8 =	sadd.s32 $0xBD600, s9;
	s9 =	smax.u32 s10, $0x1;
	s10 =	simm.s32 $0x3  }
.LBB2_1:
0x10: {  	[tilespmem:s4], [sflag:$0x3] =	stream.linear.gather [hbm4b:s6+s4], $0x2800, $0x38;
	[tilespmem:$0x12E00] =	vst v63  }
0x11: {  	_ =	swait.ge [sflag:s10], $0x2800  }
0x12: {  	[sflag:s10] =	ssyncset.done $0x0  }
0x13: {  	[sflag:s10] =	ssyncadd.s32 $0xFFFFD800  }
0x14: {  	[tilespmem:s11], [sflag:$0x3] =	stream.linear.gather [hbm4b:s7+s4], $0x2800, $0x38;
	[tilespmem:$0x12E00] =	vst v63  }
0x15: {  	_ =	swait.ge [sflag:s10], $0x2800  }
0x16: {  	[sflag:s10] =	ssyncset.done $0x0  }
0x17: {  	[sflag:s10] =	ssyncadd.s32 $0xFFFFD800  }
0x18: {  	[spmem:s13], [sflag:s12] =	dma.local [hbm:s5], $0x13C0  }
0x19: {  	_ =	swait.ge [sflag:s10], $0x13C0  }
0x1a: {  	[sflag:s10] =	ssyncset.done $0x0  }
0x1b: {  	[sflag:s10] =	ssyncadd.s32 $0xFFFFEC40  }
0x1c: {  	[bflag:$0x0] =	sbarrier.arrive $0xFFFF  }
0x1d: {  	[tilespmem:s15], [sflag:$0x1] =	stream.indirect.gather [hbm4b:s2+s14], $0x40, s4, s14, $0xb8;
	[tilespmem:$0x12E00] =	vst v63  }
0x1e: {  	_ = 	snop  }
0x1f: {  	[tilespmem:s16], [sflag:$0x2] =	stream.indirect.gather [hbm4b:s2+s14], $0x40, s14, s14, $0xb8;
	[tilespmem:$0x12E00] =	vst v63  }
0x20: {  	_ =	swait.ge [sflag:s17], $0x2000  }
0x21: {  	[sflag:s17] =	ssyncset.done $0x0  }
0x22: {  	s22 =	simm.s32 $0x2800;
	[sflag:s17] =	ssyncadd.s32 $0xFFFFE000  }
0x23: {  	[spmem:s3] =	stream.indirect.scatter.add.f32 [tilespmem:s15], [sflag:$0x3], $0x40, s22, s14, $0xb8;
	[tilespmem:$0x12E00] =	vst v63  }
0x24: {  	_ =	swait.ge [sflag:s10], $0x2000  }
0x25: {  	[sflag:s10] =	ssyncset.done $0x0  }
0x26: {  	s30 =	simm.s32 $0x100;
	[sflag:s10] =	ssyncadd.s32 $0xFFFFE000  }
0x27: {  	[tilespmem:s15], [sflag:$0x1] =	stream.indirect.gather [hbm4b:s2+s14], $0x40, s30, s14, $0xb8;
	[tilespmem:$0x12E00] =	vst v63  }
0x28: {  	_ =	swait.ge [sflag:s18], $0x2000  }
0x29: {  	[sflag:s18] =	ssyncset.done $0x0  }
0x2a: {  	s31 =	simm.s32 $0x2880;
	[sflag:s18] =	ssyncadd.s32 $0xFFFFE000  }
0x2b: {  	[spmem:s3] =	stream.indirect.scatter.add.f32 [tilespmem:s16], [sflag:$0x3], $0x40, s31, s14, $0xb8;
	[tilespmem:$0x12E00] =	vst v63  }
0x2c: {  	_ =	swait.ge [sflag:s10], $0x2000  }
0x2d: {  	[sflag:s10] =	ssyncset.done $0x0  }
0x2e: {  	s23 =	simm.s32 $0x180;
	s22 =	simm.s32 $0x400;
	[sflag:s10] =	ssyncadd.s32 $0xFFFFE000  }
.LBB2_2:
0x2f: {  	[tilespmem:s16], [sflag:$0x2] =	stream.indirect.gather [hbm4b:s2+s14], $0x40, s23, s14, $0xb8;
	[tilespmem:$0x12E00] =	vst v63  }
0x30: {  	s23 =	smov.u32 s22  }
0x31: {  	p0 =	sne.s32 s22, $0x9800;
	s22 =	sadd.s32 $0x400, s22;
	_ =	swait.ge [sflag:s17], $0x2000  }
0x32: {  	s23 =	sshra.s32 s23, $0x2;
	[sflag:s17] =	ssyncset.done $0x0  }
0x33: {  	s24 =	sadd.s32 $0x2800, s23;
	[sflag:s17] =	ssyncadd.s32 $0xFFFFE000  }
0x34: {  	[spmem:s3] =	stream.indirect.scatter.add.f32 [tilespmem:s15], [sflag:$0x3], $0x40, s24, s14, $0xb8;
	[tilespmem:$0x12E00] =	vst v63  }
0x35: {  	_ =	swait.ge [sflag:s10], $0x2000  }
0x36: {  	[sflag:s10] =	ssyncset.done $0x0  }
0x37: {  	s24 =	sadd.s32 $0x100, s23;
	[sflag:s10] =	ssyncadd.s32 $0xFFFFE000  }
0x38: {  	[tilespmem:s15], [sflag:$0x1] =	stream.indirect.gather [hbm4b:s2+s14], $0x40, s24, s14, $0xb8;
	[tilespmem:$0x12E00] =	vst v63  }
0x39: {  	_ =	swait.ge [sflag:s18], $0x2000  }
0x3a: {  	[sflag:s18] =	ssyncset.done $0x0  }
.Ltmp0:
0x3b: {  	s24 =	sadd.s32 $0x2880, s23;
	[sflag:s18] =	ssyncadd.s32 $0xFFFFE000;
	(pc) =	sbr.rel @p0 .LBB2_2-.Ltmp0, $4  }
0x3c: {  	[spmem:s3] =	stream.indirect.scatter.add.f32 [tilespmem:s16], [sflag:$0x3], $0x40, s24, s14, $0xb8;
	[tilespmem:$0x12E00] =	vst v63  }
0x3d: {  	_ =	swait.ge [sflag:s10], $0x2000  }
0x3e: {  	[sflag:s10] =	ssyncset.done $0x0  }
0x3f: {  	s23 =	sadd.s32 $0x180, s23;
	[sflag:s10] =	ssyncadd.s32 $0xFFFFE000  }
0x40: {  	[tilespmem:s16], [sflag:$0x2] =	stream.indirect.gather [hbm4b:s2+s14], $0x40, s23, s14, $0xb8;
	[tilespmem:$0x12E00] =	vst v63  }
0x41: {  	_ =	swait.ge [sflag:s17], $0x2000  }
0x42: {  	[sflag:s17] =	ssyncset.done $0x0  }
0x43: {  	[sflag:s17] =	ssyncadd.s32 $0xFFFFE000  }
0x44: {  	[spmem:s3] =	stream.indirect.scatter.add.f32 [tilespmem:s15], [sflag:$0x3], $0x40, s19, s14, $0xb8;
	[tilespmem:$0x12E00] =	vst v63  }
0x45: {  	_ =	swait.ge [sflag:s10], $0x2000  }
0x46: {  	[sflag:s10] =	ssyncset.done $0x0  }
0x47: {  	[sflag:s10] =	ssyncadd.s32 $0xFFFFE000  }
0x48: {  	_ =	swait.ge [sflag:s18], $0x2000  }
0x49: {  	[sflag:s18] =	ssyncset.done $0x0  }
0x4a: {  	[sflag:s18] =	ssyncadd.s32 $0xFFFFE000  }
0x4b: {  	[spmem:s3] =	stream.indirect.scatter.add.f32 [tilespmem:s16], [sflag:$0x3], $0x40, s20, s14, $0xb8;
	[tilespmem:$0x12E00] =	vst v63  }
0x4c: {  	_ =	swait.ge [sflag:s10], $0x2000  }
0x4d: {  	s21 =	sadd.s32 $0x1, s21;
	[sflag:s10] =	ssyncset.done $0x0  }
0x4e: {  	p0 =	sne.s32 s21, s9;
	[sflag:s10] =	ssyncadd.s32 $0xFFFFE000  }
.Ltmp1:
0x4f: {  	[bflag:$0x0] =	sbarrier.arrive $0xFFFF;
	(pc) =	sbr.rel @p0 .LBB2_1-.Ltmp1, $4  }
0x50: {  	[hbm:s8], [sflag:s12] =	dma.local [spmem:s13], $0x13C0  }
0x51: {  	_ =	swait.ge [sflag:s10], $0x13C0  }
0x52: {  	[sflag:s10] =	ssyncset.done $0x0  }
0x53: {  	[sflag:s10] =	ssyncadd.s32 $0xFFFFEC40  }
0x54: {  	_ =	sfence.sel $0x180000  }
0x55: {  	[bflag:$0x0] =	sbarrier.arrive $0xFFFF  }
0x56: {  	p0 =	sne.s32 s1, $0x0;
	_ =	strace $0x9000004D  }
0x57: {  	s0 =	sadd.s32 @!p0 $0x100000, s0;
	[bflag:$0x2] =	sbarrier.arrive $0xFFFF  }
0x58: {  	[sflag:s0] =	ssyncadd.tile.s32 @!p0 $0x1;
	_ =	shalt  }
.Lfunc_end2:
_tile_overlayer_lowered:
.L_overlay_start_2:
0x59: {  	(tag) =	ssettag $0x2  }
0x5a: {  	s0 =	rddreg [dreg:$0x0];
	s2 =	stileid.u32  }
0x5b: {  	s1 =	rddreg [dreg:$0x1];
	p0 =	sne.s32 s2, $0x0  }
0x5c: {  	s3 =	rddreg [dreg:$0x2];
	[bflag:$0x3] =	sbarrier.arrive $0xFFFF;
	s2 =	simm.s32 @!p0 $0x1C03  }
0x5d: {  	[timem:s3], [sflag:s2] =	dma.local @!p0 [hbm:s0], s1  }
0x5e: {  	s0 =	simm.s32 @!p0 $0x3  }
0x5f: {  	_ =	swait.ge @!p0 [sflag:s0], s1  }
0x60: {  	s1 =	ssub.s32 @!p0 $0x0, s1;
	[sflag:s0] =	ssyncset.done @!p0 $0x0  }
0x61: {  	[sflag:s0] =	ssyncadd.s32 @!p0 s1  }
0x62: {  	[bflag:$0x3] =	sbarrier.arrive $0xFFFF  }
0x63: {  	_ =	shalt  }

// kernel: kernel.34.cloned.1.call-start
scs
__scs_entry_jumppad:
0x0: {  	(pc) =	sbr.rel $0x88, $3  }
0x1: {  	(tag) =	ssettag $0x0;
	lr =	simm.s32 $0x1  }
0x2: {  	[smem:$0x3F9B] =	sst lr;
	_ =	strace $0xD0000000  }
0x3: {  	_ = 	snop  }
0x4: {  	_ = 	snop  }
0x5: {  	_ = 	snop  }
0x6: {  	_ = 	snop  }
0x7: {  	_ = 	snop  }
__scs_overlays_trampoline_lowered:
0x8: {  	[smem:$0x3FAA] =	sst s0  }
0x9: {  	[smem:$0x3FAB] =	sst s1  }
0xa: {  	[smem:$0x3FAC] =	sst s2  }
0xb: {  	[smem:$0x3FAD] =	sst s3  }
0xc: {  	[smem:$0x3FAE] =	sst s4  }
0xd: {  	[smem:$0x3FAF] =	sst s5  }
0xe: {  	[smem:$0x3FB0] =	sst s6  }
0xf: {  	[smem:$0x3FB1] =	sst s7  }
0x10: {  	[smem:$0x3FB2] =	sst s8  }
0x11: {  	[smem:$0x3FB3] =	sst s9;
	s0 =	simm.s32 @!p0 $0x0  }
0x12: {  	s1 =	sld [smem:$0x3F99];
	s0 =	simm.s32 @p0 $0x1  }
0x13: {  	[smem:$0x3FB4] =	sst s0;
	s0 =	simm.s32 @!p1 $0x0  }
0x14: {  	s2 =	sld [smem:$0x3F98];
	s0 =	simm.s32 @p1 $0x1  }
0x15: {  	[smem:$0x3FB5] =	sst s0;
	s0 =	simm.s32 @!p2 $0x0  }
0x16: {  	s3 =	sld [smem:$0x3FDB];
	s0 =	simm.s32 @p2 $0x1  }
0x17: {  	s4 =	simm.s32 $0x1BF5;
	[smem:$0x3FB7] =	sst s0  }
0x18: {  	s0 =	sld [smem:$0x3F9A];
	_ =	swait.ge [sflag:s4], $0x0  }
0x19: {  	s7 =	sld [smem:$0x3F9B]  }
0x1a: {  	s8 =	sadd.s32 $0xFFFFE003, lr  }
0x1b: {  	s9 =	sadd.s32 $0xFFFFFEF7, lr;
	s5 =	simm.s32 $0xFFFFFFFF;
	p2 =	slt.u32 s8, $0xFFFFF086  }
0x1c: {  	p1 =	slt.u32 s9, $0xF7A;
	s5 =	simm.s32 @!p2 $0x0  }
0x1d: {  	s5 =	simm.s32 @p1 $0x1;
	p0 =	seq.s32 s7, s2  }
0x1e: {  	s7 =	smul.u32 @!p0 $0xF7A, s2;
	p2 =	seq.s32 @!p0 s5, $0x0  }
0x1f: {  	s9 =	smul.u32 $0xF7A, s1;
	s8 =	simm.s32 @!p0 $0x1BF5;
	p2 =	por !p2, p0  }
0x20: {  	[sflag:s8] =	ssyncset.s32 @!p0 $0xFFFFF086;
	s6 =	sadd.s32 @!p0 s3, s7;
	s7 =	simm.s32 @!p0 $0x108  }
0x21: {  	s3 =	sadd.s32 s3, s9;
	s6 =	sadd.s32 @!p0 $0x88, s6;
	s7 =	simm.s32 @p2 $0x1082  }
0x22: {  	[simem:s7], [sflag:s8] =	dma.local @!p0 [hbm:s6], $0xF7A  }
0x23: {  	s9 =	sor.u32 $0xD0000000, s2;
	s6 =	simm.s32 $0x108;
	_ =	swait.ge @!p0 [sflag:s8], $0x0  }
0x24: {  	s3 =	sadd.s32 $0x88, s3;
	s6 =	simm.s32 @!p1 $0x1082;
	[sflag:s4] =	ssyncset.s32 $0xFFFFF086  }
0x25: {  	[simem:s6], [sflag:s4] =	dma.local [hbm:s3], $0xF7A  }
0x26: {  	[smem:$0x3F9B] =	sst s1;
	(tag) =	ssettag s2;
	_ =	strace s9  }
0x27: {  	s1 =	sld [smem:$0x3FAB]  }
0x28: {  	s2 =	sld [smem:$0x3FAC]  }
0x29: {  	s4 =	sld [smem:$0x3FAE]  }
0x2a: {  	p0 =	seq.s32 s5, $0x0;
	s5 =	sld [smem:$0x3FAF]  }
0x2b: {  	s6 =	sld [smem:$0x3FB0]  }
0x2c: {  	s7 =	sld [smem:$0x3FB1]  }
0x2d: {  	s3 =	simm.s32 $0x108;
	s8 =	sld [smem:$0x3FB2]  }
0x2e: {  	s3 =	simm.s32 @!p0 $0x1082;
	s9 =	sld [smem:$0x3FB3]  }
0x2f: {  	lr =	sadd.s32 s0, s3;
	s0 =	sld [smem:$0x3FAA]  }
0x30: {  	s3 =	sld [smem:$0x3FAD]  }
0x31: {  	[smem:$0x3FB6] =	sst s10  }
0x32: {  	s10 =	sld [smem:$0x3FB4];
	_ =	sdelay $0x3  }
0x33: {  	p0 =	seq.s32 s10, $0x1;
	s10 =	sld [smem:$0x3FB6];
	_ =	sdelay $0x3  }
0x34: {  	[smem:$0x3FB6] =	sst s10  }
0x35: {  	s10 =	sld [smem:$0x3FB5];
	_ =	sdelay $0x3  }
0x36: {  	p1 =	seq.s32 s10, $0x1;
	s10 =	sld [smem:$0x3FB6];
	_ =	sdelay $0x3  }
0x37: {  	[smem:$0x3FB6] =	sst s10  }
0x38: {  	s10 =	sld [smem:$0x3FB7]  }
0x39: {  	_ = 	snop;
	(pc) =	sbr.ind lr, $3  }
0x3a: {  	_ = 	snop  }
0x3b: {  	_ = 	snop  }
0x3c: {  	p2 =	seq.s32 s10, $0x1;
	s10 =	sld [smem:$0x3FB6]  }
0x3d: {  	_ =	shalt  }
0x3e: {  	_ =	shalt  }
0x3f: {  	_ =	shalt  }
0x40: {  	_ =	shalt  }
0x41: {  	_ =	shalt  }
0x42: {  	_ =	shalt  }
0x43: {  	_ =	shalt  }
0x44: {  	_ =	shalt  }
0x45: {  	_ =	shalt  }
0x46: {  	_ =	shalt  }
0x47: {  	_ =	shalt  }
0x48: {  	_ =	shalt  }
0x49: {  	_ =	shalt  }
0x4a: {  	_ =	shalt  }
0x4b: {  	_ =	shalt  }
0x4c: {  	_ =	shalt  }
0x4d: {  	_ =	shalt  }
0x4e: {  	_ =	shalt  }
0x4f: {  	_ =	shalt  }
0x50: {  	_ =	shalt  }
0x51: {  	_ =	shalt  }
0x52: {  	_ =	shalt  }
0x53: {  	_ =	shalt  }
0x54: {  	_ =	shalt  }
0x55: {  	_ =	shalt  }
0x56: {  	_ =	shalt  }
0x57: {  	_ =	shalt  }
0x58: {  	_ =	shalt  }
0x59: {  	_ =	shalt  }
0x5a: {  	_ =	shalt  }
0x5b: {  	_ =	shalt  }
0x5c: {  	_ =	shalt  }
0x5d: {  	_ =	shalt  }
0x5e: {  	_ =	shalt  }
0x5f: {  	_ =	shalt  }
0x60: {  	_ =	shalt  }
0x61: {  	_ =	shalt  }
0x62: {  	_ =	shalt  }
0x63: {  	_ =	shalt  }
0x64: {  	_ =	shalt  }
0x65: {  	_ =	shalt  }
0x66: {  	_ =	shalt  }
0x67: {  	_ =	shalt  }
0x68: {  	_ =	shalt  }
0x69: {  	_ =	shalt  }
0x6a: {  	_ =	shalt  }
0x6b: {  	_ =	shalt  }
0x6c: {  	_ =	shalt  }
0x6d: {  	_ =	shalt  }
0x6e: {  	_ =	shalt  }
0x6f: {  	_ =	shalt  }
0x70: {  	_ =	shalt  }
0x71: {  	_ =	shalt  }
0x72: {  	_ =	shalt  }
0x73: {  	_ =	shalt  }
0x74: {  	_ =	shalt  }
0x75: {  	_ =	shalt  }
0x76: {  	_ =	shalt  }
0x77: {  	_ =	shalt  }
0x78: {  	_ =	shalt  }
0x79: {  	_ =	shalt  }
0x7a: {  	_ =	shalt  }
0x7b: {  	_ =	shalt  }
0x7c: {  	_ =	shalt  }
0x7d: {  	_ =	shalt  }
0x7e: {  	_ =	shalt  }
0x7f: {  	_ =	shalt  }
0x80: {  	_ =	shalt  }
0x81: {  	_ =	shalt  }
0x82: {  	_ =	shalt  }
0x83: {  	_ =	shalt  }
0x84: {  	_ =	shalt  }
0x85: {  	_ =	shalt  }
0x86: {  	_ =	shalt  }
0x87: {  	_ =	shalt  }
.Lfunc_end0:
.L_simem_size_0:
called_computation.3_lowered:
.L_overlay_start_0:
0x88: {  	s2 =	sld [smem:$0x3FD9]  }
0x89: {  	s3 =	sld [smem:$0x3FFE];
	_ =	sdelay $0x1  }
0x8a: {  	s1 =	srdreg.scid  }
0x8b: {  	s0 =	sand.u32 $0x1, s1  }
0x8c: {  	s17 =	sshll.u32 s0, $0xA;
	s2 =	sadd.s32 s3, s2  }
0x8d: {  	s2 =	sadd.s32 s2, s17  }
0x8e: {  	[smem:$0x3FC2] =	sst s2  }
0x8f: {  	_ = 	snop  }
0x90: {  	s2 =	sld [smem:$0x3FD0];
	(tm) =	ssettm $0x1  }
0x91: {  	s18 =	sld [smem:$0x3FFB];
	_ =	sdelay $0x3  }
0x92: {  	_ =	strace s18  }
0x93: {  	s3 =	sld [smem:$0x3FFC];
	_ =	sdelay $0x3  }
0x94: {  	_ =	strace s3  }
0x95: {  	s3 =	sld [smem:$0x3FFD];
	_ =	sdelay $0x3  }
0x96: {  	_ =	strace s3  }
0x97: {  	_ =	strace $0x8FFFFFFF  }
0x98: {  	s19 =	sld [smem:$0x3FDB];
	_ =	sdelay $0x1  }
0x99: {  	s4 =	simm.s32 $_scs_section_size  }
0x9a: {  	s5 =	simm.s32 $_size__tile_overlayer_lowered;
	s6 =	simm.s32 $_tile_overlayer_lowered  }
0x9b: {  	s22 =	simm.s32 $0x1BFF;
	s21 =	sshll.u32 s6, $0x1;
	s3 =	sadd.s32 s4, s19  }
0x9c: {  	s7 =	simm.s32 $0x0;
	s20 =	sshll.u32 s5, $0x1;
	s5 =	sadd.s32 s21, s3  }
0x9d: {  	[timem:s7], [sflag:s22] =	dma.local [hbm:s5], s20  }
0x9e: {  	_ =	swait.ge [sflag:s22], s20  }
0x9f: {  	s4 =	ssub.s32 $0x0, s20;
	[sflag:s22] =	ssyncset.done $0x0  }
0xa0: {  	[sflag:s22] =	ssyncadd.s32 s4;
	_ =	sdelay $0x1  }
0xa1: {  	s23 =	simm.s32 $0x1B8B  }
0xa2: {  	_ =	swait.ge [sflag:s23], $0x1  }
0xa3: {  	[sflag:s23] =	ssyncset.done $0x0  }
0xa4: {  	s25 =	simm.s32 $0x1B8E;
	s24 =	sld [smem:$0x3FFE];
	[sflag:s23] =	ssyncadd.s32 $0xFFFFFFFF  }
0xa5: {  	s26 =	simm.s32 $execute0_lowered;
	[smem:$0x3FD2] =	sst s25  }
0xa6: {  	s5 =	sshll.u32 s26, $0x1;
	_ =	strace $0x8000004F;
	[dreg:$0x1] =	wrdreg $0xFFFFFFFF  }
0xa7: {  	s28 =	simm.s32 $_size_execute0_lowered;
	s3 =	sadd.s32 s3, s5;
	[dreg:$0x0] =	wrdreg $0x0  }
0xa8: {  	s5 =	sshll.u32 s28, $0x1;
	[dreg:$0x2] =	wrdreg s3  }
0xa9: {  	[dreg:$0x3] =	wrdreg s5  }
0xaa: {  	[dreg:$0x4] =	wrdreg $0xC0  }
0xab: {  	_ =	task [dreg:s7], $0x5FFFF  }
0xac: {  	[dreg:$0x1] =	wrdreg $0xFFFFFFFF  }
0xad: {  	[dreg:$0x0] =	wrdreg $0x60  }
0xae: {  	[dreg:$0x2] =	wrdreg s24  }
0xaf: {  	[dreg:$0x3] =	wrdreg s2  }
0xb0: {  	[dreg:$0x4] =	wrdreg $0x90000  }
0xb1: {  	[dreg:$0x5] =	wrdreg $0x9  }
0xb2: {  	_ =	task.clear_ibuf [dreg:s7], $0x6FFFF;
	_ =	strace $0x9000004F  }
0xb3: {  	s29 =	simm.s32 $0x9;
	_ =	strace $0x80000051  }
0xb4: {  	_ =	swait.ge [sflag:s29], $0x1  }
0xb5: {  	[sflag:s29] =	ssyncadd.s32 $0xFFFFFFFF  }
0xb6: {  	_ =	strace $0x90000051  }
0xb7: {  	_ =	sfence  }
0xb8: {  	s30 =	sld [smem:$0x0];
	_ =	sdelay $0x2  }
0xb9: {  	s31 =	sshll.u32 s1, $0xD;
	s1 =	sshrl.u32 s1, $0x2  }
0xba: {  	s3 =	sand.u32 $0x4000, s31;
	s1 =	sadd.s32 s1, s30  }
0xbb: {  	s0 =	sor.u32 s3, s0;
	s1 =	sshll.u32 s1, $0x11  }
0xbc: {  	s0 =	sor.u32 s1, s0  }
0xbd: {  	s0 =	sadd.s32 $0x8F2B, s0  }
0xbe: {  	[sflag:s0] =	ssyncadd.remote.s32 $0x1  }
0xbf: {  	_ =	sfence.sel $0xFFFF  }
0xc0: {  	[dreg:$0x0] =	wrdreg $0xFFFFFFFF;
	(pc) =	sbr.abs _section_cstart, $3  }
0xc1: {  	[dreg:$0x1] =	wrdreg $0xFFFFFFFF  }
0xc2: {  	_ =	task.clear_ibuf [dreg:s7], $0x2FFFF;
	_ =	strace $0x9FFFFFFF  }
0xc3: {  	(tm) =	ssettm $0x7FFFFFFF  }
tec
execute0_lowered:
.L_overlay_start_1:
0x0: {  	(tag) =	ssettag $0x1  }
0x1: {  	s6 =	rddreg [dreg:$0x0]  }
0x2: {  	s2 =	rddreg [dreg:$0x1];
	s0 =	srdreg.scid  }
0x3: {  	s3 =	rddreg [dreg:$0x2];
	s1 =	stileid.u32  }
0x4: {  	s4 =	simm.s32 $0x0;
	s14 =	simm.s32 $0x80;
	s15 =	simm.s32 $0x5000  }
0x5: {  	s16 =	simm.s32 $0x7000;
	s17 =	simm.s32 $0x1;
	s18 =	simm.s32 $0x2  }
0x6: {  	s19 =	simm.s32 $0x4F00;
	s20 =	simm.s32 $0x4F80;
	s21 =	simm.s32 $0x0  }
0x7: {  	s5 =	sand.u32 $0x1, s0;
	s0 =	rddreg [dreg:$0x3];
	s8 =	smul.u32 $0x9E00, s1  }
0x8: {  	[smem:$0x7FF] =	sst s4;
	s12 =	sshll.u32 s1, $0x6;
	s7 =	sshll.u32 s5, $0x4  }
0x9: {  	s9 =	smul.u32 $0x9E000, s5;
	_ =	strace $0x80000050;
	s10 =	ssub.s32 $0x2, s5  }
0xa: {  	s5 =	sadd.s32 $0x1B800, s6;
	s12 =	sor.u32 $0x1C03, s12;
	s7 =	sor.u32 s1, s7  }
0xb: {  	s11 =	sshrl.u32 s10, $0x1;
	s13 =	sadd.s32 s8, s3;
	s7 =	smul.u32 $0x500, s7  }
0xc: {  	s9 =	sadd.s32 s8, s9;
	s10 =	ssub.s32 s10, s11;
	s11 =	simm.s32 $0x2800  }
0xd: {  	s13 =	sshrl.u32 s13, $0x3;
	s9 =	sshrl.u32 s9, $0x3;
	s7 =	sadd.s32 s7, s6  }
0xe: {  	s9 =	sadd.s32 s9, s6;
	s6 =	sadd.s32 $0x11800, s7;
	s7 =	sadd.s32 $0x7800, s7  }
0xf: {  	s8 =	sadd.s32 $0xBD600, s9;
	s9 =	smax.u32 s10, $0x1;
	s10 =	simm.s32 $0x3  }
.LBB2_1:
0x10: {  	[tilespmem:s4], [sflag:$0x3] =	stream.linear.gather [hbm4b:s6+s4], $0x2800, $0x38;
	[tilespmem:$0x12E00] =	vst v63  }
0x11: {  	_ =	swait.ge [sflag:s10], $0x2800  }
0x12: {  	[sflag:s10] =	ssyncset.done $0x0  }
0x13: {  	[sflag:s10] =	ssyncadd.s32 $0xFFFFD800  }
0x14: {  	[tilespmem:s11], [sflag:$0x3] =	stream.linear.gather [hbm4b:s7+s4], $0x2800, $0x38;
	[tilespmem:$0x12E00] =	vst v63  }
0x15: {  	_ =	swait.ge [sflag:s10], $0x2800  }
0x16: {  	[sflag:s10] =	ssyncset.done $0x0  }
0x17: {  	[sflag:s10] =	ssyncadd.s32 $0xFFFFD800  }
0x18: {  	[spmem:s13], [sflag:s12] =	dma.local [hbm:s5], $0x13C0  }
0x19: {  	_ =	swait.ge [sflag:s10], $0x13C0  }
0x1a: {  	[sflag:s10] =	ssyncset.done $0x0  }
0x1b: {  	[sflag:s10] =	ssyncadd.s32 $0xFFFFEC40  }
0x1c: {  	[bflag:$0x0] =	sbarrier.arrive $0xFFFF  }
0x1d: {  	[tilespmem:s15], [sflag:$0x1] =	stream.indirect.gather [hbm4b:s2+s14], $0x40, s4, s14, $0xb8;
	[tilespmem:$0x12E00] =	vst v63  }
0x1e: {  	_ = 	snop  }
0x1f: {  	[tilespmem:s16], [sflag:$0x2] =	stream.indirect.gather [hbm4b:s2+s14], $0x40, s14, s14, $0xb8;
	[tilespmem:$0x12E00] =	vst v63  }
0x20: {  	_ =	swait.ge [sflag:s17], $0x2000  }
0x21: {  	[sflag:s17] =	ssyncset.done $0x0  }
0x22: {  	s22 =	simm.s32 $0x2800;
	[sflag:s17] =	ssyncadd.s32 $0xFFFFE000  }
0x23: {  	[spmem:s3] =	stream.indirect.scatter.add.f32 [tilespmem:s15], [sflag:$0x3], $0x40, s22, s14, $0xb8;
	[tilespmem:$0x12E00] =	vst v63  }
0x24: {  	_ =	swait.ge [sflag:s10], $0x2000  }
0x25: {  	[sflag:s10] =	ssyncset.done $0x0  }
0x26: {  	s30 =	simm.s32 $0x100;
	[sflag:s10] =	ssyncadd.s32 $0xFFFFE000  }
0x27: {  	[tilespmem:s15], [sflag:$0x1] =	stream.indirect.gather [hbm4b:s2+s14], $0x40, s30, s14, $0xb8;
	[tilespmem:$0x12E00] =	vst v63  }
0x28: {  	_ =	swait.ge [sflag:s18], $0x2000  }
0x29: {  	[sflag:s18] =	ssyncset.done $0x0  }
0x2a: {  	s31 =	simm.s32 $0x2880;
	[sflag:s18] =	ssyncadd.s32 $0xFFFFE000  }
0x2b: {  	[spmem:s3] =	stream.indirect.scatter.add.f32 [tilespmem:s16], [sflag:$0x3], $0x40, s31, s14, $0xb8;
	[tilespmem:$0x12E00] =	vst v63  }
0x2c: {  	_ =	swait.ge [sflag:s10], $0x2000  }
0x2d: {  	[sflag:s10] =	ssyncset.done $0x0  }
0x2e: {  	s23 =	simm.s32 $0x180;
	s22 =	simm.s32 $0x400;
	[sflag:s10] =	ssyncadd.s32 $0xFFFFE000  }
.LBB2_2:
0x2f: {  	[tilespmem:s16], [sflag:$0x2] =	stream.indirect.gather [hbm4b:s2+s14], $0x40, s23, s14, $0xb8;
	[tilespmem:$0x12E00] =	vst v63  }
0x30: {  	s23 =	smov.u32 s22  }
0x31: {  	p0 =	sne.s32 s22, $0x9800;
	s22 =	sadd.s32 $0x400, s22;
	_ =	swait.ge [sflag:s17], $0x2000  }
0x32: {  	s23 =	sshra.s32 s23, $0x2;
	[sflag:s17] =	ssyncset.done $0x0  }
0x33: {  	s24 =	sadd.s32 $0x2800, s23;
	[sflag:s17] =	ssyncadd.s32 $0xFFFFE000  }
0x34: {  	[spmem:s3] =	stream.indirect.scatter.add.f32 [tilespmem:s15], [sflag:$0x3], $0x40, s24, s14, $0xb8;
	[tilespmem:$0x12E00] =	vst v63  }
0x35: {  	_ =	swait.ge [sflag:s10], $0x2000  }
0x36: {  	[sflag:s10] =	ssyncset.done $0x0  }
0x37: {  	s24 =	sadd.s32 $0x100, s23;
	[sflag:s10] =	ssyncadd.s32 $0xFFFFE000  }
0x38: {  	[tilespmem:s15], [sflag:$0x1] =	stream.indirect.gather [hbm4b:s2+s14], $0x40, s24, s14, $0xb8;
	[tilespmem:$0x12E00] =	vst v63  }
0x39: {  	_ =	swait.ge [sflag:s18], $0x2000  }
0x3a: {  	[sflag:s18] =	ssyncset.done $0x0  }
.Ltmp0:
0x3b: {  	s24 =	sadd.s32 $0x2880, s23;
	[sflag:s18] =	ssyncadd.s32 $0xFFFFE000;
	(pc) =	sbr.rel @p0 .LBB2_2-.Ltmp0, $4  }
0x3c: {  	[spmem:s3] =	stream.indirect.scatter.add.f32 [tilespmem:s16], [sflag:$0x3], $0x40, s24, s14, $0xb8;
	[tilespmem:$0x12E00] =	vst v63  }
0x3d: {  	_ =	swait.ge [sflag:s10], $0x2000  }
0x3e: {  	[sflag:s10] =	ssyncset.done $0x0  }
0x3f: {  	s23 =	sadd.s32 $0x180, s23;
	[sflag:s10] =	ssyncadd.s32 $0xFFFFE000  }
0x40: {  	[tilespmem:s16], [sflag:$0x2] =	stream.indirect.gather [hbm4b:s2+s14], $0x40, s23, s14, $0xb8;
	[tilespmem:$0x12E00] =	vst v63  }
0x41: {  	_ =	swait.ge [sflag:s17], $0x2000  }
0x42: {  	[sflag:s17] =	ssyncset.done $0x0  }
0x43: {  	[sflag:s17] =	ssyncadd.s32 $0xFFFFE000  }
0x44: {  	[spmem:s3] =	stream.indirect.scatter.add.f32 [tilespmem:s15], [sflag:$0x3], $0x40, s19, s14, $0xb8;
	[tilespmem:$0x12E00] =	vst v63  }
0x45: {  	_ =	swait.ge [sflag:s10], $0x2000  }
0x46: {  	[sflag:s10] =	ssyncset.done $0x0  }
0x47: {  	[sflag:s10] =	ssyncadd.s32 $0xFFFFE000  }
0x48: {  	_ =	swait.ge [sflag:s18], $0x2000  }
0x49: {  	[sflag:s18] =	ssyncset.done $0x0  }
0x4a: {  	[sflag:s18] =	ssyncadd.s32 $0xFFFFE000  }
0x4b: {  	[spmem:s3] =	stream.indirect.scatter.add.f32 [tilespmem:s16], [sflag:$0x3], $0x40, s20, s14, $0xb8;
	[tilespmem:$0x12E00] =	vst v63  }
0x4c: {  	_ =	swait.ge [sflag:s10], $0x2000  }
0x4d: {  	s21 =	sadd.s32 $0x1, s21;
	[sflag:s10] =	ssyncset.done $0x0  }
0x4e: {  	p0 =	sne.s32 s21, s9;
	[sflag:s10] =	ssyncadd.s32 $0xFFFFE000  }
.Ltmp1:
0x4f: {  	[bflag:$0x0] =	sbarrier.arrive $0xFFFF;
	(pc) =	sbr.rel @p0 .LBB2_1-.Ltmp1, $4  }
0x50: {  	[hbm:s8], [sflag:s12] =	dma.local [spmem:s13], $0x13C0  }
0x51: {  	_ =	swait.ge [sflag:s10], $0x13C0  }
0x52: {  	[sflag:s10] =	ssyncset.done $0x0  }
0x53: {  	[sflag:s10] =	ssyncadd.s32 $0xFFFFEC40  }
0x54: {  	_ =	sfence.sel $0x180000  }
0x55: {  	[bflag:$0x0] =	sbarrier.arrive $0xFFFF  }
0x56: {  	p0 =	sne.s32 s1, $0x0;
	_ =	strace $0x90000050  }
0x57: {  	s0 =	sadd.s32 @!p0 $0x100000, s0;
	[bflag:$0x2] =	sbarrier.arrive $0xFFFF  }
0x58: {  	[sflag:s0] =	ssyncadd.tile.s32 @!p0 $0x1;
	_ =	shalt  }
.Lfunc_end2:
_tile_overlayer_lowered:
.L_overlay_start_2:
0x59: {  	(tag) =	ssettag $0x2  }
0x5a: {  	s0 =	rddreg [dreg:$0x0];
	s2 =	stileid.u32  }
0x5b: {  	s1 =	rddreg [dreg:$0x1];
	p0 =	sne.s32 s2, $0x0  }
0x5c: {  	s3 =	rddreg [dreg:$0x2];
	[bflag:$0x3] =	sbarrier.arrive $0xFFFF;
	s2 =	simm.s32 @!p0 $0x1C03  }
0x5d: {  	[timem:s3], [sflag:s2] =	dma.local @!p0 [hbm:s0], s1  }
0x5e: {  	s0 =	simm.s32 @!p0 $0x3  }
0x5f: {  	_ =	swait.ge @!p0 [sflag:s0], s1  }
0x60: {  	s1 =	ssub.s32 @!p0 $0x0, s1;
	[sflag:s0] =	ssyncset.done @!p0 $0x0  }
0x61: {  	[sflag:s0] =	ssyncadd.s32 @!p0 s1  }
0x62: {  	[bflag:$0x3] =	sbarrier.arrive $0xFFFF  }
0x63: {  	_ =	shalt  }

// kernel: kernel.37.cloned.1.call-start
scs
__scs_entry_jumppad:
0x0: {  	(pc) =	sbr.rel $0x88, $3  }
0x1: {  	(tag) =	ssettag $0x0;
	lr =	simm.s32 $0x1  }
0x2: {  	[smem:$0x3F9B] =	sst lr;
	_ =	strace $0xD0000000  }
0x3: {  	_ = 	snop  }
0x4: {  	_ = 	snop  }
0x5: {  	_ = 	snop  }
0x6: {  	_ = 	snop  }
0x7: {  	_ = 	snop  }
__scs_overlays_trampoline_lowered:
0x8: {  	[smem:$0x3FAA] =	sst s0  }
0x9: {  	[smem:$0x3FAB] =	sst s1  }
0xa: {  	[smem:$0x3FAC] =	sst s2  }
0xb: {  	[smem:$0x3FAD] =	sst s3  }
0xc: {  	[smem:$0x3FAE] =	sst s4  }
0xd: {  	[smem:$0x3FAF] =	sst s5  }
0xe: {  	[smem:$0x3FB0] =	sst s6  }
0xf: {  	[smem:$0x3FB1] =	sst s7  }
0x10: {  	[smem:$0x3FB2] =	sst s8  }
0x11: {  	[smem:$0x3FB3] =	sst s9;
	s0 =	simm.s32 @!p0 $0x0  }
0x12: {  	s1 =	sld [smem:$0x3F99];
	s0 =	simm.s32 @p0 $0x1  }
0x13: {  	[smem:$0x3FB4] =	sst s0;
	s0 =	simm.s32 @!p1 $0x0  }
0x14: {  	s2 =	sld [smem:$0x3F98];
	s0 =	simm.s32 @p1 $0x1  }
0x15: {  	[smem:$0x3FB5] =	sst s0;
	s0 =	simm.s32 @!p2 $0x0  }
0x16: {  	s3 =	sld [smem:$0x3FDB];
	s0 =	simm.s32 @p2 $0x1  }
0x17: {  	s4 =	simm.s32 $0x1BF5;
	[smem:$0x3FB7] =	sst s0  }
0x18: {  	s0 =	sld [smem:$0x3F9A];
	_ =	swait.ge [sflag:s4], $0x0  }
0x19: {  	s7 =	sld [smem:$0x3F9B]  }
0x1a: {  	s8 =	sadd.s32 $0xFFFFE003, lr  }
0x1b: {  	s9 =	sadd.s32 $0xFFFFFEF7, lr;
	s5 =	simm.s32 $0xFFFFFFFF;
	p2 =	slt.u32 s8, $0xFFFFF086  }
0x1c: {  	p1 =	slt.u32 s9, $0xF7A;
	s5 =	simm.s32 @!p2 $0x0  }
0x1d: {  	s5 =	simm.s32 @p1 $0x1;
	p0 =	seq.s32 s7, s2  }
0x1e: {  	s7 =	smul.u32 @!p0 $0xF7A, s2;
	p2 =	seq.s32 @!p0 s5, $0x0  }
0x1f: {  	s9 =	smul.u32 $0xF7A, s1;
	s8 =	simm.s32 @!p0 $0x1BF5;
	p2 =	por !p2, p0  }
0x20: {  	[sflag:s8] =	ssyncset.s32 @!p0 $0xFFFFF086;
	s6 =	sadd.s32 @!p0 s3, s7;
	s7 =	simm.s32 @!p0 $0x108  }
0x21: {  	s3 =	sadd.s32 s3, s9;
	s6 =	sadd.s32 @!p0 $0x88, s6;
	s7 =	simm.s32 @p2 $0x1082  }
0x22: {  	[simem:s7], [sflag:s8] =	dma.local @!p0 [hbm:s6], $0xF7A  }
0x23: {  	s9 =	sor.u32 $0xD0000000, s2;
	s6 =	simm.s32 $0x108;
	_ =	swait.ge @!p0 [sflag:s8], $0x0  }
0x24: {  	s3 =	sadd.s32 $0x88, s3;
	s6 =	simm.s32 @!p1 $0x1082;
	[sflag:s4] =	ssyncset.s32 $0xFFFFF086  }
0x25: {  	[simem:s6], [sflag:s4] =	dma.local [hbm:s3], $0xF7A  }
0x26: {  	[smem:$0x3F9B] =	sst s1;
	(tag) =	ssettag s2;
	_ =	strace s9  }
0x27: {  	s1 =	sld [smem:$0x3FAB]  }
0x28: {  	s2 =	sld [smem:$0x3FAC]  }
0x29: {  	s4 =	sld [smem:$0x3FAE]  }
0x2a: {  	p0 =	seq.s32 s5, $0x0;
	s5 =	sld [smem:$0x3FAF]  }
0x2b: {  	s6 =	sld [smem:$0x3FB0]  }
0x2c: {  	s7 =	sld [smem:$0x3FB1]  }
0x2d: {  	s3 =	simm.s32 $0x108;
	s8 =	sld [smem:$0x3FB2]  }
0x2e: {  	s3 =	simm.s32 @!p0 $0x1082;
	s9 =	sld [smem:$0x3FB3]  }
0x2f: {  	lr =	sadd.s32 s0, s3;
	s0 =	sld [smem:$0x3FAA]  }
0x30: {  	s3 =	sld [smem:$0x3FAD]  }
0x31: {  	[smem:$0x3FB6] =	sst s10  }
0x32: {  	s10 =	sld [smem:$0x3FB4];
	_ =	sdelay $0x3  }
0x33: {  	p0 =	seq.s32 s10, $0x1;
	s10 =	sld [smem:$0x3FB6];
	_ =	sdelay $0x3  }
0x34: {  	[smem:$0x3FB6] =	sst s10  }
0x35: {  	s10 =	sld [smem:$0x3FB5];
	_ =	sdelay $0x3  }
0x36: {  	p1 =	seq.s32 s10, $0x1;
	s10 =	sld [smem:$0x3FB6];
	_ =	sdelay $0x3  }
0x37: {  	[smem:$0x3FB6] =	sst s10  }
0x38: {  	s10 =	sld [smem:$0x3FB7]  }
0x39: {  	_ = 	snop;
	(pc) =	sbr.ind lr, $3  }
0x3a: {  	_ = 	snop  }
0x3b: {  	_ = 	snop  }
0x3c: {  	p2 =	seq.s32 s10, $0x1;
	s10 =	sld [smem:$0x3FB6]  }
0x3d: {  	_ =	shalt  }
0x3e: {  	_ =	shalt  }
0x3f: {  	_ =	shalt  }
0x40: {  	_ =	shalt  }
0x41: {  	_ =	shalt  }
0x42: {  	_ =	shalt  }
0x43: {  	_ =	shalt  }
0x44: {  	_ =	shalt  }
0x45: {  	_ =	shalt  }
0x46: {  	_ =	shalt  }
0x47: {  	_ =	shalt  }
0x48: {  	_ =	shalt  }
0x49: {  	_ =	shalt  }
0x4a: {  	_ =	shalt  }
0x4b: {  	_ =	shalt  }
0x4c: {  	_ =	shalt  }
0x4d: {  	_ =	shalt  }
0x4e: {  	_ =	shalt  }
0x4f: {  	_ =	shalt  }
0x50: {  	_ =	shalt  }
0x51: {  	_ =	shalt  }
0x52: {  	_ =	shalt  }
0x53: {  	_ =	shalt  }
0x54: {  	_ =	shalt  }
0x55: {  	_ =	shalt  }
0x56: {  	_ =	shalt  }
0x57: {  	_ =	shalt  }
0x58: {  	_ =	shalt  }
0x59: {  	_ =	shalt  }
0x5a: {  	_ =	shalt  }
0x5b: {  	_ =	shalt  }
0x5c: {  	_ =	shalt  }
0x5d: {  	_ =	shalt  }
0x5e: {  	_ =	shalt  }
0x5f: {  	_ =	shalt  }
0x60: {  	_ =	shalt  }
0x61: {  	_ =	shalt  }
0x62: {  	_ =	shalt  }
0x63: {  	_ =	shalt  }
0x64: {  	_ =	shalt  }
0x65: {  	_ =	shalt  }
0x66: {  	_ =	shalt  }
0x67: {  	_ =	shalt  }
0x68: {  	_ =	shalt  }
0x69: {  	_ =	shalt  }
0x6a: {  	_ =	shalt  }
0x6b: {  	_ =	shalt  }
0x6c: {  	_ =	shalt  }
0x6d: {  	_ =	shalt  }
0x6e: {  	_ =	shalt  }
0x6f: {  	_ =	shalt  }
0x70: {  	_ =	shalt  }
0x71: {  	_ =	shalt  }
0x72: {  	_ =	shalt  }
0x73: {  	_ =	shalt  }
0x74: {  	_ =	shalt  }
0x75: {  	_ =	shalt  }
0x76: {  	_ =	shalt  }
0x77: {  	_ =	shalt  }
0x78: {  	_ =	shalt  }
0x79: {  	_ =	shalt  }
0x7a: {  	_ =	shalt  }
0x7b: {  	_ =	shalt  }
0x7c: {  	_ =	shalt  }
0x7d: {  	_ =	shalt  }
0x7e: {  	_ =	shalt  }
0x7f: {  	_ =	shalt  }
0x80: {  	_ =	shalt  }
0x81: {  	_ =	shalt  }
0x82: {  	_ =	shalt  }
0x83: {  	_ =	shalt  }
0x84: {  	_ =	shalt  }
0x85: {  	_ =	shalt  }
0x86: {  	_ =	shalt  }
0x87: {  	_ =	shalt  }
.Lfunc_end0:
.L_simem_size_0:
called_computation.4_lowered:
.L_overlay_start_0:
0x88: {  	s2 =	sld [smem:$0x3FD9]  }
0x89: {  	s3 =	sld [smem:$0x3FFE];
	_ =	sdelay $0x1  }
0x8a: {  	s1 =	srdreg.scid  }
0x8b: {  	s0 =	sand.u32 $0x1, s1  }
0x8c: {  	s17 =	sshll.u32 s0, $0xA;
	s2 =	sadd.s32 s3, s2  }
0x8d: {  	s2 =	sadd.s32 s2, s17  }
0x8e: {  	[smem:$0x3FC2] =	sst s2  }
0x8f: {  	_ = 	snop  }
0x90: {  	s2 =	sld [smem:$0x3FD0];
	(tm) =	ssettm $0x1  }
0x91: {  	s18 =	sld [smem:$0x3FFB];
	_ =	sdelay $0x3  }
0x92: {  	_ =	strace s18  }
0x93: {  	s3 =	sld [smem:$0x3FFC];
	_ =	sdelay $0x3  }
0x94: {  	_ =	strace s3  }
0x95: {  	s3 =	sld [smem:$0x3FFD];
	_ =	sdelay $0x3  }
0x96: {  	_ =	strace s3  }
0x97: {  	_ =	strace $0x8FFFFFFF  }
0x98: {  	s19 =	sld [smem:$0x3FDB];
	_ =	sdelay $0x1  }
0x99: {  	s4 =	simm.s32 $_scs_section_size  }
0x9a: {  	s5 =	simm.s32 $_size__tile_overlayer_lowered;
	s6 =	simm.s32 $_tile_overlayer_lowered  }
0x9b: {  	s22 =	simm.s32 $0x1BFF;
	s21 =	sshll.u32 s6, $0x1;
	s3 =	sadd.s32 s4, s19  }
0x9c: {  	s7 =	simm.s32 $0x0;
	s20 =	sshll.u32 s5, $0x1;
	s5 =	sadd.s32 s21, s3  }
0x9d: {  	[timem:s7], [sflag:s22] =	dma.local [hbm:s5], s20  }
0x9e: {  	_ =	swait.ge [sflag:s22], s20  }
0x9f: {  	s4 =	ssub.s32 $0x0, s20;
	[sflag:s22] =	ssyncset.done $0x0  }
0xa0: {  	[sflag:s22] =	ssyncadd.s32 s4;
	_ =	sdelay $0x1  }
0xa1: {  	s23 =	simm.s32 $0x1B8B  }
0xa2: {  	_ =	swait.ge [sflag:s23], $0x1  }
0xa3: {  	[sflag:s23] =	ssyncset.done $0x0  }
0xa4: {  	s25 =	simm.s32 $0x1B8E;
	s24 =	sld [smem:$0x3FFE];
	[sflag:s23] =	ssyncadd.s32 $0xFFFFFFFF  }
0xa5: {  	s26 =	simm.s32 $execute0_lowered;
	[smem:$0x3FD2] =	sst s25  }
0xa6: {  	s5 =	sshll.u32 s26, $0x1;
	_ =	strace $0x80000052;
	[dreg:$0x1] =	wrdreg $0xFFFFFFFF  }
0xa7: {  	s28 =	simm.s32 $_size_execute0_lowered;
	s3 =	sadd.s32 s3, s5;
	[dreg:$0x0] =	wrdreg $0x0  }
0xa8: {  	s5 =	sshll.u32 s28, $0x1;
	[dreg:$0x2] =	wrdreg s3  }
0xa9: {  	[dreg:$0x3] =	wrdreg s5  }
0xaa: {  	[dreg:$0x4] =	wrdreg $0xC0  }
0xab: {  	_ =	task [dreg:s7], $0x5FFFF  }
0xac: {  	[dreg:$0x1] =	wrdreg $0xFFFFFFFF  }
0xad: {  	[dreg:$0x0] =	wrdreg $0x60  }
0xae: {  	[dreg:$0x2] =	wrdreg s24  }
0xaf: {  	[dreg:$0x3] =	wrdreg s2  }
0xb0: {  	[dreg:$0x4] =	wrdreg $0x90000  }
0xb1: {  	[dreg:$0x5] =	wrdreg $0x9  }
0xb2: {  	_ =	task.clear_ibuf [dreg:s7], $0x6FFFF;
	_ =	strace $0x90000052  }
0xb3: {  	s29 =	simm.s32 $0x9;
	_ =	strace $0x80000054  }
0xb4: {  	_ =	swait.ge [sflag:s29], $0x1  }
0xb5: {  	[sflag:s29] =	ssyncadd.s32 $0xFFFFFFFF  }
0xb6: {  	_ =	strace $0x90000054  }
0xb7: {  	_ =	sfence  }
0xb8: {  	s30 =	sld [smem:$0x0];
	_ =	sdelay $0x2  }
0xb9: {  	s31 =	sshll.u32 s1, $0xD;
	s1 =	sshrl.u32 s1, $0x2  }
0xba: {  	s3 =	sand.u32 $0x4000, s31;
	s1 =	sadd.s32 s1, s30  }
0xbb: {  	s0 =	sor.u32 s3, s0;
	s1 =	sshll.u32 s1, $0x11  }
0xbc: {  	s0 =	sor.u32 s1, s0  }
0xbd: {  	s0 =	sadd.s32 $0x8F2B, s0  }
0xbe: {  	[sflag:s0] =	ssyncadd.remote.s32 $0x1  }
0xbf: {  	_ =	sfence.sel $0xFFFF  }
0xc0: {  	[dreg:$0x0] =	wrdreg $0xFFFFFFFF;
	(pc) =	sbr.abs _section_cstart, $3  }
0xc1: {  	[dreg:$0x1] =	wrdreg $0xFFFFFFFF  }
0xc2: {  	_ =	task.clear_ibuf [dreg:s7], $0x2FFFF;
	_ =	strace $0x9FFFFFFF  }
0xc3: {  	(tm) =	ssettm $0x7FFFFFFF  }
tec
execute0_lowered:
.L_overlay_start_1:
0x0: {  	(tag) =	ssettag $0x1  }
0x1: {  	s6 =	rddreg [dreg:$0x0]  }
0x2: {  	s2 =	rddreg [dreg:$0x1];
	s0 =	srdreg.scid  }
0x3: {  	s3 =	rddreg [dreg:$0x2];
	s1 =	stileid.u32  }
0x4: {  	s4 =	simm.s32 $0x0;
	s14 =	simm.s32 $0x80;
	s15 =	simm.s32 $0x5000  }
0x5: {  	s16 =	simm.s32 $0x7000;
	s17 =	simm.s32 $0x1;
	s18 =	simm.s32 $0x2  }
0x6: {  	s19 =	simm.s32 $0x4F00;
	s20 =	simm.s32 $0x4F80;
	s21 =	simm.s32 $0x0  }
0x7: {  	s5 =	sand.u32 $0x1, s0;
	s0 =	rddreg [dreg:$0x3];
	s8 =	smul.u32 $0x9E00, s1  }
0x8: {  	[smem:$0x7FF] =	sst s4;
	s12 =	sshll.u32 s1, $0x6;
	s7 =	sshll.u32 s5, $0x4  }
0x9: {  	s9 =	smul.u32 $0x9E000, s5;
	_ =	strace $0x80000053;
	s10 =	ssub.s32 $0x2, s5  }
0xa: {  	s5 =	sadd.s32 $0x1B800, s6;
	s12 =	sor.u32 $0x1C03, s12;
	s7 =	sor.u32 s1, s7  }
0xb: {  	s11 =	sshrl.u32 s10, $0x1;
	s13 =	sadd.s32 s8, s3;
	s7 =	smul.u32 $0x500, s7  }
0xc: {  	s9 =	sadd.s32 s8, s9;
	s10 =	ssub.s32 s10, s11;
	s11 =	simm.s32 $0x2800  }
0xd: {  	s13 =	sshrl.u32 s13, $0x3;
	s9 =	sshrl.u32 s9, $0x3;
	s7 =	sadd.s32 s7, s6  }
0xe: {  	s9 =	sadd.s32 s9, s6;
	s6 =	sadd.s32 $0x11800, s7;
	s7 =	sadd.s32 $0x7800, s7  }
0xf: {  	s8 =	sadd.s32 $0xBD600, s9;
	s9 =	smax.u32 s10, $0x1;
	s10 =	simm.s32 $0x3  }
.LBB2_1:
0x10: {  	[tilespmem:s4], [sflag:$0x3] =	stream.linear.gather [hbm4b:s6+s4], $0x2800, $0x38;
	[tilespmem:$0x12E00] =	vst v63  }
0x11: {  	_ =	swait.ge [sflag:s10], $0x2800  }
0x12: {  	[sflag:s10] =	ssyncset.done $0x0  }
0x13: {  	[sflag:s10] =	ssyncadd.s32 $0xFFFFD800  }
0x14: {  	[tilespmem:s11], [sflag:$0x3] =	stream.linear.gather [hbm4b:s7+s4], $0x2800, $0x38;
	[tilespmem:$0x12E00] =	vst v63  }
0x15: {  	_ =	swait.ge [sflag:s10], $0x2800  }
0x16: {  	[sflag:s10] =	ssyncset.done $0x0  }
0x17: {  	[sflag:s10] =	ssyncadd.s32 $0xFFFFD800  }
0x18: {  	[spmem:s13], [sflag:s12] =	dma.local [hbm:s5], $0x13C0  }
0x19: {  	_ =	swait.ge [sflag:s10], $0x13C0  }
0x1a: {  	[sflag:s10] =	ssyncset.done $0x0  }
0x1b: {  	[sflag:s10] =	ssyncadd.s32 $0xFFFFEC40  }
0x1c: {  	[bflag:$0x0] =	sbarrier.arrive $0xFFFF  }
0x1d: {  	[tilespmem:s15], [sflag:$0x1] =	stream.indirect.gather [hbm4b:s2+s14], $0x40, s4, s14, $0xb8;
	[tilespmem:$0x12E00] =	vst v63  }
0x1e: {  	_ = 	snop  }
0x1f: {  	[tilespmem:s16], [sflag:$0x2] =	stream.indirect.gather [hbm4b:s2+s14], $0x40, s14, s14, $0xb8;
	[tilespmem:$0x12E00] =	vst v63  }
0x20: {  	_ =	swait.ge [sflag:s17], $0x2000  }
0x21: {  	[sflag:s17] =	ssyncset.done $0x0  }
0x22: {  	s22 =	simm.s32 $0x2800;
	[sflag:s17] =	ssyncadd.s32 $0xFFFFE000  }
0x23: {  	[spmem:s3] =	stream.indirect.scatter.add.f32 [tilespmem:s15], [sflag:$0x3], $0x40, s22, s14, $0xb8;
	[tilespmem:$0x12E00] =	vst v63  }
0x24: {  	_ =	swait.ge [sflag:s10], $0x2000  }
0x25: {  	[sflag:s10] =	ssyncset.done $0x0  }
0x26: {  	s30 =	simm.s32 $0x100;
	[sflag:s10] =	ssyncadd.s32 $0xFFFFE000  }
0x27: {  	[tilespmem:s15], [sflag:$0x1] =	stream.indirect.gather [hbm4b:s2+s14], $0x40, s30, s14, $0xb8;
	[tilespmem:$0x12E00] =	vst v63  }
0x28: {  	_ =	swait.ge [sflag:s18], $0x2000  }
0x29: {  	[sflag:s18] =	ssyncset.done $0x0  }
0x2a: {  	s31 =	simm.s32 $0x2880;
	[sflag:s18] =	ssyncadd.s32 $0xFFFFE000  }
0x2b: {  	[spmem:s3] =	stream.indirect.scatter.add.f32 [tilespmem:s16], [sflag:$0x3], $0x40, s31, s14, $0xb8;
	[tilespmem:$0x12E00] =	vst v63  }
0x2c: {  	_ =	swait.ge [sflag:s10], $0x2000  }
0x2d: {  	[sflag:s10] =	ssyncset.done $0x0  }
0x2e: {  	s23 =	simm.s32 $0x180;
	s22 =	simm.s32 $0x400;
	[sflag:s10] =	ssyncadd.s32 $0xFFFFE000  }
.LBB2_2:
0x2f: {  	[tilespmem:s16], [sflag:$0x2] =	stream.indirect.gather [hbm4b:s2+s14], $0x40, s23, s14, $0xb8;
	[tilespmem:$0x12E00] =	vst v63  }
0x30: {  	s23 =	smov.u32 s22  }
0x31: {  	p0 =	sne.s32 s22, $0x9800;
	s22 =	sadd.s32 $0x400, s22;
	_ =	swait.ge [sflag:s17], $0x2000  }
0x32: {  	s23 =	sshra.s32 s23, $0x2;
	[sflag:s17] =	ssyncset.done $0x0  }
0x33: {  	s24 =	sadd.s32 $0x2800, s23;
	[sflag:s17] =	ssyncadd.s32 $0xFFFFE000  }
0x34: {  	[spmem:s3] =	stream.indirect.scatter.add.f32 [tilespmem:s15], [sflag:$0x3], $0x40, s24, s14, $0xb8;
	[tilespmem:$0x12E00] =	vst v63  }
0x35: {  	_ =	swait.ge [sflag:s10], $0x2000  }
0x36: {  	[sflag:s10] =	ssyncset.done $0x0  }
0x37: {  	s24 =	sadd.s32 $0x100, s23;
	[sflag:s10] =	ssyncadd.s32 $0xFFFFE000  }
0x38: {  	[tilespmem:s15], [sflag:$0x1] =	stream.indirect.gather [hbm4b:s2+s14], $0x40, s24, s14, $0xb8;
	[tilespmem:$0x12E00] =	vst v63  }
0x39: {  	_ =	swait.ge [sflag:s18], $0x2000  }
0x3a: {  	[sflag:s18] =	ssyncset.done $0x0  }
.Ltmp0:
0x3b: {  	s24 =	sadd.s32 $0x2880, s23;
	[sflag:s18] =	ssyncadd.s32 $0xFFFFE000;
	(pc) =	sbr.rel @p0 .LBB2_2-.Ltmp0, $4  }
0x3c: {  	[spmem:s3] =	stream.indirect.scatter.add.f32 [tilespmem:s16], [sflag:$0x3], $0x40, s24, s14, $0xb8;
	[tilespmem:$0x12E00] =	vst v63  }
0x3d: {  	_ =	swait.ge [sflag:s10], $0x2000  }
0x3e: {  	[sflag:s10] =	ssyncset.done $0x0  }
0x3f: {  	s23 =	sadd.s32 $0x180, s23;
	[sflag:s10] =	ssyncadd.s32 $0xFFFFE000  }
0x40: {  	[tilespmem:s16], [sflag:$0x2] =	stream.indirect.gather [hbm4b:s2+s14], $0x40, s23, s14, $0xb8;
	[tilespmem:$0x12E00] =	vst v63  }
0x41: {  	_ =	swait.ge [sflag:s17], $0x2000  }
0x42: {  	[sflag:s17] =	ssyncset.done $0x0  }
0x43: {  	[sflag:s17] =	ssyncadd.s32 $0xFFFFE000  }
0x44: {  	[spmem:s3] =	stream.indirect.scatter.add.f32 [tilespmem:s15], [sflag:$0x3], $0x40, s19, s14, $0xb8;
	[tilespmem:$0x12E00] =	vst v63  }
0x45: {  	_ =	swait.ge [sflag:s10], $0x2000  }
0x46: {  	[sflag:s10] =	ssyncset.done $0x0  }
0x47: {  	[sflag:s10] =	ssyncadd.s32 $0xFFFFE000  }
0x48: {  	_ =	swait.ge [sflag:s18], $0x2000  }
0x49: {  	[sflag:s18] =	ssyncset.done $0x0  }
0x4a: {  	[sflag:s18] =	ssyncadd.s32 $0xFFFFE000  }
0x4b: {  	[spmem:s3] =	stream.indirect.scatter.add.f32 [tilespmem:s16], [sflag:$0x3], $0x40, s20, s14, $0xb8;
	[tilespmem:$0x12E00] =	vst v63  }
0x4c: {  	_ =	swait.ge [sflag:s10], $0x2000  }
0x4d: {  	s21 =	sadd.s32 $0x1, s21;
	[sflag:s10] =	ssyncset.done $0x0  }
0x4e: {  	p0 =	sne.s32 s21, s9;
	[sflag:s10] =	ssyncadd.s32 $0xFFFFE000  }
.Ltmp1:
0x4f: {  	[bflag:$0x0] =	sbarrier.arrive $0xFFFF;
	(pc) =	sbr.rel @p0 .LBB2_1-.Ltmp1, $4  }
0x50: {  	[hbm:s8], [sflag:s12] =	dma.local [spmem:s13], $0x13C0  }
0x51: {  	_ =	swait.ge [sflag:s10], $0x13C0  }
0x52: {  	[sflag:s10] =	ssyncset.done $0x0  }
0x53: {  	[sflag:s10] =	ssyncadd.s32 $0xFFFFEC40  }
0x54: {  	_ =	sfence.sel $0x180000  }
0x55: {  	[bflag:$0x0] =	sbarrier.arrive $0xFFFF  }
0x56: {  	p0 =	sne.s32 s1, $0x0;
	_ =	strace $0x90000053  }
0x57: {  	s0 =	sadd.s32 @!p0 $0x100000, s0;
	[bflag:$0x2] =	sbarrier.arrive $0xFFFF  }
0x58: {  	[sflag:s0] =	ssyncadd.tile.s32 @!p0 $0x1;
	_ =	shalt  }
.Lfunc_end2:
_tile_overlayer_lowered:
.L_overlay_start_2:
0x59: {  	(tag) =	ssettag $0x2  }
0x5a: {  	s0 =	rddreg [dreg:$0x0];
	s2 =	stileid.u32  }
0x5b: {  	s1 =	rddreg [dreg:$0x1];
	p0 =	sne.s32 s2, $0x0  }
0x5c: {  	s3 =	rddreg [dreg:$0x2];
	[bflag:$0x3] =	sbarrier.arrive $0xFFFF;
	s2 =	simm.s32 @!p0 $0x1C03  }
0x5d: {  	[timem:s3], [sflag:s2] =	dma.local @!p0 [hbm:s0], s1  }
0x5e: {  	s0 =	simm.s32 @!p0 $0x3  }
0x5f: {  	_ =	swait.ge @!p0 [sflag:s0], s1  }
0x60: {  	s1 =	ssub.s32 @!p0 $0x0, s1;
	[sflag:s0] =	ssyncset.done @!p0 $0x0  }
0x61: {  	[sflag:s0] =	ssyncadd.s32 @!p0 s1  }
0x62: {  	[bflag:$0x3] =	sbarrier.arrive $0xFFFF  }
0x63: {  	_ =	shalt  }

// kernel: kernel.40.cloned.1.call-start
scs
__scs_entry_jumppad:
0x0: {  	(pc) =	sbr.rel $0x88, $3  }
0x1: {  	(tag) =	ssettag $0x0;
	lr =	simm.s32 $0x1  }
0x2: {  	[smem:$0x3F9B] =	sst lr;
	_ =	strace $0xD0000000  }
0x3: {  	_ = 	snop  }
0x4: {  	_ = 	snop  }
0x5: {  	_ = 	snop  }
0x6: {  	_ = 	snop  }
0x7: {  	_ = 	snop  }
__scs_overlays_trampoline_lowered:
0x8: {  	[smem:$0x3FAA] =	sst s0  }
0x9: {  	[smem:$0x3FAB] =	sst s1  }
0xa: {  	[smem:$0x3FAC] =	sst s2  }
0xb: {  	[smem:$0x3FAD] =	sst s3  }
0xc: {  	[smem:$0x3FAE] =	sst s4  }
0xd: {  	[smem:$0x3FAF] =	sst s5  }
0xe: {  	[smem:$0x3FB0] =	sst s6  }
0xf: {  	[smem:$0x3FB1] =	sst s7  }
0x10: {  	[smem:$0x3FB2] =	sst s8  }
0x11: {  	[smem:$0x3FB3] =	sst s9;
	s0 =	simm.s32 @!p0 $0x0  }
0x12: {  	s1 =	sld [smem:$0x3F99];
	s0 =	simm.s32 @p0 $0x1  }
0x13: {  	[smem:$0x3FB4] =	sst s0;
	s0 =	simm.s32 @!p1 $0x0  }
0x14: {  	s2 =	sld [smem:$0x3F98];
	s0 =	simm.s32 @p1 $0x1  }
0x15: {  	[smem:$0x3FB5] =	sst s0;
	s0 =	simm.s32 @!p2 $0x0  }
0x16: {  	s3 =	sld [smem:$0x3FDB];
	s0 =	simm.s32 @p2 $0x1  }
0x17: {  	s4 =	simm.s32 $0x1BF5;
	[smem:$0x3FB7] =	sst s0  }
0x18: {  	s0 =	sld [smem:$0x3F9A];
	_ =	swait.ge [sflag:s4], $0x0  }
0x19: {  	s7 =	sld [smem:$0x3F9B]  }
0x1a: {  	s8 =	sadd.s32 $0xFFFFE003, lr  }
0x1b: {  	s9 =	sadd.s32 $0xFFFFFEF7, lr;
	s5 =	simm.s32 $0xFFFFFFFF;
	p2 =	slt.u32 s8, $0xFFFFF086  }
0x1c: {  	p1 =	slt.u32 s9, $0xF7A;
	s5 =	simm.s32 @!p2 $0x0  }
0x1d: {  	s5 =	simm.s32 @p1 $0x1;
	p0 =	seq.s32 s7, s2  }
0x1e: {  	s7 =	smul.u32 @!p0 $0xF7A, s2;
	p2 =	seq.s32 @!p0 s5, $0x0  }
0x1f: {  	s9 =	smul.u32 $0xF7A, s1;
	s8 =	simm.s32 @!p0 $0x1BF5;
	p2 =	por !p2, p0  }
0x20: {  	[sflag:s8] =	ssyncset.s32 @!p0 $0xFFFFF086;
	s6 =	sadd.s32 @!p0 s3, s7;
	s7 =	simm.s32 @!p0 $0x108  }
0x21: {  	s3 =	sadd.s32 s3, s9;
	s6 =	sadd.s32 @!p0 $0x88, s6;
	s7 =	simm.s32 @p2 $0x1082  }
0x22: {  	[simem:s7], [sflag:s8] =	dma.local @!p0 [hbm:s6], $0xF7A  }
0x23: {  	s9 =	sor.u32 $0xD0000000, s2;
	s6 =	simm.s32 $0x108;
	_ =	swait.ge @!p0 [sflag:s8], $0x0  }
0x24: {  	s3 =	sadd.s32 $0x88, s3;
	s6 =	simm.s32 @!p1 $0x1082;
	[sflag:s4] =	ssyncset.s32 $0xFFFFF086  }
0x25: {  	[simem:s6], [sflag:s4] =	dma.local [hbm:s3], $0xF7A  }
0x26: {  	[smem:$0x3F9B] =	sst s1;
	(tag) =	ssettag s2;
	_ =	strace s9  }
0x27: {  	s1 =	sld [smem:$0x3FAB]  }
0x28: {  	s2 =	sld [smem:$0x3FAC]  }
0x29: {  	s4 =	sld [smem:$0x3FAE]  }
0x2a: {  	p0 =	seq.s32 s5, $0x0;
	s5 =	sld [smem:$0x3FAF]  }
0x2b: {  	s6 =	sld [smem:$0x3FB0]  }
0x2c: {  	s7 =	sld [smem:$0x3FB1]  }
0x2d: {  	s3 =	simm.s32 $0x108;
	s8 =	sld [smem:$0x3FB2]  }
0x2e: {  	s3 =	simm.s32 @!p0 $0x1082;
	s9 =	sld [smem:$0x3FB3]  }
0x2f: {  	lr =	sadd.s32 s0, s3;
	s0 =	sld [smem:$0x3FAA]  }
0x30: {  	s3 =	sld [smem:$0x3FAD]  }
0x31: {  	[smem:$0x3FB6] =	sst s10  }
0x32: {  	s10 =	sld [smem:$0x3FB4];
	_ =	sdelay $0x3  }
0x33: {  	p0 =	seq.s32 s10, $0x1;
	s10 =	sld [smem:$0x3FB6];
	_ =	sdelay $0x3  }
0x34: {  	[smem:$0x3FB6] =	sst s10  }
0x35: {  	s10 =	sld [smem:$0x3FB5];
	_ =	sdelay $0x3  }
0x36: {  	p1 =	seq.s32 s10, $0x1;
	s10 =	sld [smem:$0x3FB6];
	_ =	sdelay $0x3  }
0x37: {  	[smem:$0x3FB6] =	sst s10  }
0x38: {  	s10 =	sld [smem:$0x3FB7]  }
0x39: {  	_ = 	snop;
	(pc) =	sbr.ind lr, $3  }
0x3a: {  	_ = 	snop  }
0x3b: {  	_ = 	snop  }
0x3c: {  	p2 =	seq.s32 s10, $0x1;
	s10 =	sld [smem:$0x3FB6]  }
0x3d: {  	_ =	shalt  }
0x3e: {  	_ =	shalt  }
0x3f: {  	_ =	shalt  }
0x40: {  	_ =	shalt  }
0x41: {  	_ =	shalt  }
0x42: {  	_ =	shalt  }
0x43: {  	_ =	shalt  }
0x44: {  	_ =	shalt  }
0x45: {  	_ =	shalt  }
0x46: {  	_ =	shalt  }
0x47: {  	_ =	shalt  }
0x48: {  	_ =	shalt  }
0x49: {  	_ =	shalt  }
0x4a: {  	_ =	shalt  }
0x4b: {  	_ =	shalt  }
0x4c: {  	_ =	shalt  }
0x4d: {  	_ =	shalt  }
0x4e: {  	_ =	shalt  }
0x4f: {  	_ =	shalt  }
0x50: {  	_ =	shalt  }
0x51: {  	_ =	shalt  }
0x52: {  	_ =	shalt  }
0x53: {  	_ =	shalt  }
0x54: {  	_ =	shalt  }
0x55: {  	_ =	shalt  }
0x56: {  	_ =	shalt  }
0x57: {  	_ =	shalt  }
0x58: {  	_ =	shalt  }
0x59: {  	_ =	shalt  }
0x5a: {  	_ =	shalt  }
0x5b: {  	_ =	shalt  }
0x5c: {  	_ =	shalt  }
0x5d: {  	_ =	shalt  }
0x5e: {  	_ =	shalt  }
0x5f: {  	_ =	shalt  }
0x60: {  	_ =	shalt  }
0x61: {  	_ =	shalt  }
0x62: {  	_ =	shalt  }
0x63: {  	_ =	shalt  }
0x64: {  	_ =	shalt  }
0x65: {  	_ =	shalt  }
0x66: {  	_ =	shalt  }
0x67: {  	_ =	shalt  }
0x68: {  	_ =	shalt  }
0x69: {  	_ =	shalt  }
0x6a: {  	_ =	shalt  }
0x6b: {  	_ =	shalt  }
0x6c: {  	_ =	shalt  }
0x6d: {  	_ =	shalt  }
0x6e: {  	_ =	shalt  }
0x6f: {  	_ =	shalt  }
0x70: {  	_ =	shalt  }
0x71: {  	_ =	shalt  }
0x72: {  	_ =	shalt  }
0x73: {  	_ =	shalt  }
0x74: {  	_ =	shalt  }
0x75: {  	_ =	shalt  }
0x76: {  	_ =	shalt  }
0x77: {  	_ =	shalt  }
0x78: {  	_ =	shalt  }
0x79: {  	_ =	shalt  }
0x7a: {  	_ =	shalt  }
0x7b: {  	_ =	shalt  }
0x7c: {  	_ =	shalt  }
0x7d: {  	_ =	shalt  }
0x7e: {  	_ =	shalt  }
0x7f: {  	_ =	shalt  }
0x80: {  	_ =	shalt  }
0x81: {  	_ =	shalt  }
0x82: {  	_ =	shalt  }
0x83: {  	_ =	shalt  }
0x84: {  	_ =	shalt  }
0x85: {  	_ =	shalt  }
0x86: {  	_ =	shalt  }
0x87: {  	_ =	shalt  }
.Lfunc_end0:
.L_simem_size_0:
called_computation.5_lowered:
.L_overlay_start_0:
0x88: {  	s2 =	sld [smem:$0x3FD9]  }
0x89: {  	s3 =	sld [smem:$0x3FFE];
	_ =	sdelay $0x1  }
0x8a: {  	s1 =	srdreg.scid  }
0x8b: {  	s0 =	sand.u32 $0x1, s1  }
0x8c: {  	s17 =	sshll.u32 s0, $0xA;
	s2 =	sadd.s32 s3, s2  }
0x8d: {  	s2 =	sadd.s32 s2, s17  }
0x8e: {  	[smem:$0x3FC2] =	sst s2  }
0x8f: {  	_ = 	snop  }
0x90: {  	s2 =	sld [smem:$0x3FD0];
	(tm) =	ssettm $0x1  }
0x91: {  	s18 =	sld [smem:$0x3FFB];
	_ =	sdelay $0x3  }
0x92: {  	_ =	strace s18  }
0x93: {  	s3 =	sld [smem:$0x3FFC];
	_ =	sdelay $0x3  }
0x94: {  	_ =	strace s3  }
0x95: {  	s3 =	sld [smem:$0x3FFD];
	_ =	sdelay $0x3  }
0x96: {  	_ =	strace s3  }
0x97: {  	_ =	strace $0x8FFFFFFF  }
0x98: {  	s19 =	sld [smem:$0x3FDB];
	_ =	sdelay $0x1  }
0x99: {  	s4 =	simm.s32 $_scs_section_size  }
0x9a: {  	s5 =	simm.s32 $_size__tile_overlayer_lowered;
	s6 =	simm.s32 $_tile_overlayer_lowered  }
0x9b: {  	s22 =	simm.s32 $0x1BFF;
	s21 =	sshll.u32 s6, $0x1;
	s3 =	sadd.s32 s4, s19  }
0x9c: {  	s7 =	simm.s32 $0x0;
	s20 =	sshll.u32 s5, $0x1;
	s5 =	sadd.s32 s21, s3  }
0x9d: {  	[timem:s7], [sflag:s22] =	dma.local [hbm:s5], s20  }
0x9e: {  	_ =	swait.ge [sflag:s22], s20  }
0x9f: {  	s4 =	ssub.s32 $0x0, s20;
	[sflag:s22] =	ssyncset.done $0x0  }
0xa0: {  	[sflag:s22] =	ssyncadd.s32 s4;
	_ =	sdelay $0x1  }
0xa1: {  	s23 =	simm.s32 $0x1B8B  }
0xa2: {  	_ =	swait.ge [sflag:s23], $0x1  }
0xa3: {  	[sflag:s23] =	ssyncset.done $0x0  }
0xa4: {  	s25 =	simm.s32 $0x1B8E;
	s24 =	sld [smem:$0x3FFE];
	[sflag:s23] =	ssyncadd.s32 $0xFFFFFFFF  }
0xa5: {  	s26 =	simm.s32 $execute0_lowered;
	[smem:$0x3FD2] =	sst s25  }
0xa6: {  	s5 =	sshll.u32 s26, $0x1;
	_ =	strace $0x80000055;
	[dreg:$0x1] =	wrdreg $0xFFFFFFFF  }
0xa7: {  	s28 =	simm.s32 $_size_execute0_lowered;
	s3 =	sadd.s32 s3, s5;
	[dreg:$0x0] =	wrdreg $0x0  }
0xa8: {  	s5 =	sshll.u32 s28, $0x1;
	[dreg:$0x2] =	wrdreg s3  }
0xa9: {  	[dreg:$0x3] =	wrdreg s5  }
0xaa: {  	[dreg:$0x4] =	wrdreg $0xC0  }
0xab: {  	_ =	task [dreg:s7], $0x5FFFF  }
0xac: {  	[dreg:$0x1] =	wrdreg $0xFFFFFFFF  }
0xad: {  	[dreg:$0x0] =	wrdreg $0x60  }
0xae: {  	[dreg:$0x2] =	wrdreg s24  }
0xaf: {  	[dreg:$0x3] =	wrdreg s2  }
0xb0: {  	[dreg:$0x4] =	wrdreg $0x90000  }
0xb1: {  	[dreg:$0x5] =	wrdreg $0x9  }
0xb2: {  	_ =	task.clear_ibuf [dreg:s7], $0x6FFFF;
	_ =	strace $0x90000055  }
0xb3: {  	s29 =	simm.s32 $0x9;
	_ =	strace $0x80000057  }
0xb4: {  	_ =	swait.ge [sflag:s29], $0x1  }
0xb5: {  	[sflag:s29] =	ssyncadd.s32 $0xFFFFFFFF  }
0xb6: {  	_ =	strace $0x90000057  }
0xb7: {  	_ =	sfence  }
0xb8: {  	s30 =	sld [smem:$0x0];
	_ =	sdelay $0x2  }
0xb9: {  	s31 =	sshll.u32 s1, $0xD;
	s1 =	sshrl.u32 s1, $0x2  }
0xba: {  	s3 =	sand.u32 $0x4000, s31;
	s1 =	sadd.s32 s1, s30  }
0xbb: {  	s0 =	sor.u32 s3, s0;
	s1 =	sshll.u32 s1, $0x11  }
0xbc: {  	s0 =	sor.u32 s1, s0  }
0xbd: {  	s0 =	sadd.s32 $0x8F2B, s0  }
0xbe: {  	[sflag:s0] =	ssyncadd.remote.s32 $0x1  }
0xbf: {  	_ =	sfence.sel $0xFFFF  }
0xc0: {  	[dreg:$0x0] =	wrdreg $0xFFFFFFFF;
	(pc) =	sbr.abs _section_cstart, $3  }
0xc1: {  	[dreg:$0x1] =	wrdreg $0xFFFFFFFF  }
0xc2: {  	_ =	task.clear_ibuf [dreg:s7], $0x2FFFF;
	_ =	strace $0x9FFFFFFF  }
0xc3: {  	(tm) =	ssettm $0x7FFFFFFF  }
tec
execute0_lowered:
.L_overlay_start_1:
0x0: {  	(tag) =	ssettag $0x1  }
0x1: {  	s6 =	rddreg [dreg:$0x0]  }
0x2: {  	s2 =	rddreg [dreg:$0x1];
	s0 =	srdreg.scid  }
0x3: {  	s3 =	rddreg [dreg:$0x2];
	s1 =	stileid.u32  }
0x4: {  	s4 =	simm.s32 $0x0;
	s14 =	simm.s32 $0x80;
	s15 =	simm.s32 $0x5000  }
0x5: {  	s16 =	simm.s32 $0x7000;
	s17 =	simm.s32 $0x1;
	s18 =	simm.s32 $0x2  }
0x6: {  	s19 =	simm.s32 $0x4F00;
	s20 =	simm.s32 $0x4F80;
	s21 =	simm.s32 $0x0  }
0x7: {  	s5 =	sand.u32 $0x1, s0;
	s0 =	rddreg [dreg:$0x3];
	s8 =	smul.u32 $0x9E00, s1  }
0x8: {  	[smem:$0x7FF] =	sst s4;
	s12 =	sshll.u32 s1, $0x6;
	s7 =	sshll.u32 s5, $0x4  }
0x9: {  	s9 =	smul.u32 $0x9E000, s5;
	_ =	strace $0x80000056;
	s10 =	ssub.s32 $0x2, s5  }
0xa: {  	s5 =	sadd.s32 $0x1B800, s6;
	s12 =	sor.u32 $0x1C03, s12;
	s7 =	sor.u32 s1, s7  }
0xb: {  	s11 =	sshrl.u32 s10, $0x1;
	s13 =	sadd.s32 s8, s3;
	s7 =	smul.u32 $0x500, s7  }
0xc: {  	s9 =	sadd.s32 s8, s9;
	s10 =	ssub.s32 s10, s11;
	s11 =	simm.s32 $0x2800  }
0xd: {  	s13 =	sshrl.u32 s13, $0x3;
	s9 =	sshrl.u32 s9, $0x3;
	s7 =	sadd.s32 s7, s6  }
0xe: {  	s9 =	sadd.s32 s9, s6;
	s6 =	sadd.s32 $0x11800, s7;
	s7 =	sadd.s32 $0x7800, s7  }
0xf: {  	s8 =	sadd.s32 $0xBD600, s9;
	s9 =	smax.u32 s10, $0x1;
	s10 =	simm.s32 $0x3  }
.LBB2_1:
0x10: {  	[tilespmem:s4], [sflag:$0x3] =	stream.linear.gather [hbm4b:s6+s4], $0x2800, $0x38;
	[tilespmem:$0x12E00] =	vst v63  }
0x11: {  	_ =	swait.ge [sflag:s10], $0x2800  }
0x12: {  	[sflag:s10] =	ssyncset.done $0x0  }
0x13: {  	[sflag:s10] =	ssyncadd.s32 $0xFFFFD800  }
0x14: {  	[tilespmem:s11], [sflag:$0x3] =	stream.linear.gather [hbm4b:s7+s4], $0x2800, $0x38;
	[tilespmem:$0x12E00] =	vst v63  }
0x15: {  	_ =	swait.ge [sflag:s10], $0x2800  }
0x16: {  	[sflag:s10] =	ssyncset.done $0x0  }
0x17: {  	[sflag:s10] =	ssyncadd.s32 $0xFFFFD800  }
0x18: {  	[spmem:s13], [sflag:s12] =	dma.local [hbm:s5], $0x13C0  }
0x19: {  	_ =	swait.ge [sflag:s10], $0x13C0  }
0x1a: {  	[sflag:s10] =	ssyncset.done $0x0  }
0x1b: {  	[sflag:s10] =	ssyncadd.s32 $0xFFFFEC40  }
0x1c: {  	[bflag:$0x0] =	sbarrier.arrive $0xFFFF  }
0x1d: {  	[tilespmem:s15], [sflag:$0x1] =	stream.indirect.gather [hbm4b:s2+s14], $0x40, s4, s14, $0xb8;
	[tilespmem:$0x12E00] =	vst v63  }
0x1e: {  	_ = 	snop  }
0x1f: {  	[tilespmem:s16], [sflag:$0x2] =	stream.indirect.gather [hbm4b:s2+s14], $0x40, s14, s14, $0xb8;
	[tilespmem:$0x12E00] =	vst v63  }
0x20: {  	_ =	swait.ge [sflag:s17], $0x2000  }
0x21: {  	[sflag:s17] =	ssyncset.done $0x0  }
0x22: {  	s22 =	simm.s32 $0x2800;
	[sflag:s17] =	ssyncadd.s32 $0xFFFFE000  }
0x23: {  	[spmem:s3] =	stream.indirect.scatter.add.f32 [tilespmem:s15], [sflag:$0x3], $0x40, s22, s14, $0xb8;
	[tilespmem:$0x12E00] =	vst v63  }
0x24: {  	_ =	swait.ge [sflag:s10], $0x2000  }
0x25: {  	[sflag:s10] =	ssyncset.done $0x0  }
0x26: {  	s30 =	simm.s32 $0x100;
	[sflag:s10] =	ssyncadd.s32 $0xFFFFE000  }
0x27: {  	[tilespmem:s15], [sflag:$0x1] =	stream.indirect.gather [hbm4b:s2+s14], $0x40, s30, s14, $0xb8;
	[tilespmem:$0x12E00] =	vst v63  }
0x28: {  	_ =	swait.ge [sflag:s18], $0x2000  }
0x29: {  	[sflag:s18] =	ssyncset.done $0x0  }
0x2a: {  	s31 =	simm.s32 $0x2880;
	[sflag:s18] =	ssyncadd.s32 $0xFFFFE000  }
0x2b: {  	[spmem:s3] =	stream.indirect.scatter.add.f32 [tilespmem:s16], [sflag:$0x3], $0x40, s31, s14, $0xb8;
	[tilespmem:$0x12E00] =	vst v63  }
0x2c: {  	_ =	swait.ge [sflag:s10], $0x2000  }
0x2d: {  	[sflag:s10] =	ssyncset.done $0x0  }
0x2e: {  	s23 =	simm.s32 $0x180;
	s22 =	simm.s32 $0x400;
	[sflag:s10] =	ssyncadd.s32 $0xFFFFE000  }
.LBB2_2:
0x2f: {  	[tilespmem:s16], [sflag:$0x2] =	stream.indirect.gather [hbm4b:s2+s14], $0x40, s23, s14, $0xb8;
	[tilespmem:$0x12E00] =	vst v63  }
0x30: {  	s23 =	smov.u32 s22  }
0x31: {  	p0 =	sne.s32 s22, $0x9800;
	s22 =	sadd.s32 $0x400, s22;
	_ =	swait.ge [sflag:s17], $0x2000  }
0x32: {  	s23 =	sshra.s32 s23, $0x2;
	[sflag:s17] =	ssyncset.done $0x0  }
0x33: {  	s24 =	sadd.s32 $0x2800, s23;
	[sflag:s17] =	ssyncadd.s32 $0xFFFFE000  }
0x34: {  	[spmem:s3] =	stream.indirect.scatter.add.f32 [tilespmem:s15], [sflag:$0x3], $0x40, s24, s14, $0xb8;
	[tilespmem:$0x12E00] =	vst v63  }
0x35: {  	_ =	swait.ge [sflag:s10], $0x2000  }
0x36: {  	[sflag:s10] =	ssyncset.done $0x0  }
0x37: {  	s24 =	sadd.s32 $0x100, s23;
	[sflag:s10] =	ssyncadd.s32 $0xFFFFE000  }
0x38: {  	[tilespmem:s15], [sflag:$0x1] =	stream.indirect.gather [hbm4b:s2+s14], $0x40, s24, s14, $0xb8;
	[tilespmem:$0x12E00] =	vst v63  }
0x39: {  	_ =	swait.ge [sflag:s18], $0x2000  }
0x3a: {  	[sflag:s18] =	ssyncset.done $0x0  }
.Ltmp0:
0x3b: {  	s24 =	sadd.s32 $0x2880, s23;
	[sflag:s18] =	ssyncadd.s32 $0xFFFFE000;
	(pc) =	sbr.rel @p0 .LBB2_2-.Ltmp0, $4  }
0x3c: {  	[spmem:s3] =	stream.indirect.scatter.add.f32 [tilespmem:s16], [sflag:$0x3], $0x40, s24, s14, $0xb8;
	[tilespmem:$0x12E00] =	vst v63  }
0x3d: {  	_ =	swait.ge [sflag:s10], $0x2000  }
0x3e: {  	[sflag:s10] =	ssyncset.done $0x0  }
0x3f: {  	s23 =	sadd.s32 $0x180, s23;
	[sflag:s10] =	ssyncadd.s32 $0xFFFFE000  }
0x40: {  	[tilespmem:s16], [sflag:$0x2] =	stream.indirect.gather [hbm4b:s2+s14], $0x40, s23, s14, $0xb8;
	[tilespmem:$0x12E00] =	vst v63  }
0x41: {  	_ =	swait.ge [sflag:s17], $0x2000  }
0x42: {  	[sflag:s17] =	ssyncset.done $0x0  }
0x43: {  	[sflag:s17] =	ssyncadd.s32 $0xFFFFE000  }
0x44: {  	[spmem:s3] =	stream.indirect.scatter.add.f32 [tilespmem:s15], [sflag:$0x3], $0x40, s19, s14, $0xb8;
	[tilespmem:$0x12E00] =	vst v63  }
0x45: {  	_ =	swait.ge [sflag:s10], $0x2000  }
0x46: {  	[sflag:s10] =	ssyncset.done $0x0  }
0x47: {  	[sflag:s10] =	ssyncadd.s32 $0xFFFFE000  }
0x48: {  	_ =	swait.ge [sflag:s18], $0x2000  }
0x49: {  	[sflag:s18] =	ssyncset.done $0x0  }
0x4a: {  	[sflag:s18] =	ssyncadd.s32 $0xFFFFE000  }
0x4b: {  	[spmem:s3] =	stream.indirect.scatter.add.f32 [tilespmem:s16], [sflag:$0x3], $0x40, s20, s14, $0xb8;
	[tilespmem:$0x12E00] =	vst v63  }
0x4c: {  	_ =	swait.ge [sflag:s10], $0x2000  }
0x4d: {  	s21 =	sadd.s32 $0x1, s21;
	[sflag:s10] =	ssyncset.done $0x0  }
0x4e: {  	p0 =	sne.s32 s21, s9;
	[sflag:s10] =	ssyncadd.s32 $0xFFFFE000  }
.Ltmp1:
0x4f: {  	[bflag:$0x0] =	sbarrier.arrive $0xFFFF;
	(pc) =	sbr.rel @p0 .LBB2_1-.Ltmp1, $4  }
0x50: {  	[hbm:s8], [sflag:s12] =	dma.local [spmem:s13], $0x13C0  }
0x51: {  	_ =	swait.ge [sflag:s10], $0x13C0  }
0x52: {  	[sflag:s10] =	ssyncset.done $0x0  }
0x53: {  	[sflag:s10] =	ssyncadd.s32 $0xFFFFEC40  }
0x54: {  	_ =	sfence.sel $0x180000  }
0x55: {  	[bflag:$0x0] =	sbarrier.arrive $0xFFFF  }
0x56: {  	p0 =	sne.s32 s1, $0x0;
	_ =	strace $0x90000056  }
0x57: {  	s0 =	sadd.s32 @!p0 $0x100000, s0;
	[bflag:$0x2] =	sbarrier.arrive $0xFFFF  }
0x58: {  	[sflag:s0] =	ssyncadd.tile.s32 @!p0 $0x1;
	_ =	shalt  }
.Lfunc_end2:
_tile_overlayer_lowered:
.L_overlay_start_2:
0x59: {  	(tag) =	ssettag $0x2  }
0x5a: {  	s0 =	rddreg [dreg:$0x0];
	s2 =	stileid.u32  }
0x5b: {  	s1 =	rddreg [dreg:$0x1];
	p0 =	sne.s32 s2, $0x0  }
0x5c: {  	s3 =	rddreg [dreg:$0x2];
	[bflag:$0x3] =	sbarrier.arrive $0xFFFF;
	s2 =	simm.s32 @!p0 $0x1C03  }
0x5d: {  	[timem:s3], [sflag:s2] =	dma.local @!p0 [hbm:s0], s1  }
0x5e: {  	s0 =	simm.s32 @!p0 $0x3  }
0x5f: {  	_ =	swait.ge @!p0 [sflag:s0], s1  }
0x60: {  	s1 =	ssub.s32 @!p0 $0x0, s1;
	[sflag:s0] =	ssyncset.done @!p0 $0x0  }
0x61: {  	[sflag:s0] =	ssyncadd.s32 @!p0 s1  }
0x62: {  	[bflag:$0x3] =	sbarrier.arrive $0xFFFF  }
0x63: {  	_ =	shalt  }

// kernel: kernel.43.cloned.1.call-start
scs
__scs_entry_jumppad:
0x0: {  	(pc) =	sbr.rel $0x88, $3  }
0x1: {  	(tag) =	ssettag $0x0;
	lr =	simm.s32 $0x1  }
0x2: {  	[smem:$0x3F9B] =	sst lr;
	_ =	strace $0xD0000000  }
0x3: {  	_ = 	snop  }
0x4: {  	_ = 	snop  }
0x5: {  	_ = 	snop  }
0x6: {  	_ = 	snop  }
0x7: {  	_ = 	snop  }
__scs_overlays_trampoline_lowered:
0x8: {  	[smem:$0x3FAA] =	sst s0  }
0x9: {  	[smem:$0x3FAB] =	sst s1  }
0xa: {  	[smem:$0x3FAC] =	sst s2  }
0xb: {  	[smem:$0x3FAD] =	sst s3  }
0xc: {  	[smem:$0x3FAE] =	sst s4  }
0xd: {  	[smem:$0x3FAF] =	sst s5  }
0xe: {  	[smem:$0x3FB0] =	sst s6  }
0xf: {  	[smem:$0x3FB1] =	sst s7  }
0x10: {  	[smem:$0x3FB2] =	sst s8  }
0x11: {  	[smem:$0x3FB3] =	sst s9;
	s0 =	simm.s32 @!p0 $0x0  }
0x12: {  	s1 =	sld [smem:$0x3F99];
	s0 =	simm.s32 @p0 $0x1  }
0x13: {  	[smem:$0x3FB4] =	sst s0;
	s0 =	simm.s32 @!p1 $0x0  }
0x14: {  	s2 =	sld [smem:$0x3F98];
	s0 =	simm.s32 @p1 $0x1  }
0x15: {  	[smem:$0x3FB5] =	sst s0;
	s0 =	simm.s32 @!p2 $0x0  }
0x16: {  	s3 =	sld [smem:$0x3FDB];
	s0 =	simm.s32 @p2 $0x1  }
0x17: {  	s4 =	simm.s32 $0x1BF5;
	[smem:$0x3FB7] =	sst s0  }
0x18: {  	s0 =	sld [smem:$0x3F9A];
	_ =	swait.ge [sflag:s4], $0x0  }
0x19: {  	s7 =	sld [smem:$0x3F9B]  }
0x1a: {  	s8 =	sadd.s32 $0xFFFFE003, lr  }
0x1b: {  	s9 =	sadd.s32 $0xFFFFFEF7, lr;
	s5 =	simm.s32 $0xFFFFFFFF;
	p2 =	slt.u32 s8, $0xFFFFF086  }
0x1c: {  	p1 =	slt.u32 s9, $0xF7A;
	s5 =	simm.s32 @!p2 $0x0  }
0x1d: {  	s5 =	simm.s32 @p1 $0x1;
	p0 =	seq.s32 s7, s2  }
0x1e: {  	s7 =	smul.u32 @!p0 $0xF7A, s2;
	p2 =	seq.s32 @!p0 s5, $0x0  }
0x1f: {  	s9 =	smul.u32 $0xF7A, s1;
	s8 =	simm.s32 @!p0 $0x1BF5;
	p2 =	por !p2, p0  }
0x20: {  	[sflag:s8] =	ssyncset.s32 @!p0 $0xFFFFF086;
	s6 =	sadd.s32 @!p0 s3, s7;
	s7 =	simm.s32 @!p0 $0x108  }
0x21: {  	s3 =	sadd.s32 s3, s9;
	s6 =	sadd.s32 @!p0 $0x88, s6;
	s7 =	simm.s32 @p2 $0x1082  }
0x22: {  	[simem:s7], [sflag:s8] =	dma.local @!p0 [hbm:s6], $0xF7A  }
0x23: {  	s9 =	sor.u32 $0xD0000000, s2;
	s6 =	simm.s32 $0x108;
	_ =	swait.ge @!p0 [sflag:s8], $0x0  }
0x24: {  	s3 =	sadd.s32 $0x88, s3;
	s6 =	simm.s32 @!p1 $0x1082;
	[sflag:s4] =	ssyncset.s32 $0xFFFFF086  }
0x25: {  	[simem:s6], [sflag:s4] =	dma.local [hbm:s3], $0xF7A  }
0x26: {  	[smem:$0x3F9B] =	sst s1;
	(tag) =	ssettag s2;
	_ =	strace s9  }
0x27: {  	s1 =	sld [smem:$0x3FAB]  }
0x28: {  	s2 =	sld [smem:$0x3FAC]  }
0x29: {  	s4 =	sld [smem:$0x3FAE]  }
0x2a: {  	p0 =	seq.s32 s5, $0x0;
	s5 =	sld [smem:$0x3FAF]  }
0x2b: {  	s6 =	sld [smem:$0x3FB0]  }
0x2c: {  	s7 =	sld [smem:$0x3FB1]  }
0x2d: {  	s3 =	simm.s32 $0x108;
	s8 =	sld [smem:$0x3FB2]  }
0x2e: {  	s3 =	simm.s32 @!p0 $0x1082;
	s9 =	sld [smem:$0x3FB3]  }
0x2f: {  	lr =	sadd.s32 s0, s3;
	s0 =	sld [smem:$0x3FAA]  }
0x30: {  	s3 =	sld [smem:$0x3FAD]  }
0x31: {  	[smem:$0x3FB6] =	sst s10  }
0x32: {  	s10 =	sld [smem:$0x3FB4];
	_ =	sdelay $0x3  }
0x33: {  	p0 =	seq.s32 s10, $0x1;
	s10 =	sld [smem:$0x3FB6];
	_ =	sdelay $0x3  }
0x34: {  	[smem:$0x3FB6] =	sst s10  }
0x35: {  	s10 =	sld [smem:$0x3FB5];
	_ =	sdelay $0x3  }
0x36: {  	p1 =	seq.s32 s10, $0x1;
	s10 =	sld [smem:$0x3FB6];
	_ =	sdelay $0x3  }
0x37: {  	[smem:$0x3FB6] =	sst s10  }
0x38: {  	s10 =	sld [smem:$0x3FB7]  }
0x39: {  	_ = 	snop;
	(pc) =	sbr.ind lr, $3  }
0x3a: {  	_ = 	snop  }
0x3b: {  	_ = 	snop  }
0x3c: {  	p2 =	seq.s32 s10, $0x1;
	s10 =	sld [smem:$0x3FB6]  }
0x3d: {  	_ =	shalt  }
0x3e: {  	_ =	shalt  }
0x3f: {  	_ =	shalt  }
0x40: {  	_ =	shalt  }
0x41: {  	_ =	shalt  }
0x42: {  	_ =	shalt  }
0x43: {  	_ =	shalt  }
0x44: {  	_ =	shalt  }
0x45: {  	_ =	shalt  }
0x46: {  	_ =	shalt  }
0x47: {  	_ =	shalt  }
0x48: {  	_ =	shalt  }
0x49: {  	_ =	shalt  }
0x4a: {  	_ =	shalt  }
0x4b: {  	_ =	shalt  }
0x4c: {  	_ =	shalt  }
0x4d: {  	_ =	shalt  }
0x4e: {  	_ =	shalt  }
0x4f: {  	_ =	shalt  }
0x50: {  	_ =	shalt  }
0x51: {  	_ =	shalt  }
0x52: {  	_ =	shalt  }
0x53: {  	_ =	shalt  }
0x54: {  	_ =	shalt  }
0x55: {  	_ =	shalt  }
0x56: {  	_ =	shalt  }
0x57: {  	_ =	shalt  }
0x58: {  	_ =	shalt  }
0x59: {  	_ =	shalt  }
0x5a: {  	_ =	shalt  }
0x5b: {  	_ =	shalt  }
0x5c: {  	_ =	shalt  }
0x5d: {  	_ =	shalt  }
0x5e: {  	_ =	shalt  }
0x5f: {  	_ =	shalt  }
0x60: {  	_ =	shalt  }
0x61: {  	_ =	shalt  }
0x62: {  	_ =	shalt  }
0x63: {  	_ =	shalt  }
0x64: {  	_ =	shalt  }
0x65: {  	_ =	shalt  }
0x66: {  	_ =	shalt  }
0x67: {  	_ =	shalt  }
0x68: {  	_ =	shalt  }
0x69: {  	_ =	shalt  }
0x6a: {  	_ =	shalt  }
0x6b: {  	_ =	shalt  }
0x6c: {  	_ =	shalt  }
0x6d: {  	_ =	shalt  }
0x6e: {  	_ =	shalt  }
0x6f: {  	_ =	shalt  }
0x70: {  	_ =	shalt  }
0x71: {  	_ =	shalt  }
0x72: {  	_ =	shalt  }
0x73: {  	_ =	shalt  }
0x74: {  	_ =	shalt  }
0x75: {  	_ =	shalt  }
0x76: {  	_ =	shalt  }
0x77: {  	_ =	shalt  }
0x78: {  	_ =	shalt  }
0x79: {  	_ =	shalt  }
0x7a: {  	_ =	shalt  }
0x7b: {  	_ =	shalt  }
0x7c: {  	_ =	shalt  }
0x7d: {  	_ =	shalt  }
0x7e: {  	_ =	shalt  }
0x7f: {  	_ =	shalt  }
0x80: {  	_ =	shalt  }
0x81: {  	_ =	shalt  }
0x82: {  	_ =	shalt  }
0x83: {  	_ =	shalt  }
0x84: {  	_ =	shalt  }
0x85: {  	_ =	shalt  }
0x86: {  	_ =	shalt  }
0x87: {  	_ =	shalt  }
.Lfunc_end0:
.L_simem_size_0:
called_computation.6_lowered:
.L_overlay_start_0:
0x88: {  	s2 =	sld [smem:$0x3FD9]  }
0x89: {  	s3 =	sld [smem:$0x3FFE];
	_ =	sdelay $0x1  }
0x8a: {  	s1 =	srdreg.scid  }
0x8b: {  	s0 =	sand.u32 $0x1, s1  }
0x8c: {  	s17 =	sshll.u32 s0, $0xA;
	s2 =	sadd.s32 s3, s2  }
0x8d: {  	s2 =	sadd.s32 s2, s17  }
0x8e: {  	[smem:$0x3FC2] =	sst s2  }
0x8f: {  	_ = 	snop  }
0x90: {  	s2 =	sld [smem:$0x3FD0];
	(tm) =	ssettm $0x1  }
0x91: {  	s18 =	sld [smem:$0x3FFB];
	_ =	sdelay $0x3  }
0x92: {  	_ =	strace s18  }
0x93: {  	s3 =	sld [smem:$0x3FFC];
	_ =	sdelay $0x3  }
0x94: {  	_ =	strace s3  }
0x95: {  	s3 =	sld [smem:$0x3FFD];
	_ =	sdelay $0x3  }
0x96: {  	_ =	strace s3  }
0x97: {  	_ =	strace $0x8FFFFFFF  }
0x98: {  	s19 =	sld [smem:$0x3FDB];
	_ =	sdelay $0x1  }
0x99: {  	s4 =	simm.s32 $_scs_section_size  }
0x9a: {  	s5 =	simm.s32 $_size__tile_overlayer_lowered;
	s6 =	simm.s32 $_tile_overlayer_lowered  }
0x9b: {  	s22 =	simm.s32 $0x1BFF;
	s21 =	sshll.u32 s6, $0x1;
	s3 =	sadd.s32 s4, s19  }
0x9c: {  	s7 =	simm.s32 $0x0;
	s20 =	sshll.u32 s5, $0x1;
	s5 =	sadd.s32 s21, s3  }
0x9d: {  	[timem:s7], [sflag:s22] =	dma.local [hbm:s5], s20  }
0x9e: {  	_ =	swait.ge [sflag:s22], s20  }
0x9f: {  	s4 =	ssub.s32 $0x0, s20;
	[sflag:s22] =	ssyncset.done $0x0  }
0xa0: {  	[sflag:s22] =	ssyncadd.s32 s4;
	_ =	sdelay $0x1  }
0xa1: {  	s23 =	simm.s32 $0x1B8B  }
0xa2: {  	_ =	swait.ge [sflag:s23], $0x1  }
0xa3: {  	[sflag:s23] =	ssyncset.done $0x0  }
0xa4: {  	s25 =	simm.s32 $0x1B8E;
	s24 =	sld [smem:$0x3FFE];
	[sflag:s23] =	ssyncadd.s32 $0xFFFFFFFF  }
0xa5: {  	s26 =	simm.s32 $execute0_lowered;
	[smem:$0x3FD2] =	sst s25  }
0xa6: {  	s5 =	sshll.u32 s26, $0x1;
	_ =	strace $0x80000058;
	[dreg:$0x1] =	wrdreg $0xFFFFFFFF  }
0xa7: {  	s28 =	simm.s32 $_size_execute0_lowered;
	s3 =	sadd.s32 s3, s5;
	[dreg:$0x0] =	wrdreg $0x0  }
0xa8: {  	s5 =	sshll.u32 s28, $0x1;
	[dreg:$0x2] =	wrdreg s3  }
0xa9: {  	[dreg:$0x3] =	wrdreg s5  }
0xaa: {  	[dreg:$0x4] =	wrdreg $0xC0  }
0xab: {  	_ =	task [dreg:s7], $0x5FFFF  }
0xac: {  	[dreg:$0x1] =	wrdreg $0xFFFFFFFF  }
0xad: {  	[dreg:$0x0] =	wrdreg $0x60  }
0xae: {  	[dreg:$0x2] =	wrdreg s24  }
0xaf: {  	[dreg:$0x3] =	wrdreg s2  }
0xb0: {  	[dreg:$0x4] =	wrdreg $0x90000  }
0xb1: {  	[dreg:$0x5] =	wrdreg $0x9  }
0xb2: {  	_ =	task.clear_ibuf [dreg:s7], $0x6FFFF;
	_ =	strace $0x90000058  }
0xb3: {  	s29 =	simm.s32 $0x9;
	_ =	strace $0x8000005A  }
0xb4: {  	_ =	swait.ge [sflag:s29], $0x1  }
0xb5: {  	[sflag:s29] =	ssyncadd.s32 $0xFFFFFFFF  }
0xb6: {  	_ =	strace $0x9000005A  }
0xb7: {  	_ =	sfence  }
0xb8: {  	s30 =	sld [smem:$0x0];
	_ =	sdelay $0x2  }
0xb9: {  	s31 =	sshll.u32 s1, $0xD;
	s1 =	sshrl.u32 s1, $0x2  }
0xba: {  	s3 =	sand.u32 $0x4000, s31;
	s1 =	sadd.s32 s1, s30  }
0xbb: {  	s0 =	sor.u32 s3, s0;
	s1 =	sshll.u32 s1, $0x11  }
0xbc: {  	s0 =	sor.u32 s1, s0  }
0xbd: {  	s0 =	sadd.s32 $0x8F2B, s0  }
0xbe: {  	[sflag:s0] =	ssyncadd.remote.s32 $0x1  }
0xbf: {  	_ =	sfence.sel $0xFFFF  }
0xc0: {  	[dreg:$0x0] =	wrdreg $0xFFFFFFFF;
	(pc) =	sbr.abs _section_cstart, $3  }
0xc1: {  	[dreg:$0x1] =	wrdreg $0xFFFFFFFF  }
0xc2: {  	_ =	task.clear_ibuf [dreg:s7], $0x2FFFF;
	_ =	strace $0x9FFFFFFF  }
0xc3: {  	(tm) =	ssettm $0x7FFFFFFF  }
tec
execute0_lowered:
.L_overlay_start_1:
0x0: {  	(tag) =	ssettag $0x1  }
0x1: {  	s6 =	rddreg [dreg:$0x0]  }
0x2: {  	s2 =	rddreg [dreg:$0x1];
	s0 =	srdreg.scid  }
0x3: {  	s3 =	rddreg [dreg:$0x2];
	s1 =	stileid.u32  }
0x4: {  	s4 =	simm.s32 $0x0;
	s14 =	simm.s32 $0x80;
	s15 =	simm.s32 $0x5000  }
0x5: {  	s16 =	simm.s32 $0x7000;
	s17 =	simm.s32 $0x1;
	s18 =	simm.s32 $0x2  }
0x6: {  	s19 =	simm.s32 $0x4F00;
	s20 =	simm.s32 $0x4F80;
	s21 =	simm.s32 $0x0  }
0x7: {  	s5 =	sand.u32 $0x1, s0;
	s0 =	rddreg [dreg:$0x3];
	s8 =	smul.u32 $0x9E00, s1  }
0x8: {  	[smem:$0x7FF] =	sst s4;
	s12 =	sshll.u32 s1, $0x6;
	s7 =	sshll.u32 s5, $0x4  }
0x9: {  	s9 =	smul.u32 $0x9E000, s5;
	_ =	strace $0x80000059;
	s10 =	ssub.s32 $0x2, s5  }
0xa: {  	s5 =	sadd.s32 $0x1B800, s6;
	s12 =	sor.u32 $0x1C03, s12;
	s7 =	sor.u32 s1, s7  }
0xb: {  	s11 =	sshrl.u32 s10, $0x1;
	s13 =	sadd.s32 s8, s3;
	s7 =	smul.u32 $0x500, s7  }
0xc: {  	s9 =	sadd.s32 s8, s9;
	s10 =	ssub.s32 s10, s11;
	s11 =	simm.s32 $0x2800  }
0xd: {  	s13 =	sshrl.u32 s13, $0x3;
	s9 =	sshrl.u32 s9, $0x3;
	s7 =	sadd.s32 s7, s6  }
0xe: {  	s9 =	sadd.s32 s9, s6;
	s6 =	sadd.s32 $0x11800, s7;
	s7 =	sadd.s32 $0x7800, s7  }
0xf: {  	s8 =	sadd.s32 $0xBD600, s9;
	s9 =	smax.u32 s10, $0x1;
	s10 =	simm.s32 $0x3  }
.LBB2_1:
0x10: {  	[tilespmem:s4], [sflag:$0x3] =	stream.linear.gather [hbm4b:s6+s4], $0x2800, $0x38;
	[tilespmem:$0x12E00] =	vst v63  }
0x11: {  	_ =	swait.ge [sflag:s10], $0x2800  }
0x12: {  	[sflag:s10] =	ssyncset.done $0x0  }
0x13: {  	[sflag:s10] =	ssyncadd.s32 $0xFFFFD800  }
0x14: {  	[tilespmem:s11], [sflag:$0x3] =	stream.linear.gather [hbm4b:s7+s4], $0x2800, $0x38;
	[tilespmem:$0x12E00] =	vst v63  }
0x15: {  	_ =	swait.ge [sflag:s10], $0x2800  }
0x16: {  	[sflag:s10] =	ssyncset.done $0x0  }
0x17: {  	[sflag:s10] =	ssyncadd.s32 $0xFFFFD800  }
0x18: {  	[spmem:s13], [sflag:s12] =	dma.local [hbm:s5], $0x13C0  }
0x19: {  	_ =	swait.ge [sflag:s10], $0x13C0  }
0x1a: {  	[sflag:s10] =	ssyncset.done $0x0  }
0x1b: {  	[sflag:s10] =	ssyncadd.s32 $0xFFFFEC40  }
0x1c: {  	[bflag:$0x0] =	sbarrier.arrive $0xFFFF  }
0x1d: {  	[tilespmem:s15], [sflag:$0x1] =	stream.indirect.gather [hbm4b:s2+s14], $0x40, s4, s14, $0xb8;
	[tilespmem:$0x12E00] =	vst v63  }
0x1e: {  	_ = 	snop  }
0x1f: {  	[tilespmem:s16], [sflag:$0x2] =	stream.indirect.gather [hbm4b:s2+s14], $0x40, s14, s14, $0xb8;
	[tilespmem:$0x12E00] =	vst v63  }
0x20: {  	_ =	swait.ge [sflag:s17], $0x2000  }
0x21: {  	[sflag:s17] =	ssyncset.done $0x0  }
0x22: {  	s22 =	simm.s32 $0x2800;
	[sflag:s17] =	ssyncadd.s32 $0xFFFFE000  }
0x23: {  	[spmem:s3] =	stream.indirect.scatter.add.f32 [tilespmem:s15], [sflag:$0x3], $0x40, s22, s14, $0xb8;
	[tilespmem:$0x12E00] =	vst v63  }
0x24: {  	_ =	swait.ge [sflag:s10], $0x2000  }
0x25: {  	[sflag:s10] =	ssyncset.done $0x0  }
0x26: {  	s30 =	simm.s32 $0x100;
	[sflag:s10] =	ssyncadd.s32 $0xFFFFE000  }
0x27: {  	[tilespmem:s15], [sflag:$0x1] =	stream.indirect.gather [hbm4b:s2+s14], $0x40, s30, s14, $0xb8;
	[tilespmem:$0x12E00] =	vst v63  }
0x28: {  	_ =	swait.ge [sflag:s18], $0x2000  }
0x29: {  	[sflag:s18] =	ssyncset.done $0x0  }
0x2a: {  	s31 =	simm.s32 $0x2880;
	[sflag:s18] =	ssyncadd.s32 $0xFFFFE000  }
0x2b: {  	[spmem:s3] =	stream.indirect.scatter.add.f32 [tilespmem:s16], [sflag:$0x3], $0x40, s31, s14, $0xb8;
	[tilespmem:$0x12E00] =	vst v63  }
0x2c: {  	_ =	swait.ge [sflag:s10], $0x2000  }
0x2d: {  	[sflag:s10] =	ssyncset.done $0x0  }
0x2e: {  	s23 =	simm.s32 $0x180;
	s22 =	simm.s32 $0x400;
	[sflag:s10] =	ssyncadd.s32 $0xFFFFE000  }
.LBB2_2:
0x2f: {  	[tilespmem:s16], [sflag:$0x2] =	stream.indirect.gather [hbm4b:s2+s14], $0x40, s23, s14, $0xb8;
	[tilespmem:$0x12E00] =	vst v63  }
0x30: {  	s23 =	smov.u32 s22  }
0x31: {  	p0 =	sne.s32 s22, $0x9800;
	s22 =	sadd.s32 $0x400, s22;
	_ =	swait.ge [sflag:s17], $0x2000  }
0x32: {  	s23 =	sshra.s32 s23, $0x2;
	[sflag:s17] =	ssyncset.done $0x0  }
0x33: {  	s24 =	sadd.s32 $0x2800, s23;
	[sflag:s17] =	ssyncadd.s32 $0xFFFFE000  }
0x34: {  	[spmem:s3] =	stream.indirect.scatter.add.f32 [tilespmem:s15], [sflag:$0x3], $0x40, s24, s14, $0xb8;
	[tilespmem:$0x12E00] =	vst v63  }
0x35: {  	_ =	swait.ge [sflag:s10], $0x2000  }
0x36: {  	[sflag:s10] =	ssyncset.done $0x0  }
0x37: {  	s24 =	sadd.s32 $0x100, s23;
	[sflag:s10] =	ssyncadd.s32 $0xFFFFE000  }
0x38: {  	[tilespmem:s15], [sflag:$0x1] =	stream.indirect.gather [hbm4b:s2+s14], $0x40, s24, s14, $0xb8;
	[tilespmem:$0x12E00] =	vst v63  }
0x39: {  	_ =	swait.ge [sflag:s18], $0x2000  }
0x3a: {  	[sflag:s18] =	ssyncset.done $0x0  }
.Ltmp0:
0x3b: {  	s24 =	sadd.s32 $0x2880, s23;
	[sflag:s18] =	ssyncadd.s32 $0xFFFFE000;
	(pc) =	sbr.rel @p0 .LBB2_2-.Ltmp0, $4  }
0x3c: {  	[spmem:s3] =	stream.indirect.scatter.add.f32 [tilespmem:s16], [sflag:$0x3], $0x40, s24, s14, $0xb8;
	[tilespmem:$0x12E00] =	vst v63  }
0x3d: {  	_ =	swait.ge [sflag:s10], $0x2000  }
0x3e: {  	[sflag:s10] =	ssyncset.done $0x0  }
0x3f: {  	s23 =	sadd.s32 $0x180, s23;
	[sflag:s10] =	ssyncadd.s32 $0xFFFFE000  }
0x40: {  	[tilespmem:s16], [sflag:$0x2] =	stream.indirect.gather [hbm4b:s2+s14], $0x40, s23, s14, $0xb8;
	[tilespmem:$0x12E00] =	vst v63  }
0x41: {  	_ =	swait.ge [sflag:s17], $0x2000  }
0x42: {  	[sflag:s17] =	ssyncset.done $0x0  }
0x43: {  	[sflag:s17] =	ssyncadd.s32 $0xFFFFE000  }
0x44: {  	[spmem:s3] =	stream.indirect.scatter.add.f32 [tilespmem:s15], [sflag:$0x3], $0x40, s19, s14, $0xb8;
	[tilespmem:$0x12E00] =	vst v63  }
0x45: {  	_ =	swait.ge [sflag:s10], $0x2000  }
0x46: {  	[sflag:s10] =	ssyncset.done $0x0  }
0x47: {  	[sflag:s10] =	ssyncadd.s32 $0xFFFFE000  }
0x48: {  	_ =	swait.ge [sflag:s18], $0x2000  }
0x49: {  	[sflag:s18] =	ssyncset.done $0x0  }
0x4a: {  	[sflag:s18] =	ssyncadd.s32 $0xFFFFE000  }
0x4b: {  	[spmem:s3] =	stream.indirect.scatter.add.f32 [tilespmem:s16], [sflag:$0x3], $0x40, s20, s14, $0xb8;
	[tilespmem:$0x12E00] =	vst v63  }
0x4c: {  	_ =	swait.ge [sflag:s10], $0x2000  }
0x4d: {  	s21 =	sadd.s32 $0x1, s21;
	[sflag:s10] =	ssyncset.done $0x0  }
0x4e: {  	p0 =	sne.s32 s21, s9;
	[sflag:s10] =	ssyncadd.s32 $0xFFFFE000  }
.Ltmp1:
0x4f: {  	[bflag:$0x0] =	sbarrier.arrive $0xFFFF;
	(pc) =	sbr.rel @p0 .LBB2_1-.Ltmp1, $4  }
0x50: {  	[hbm:s8], [sflag:s12] =	dma.local [spmem:s13], $0x13C0  }
0x51: {  	_ =	swait.ge [sflag:s10], $0x13C0  }
0x52: {  	[sflag:s10] =	ssyncset.done $0x0  }
0x53: {  	[sflag:s10] =	ssyncadd.s32 $0xFFFFEC40  }
0x54: {  	_ =	sfence.sel $0x180000  }
0x55: {  	[bflag:$0x0] =	sbarrier.arrive $0xFFFF  }
0x56: {  	p0 =	sne.s32 s1, $0x0;
	_ =	strace $0x90000059  }
0x57: {  	s0 =	sadd.s32 @!p0 $0x100000, s0;
	[bflag:$0x2] =	sbarrier.arrive $0xFFFF  }
0x58: {  	[sflag:s0] =	ssyncadd.tile.s32 @!p0 $0x1;
	_ =	shalt  }
.Lfunc_end2:
_tile_overlayer_lowered:
.L_overlay_start_2:
0x59: {  	(tag) =	ssettag $0x2  }
0x5a: {  	s0 =	rddreg [dreg:$0x0];
	s2 =	stileid.u32  }
0x5b: {  	s1 =	rddreg [dreg:$0x1];
	p0 =	sne.s32 s2, $0x0  }
0x5c: {  	s3 =	rddreg [dreg:$0x2];
	[bflag:$0x3] =	sbarrier.arrive $0xFFFF;
	s2 =	simm.s32 @!p0 $0x1C03  }
0x5d: {  	[timem:s3], [sflag:s2] =	dma.local @!p0 [hbm:s0], s1  }
0x5e: {  	s0 =	simm.s32 @!p0 $0x3  }
0x5f: {  	_ =	swait.ge @!p0 [sflag:s0], s1  }
0x60: {  	s1 =	ssub.s32 @!p0 $0x0, s1;
	[sflag:s0] =	ssyncset.done @!p0 $0x0  }
0x61: {  	[sflag:s0] =	ssyncadd.s32 @!p0 s1  }
0x62: {  	[bflag:$0x3] =	sbarrier.arrive $0xFFFF  }
0x63: {  	_ =	shalt  }

// kernel: kernel.46.cloned.1.call-start
scs
__scs_entry_jumppad:
0x0: {  	(pc) =	sbr.rel $0x88, $3  }
0x1: {  	(tag) =	ssettag $0x0;
	lr =	simm.s32 $0x1  }
0x2: {  	[smem:$0x3F9B] =	sst lr;
	_ =	strace $0xD0000000  }
0x3: {  	_ = 	snop  }
0x4: {  	_ = 	snop  }
0x5: {  	_ = 	snop  }
0x6: {  	_ = 	snop  }
0x7: {  	_ = 	snop  }
__scs_overlays_trampoline_lowered:
0x8: {  	[smem:$0x3FAA] =	sst s0  }
0x9: {  	[smem:$0x3FAB] =	sst s1  }
0xa: {  	[smem:$0x3FAC] =	sst s2  }
0xb: {  	[smem:$0x3FAD] =	sst s3  }
0xc: {  	[smem:$0x3FAE] =	sst s4  }
0xd: {  	[smem:$0x3FAF] =	sst s5  }
0xe: {  	[smem:$0x3FB0] =	sst s6  }
0xf: {  	[smem:$0x3FB1] =	sst s7  }
0x10: {  	[smem:$0x3FB2] =	sst s8  }
0x11: {  	[smem:$0x3FB3] =	sst s9;
	s0 =	simm.s32 @!p0 $0x0  }
0x12: {  	s1 =	sld [smem:$0x3F99];
	s0 =	simm.s32 @p0 $0x1  }
0x13: {  	[smem:$0x3FB4] =	sst s0;
	s0 =	simm.s32 @!p1 $0x0  }
0x14: {  	s2 =	sld [smem:$0x3F98];
	s0 =	simm.s32 @p1 $0x1  }
0x15: {  	[smem:$0x3FB5] =	sst s0;
	s0 =	simm.s32 @!p2 $0x0  }
0x16: {  	s3 =	sld [smem:$0x3FDB];
	s0 =	simm.s32 @p2 $0x1  }
0x17: {  	s4 =	simm.s32 $0x1BF5;
	[smem:$0x3FB7] =	sst s0  }
0x18: {  	s0 =	sld [smem:$0x3F9A];
	_ =	swait.ge [sflag:s4], $0x0  }
0x19: {  	s7 =	sld [smem:$0x3F9B]  }
0x1a: {  	s8 =	sadd.s32 $0xFFFFE003, lr  }
0x1b: {  	s9 =	sadd.s32 $0xFFFFFEF7, lr;
	s5 =	simm.s32 $0xFFFFFFFF;
	p2 =	slt.u32 s8, $0xFFFFF086  }
0x1c: {  	p1 =	slt.u32 s9, $0xF7A;
	s5 =	simm.s32 @!p2 $0x0  }
0x1d: {  	s5 =	simm.s32 @p1 $0x1;
	p0 =	seq.s32 s7, s2  }
0x1e: {  	s7 =	smul.u32 @!p0 $0xF7A, s2;
	p2 =	seq.s32 @!p0 s5, $0x0  }
0x1f: {  	s9 =	smul.u32 $0xF7A, s1;
	s8 =	simm.s32 @!p0 $0x1BF5;
	p2 =	por !p2, p0  }
0x20: {  	[sflag:s8] =	ssyncset.s32 @!p0 $0xFFFFF086;
	s6 =	sadd.s32 @!p0 s3, s7;
	s7 =	simm.s32 @!p0 $0x108  }
0x21: {  	s3 =	sadd.s32 s3, s9;
	s6 =	sadd.s32 @!p0 $0x88, s6;
	s7 =	simm.s32 @p2 $0x1082  }
0x22: {  	[simem:s7], [sflag:s8] =	dma.local @!p0 [hbm:s6], $0xF7A  }
0x23: {  	s9 =	sor.u32 $0xD0000000, s2;
	s6 =	simm.s32 $0x108;
	_ =	swait.ge @!p0 [sflag:s8], $0x0  }
0x24: {  	s3 =	sadd.s32 $0x88, s3;
	s6 =	simm.s32 @!p1 $0x1082;
	[sflag:s4] =	ssyncset.s32 $0xFFFFF086  }
0x25: {  	[simem:s6], [sflag:s4] =	dma.local [hbm:s3], $0xF7A  }
0x26: {  	[smem:$0x3F9B] =	sst s1;
	(tag) =	ssettag s2;
	_ =	strace s9  }
0x27: {  	s1 =	sld [smem:$0x3FAB]  }
0x28: {  	s2 =	sld [smem:$0x3FAC]  }
0x29: {  	s4 =	sld [smem:$0x3FAE]  }
0x2a: {  	p0 =	seq.s32 s5, $0x0;
	s5 =	sld [smem:$0x3FAF]  }
0x2b: {  	s6 =	sld [smem:$0x3FB0]  }
0x2c: {  	s7 =	sld [smem:$0x3FB1]  }
0x2d: {  	s3 =	simm.s32 $0x108;
	s8 =	sld [smem:$0x3FB2]  }
0x2e: {  	s3 =	simm.s32 @!p0 $0x1082;
	s9 =	sld [smem:$0x3FB3]  }
0x2f: {  	lr =	sadd.s32 s0, s3;
	s0 =	sld [smem:$0x3FAA]  }
0x30: {  	s3 =	sld [smem:$0x3FAD]  }
0x31: {  	[smem:$0x3FB6] =	sst s10  }
0x32: {  	s10 =	sld [smem:$0x3FB4];
	_ =	sdelay $0x3  }
0x33: {  	p0 =	seq.s32 s10, $0x1;
	s10 =	sld [smem:$0x3FB6];
	_ =	sdelay $0x3  }
0x34: {  	[smem:$0x3FB6] =	sst s10  }
0x35: {  	s10 =	sld [smem:$0x3FB5];
	_ =	sdelay $0x3  }
0x36: {  	p1 =	seq.s32 s10, $0x1;
	s10 =	sld [smem:$0x3FB6];
	_ =	sdelay $0x3  }
0x37: {  	[smem:$0x3FB6] =	sst s10  }
0x38: {  	s10 =	sld [smem:$0x3FB7]  }
0x39: {  	_ = 	snop;
	(pc) =	sbr.ind lr, $3  }
0x3a: {  	_ = 	snop  }
0x3b: {  	_ = 	snop  }
0x3c: {  	p2 =	seq.s32 s10, $0x1;
	s10 =	sld [smem:$0x3FB6]  }
0x3d: {  	_ =	shalt  }
0x3e: {  	_ =	shalt  }
0x3f: {  	_ =	shalt  }
0x40: {  	_ =	shalt  }
0x41: {  	_ =	shalt  }
0x42: {  	_ =	shalt  }
0x43: {  	_ =	shalt  }
0x44: {  	_ =	shalt  }
0x45: {  	_ =	shalt  }
0x46: {  	_ =	shalt  }
0x47: {  	_ =	shalt  }
0x48: {  	_ =	shalt  }
0x49: {  	_ =	shalt  }
0x4a: {  	_ =	shalt  }
0x4b: {  	_ =	shalt  }
0x4c: {  	_ =	shalt  }
0x4d: {  	_ =	shalt  }
0x4e: {  	_ =	shalt  }
0x4f: {  	_ =	shalt  }
0x50: {  	_ =	shalt  }
0x51: {  	_ =	shalt  }
0x52: {  	_ =	shalt  }
0x53: {  	_ =	shalt  }
0x54: {  	_ =	shalt  }
0x55: {  	_ =	shalt  }
0x56: {  	_ =	shalt  }
0x57: {  	_ =	shalt  }
0x58: {  	_ =	shalt  }
0x59: {  	_ =	shalt  }
0x5a: {  	_ =	shalt  }
0x5b: {  	_ =	shalt  }
0x5c: {  	_ =	shalt  }
0x5d: {  	_ =	shalt  }
0x5e: {  	_ =	shalt  }
0x5f: {  	_ =	shalt  }
0x60: {  	_ =	shalt  }
0x61: {  	_ =	shalt  }
0x62: {  	_ =	shalt  }
0x63: {  	_ =	shalt  }
0x64: {  	_ =	shalt  }
0x65: {  	_ =	shalt  }
0x66: {  	_ =	shalt  }
0x67: {  	_ =	shalt  }
0x68: {  	_ =	shalt  }
0x69: {  	_ =	shalt  }
0x6a: {  	_ =	shalt  }
0x6b: {  	_ =	shalt  }
0x6c: {  	_ =	shalt  }
0x6d: {  	_ =	shalt  }
0x6e: {  	_ =	shalt  }
0x6f: {  	_ =	shalt  }
0x70: {  	_ =	shalt  }
0x71: {  	_ =	shalt  }
0x72: {  	_ =	shalt  }
0x73: {  	_ =	shalt  }
0x74: {  	_ =	shalt  }
0x75: {  	_ =	shalt  }
0x76: {  	_ =	shalt  }
0x77: {  	_ =	shalt  }
0x78: {  	_ =	shalt  }
0x79: {  	_ =	shalt  }
0x7a: {  	_ =	shalt  }
0x7b: {  	_ =	shalt  }
0x7c: {  	_ =	shalt  }
0x7d: {  	_ =	shalt  }
0x7e: {  	_ =	shalt  }
0x7f: {  	_ =	shalt  }
0x80: {  	_ =	shalt  }
0x81: {  	_ =	shalt  }
0x82: {  	_ =	shalt  }
0x83: {  	_ =	shalt  }
0x84: {  	_ =	shalt  }
0x85: {  	_ =	shalt  }
0x86: {  	_ =	shalt  }
0x87: {  	_ =	shalt  }
.Lfunc_end0:
.L_simem_size_0:
called_computation.7_lowered:
.L_overlay_start_0:
0x88: {  	s2 =	sld [smem:$0x3FD9]  }
0x89: {  	s3 =	sld [smem:$0x3FFE];
	_ =	sdelay $0x1  }
0x8a: {  	s1 =	srdreg.scid  }
0x8b: {  	s0 =	sand.u32 $0x1, s1  }
0x8c: {  	s17 =	sshll.u32 s0, $0xA;
	s2 =	sadd.s32 s3, s2  }
0x8d: {  	s2 =	sadd.s32 s2, s17  }
0x8e: {  	[smem:$0x3FC2] =	sst s2  }
0x8f: {  	_ = 	snop  }
0x90: {  	s2 =	sld [smem:$0x3FD0];
	(tm) =	ssettm $0x1  }
0x91: {  	s18 =	sld [smem:$0x3FFB];
	_ =	sdelay $0x3  }
0x92: {  	_ =	strace s18  }
0x93: {  	s3 =	sld [smem:$0x3FFC];
	_ =	sdelay $0x3  }
0x94: {  	_ =	strace s3  }
0x95: {  	s3 =	sld [smem:$0x3FFD];
	_ =	sdelay $0x3  }
0x96: {  	_ =	strace s3  }
0x97: {  	_ =	strace $0x8FFFFFFF  }
0x98: {  	s19 =	sld [smem:$0x3FDB];
	_ =	sdelay $0x1  }
0x99: {  	s4 =	simm.s32 $_scs_section_size  }
0x9a: {  	s5 =	simm.s32 $_size__tile_overlayer_lowered;
	s6 =	simm.s32 $_tile_overlayer_lowered  }
0x9b: {  	s22 =	simm.s32 $0x1BFF;
	s21 =	sshll.u32 s6, $0x1;
	s3 =	sadd.s32 s4, s19  }
0x9c: {  	s7 =	simm.s32 $0x0;
	s20 =	sshll.u32 s5, $0x1;
	s5 =	sadd.s32 s21, s3  }
0x9d: {  	[timem:s7], [sflag:s22] =	dma.local [hbm:s5], s20  }
0x9e: {  	_ =	swait.ge [sflag:s22], s20  }
0x9f: {  	s4 =	ssub.s32 $0x0, s20;
	[sflag:s22] =	ssyncset.done $0x0  }
0xa0: {  	[sflag:s22] =	ssyncadd.s32 s4;
	_ =	sdelay $0x1  }
0xa1: {  	s23 =	simm.s32 $0x1B8B  }
0xa2: {  	_ =	swait.ge [sflag:s23], $0x1  }
0xa3: {  	[sflag:s23] =	ssyncset.done $0x0  }
0xa4: {  	s25 =	simm.s32 $0x1B8E;
	s24 =	sld [smem:$0x3FFE];
	[sflag:s23] =	ssyncadd.s32 $0xFFFFFFFF  }
0xa5: {  	s26 =	simm.s32 $execute0_lowered;
	[smem:$0x3FD2] =	sst s25  }
0xa6: {  	s5 =	sshll.u32 s26, $0x1;
	_ =	strace $0x8000005B;
	[dreg:$0x1] =	wrdreg $0xFFFFFFFF  }
0xa7: {  	s28 =	simm.s32 $_size_execute0_lowered;
	s3 =	sadd.s32 s3, s5;
	[dreg:$0x0] =	wrdreg $0x0  }
0xa8: {  	s5 =	sshll.u32 s28, $0x1;
	[dreg:$0x2] =	wrdreg s3  }
0xa9: {  	[dreg:$0x3] =	wrdreg s5  }
0xaa: {  	[dreg:$0x4] =	wrdreg $0xC0  }
0xab: {  	_ =	task [dreg:s7], $0x5FFFF  }
0xac: {  	[dreg:$0x1] =	wrdreg $0xFFFFFFFF  }
0xad: {  	[dreg:$0x0] =	wrdreg $0x60  }
0xae: {  	[dreg:$0x2] =	wrdreg s24  }
0xaf: {  	[dreg:$0x3] =	wrdreg s2  }
0xb0: {  	[dreg:$0x4] =	wrdreg $0x90000  }
0xb1: {  	[dreg:$0x5] =	wrdreg $0x9  }
0xb2: {  	_ =	task.clear_ibuf [dreg:s7], $0x6FFFF;
	_ =	strace $0x9000005B  }
0xb3: {  	s29 =	simm.s32 $0x9;
	_ =	strace $0x8000005D  }
0xb4: {  	_ =	swait.ge [sflag:s29], $0x1  }
0xb5: {  	[sflag:s29] =	ssyncadd.s32 $0xFFFFFFFF  }
0xb6: {  	_ =	strace $0x9000005D  }
0xb7: {  	_ =	sfence  }
0xb8: {  	s30 =	sld [smem:$0x0];
	_ =	sdelay $0x2  }
0xb9: {  	s31 =	sshll.u32 s1, $0xD;
	s1 =	sshrl.u32 s1, $0x2  }
0xba: {  	s3 =	sand.u32 $0x4000, s31;
	s1 =	sadd.s32 s1, s30  }
0xbb: {  	s0 =	sor.u32 s3, s0;
	s1 =	sshll.u32 s1, $0x11  }
0xbc: {  	s0 =	sor.u32 s1, s0  }
0xbd: {  	s0 =	sadd.s32 $0x8F2B, s0  }
0xbe: {  	[sflag:s0] =	ssyncadd.remote.s32 $0x1  }
0xbf: {  	_ =	sfence.sel $0xFFFF  }
0xc0: {  	[dreg:$0x0] =	wrdreg $0xFFFFFFFF;
	(pc) =	sbr.abs _section_cstart, $3  }
0xc1: {  	[dreg:$0x1] =	wrdreg $0xFFFFFFFF  }
0xc2: {  	_ =	task.clear_ibuf [dreg:s7], $0x2FFFF;
	_ =	strace $0x9FFFFFFF  }
0xc3: {  	(tm) =	ssettm $0x7FFFFFFF  }
tec
execute0_lowered:
.L_overlay_start_1:
0x0: {  	(tag) =	ssettag $0x1  }
0x1: {  	s6 =	rddreg [dreg:$0x0]  }
0x2: {  	s2 =	rddreg [dreg:$0x1];
	s0 =	srdreg.scid  }
0x3: {  	s3 =	rddreg [dreg:$0x2];
	s1 =	stileid.u32  }
0x4: {  	s4 =	simm.s32 $0x0;
	s14 =	simm.s32 $0x80;
	s15 =	simm.s32 $0x5000  }
0x5: {  	s16 =	simm.s32 $0x7000;
	s17 =	simm.s32 $0x1;
	s18 =	simm.s32 $0x2  }
0x6: {  	s19 =	simm.s32 $0x4F00;
	s20 =	simm.s32 $0x4F80;
	s21 =	simm.s32 $0x0  }
0x7: {  	s5 =	sand.u32 $0x1, s0;
	s0 =	rddreg [dreg:$0x3];
	s8 =	smul.u32 $0x9E00, s1  }
0x8: {  	[smem:$0x7FF] =	sst s4;
	s12 =	sshll.u32 s1, $0x6;
	s7 =	sshll.u32 s5, $0x4  }
0x9: {  	s9 =	smul.u32 $0x9E000, s5;
	_ =	strace $0x8000005C;
	s10 =	ssub.s32 $0x2, s5  }
0xa: {  	s5 =	sadd.s32 $0x1B800, s6;
	s12 =	sor.u32 $0x1C03, s12;
	s7 =	sor.u32 s1, s7  }
0xb: {  	s11 =	sshrl.u32 s10, $0x1;
	s13 =	sadd.s32 s8, s3;
	s7 =	smul.u32 $0x500, s7  }
0xc: {  	s9 =	sadd.s32 s8, s9;
	s10 =	ssub.s32 s10, s11;
	s11 =	simm.s32 $0x2800  }
0xd: {  	s13 =	sshrl.u32 s13, $0x3;
	s9 =	sshrl.u32 s9, $0x3;
	s7 =	sadd.s32 s7, s6  }
0xe: {  	s9 =	sadd.s32 s9, s6;
	s6 =	sadd.s32 $0x11800, s7;
	s7 =	sadd.s32 $0x7800, s7  }
0xf: {  	s8 =	sadd.s32 $0xBD600, s9;
	s9 =	smax.u32 s10, $0x1;
	s10 =	simm.s32 $0x3  }
.LBB2_1:
0x10: {  	[tilespmem:s4], [sflag:$0x3] =	stream.linear.gather [hbm4b:s6+s4], $0x2800, $0x38;
	[tilespmem:$0x12E00] =	vst v63  }
0x11: {  	_ =	swait.ge [sflag:s10], $0x2800  }
0x12: {  	[sflag:s10] =	ssyncset.done $0x0  }
0x13: {  	[sflag:s10] =	ssyncadd.s32 $0xFFFFD800  }
0x14: {  	[tilespmem:s11], [sflag:$0x3] =	stream.linear.gather [hbm4b:s7+s4], $0x2800, $0x38;
	[tilespmem:$0x12E00] =	vst v63  }
0x15: {  	_ =	swait.ge [sflag:s10], $0x2800  }
0x16: {  	[sflag:s10] =	ssyncset.done $0x0  }
0x17: {  	[sflag:s10] =	ssyncadd.s32 $0xFFFFD800  }
0x18: {  	[spmem:s13], [sflag:s12] =	dma.local [hbm:s5], $0x13C0  }
0x19: {  	_ =	swait.ge [sflag:s10], $0x13C0  }
0x1a: {  	[sflag:s10] =	ssyncset.done $0x0  }
0x1b: {  	[sflag:s10] =	ssyncadd.s32 $0xFFFFEC40  }
0x1c: {  	[bflag:$0x0] =	sbarrier.arrive $0xFFFF  }
0x1d: {  	[tilespmem:s15], [sflag:$0x1] =	stream.indirect.gather [hbm4b:s2+s14], $0x40, s4, s14, $0xb8;
	[tilespmem:$0x12E00] =	vst v63  }
0x1e: {  	_ = 	snop  }
0x1f: {  	[tilespmem:s16], [sflag:$0x2] =	stream.indirect.gather [hbm4b:s2+s14], $0x40, s14, s14, $0xb8;
	[tilespmem:$0x12E00] =	vst v63  }
0x20: {  	_ =	swait.ge [sflag:s17], $0x2000  }
0x21: {  	[sflag:s17] =	ssyncset.done $0x0  }
0x22: {  	s22 =	simm.s32 $0x2800;
	[sflag:s17] =	ssyncadd.s32 $0xFFFFE000  }
0x23: {  	[spmem:s3] =	stream.indirect.scatter.add.f32 [tilespmem:s15], [sflag:$0x3], $0x40, s22, s14, $0xb8;
	[tilespmem:$0x12E00] =	vst v63  }
0x24: {  	_ =	swait.ge [sflag:s10], $0x2000  }
0x25: {  	[sflag:s10] =	ssyncset.done $0x0  }
0x26: {  	s30 =	simm.s32 $0x100;
	[sflag:s10] =	ssyncadd.s32 $0xFFFFE000  }
0x27: {  	[tilespmem:s15], [sflag:$0x1] =	stream.indirect.gather [hbm4b:s2+s14], $0x40, s30, s14, $0xb8;
	[tilespmem:$0x12E00] =	vst v63  }
0x28: {  	_ =	swait.ge [sflag:s18], $0x2000  }
0x29: {  	[sflag:s18] =	ssyncset.done $0x0  }
0x2a: {  	s31 =	simm.s32 $0x2880;
	[sflag:s18] =	ssyncadd.s32 $0xFFFFE000  }
0x2b: {  	[spmem:s3] =	stream.indirect.scatter.add.f32 [tilespmem:s16], [sflag:$0x3], $0x40, s31, s14, $0xb8;
	[tilespmem:$0x12E00] =	vst v63  }
0x2c: {  	_ =	swait.ge [sflag:s10], $0x2000  }
0x2d: {  	[sflag:s10] =	ssyncset.done $0x0  }
0x2e: {  	s23 =	simm.s32 $0x180;
	s22 =	simm.s32 $0x400;
	[sflag:s10] =	ssyncadd.s32 $0xFFFFE000  }
.LBB2_2:
0x2f: {  	[tilespmem:s16], [sflag:$0x2] =	stream.indirect.gather [hbm4b:s2+s14], $0x40, s23, s14, $0xb8;
	[tilespmem:$0x12E00] =	vst v63  }
0x30: {  	s23 =	smov.u32 s22  }
0x31: {  	p0 =	sne.s32 s22, $0x9800;
	s22 =	sadd.s32 $0x400, s22;
	_ =	swait.ge [sflag:s17], $0x2000  }
0x32: {  	s23 =	sshra.s32 s23, $0x2;
	[sflag:s17] =	ssyncset.done $0x0  }
0x33: {  	s24 =	sadd.s32 $0x2800, s23;
	[sflag:s17] =	ssyncadd.s32 $0xFFFFE000  }
0x34: {  	[spmem:s3] =	stream.indirect.scatter.add.f32 [tilespmem:s15], [sflag:$0x3], $0x40, s24, s14, $0xb8;
	[tilespmem:$0x12E00] =	vst v63  }
0x35: {  	_ =	swait.ge [sflag:s10], $0x2000  }
0x36: {  	[sflag:s10] =	ssyncset.done $0x0  }
0x37: {  	s24 =	sadd.s32 $0x100, s23;
	[sflag:s10] =	ssyncadd.s32 $0xFFFFE000  }
0x38: {  	[tilespmem:s15], [sflag:$0x1] =	stream.indirect.gather [hbm4b:s2+s14], $0x40, s24, s14, $0xb8;
	[tilespmem:$0x12E00] =	vst v63  }
0x39: {  	_ =	swait.ge [sflag:s18], $0x2000  }
0x3a: {  	[sflag:s18] =	ssyncset.done $0x0  }
.Ltmp0:
0x3b: {  	s24 =	sadd.s32 $0x2880, s23;
	[sflag:s18] =	ssyncadd.s32 $0xFFFFE000;
	(pc) =	sbr.rel @p0 .LBB2_2-.Ltmp0, $4  }
0x3c: {  	[spmem:s3] =	stream.indirect.scatter.add.f32 [tilespmem:s16], [sflag:$0x3], $0x40, s24, s14, $0xb8;
	[tilespmem:$0x12E00] =	vst v63  }
0x3d: {  	_ =	swait.ge [sflag:s10], $0x2000  }
0x3e: {  	[sflag:s10] =	ssyncset.done $0x0  }
0x3f: {  	s23 =	sadd.s32 $0x180, s23;
	[sflag:s10] =	ssyncadd.s32 $0xFFFFE000  }
0x40: {  	[tilespmem:s16], [sflag:$0x2] =	stream.indirect.gather [hbm4b:s2+s14], $0x40, s23, s14, $0xb8;
	[tilespmem:$0x12E00] =	vst v63  }
0x41: {  	_ =	swait.ge [sflag:s17], $0x2000  }
0x42: {  	[sflag:s17] =	ssyncset.done $0x0  }
0x43: {  	[sflag:s17] =	ssyncadd.s32 $0xFFFFE000  }
0x44: {  	[spmem:s3] =	stream.indirect.scatter.add.f32 [tilespmem:s15], [sflag:$0x3], $0x40, s19, s14, $0xb8;
	[tilespmem:$0x12E00] =	vst v63  }
0x45: {  	_ =	swait.ge [sflag:s10], $0x2000  }
0x46: {  	[sflag:s10] =	ssyncset.done $0x0  }
0x47: {  	[sflag:s10] =	ssyncadd.s32 $0xFFFFE000  }
0x48: {  	_ =	swait.ge [sflag:s18], $0x2000  }
0x49: {  	[sflag:s18] =	ssyncset.done $0x0  }
0x4a: {  	[sflag:s18] =	ssyncadd.s32 $0xFFFFE000  }
0x4b: {  	[spmem:s3] =	stream.indirect.scatter.add.f32 [tilespmem:s16], [sflag:$0x3], $0x40, s20, s14, $0xb8;
	[tilespmem:$0x12E00] =	vst v63  }
0x4c: {  	_ =	swait.ge [sflag:s10], $0x2000  }
0x4d: {  	s21 =	sadd.s32 $0x1, s21;
	[sflag:s10] =	ssyncset.done $0x0  }
0x4e: {  	p0 =	sne.s32 s21, s9;
	[sflag:s10] =	ssyncadd.s32 $0xFFFFE000  }
.Ltmp1:
0x4f: {  	[bflag:$0x0] =	sbarrier.arrive $0xFFFF;
	(pc) =	sbr.rel @p0 .LBB2_1-.Ltmp1, $4  }
0x50: {  	[hbm:s8], [sflag:s12] =	dma.local [spmem:s13], $0x13C0  }
0x51: {  	_ =	swait.ge [sflag:s10], $0x13C0  }
0x52: {  	[sflag:s10] =	ssyncset.done $0x0  }
0x53: {  	[sflag:s10] =	ssyncadd.s32 $0xFFFFEC40  }
0x54: {  	_ =	sfence.sel $0x180000  }
0x55: {  	[bflag:$0x0] =	sbarrier.arrive $0xFFFF  }
0x56: {  	p0 =	sne.s32 s1, $0x0;
	_ =	strace $0x9000005C  }
0x57: {  	s0 =	sadd.s32 @!p0 $0x100000, s0;
	[bflag:$0x2] =	sbarrier.arrive $0xFFFF  }
0x58: {  	[sflag:s0] =	ssyncadd.tile.s32 @!p0 $0x1;
	_ =	shalt  }
.Lfunc_end2:
_tile_overlayer_lowered:
.L_overlay_start_2:
0x59: {  	(tag) =	ssettag $0x2  }
0x5a: {  	s0 =	rddreg [dreg:$0x0];
	s2 =	stileid.u32  }
0x5b: {  	s1 =	rddreg [dreg:$0x1];
	p0 =	sne.s32 s2, $0x0  }
0x5c: {  	s3 =	rddreg [dreg:$0x2];
	[bflag:$0x3] =	sbarrier.arrive $0xFFFF;
	s2 =	simm.s32 @!p0 $0x1C03  }
0x5d: {  	[timem:s3], [sflag:s2] =	dma.local @!p0 [hbm:s0], s1  }
0x5e: {  	s0 =	simm.s32 @!p0 $0x3  }
0x5f: {  	_ =	swait.ge @!p0 [sflag:s0], s1  }
0x60: {  	s1 =	ssub.s32 @!p0 $0x0, s1;
	[sflag:s0] =	ssyncset.done @!p0 $0x0  }
0x61: {  	[sflag:s0] =	ssyncadd.s32 @!p0 s1  }
0x62: {  	[bflag:$0x3] =	sbarrier.arrive $0xFFFF  }
0x63: {  	_ =	shalt  }

// kernel: kernel.49.cloned.1.call-start
scs
__scs_entry_jumppad:
0x0: {  	(pc) =	sbr.rel $0x88, $3  }
0x1: {  	(tag) =	ssettag $0x0;
	lr =	simm.s32 $0x1  }
0x2: {  	[smem:$0x3F9B] =	sst lr;
	_ =	strace $0xD0000000  }
0x3: {  	_ = 	snop  }
0x4: {  	_ = 	snop  }
0x5: {  	_ = 	snop  }
0x6: {  	_ = 	snop  }
0x7: {  	_ = 	snop  }
__scs_overlays_trampoline_lowered:
0x8: {  	[smem:$0x3FAA] =	sst s0  }
0x9: {  	[smem:$0x3FAB] =	sst s1  }
0xa: {  	[smem:$0x3FAC] =	sst s2  }
0xb: {  	[smem:$0x3FAD] =	sst s3  }
0xc: {  	[smem:$0x3FAE] =	sst s4  }
0xd: {  	[smem:$0x3FAF] =	sst s5  }
0xe: {  	[smem:$0x3FB0] =	sst s6  }
0xf: {  	[smem:$0x3FB1] =	sst s7  }
0x10: {  	[smem:$0x3FB2] =	sst s8  }
0x11: {  	[smem:$0x3FB3] =	sst s9;
	s0 =	simm.s32 @!p0 $0x0  }
0x12: {  	s1 =	sld [smem:$0x3F99];
	s0 =	simm.s32 @p0 $0x1  }
0x13: {  	[smem:$0x3FB4] =	sst s0;
	s0 =	simm.s32 @!p1 $0x0  }
0x14: {  	s2 =	sld [smem:$0x3F98];
	s0 =	simm.s32 @p1 $0x1  }
0x15: {  	[smem:$0x3FB5] =	sst s0;
	s0 =	simm.s32 @!p2 $0x0  }
0x16: {  	s3 =	sld [smem:$0x3FDB];
	s0 =	simm.s32 @p2 $0x1  }
0x17: {  	s4 =	simm.s32 $0x1BF5;
	[smem:$0x3FB7] =	sst s0  }
0x18: {  	s0 =	sld [smem:$0x3F9A];
	_ =	swait.ge [sflag:s4], $0x0  }
0x19: {  	s7 =	sld [smem:$0x3F9B]  }
0x1a: {  	s8 =	sadd.s32 $0xFFFFE003, lr  }
0x1b: {  	s9 =	sadd.s32 $0xFFFFFEF7, lr;
	s5 =	simm.s32 $0xFFFFFFFF;
	p2 =	slt.u32 s8, $0xFFFFF086  }
0x1c: {  	p1 =	slt.u32 s9, $0xF7A;
	s5 =	simm.s32 @!p2 $0x0  }
0x1d: {  	s5 =	simm.s32 @p1 $0x1;
	p0 =	seq.s32 s7, s2  }
0x1e: {  	s7 =	smul.u32 @!p0 $0xF7A, s2;
	p2 =	seq.s32 @!p0 s5, $0x0  }
0x1f: {  	s9 =	smul.u32 $0xF7A, s1;
	s8 =	simm.s32 @!p0 $0x1BF5;
	p2 =	por !p2, p0  }
0x20: {  	[sflag:s8] =	ssyncset.s32 @!p0 $0xFFFFF086;
	s6 =	sadd.s32 @!p0 s3, s7;
	s7 =	simm.s32 @!p0 $0x108  }
0x21: {  	s3 =	sadd.s32 s3, s9;
	s6 =	sadd.s32 @!p0 $0x88, s6;
	s7 =	simm.s32 @p2 $0x1082  }
0x22: {  	[simem:s7], [sflag:s8] =	dma.local @!p0 [hbm:s6], $0xF7A  }
0x23: {  	s9 =	sor.u32 $0xD0000000, s2;
	s6 =	simm.s32 $0x108;
	_ =	swait.ge @!p0 [sflag:s8], $0x0  }
0x24: {  	s3 =	sadd.s32 $0x88, s3;
	s6 =	simm.s32 @!p1 $0x1082;
	[sflag:s4] =	ssyncset.s32 $0xFFFFF086  }
0x25: {  	[simem:s6], [sflag:s4] =	dma.local [hbm:s3], $0xF7A  }
0x26: {  	[smem:$0x3F9B] =	sst s1;
	(tag) =	ssettag s2;
	_ =	strace s9  }
0x27: {  	s1 =	sld [smem:$0x3FAB]  }
0x28: {  	s2 =	sld [smem:$0x3FAC]  }
0x29: {  	s4 =	sld [smem:$0x3FAE]  }
0x2a: {  	p0 =	seq.s32 s5, $0x0;
	s5 =	sld [smem:$0x3FAF]  }
0x2b: {  	s6 =	sld [smem:$0x3FB0]  }
0x2c: {  	s7 =	sld [smem:$0x3FB1]  }
0x2d: {  	s3 =	simm.s32 $0x108;
	s8 =	sld [smem:$0x3FB2]  }
0x2e: {  	s3 =	simm.s32 @!p0 $0x1082;
	s9 =	sld [smem:$0x3FB3]  }
0x2f: {  	lr =	sadd.s32 s0, s3;
	s0 =	sld [smem:$0x3FAA]  }
0x30: {  	s3 =	sld [smem:$0x3FAD]  }
0x31: {  	[smem:$0x3FB6] =	sst s10  }
0x32: {  	s10 =	sld [smem:$0x3FB4];
	_ =	sdelay $0x3  }
0x33: {  	p0 =	seq.s32 s10, $0x1;
	s10 =	sld [smem:$0x3FB6];
	_ =	sdelay $0x3  }
0x34: {  	[smem:$0x3FB6] =	sst s10  }
0x35: {  	s10 =	sld [smem:$0x3FB5];
	_ =	sdelay $0x3  }
0x36: {  	p1 =	seq.s32 s10, $0x1;
	s10 =	sld [smem:$0x3FB6];
	_ =	sdelay $0x3  }
0x37: {  	[smem:$0x3FB6] =	sst s10  }
0x38: {  	s10 =	sld [smem:$0x3FB7]  }
0x39: {  	_ = 	snop;
	(pc) =	sbr.ind lr, $3  }
0x3a: {  	_ = 	snop  }
0x3b: {  	_ = 	snop  }
0x3c: {  	p2 =	seq.s32 s10, $0x1;
	s10 =	sld [smem:$0x3FB6]  }
0x3d: {  	_ =	shalt  }
0x3e: {  	_ =	shalt  }
0x3f: {  	_ =	shalt  }
0x40: {  	_ =	shalt  }
0x41: {  	_ =	shalt  }
0x42: {  	_ =	shalt  }
0x43: {  	_ =	shalt  }
0x44: {  	_ =	shalt  }
0x45: {  	_ =	shalt  }
0x46: {  	_ =	shalt  }
0x47: {  	_ =	shalt  }
0x48: {  	_ =	shalt  }
0x49: {  	_ =	shalt  }
0x4a: {  	_ =	shalt  }
0x4b: {  	_ =	shalt  }
0x4c: {  	_ =	shalt  }
0x4d: {  	_ =	shalt  }
0x4e: {  	_ =	shalt  }
0x4f: {  	_ =	shalt  }
0x50: {  	_ =	shalt  }
0x51: {  	_ =	shalt  }
0x52: {  	_ =	shalt  }
0x53: {  	_ =	shalt  }
0x54: {  	_ =	shalt  }
0x55: {  	_ =	shalt  }
0x56: {  	_ =	shalt  }
0x57: {  	_ =	shalt  }
0x58: {  	_ =	shalt  }
0x59: {  	_ =	shalt  }
0x5a: {  	_ =	shalt  }
0x5b: {  	_ =	shalt  }
0x5c: {  	_ =	shalt  }
0x5d: {  	_ =	shalt  }
0x5e: {  	_ =	shalt  }
0x5f: {  	_ =	shalt  }
0x60: {  	_ =	shalt  }
0x61: {  	_ =	shalt  }
0x62: {  	_ =	shalt  }
0x63: {  	_ =	shalt  }
0x64: {  	_ =	shalt  }
0x65: {  	_ =	shalt  }
0x66: {  	_ =	shalt  }
0x67: {  	_ =	shalt  }
0x68: {  	_ =	shalt  }
0x69: {  	_ =	shalt  }
0x6a: {  	_ =	shalt  }
0x6b: {  	_ =	shalt  }
0x6c: {  	_ =	shalt  }
0x6d: {  	_ =	shalt  }
0x6e: {  	_ =	shalt  }
0x6f: {  	_ =	shalt  }
0x70: {  	_ =	shalt  }
0x71: {  	_ =	shalt  }
0x72: {  	_ =	shalt  }
0x73: {  	_ =	shalt  }
0x74: {  	_ =	shalt  }
0x75: {  	_ =	shalt  }
0x76: {  	_ =	shalt  }
0x77: {  	_ =	shalt  }
0x78: {  	_ =	shalt  }
0x79: {  	_ =	shalt  }
0x7a: {  	_ =	shalt  }
0x7b: {  	_ =	shalt  }
0x7c: {  	_ =	shalt  }
0x7d: {  	_ =	shalt  }
0x7e: {  	_ =	shalt  }
0x7f: {  	_ =	shalt  }
0x80: {  	_ =	shalt  }
0x81: {  	_ =	shalt  }
0x82: {  	_ =	shalt  }
0x83: {  	_ =	shalt  }
0x84: {  	_ =	shalt  }
0x85: {  	_ =	shalt  }
0x86: {  	_ =	shalt  }
0x87: {  	_ =	shalt  }
.Lfunc_end0:
.L_simem_size_0:
called_computation.8_lowered:
.L_overlay_start_0:
0x88: {  	s2 =	sld [smem:$0x3FD9]  }
0x89: {  	s3 =	sld [smem:$0x3FFE];
	_ =	sdelay $0x1  }
0x8a: {  	s1 =	srdreg.scid  }
0x8b: {  	s0 =	sand.u32 $0x1, s1  }
0x8c: {  	s17 =	sshll.u32 s0, $0xA;
	s2 =	sadd.s32 s3, s2  }
0x8d: {  	s2 =	sadd.s32 s2, s17  }
0x8e: {  	[smem:$0x3FC2] =	sst s2  }
0x8f: {  	_ = 	snop  }
0x90: {  	s2 =	sld [smem:$0x3FD0];
	(tm) =	ssettm $0x1  }
0x91: {  	s18 =	sld [smem:$0x3FFB];
	_ =	sdelay $0x3  }
0x92: {  	_ =	strace s18  }
0x93: {  	s3 =	sld [smem:$0x3FFC];
	_ =	sdelay $0x3  }
0x94: {  	_ =	strace s3  }
0x95: {  	s3 =	sld [smem:$0x3FFD];
	_ =	sdelay $0x3  }
0x96: {  	_ =	strace s3  }
0x97: {  	_ =	strace $0x8FFFFFFF  }
0x98: {  	s19 =	sld [smem:$0x3FDB];
	_ =	sdelay $0x1  }
0x99: {  	s4 =	simm.s32 $_scs_section_size  }
0x9a: {  	s5 =	simm.s32 $_size__tile_overlayer_lowered;
	s6 =	simm.s32 $_tile_overlayer_lowered  }
0x9b: {  	s22 =	simm.s32 $0x1BFF;
	s21 =	sshll.u32 s6, $0x1;
	s3 =	sadd.s32 s4, s19  }
0x9c: {  	s7 =	simm.s32 $0x0;
	s20 =	sshll.u32 s5, $0x1;
	s5 =	sadd.s32 s21, s3  }
0x9d: {  	[timem:s7], [sflag:s22] =	dma.local [hbm:s5], s20  }
0x9e: {  	_ =	swait.ge [sflag:s22], s20  }
0x9f: {  	s4 =	ssub.s32 $0x0, s20;
	[sflag:s22] =	ssyncset.done $0x0  }
0xa0: {  	[sflag:s22] =	ssyncadd.s32 s4;
	_ =	sdelay $0x1  }
0xa1: {  	s23 =	simm.s32 $0x1B8B  }
0xa2: {  	_ =	swait.ge [sflag:s23], $0x1  }
0xa3: {  	[sflag:s23] =	ssyncset.done $0x0  }
0xa4: {  	s25 =	simm.s32 $0x1B8E;
	s24 =	sld [smem:$0x3FFE];
	[sflag:s23] =	ssyncadd.s32 $0xFFFFFFFF  }
0xa5: {  	s26 =	simm.s32 $execute0_lowered;
	[smem:$0x3FD2] =	sst s25  }
0xa6: {  	s5 =	sshll.u32 s26, $0x1;
	_ =	strace $0x8000005E;
	[dreg:$0x1] =	wrdreg $0xFFFFFFFF  }
0xa7: {  	s28 =	simm.s32 $_size_execute0_lowered;
	s3 =	sadd.s32 s3, s5;
	[dreg:$0x0] =	wrdreg $0x0  }
0xa8: {  	s5 =	sshll.u32 s28, $0x1;
	[dreg:$0x2] =	wrdreg s3  }
0xa9: {  	[dreg:$0x3] =	wrdreg s5  }
0xaa: {  	[dreg:$0x4] =	wrdreg $0xC0  }
0xab: {  	_ =	task [dreg:s7], $0x5FFFF  }
0xac: {  	[dreg:$0x1] =	wrdreg $0xFFFFFFFF  }
0xad: {  	[dreg:$0x0] =	wrdreg $0x60  }
0xae: {  	[dreg:$0x2] =	wrdreg s24  }
0xaf: {  	[dreg:$0x3] =	wrdreg s2  }
0xb0: {  	[dreg:$0x4] =	wrdreg $0x90000  }
0xb1: {  	[dreg:$0x5] =	wrdreg $0x9  }
0xb2: {  	_ =	task.clear_ibuf [dreg:s7], $0x6FFFF;
	_ =	strace $0x9000005E  }
0xb3: {  	s29 =	simm.s32 $0x9;
	_ =	strace $0x80000060  }
0xb4: {  	_ =	swait.ge [sflag:s29], $0x1  }
0xb5: {  	[sflag:s29] =	ssyncadd.s32 $0xFFFFFFFF  }
0xb6: {  	_ =	strace $0x90000060  }
0xb7: {  	_ =	sfence  }
0xb8: {  	s30 =	sld [smem:$0x0];
	_ =	sdelay $0x2  }
0xb9: {  	s31 =	sshll.u32 s1, $0xD;
	s1 =	sshrl.u32 s1, $0x2  }
0xba: {  	s3 =	sand.u32 $0x4000, s31;
	s1 =	sadd.s32 s1, s30  }
0xbb: {  	s0 =	sor.u32 s3, s0;
	s1 =	sshll.u32 s1, $0x11  }
0xbc: {  	s0 =	sor.u32 s1, s0  }
0xbd: {  	s0 =	sadd.s32 $0x8F2B, s0  }
0xbe: {  	[sflag:s0] =	ssyncadd.remote.s32 $0x1  }
0xbf: {  	_ =	sfence.sel $0xFFFF  }
0xc0: {  	[dreg:$0x0] =	wrdreg $0xFFFFFFFF;
	(pc) =	sbr.abs _section_cstart, $3  }
0xc1: {  	[dreg:$0x1] =	wrdreg $0xFFFFFFFF  }
0xc2: {  	_ =	task.clear_ibuf [dreg:s7], $0x2FFFF;
	_ =	strace $0x9FFFFFFF  }
0xc3: {  	(tm) =	ssettm $0x7FFFFFFF  }
tec
execute0_lowered:
.L_overlay_start_1:
0x0: {  	(tag) =	ssettag $0x1  }
0x1: {  	s6 =	rddreg [dreg:$0x0]  }
0x2: {  	s2 =	rddreg [dreg:$0x1];
	s0 =	srdreg.scid  }
0x3: {  	s3 =	rddreg [dreg:$0x2];
	s1 =	stileid.u32  }
0x4: {  	s4 =	simm.s32 $0x0;
	s14 =	simm.s32 $0x80;
	s15 =	simm.s32 $0x5000  }
0x5: {  	s16 =	simm.s32 $0x7000;
	s17 =	simm.s32 $0x1;
	s18 =	simm.s32 $0x2  }
0x6: {  	s19 =	simm.s32 $0x4F00;
	s20 =	simm.s32 $0x4F80;
	s21 =	simm.s32 $0x0  }
0x7: {  	s5 =	sand.u32 $0x1, s0;
	s0 =	rddreg [dreg:$0x3];
	s8 =	smul.u32 $0x9E00, s1  }
0x8: {  	[smem:$0x7FF] =	sst s4;
	s12 =	sshll.u32 s1, $0x6;
	s7 =	sshll.u32 s5, $0x4  }
0x9: {  	s9 =	smul.u32 $0x9E000, s5;
	_ =	strace $0x8000005F;
	s10 =	ssub.s32 $0x2, s5  }
0xa: {  	s5 =	sadd.s32 $0x1B800, s6;
	s12 =	sor.u32 $0x1C03, s12;
	s7 =	sor.u32 s1, s7  }
0xb: {  	s11 =	sshrl.u32 s10, $0x1;
	s13 =	sadd.s32 s8, s3;
	s7 =	smul.u32 $0x500, s7  }
0xc: {  	s9 =	sadd.s32 s8, s9;
	s10 =	ssub.s32 s10, s11;
	s11 =	simm.s32 $0x2800  }
0xd: {  	s13 =	sshrl.u32 s13, $0x3;
	s9 =	sshrl.u32 s9, $0x3;
	s7 =	sadd.s32 s7, s6  }
0xe: {  	s9 =	sadd.s32 s9, s6;
	s6 =	sadd.s32 $0x11800, s7;
	s7 =	sadd.s32 $0x7800, s7  }
0xf: {  	s8 =	sadd.s32 $0xBD600, s9;
	s9 =	smax.u32 s10, $0x1;
	s10 =	simm.s32 $0x3  }
.LBB2_1:
0x10: {  	[tilespmem:s4], [sflag:$0x3] =	stream.linear.gather [hbm4b:s6+s4], $0x2800, $0x38;
	[tilespmem:$0x12E00] =	vst v63  }
0x11: {  	_ =	swait.ge [sflag:s10], $0x2800  }
0x12: {  	[sflag:s10] =	ssyncset.done $0x0  }
0x13: {  	[sflag:s10] =	ssyncadd.s32 $0xFFFFD800  }
0x14: {  	[tilespmem:s11], [sflag:$0x3] =	stream.linear.gather [hbm4b:s7+s4], $0x2800, $0x38;
	[tilespmem:$0x12E00] =	vst v63  }
0x15: {  	_ =	swait.ge [sflag:s10], $0x2800  }
0x16: {  	[sflag:s10] =	ssyncset.done $0x0  }
0x17: {  	[sflag:s10] =	ssyncadd.s32 $0xFFFFD800  }
0x18: {  	[spmem:s13], [sflag:s12] =	dma.local [hbm:s5], $0x13C0  }
0x19: {  	_ =	swait.ge [sflag:s10], $0x13C0  }
0x1a: {  	[sflag:s10] =	ssyncset.done $0x0  }
0x1b: {  	[sflag:s10] =	ssyncadd.s32 $0xFFFFEC40  }
0x1c: {  	[bflag:$0x0] =	sbarrier.arrive $0xFFFF  }
0x1d: {  	[tilespmem:s15], [sflag:$0x1] =	stream.indirect.gather [hbm4b:s2+s14], $0x40, s4, s14, $0xb8;
	[tilespmem:$0x12E00] =	vst v63  }
0x1e: {  	_ = 	snop  }
0x1f: {  	[tilespmem:s16], [sflag:$0x2] =	stream.indirect.gather [hbm4b:s2+s14], $0x40, s14, s14, $0xb8;
	[tilespmem:$0x12E00] =	vst v63  }
0x20: {  	_ =	swait.ge [sflag:s17], $0x2000  }
0x21: {  	[sflag:s17] =	ssyncset.done $0x0  }
0x22: {  	s22 =	simm.s32 $0x2800;
	[sflag:s17] =	ssyncadd.s32 $0xFFFFE000  }
0x23: {  	[spmem:s3] =	stream.indirect.scatter.add.f32 [tilespmem:s15], [sflag:$0x3], $0x40, s22, s14, $0xb8;
	[tilespmem:$0x12E00] =	vst v63  }
0x24: {  	_ =	swait.ge [sflag:s10], $0x2000  }
0x25: {  	[sflag:s10] =	ssyncset.done $0x0  }
0x26: {  	s30 =	simm.s32 $0x100;
	[sflag:s10] =	ssyncadd.s32 $0xFFFFE000  }
0x27: {  	[tilespmem:s15], [sflag:$0x1] =	stream.indirect.gather [hbm4b:s2+s14], $0x40, s30, s14, $0xb8;
	[tilespmem:$0x12E00] =	vst v63  }
0x28: {  	_ =	swait.ge [sflag:s18], $0x2000  }
0x29: {  	[sflag:s18] =	ssyncset.done $0x0  }
0x2a: {  	s31 =	simm.s32 $0x2880;
	[sflag:s18] =	ssyncadd.s32 $0xFFFFE000  }
0x2b: {  	[spmem:s3] =	stream.indirect.scatter.add.f32 [tilespmem:s16], [sflag:$0x3], $0x40, s31, s14, $0xb8;
	[tilespmem:$0x12E00] =	vst v63  }
0x2c: {  	_ =	swait.ge [sflag:s10], $0x2000  }
0x2d: {  	[sflag:s10] =	ssyncset.done $0x0  }
0x2e: {  	s23 =	simm.s32 $0x180;
	s22 =	simm.s32 $0x400;
	[sflag:s10] =	ssyncadd.s32 $0xFFFFE000  }
.LBB2_2:
0x2f: {  	[tilespmem:s16], [sflag:$0x2] =	stream.indirect.gather [hbm4b:s2+s14], $0x40, s23, s14, $0xb8;
	[tilespmem:$0x12E00] =	vst v63  }
0x30: {  	s23 =	smov.u32 s22  }
0x31: {  	p0 =	sne.s32 s22, $0x9800;
	s22 =	sadd.s32 $0x400, s22;
	_ =	swait.ge [sflag:s17], $0x2000  }
0x32: {  	s23 =	sshra.s32 s23, $0x2;
	[sflag:s17] =	ssyncset.done $0x0  }
0x33: {  	s24 =	sadd.s32 $0x2800, s23;
	[sflag:s17] =	ssyncadd.s32 $0xFFFFE000  }
0x34: {  	[spmem:s3] =	stream.indirect.scatter.add.f32 [tilespmem:s15], [sflag:$0x3], $0x40, s24, s14, $0xb8;
	[tilespmem:$0x12E00] =	vst v63  }
0x35: {  	_ =	swait.ge [sflag:s10], $0x2000  }
0x36: {  	[sflag:s10] =	ssyncset.done $0x0  }
0x37: {  	s24 =	sadd.s32 $0x100, s23;
	[sflag:s10] =	ssyncadd.s32 $0xFFFFE000  }
0x38: {  	[tilespmem:s15], [sflag:$0x1] =	stream.indirect.gather [hbm4b:s2+s14], $0x40, s24, s14, $0xb8;
	[tilespmem:$0x12E00] =	vst v63  }
0x39: {  	_ =	swait.ge [sflag:s18], $0x2000  }
0x3a: {  	[sflag:s18] =	ssyncset.done $0x0  }
.Ltmp0:
0x3b: {  	s24 =	sadd.s32 $0x2880, s23;
	[sflag:s18] =	ssyncadd.s32 $0xFFFFE000;
	(pc) =	sbr.rel @p0 .LBB2_2-.Ltmp0, $4  }
0x3c: {  	[spmem:s3] =	stream.indirect.scatter.add.f32 [tilespmem:s16], [sflag:$0x3], $0x40, s24, s14, $0xb8;
	[tilespmem:$0x12E00] =	vst v63  }
0x3d: {  	_ =	swait.ge [sflag:s10], $0x2000  }
0x3e: {  	[sflag:s10] =	ssyncset.done $0x0  }
0x3f: {  	s23 =	sadd.s32 $0x180, s23;
	[sflag:s10] =	ssyncadd.s32 $0xFFFFE000  }
0x40: {  	[tilespmem:s16], [sflag:$0x2] =	stream.indirect.gather [hbm4b:s2+s14], $0x40, s23, s14, $0xb8;
	[tilespmem:$0x12E00] =	vst v63  }
0x41: {  	_ =	swait.ge [sflag:s17], $0x2000  }
0x42: {  	[sflag:s17] =	ssyncset.done $0x0  }
0x43: {  	[sflag:s17] =	ssyncadd.s32 $0xFFFFE000  }
0x44: {  	[spmem:s3] =	stream.indirect.scatter.add.f32 [tilespmem:s15], [sflag:$0x3], $0x40, s19, s14, $0xb8;
	[tilespmem:$0x12E00] =	vst v63  }
0x45: {  	_ =	swait.ge [sflag:s10], $0x2000  }
0x46: {  	[sflag:s10] =	ssyncset.done $0x0  }
0x47: {  	[sflag:s10] =	ssyncadd.s32 $0xFFFFE000  }
0x48: {  	_ =	swait.ge [sflag:s18], $0x2000  }
0x49: {  	[sflag:s18] =	ssyncset.done $0x0  }
0x4a: {  	[sflag:s18] =	ssyncadd.s32 $0xFFFFE000  }
0x4b: {  	[spmem:s3] =	stream.indirect.scatter.add.f32 [tilespmem:s16], [sflag:$0x3], $0x40, s20, s14, $0xb8;
	[tilespmem:$0x12E00] =	vst v63  }
0x4c: {  	_ =	swait.ge [sflag:s10], $0x2000  }
0x4d: {  	s21 =	sadd.s32 $0x1, s21;
	[sflag:s10] =	ssyncset.done $0x0  }
0x4e: {  	p0 =	sne.s32 s21, s9;
	[sflag:s10] =	ssyncadd.s32 $0xFFFFE000  }
.Ltmp1:
0x4f: {  	[bflag:$0x0] =	sbarrier.arrive $0xFFFF;
	(pc) =	sbr.rel @p0 .LBB2_1-.Ltmp1, $4  }
0x50: {  	[hbm:s8], [sflag:s12] =	dma.local [spmem:s13], $0x13C0  }
0x51: {  	_ =	swait.ge [sflag:s10], $0x13C0  }
0x52: {  	[sflag:s10] =	ssyncset.done $0x0  }
0x53: {  	[sflag:s10] =	ssyncadd.s32 $0xFFFFEC40  }
0x54: {  	_ =	sfence.sel $0x180000  }
0x55: {  	[bflag:$0x0] =	sbarrier.arrive $0xFFFF  }
0x56: {  	p0 =	sne.s32 s1, $0x0;
	_ =	strace $0x9000005F  }
0x57: {  	s0 =	sadd.s32 @!p0 $0x100000, s0;
	[bflag:$0x2] =	sbarrier.arrive $0xFFFF  }
0x58: {  	[sflag:s0] =	ssyncadd.tile.s32 @!p0 $0x1;
	_ =	shalt  }
.Lfunc_end2:
_tile_overlayer_lowered:
.L_overlay_start_2:
0x59: {  	(tag) =	ssettag $0x2  }
0x5a: {  	s0 =	rddreg [dreg:$0x0];
	s2 =	stileid.u32  }
0x5b: {  	s1 =	rddreg [dreg:$0x1];
	p0 =	sne.s32 s2, $0x0  }
0x5c: {  	s3 =	rddreg [dreg:$0x2];
	[bflag:$0x3] =	sbarrier.arrive $0xFFFF;
	s2 =	simm.s32 @!p0 $0x1C03  }
0x5d: {  	[timem:s3], [sflag:s2] =	dma.local @!p0 [hbm:s0], s1  }
0x5e: {  	s0 =	simm.s32 @!p0 $0x3  }
0x5f: {  	_ =	swait.ge @!p0 [sflag:s0], s1  }
0x60: {  	s1 =	ssub.s32 @!p0 $0x0, s1;
	[sflag:s0] =	ssyncset.done @!p0 $0x0  }
0x61: {  	[sflag:s0] =	ssyncadd.s32 @!p0 s1  }
0x62: {  	[bflag:$0x3] =	sbarrier.arrive $0xFFFF  }
0x63: {  	_ =	shalt  }

// kernel: kernel.52.cloned.1.call-start
scs
__scs_entry_jumppad:
0x0: {  	(pc) =	sbr.rel $0x88, $3  }
0x1: {  	(tag) =	ssettag $0x0;
	lr =	simm.s32 $0x1  }
0x2: {  	[smem:$0x3F9B] =	sst lr;
	_ =	strace $0xD0000000  }
0x3: {  	_ = 	snop  }
0x4: {  	_ = 	snop  }
0x5: {  	_ = 	snop  }
0x6: {  	_ = 	snop  }
0x7: {  	_ = 	snop  }
__scs_overlays_trampoline_lowered:
0x8: {  	[smem:$0x3FAA] =	sst s0  }
0x9: {  	[smem:$0x3FAB] =	sst s1  }
0xa: {  	[smem:$0x3FAC] =	sst s2  }
0xb: {  	[smem:$0x3FAD] =	sst s3  }
0xc: {  	[smem:$0x3FAE] =	sst s4  }
0xd: {  	[smem:$0x3FAF] =	sst s5  }
0xe: {  	[smem:$0x3FB0] =	sst s6  }
0xf: {  	[smem:$0x3FB1] =	sst s7  }
0x10: {  	[smem:$0x3FB2] =	sst s8  }
0x11: {  	[smem:$0x3FB3] =	sst s9;
	s0 =	simm.s32 @!p0 $0x0  }
0x12: {  	s1 =	sld [smem:$0x3F99];
	s0 =	simm.s32 @p0 $0x1  }
0x13: {  	[smem:$0x3FB4] =	sst s0;
	s0 =	simm.s32 @!p1 $0x0  }
0x14: {  	s2 =	sld [smem:$0x3F98];
	s0 =	simm.s32 @p1 $0x1  }
0x15: {  	[smem:$0x3FB5] =	sst s0;
	s0 =	simm.s32 @!p2 $0x0  }
0x16: {  	s3 =	sld [smem:$0x3FDB];
	s0 =	simm.s32 @p2 $0x1  }
0x17: {  	s4 =	simm.s32 $0x1BF5;
	[smem:$0x3FB7] =	sst s0  }
0x18: {  	s0 =	sld [smem:$0x3F9A];
	_ =	swait.ge [sflag:s4], $0x0  }
0x19: {  	s7 =	sld [smem:$0x3F9B]  }
0x1a: {  	s8 =	sadd.s32 $0xFFFFE003, lr  }
0x1b: {  	s9 =	sadd.s32 $0xFFFFFEF7, lr;
	s5 =	simm.s32 $0xFFFFFFFF;
	p2 =	slt.u32 s8, $0xFFFFF086  }
0x1c: {  	p1 =	slt.u32 s9, $0xF7A;
	s5 =	simm.s32 @!p2 $0x0  }
0x1d: {  	s5 =	simm.s32 @p1 $0x1;
	p0 =	seq.s32 s7, s2  }
0x1e: {  	s7 =	smul.u32 @!p0 $0xF7A, s2;
	p2 =	seq.s32 @!p0 s5, $0x0  }
0x1f: {  	s9 =	smul.u32 $0xF7A, s1;
	s8 =	simm.s32 @!p0 $0x1BF5;
	p2 =	por !p2, p0  }
0x20: {  	[sflag:s8] =	ssyncset.s32 @!p0 $0xFFFFF086;
	s6 =	sadd.s32 @!p0 s3, s7;
	s7 =	simm.s32 @!p0 $0x108  }
0x21: {  	s3 =	sadd.s32 s3, s9;
	s6 =	sadd.s32 @!p0 $0x88, s6;
	s7 =	simm.s32 @p2 $0x1082  }
0x22: {  	[simem:s7], [sflag:s8] =	dma.local @!p0 [hbm:s6], $0xF7A  }
0x23: {  	s9 =	sor.u32 $0xD0000000, s2;
	s6 =	simm.s32 $0x108;
	_ =	swait.ge @!p0 [sflag:s8], $0x0  }
0x24: {  	s3 =	sadd.s32 $0x88, s3;
	s6 =	simm.s32 @!p1 $0x1082;
	[sflag:s4] =	ssyncset.s32 $0xFFFFF086  }
0x25: {  	[simem:s6], [sflag:s4] =	dma.local [hbm:s3], $0xF7A  }
0x26: {  	[smem:$0x3F9B] =	sst s1;
	(tag) =	ssettag s2;
	_ =	strace s9  }
0x27: {  	s1 =	sld [smem:$0x3FAB]  }
0x28: {  	s2 =	sld [smem:$0x3FAC]  }
0x29: {  	s4 =	sld [smem:$0x3FAE]  }
0x2a: {  	p0 =	seq.s32 s5, $0x0;
	s5 =	sld [smem:$0x3FAF]  }
0x2b: {  	s6 =	sld [smem:$0x3FB0]  }
0x2c: {  	s7 =	sld [smem:$0x3FB1]  }
0x2d: {  	s3 =	simm.s32 $0x108;
	s8 =	sld [smem:$0x3FB2]  }
0x2e: {  	s3 =	simm.s32 @!p0 $0x1082;
	s9 =	sld [smem:$0x3FB3]  }
0x2f: {  	lr =	sadd.s32 s0, s3;
	s0 =	sld [smem:$0x3FAA]  }
0x30: {  	s3 =	sld [smem:$0x3FAD]  }
0x31: {  	[smem:$0x3FB6] =	sst s10  }
0x32: {  	s10 =	sld [smem:$0x3FB4];
	_ =	sdelay $0x3  }
0x33: {  	p0 =	seq.s32 s10, $0x1;
	s10 =	sld [smem:$0x3FB6];
	_ =	sdelay $0x3  }
0x34: {  	[smem:$0x3FB6] =	sst s10  }
0x35: {  	s10 =	sld [smem:$0x3FB5];
	_ =	sdelay $0x3  }
0x36: {  	p1 =	seq.s32 s10, $0x1;
	s10 =	sld [smem:$0x3FB6];
	_ =	sdelay $0x3  }
0x37: {  	[smem:$0x3FB6] =	sst s10  }
0x38: {  	s10 =	sld [smem:$0x3FB7]  }
0x39: {  	_ = 	snop;
	(pc) =	sbr.ind lr, $3  }
0x3a: {  	_ = 	snop  }
0x3b: {  	_ = 	snop  }
0x3c: {  	p2 =	seq.s32 s10, $0x1;
	s10 =	sld [smem:$0x3FB6]  }
0x3d: {  	_ =	shalt  }
0x3e: {  	_ =	shalt  }
0x3f: {  	_ =	shalt  }
0x40: {  	_ =	shalt  }
0x41: {  	_ =	shalt  }
0x42: {  	_ =	shalt  }
0x43: {  	_ =	shalt  }
0x44: {  	_ =	shalt  }
0x45: {  	_ =	shalt  }
0x46: {  	_ =	shalt  }
0x47: {  	_ =	shalt  }
0x48: {  	_ =	shalt  }
0x49: {  	_ =	shalt  }
0x4a: {  	_ =	shalt  }
0x4b: {  	_ =	shalt  }
0x4c: {  	_ =	shalt  }
0x4d: {  	_ =	shalt  }
0x4e: {  	_ =	shalt  }
0x4f: {  	_ =	shalt  }
0x50: {  	_ =	shalt  }
0x51: {  	_ =	shalt  }
0x52: {  	_ =	shalt  }
0x53: {  	_ =	shalt  }
0x54: {  	_ =	shalt  }
0x55: {  	_ =	shalt  }
0x56: {  	_ =	shalt  }
0x57: {  	_ =	shalt  }
0x58: {  	_ =	shalt  }
0x59: {  	_ =	shalt  }
0x5a: {  	_ =	shalt  }
0x5b: {  	_ =	shalt  }
0x5c: {  	_ =	shalt  }
0x5d: {  	_ =	shalt  }
0x5e: {  	_ =	shalt  }
0x5f: {  	_ =	shalt  }
0x60: {  	_ =	shalt  }
0x61: {  	_ =	shalt  }
0x62: {  	_ =	shalt  }
0x63: {  	_ =	shalt  }
0x64: {  	_ =	shalt  }
0x65: {  	_ =	shalt  }
0x66: {  	_ =	shalt  }
0x67: {  	_ =	shalt  }
0x68: {  	_ =	shalt  }
0x69: {  	_ =	shalt  }
0x6a: {  	_ =	shalt  }
0x6b: {  	_ =	shalt  }
0x6c: {  	_ =	shalt  }
0x6d: {  	_ =	shalt  }
0x6e: {  	_ =	shalt  }
0x6f: {  	_ =	shalt  }
0x70: {  	_ =	shalt  }
0x71: {  	_ =	shalt  }
0x72: {  	_ =	shalt  }
0x73: {  	_ =	shalt  }
0x74: {  	_ =	shalt  }
0x75: {  	_ =	shalt  }
0x76: {  	_ =	shalt  }
0x77: {  	_ =	shalt  }
0x78: {  	_ =	shalt  }
0x79: {  	_ =	shalt  }
0x7a: {  	_ =	shalt  }
0x7b: {  	_ =	shalt  }
0x7c: {  	_ =	shalt  }
0x7d: {  	_ =	shalt  }
0x7e: {  	_ =	shalt  }
0x7f: {  	_ =	shalt  }
0x80: {  	_ =	shalt  }
0x81: {  	_ =	shalt  }
0x82: {  	_ =	shalt  }
0x83: {  	_ =	shalt  }
0x84: {  	_ =	shalt  }
0x85: {  	_ =	shalt  }
0x86: {  	_ =	shalt  }
0x87: {  	_ =	shalt  }
.Lfunc_end0:
.L_simem_size_0:
called_computation.9_lowered:
.L_overlay_start_0:
0x88: {  	s2 =	sld [smem:$0x3FD9]  }
0x89: {  	s3 =	sld [smem:$0x3FFE];
	_ =	sdelay $0x1  }
0x8a: {  	s1 =	srdreg.scid  }
0x8b: {  	s0 =	sand.u32 $0x1, s1  }
0x8c: {  	s17 =	sshll.u32 s0, $0xA;
	s2 =	sadd.s32 s3, s2  }
0x8d: {  	s2 =	sadd.s32 s2, s17  }
0x8e: {  	[smem:$0x3FC2] =	sst s2  }
0x8f: {  	_ = 	snop  }
0x90: {  	s2 =	sld [smem:$0x3FD0];
	(tm) =	ssettm $0x1  }
0x91: {  	s18 =	sld [smem:$0x3FFB];
	_ =	sdelay $0x3  }
0x92: {  	_ =	strace s18  }
0x93: {  	s3 =	sld [smem:$0x3FFC];
	_ =	sdelay $0x3  }
0x94: {  	_ =	strace s3  }
0x95: {  	s3 =	sld [smem:$0x3FFD];
	_ =	sdelay $0x3  }
0x96: {  	_ =	strace s3  }
0x97: {  	_ =	strace $0x8FFFFFFF  }
0x98: {  	s19 =	sld [smem:$0x3FDB];
	_ =	sdelay $0x1  }
0x99: {  	s4 =	simm.s32 $_scs_section_size  }
0x9a: {  	s5 =	simm.s32 $_size__tile_overlayer_lowered;
	s6 =	simm.s32 $_tile_overlayer_lowered  }
0x9b: {  	s22 =	simm.s32 $0x1BFF;
	s21 =	sshll.u32 s6, $0x1;
	s3 =	sadd.s32 s4, s19  }
0x9c: {  	s7 =	simm.s32 $0x0;
	s20 =	sshll.u32 s5, $0x1;
	s5 =	sadd.s32 s21, s3  }
0x9d: {  	[timem:s7], [sflag:s22] =	dma.local [hbm:s5], s20  }
0x9e: {  	_ =	swait.ge [sflag:s22], s20  }
0x9f: {  	s4 =	ssub.s32 $0x0, s20;
	[sflag:s22] =	ssyncset.done $0x0  }
0xa0: {  	[sflag:s22] =	ssyncadd.s32 s4;
	_ =	sdelay $0x1  }
0xa1: {  	s23 =	simm.s32 $0x1B8B  }
0xa2: {  	_ =	swait.ge [sflag:s23], $0x1  }
0xa3: {  	[sflag:s23] =	ssyncset.done $0x0  }
0xa4: {  	s25 =	simm.s32 $0x1B8E;
	s24 =	sld [smem:$0x3FFE];
	[sflag:s23] =	ssyncadd.s32 $0xFFFFFFFF  }
0xa5: {  	s26 =	simm.s32 $execute0_lowered;
	[smem:$0x3FD2] =	sst s25  }
0xa6: {  	s5 =	sshll.u32 s26, $0x1;
	_ =	strace $0x80000061;
	[dreg:$0x1] =	wrdreg $0xFFFFFFFF  }
0xa7: {  	s28 =	simm.s32 $_size_execute0_lowered;
	s3 =	sadd.s32 s3, s5;
	[dreg:$0x0] =	wrdreg $0x0  }
0xa8: {  	s5 =	sshll.u32 s28, $0x1;
	[dreg:$0x2] =	wrdreg s3  }
0xa9: {  	[dreg:$0x3] =	wrdreg s5  }
0xaa: {  	[dreg:$0x4] =	wrdreg $0xC0  }
0xab: {  	_ =	task [dreg:s7], $0x5FFFF  }
0xac: {  	[dreg:$0x1] =	wrdreg $0xFFFFFFFF  }
0xad: {  	[dreg:$0x0] =	wrdreg $0x60  }
0xae: {  	[dreg:$0x2] =	wrdreg s24  }
0xaf: {  	[dreg:$0x3] =	wrdreg s2  }
0xb0: {  	[dreg:$0x4] =	wrdreg $0x90000  }
0xb1: {  	[dreg:$0x5] =	wrdreg $0x9  }
0xb2: {  	_ =	task.clear_ibuf [dreg:s7], $0x6FFFF;
	_ =	strace $0x90000061  }
0xb3: {  	s29 =	simm.s32 $0x9;
	_ =	strace $0x80000063  }
0xb4: {  	_ =	swait.ge [sflag:s29], $0x1  }
0xb5: {  	[sflag:s29] =	ssyncadd.s32 $0xFFFFFFFF  }
0xb6: {  	_ =	strace $0x90000063  }
0xb7: {  	_ =	sfence  }
0xb8: {  	s30 =	sld [smem:$0x0];
	_ =	sdelay $0x2  }
0xb9: {  	s31 =	sshll.u32 s1, $0xD;
	s1 =	sshrl.u32 s1, $0x2  }
0xba: {  	s3 =	sand.u32 $0x4000, s31;
	s1 =	sadd.s32 s1, s30  }
0xbb: {  	s0 =	sor.u32 s3, s0;
	s1 =	sshll.u32 s1, $0x11  }
0xbc: {  	s0 =	sor.u32 s1, s0  }
0xbd: {  	s0 =	sadd.s32 $0x8F2B, s0  }
0xbe: {  	[sflag:s0] =	ssyncadd.remote.s32 $0x1  }
0xbf: {  	_ =	sfence.sel $0xFFFF  }
0xc0: {  	[dreg:$0x0] =	wrdreg $0xFFFFFFFF;
	(pc) =	sbr.abs _section_cstart, $3  }
0xc1: {  	[dreg:$0x1] =	wrdreg $0xFFFFFFFF  }
0xc2: {  	_ =	task.clear_ibuf [dreg:s7], $0x2FFFF;
	_ =	strace $0x9FFFFFFF  }
0xc3: {  	(tm) =	ssettm $0x7FFFFFFF  }
tec
execute0_lowered:
.L_overlay_start_1:
0x0: {  	(tag) =	ssettag $0x1  }
0x1: {  	s6 =	rddreg [dreg:$0x0]  }
0x2: {  	s2 =	rddreg [dreg:$0x1];
	s0 =	srdreg.scid  }
0x3: {  	s3 =	rddreg [dreg:$0x2];
	s1 =	stileid.u32  }
0x4: {  	s4 =	simm.s32 $0x0;
	s14 =	simm.s32 $0x80;
	s15 =	simm.s32 $0x5000  }
0x5: {  	s16 =	simm.s32 $0x7000;
	s17 =	simm.s32 $0x1;
	s18 =	simm.s32 $0x2  }
0x6: {  	s19 =	simm.s32 $0x4F00;
	s20 =	simm.s32 $0x4F80;
	s21 =	simm.s32 $0x0  }
0x7: {  	s5 =	sand.u32 $0x1, s0;
	s0 =	rddreg [dreg:$0x3];
	s8 =	smul.u32 $0x9E00, s1  }
0x8: {  	[smem:$0x7FF] =	sst s4;
	s12 =	sshll.u32 s1, $0x6;
	s7 =	sshll.u32 s5, $0x4  }
0x9: {  	s9 =	smul.u32 $0x9E000, s5;
	_ =	strace $0x80000062;
	s10 =	ssub.s32 $0x2, s5  }
0xa: {  	s5 =	sadd.s32 $0x1B800, s6;
	s12 =	sor.u32 $0x1C03, s12;
	s7 =	sor.u32 s1, s7  }
0xb: {  	s11 =	sshrl.u32 s10, $0x1;
	s13 =	sadd.s32 s8, s3;
	s7 =	smul.u32 $0x500, s7  }
0xc: {  	s9 =	sadd.s32 s8, s9;
	s10 =	ssub.s32 s10, s11;
	s11 =	simm.s32 $0x2800  }
0xd: {  	s13 =	sshrl.u32 s13, $0x3;
	s9 =	sshrl.u32 s9, $0x3;
	s7 =	sadd.s32 s7, s6  }
0xe: {  	s9 =	sadd.s32 s9, s6;
	s6 =	sadd.s32 $0x11800, s7;
	s7 =	sadd.s32 $0x7800, s7  }
0xf: {  	s8 =	sadd.s32 $0xBD600, s9;
	s9 =	smax.u32 s10, $0x1;
	s10 =	simm.s32 $0x3  }
.LBB2_1:
0x10: {  	[tilespmem:s4], [sflag:$0x3] =	stream.linear.gather [hbm4b:s6+s4], $0x2800, $0x38;
	[tilespmem:$0x12E00] =	vst v63  }
0x11: {  	_ =	swait.ge [sflag:s10], $0x2800  }
0x12: {  	[sflag:s10] =	ssyncset.done $0x0  }
0x13: {  	[sflag:s10] =	ssyncadd.s32 $0xFFFFD800  }
0x14: {  	[tilespmem:s11], [sflag:$0x3] =	stream.linear.gather [hbm4b:s7+s4], $0x2800, $0x38;
	[tilespmem:$0x12E00] =	vst v63  }
0x15: {  	_ =	swait.ge [sflag:s10], $0x2800  }
0x16: {  	[sflag:s10] =	ssyncset.done $0x0  }
0x17: {  	[sflag:s10] =	ssyncadd.s32 $0xFFFFD800  }
0x18: {  	[spmem:s13], [sflag:s12] =	dma.local [hbm:s5], $0x13C0  }
0x19: {  	_ =	swait.ge [sflag:s10], $0x13C0  }
0x1a: {  	[sflag:s10] =	ssyncset.done $0x0  }
0x1b: {  	[sflag:s10] =	ssyncadd.s32 $0xFFFFEC40  }
0x1c: {  	[bflag:$0x0] =	sbarrier.arrive $0xFFFF  }
0x1d: {  	[tilespmem:s15], [sflag:$0x1] =	stream.indirect.gather [hbm4b:s2+s14], $0x40, s4, s14, $0xb8;
	[tilespmem:$0x12E00] =	vst v63  }
0x1e: {  	_ = 	snop  }
0x1f: {  	[tilespmem:s16], [sflag:$0x2] =	stream.indirect.gather [hbm4b:s2+s14], $0x40, s14, s14, $0xb8;
	[tilespmem:$0x12E00] =	vst v63  }
0x20: {  	_ =	swait.ge [sflag:s17], $0x2000  }
0x21: {  	[sflag:s17] =	ssyncset.done $0x0  }
0x22: {  	s22 =	simm.s32 $0x2800;
	[sflag:s17] =	ssyncadd.s32 $0xFFFFE000  }
0x23: {  	[spmem:s3] =	stream.indirect.scatter.add.f32 [tilespmem:s15], [sflag:$0x3], $0x40, s22, s14, $0xb8;
	[tilespmem:$0x12E00] =	vst v63  }
0x24: {  	_ =	swait.ge [sflag:s10], $0x2000  }
0x25: {  	[sflag:s10] =	ssyncset.done $0x0  }
0x26: {  	s30 =	simm.s32 $0x100;
	[sflag:s10] =	ssyncadd.s32 $0xFFFFE000  }
0x27: {  	[tilespmem:s15], [sflag:$0x1] =	stream.indirect.gather [hbm4b:s2+s14], $0x40, s30, s14, $0xb8;
	[tilespmem:$0x12E00] =	vst v63  }
0x28: {  	_ =	swait.ge [sflag:s18], $0x2000  }
0x29: {  	[sflag:s18] =	ssyncset.done $0x0  }
0x2a: {  	s31 =	simm.s32 $0x2880;
	[sflag:s18] =	ssyncadd.s32 $0xFFFFE000  }
0x2b: {  	[spmem:s3] =	stream.indirect.scatter.add.f32 [tilespmem:s16], [sflag:$0x3], $0x40, s31, s14, $0xb8;
	[tilespmem:$0x12E00] =	vst v63  }
0x2c: {  	_ =	swait.ge [sflag:s10], $0x2000  }
0x2d: {  	[sflag:s10] =	ssyncset.done $0x0  }
0x2e: {  	s23 =	simm.s32 $0x180;
	s22 =	simm.s32 $0x400;
	[sflag:s10] =	ssyncadd.s32 $0xFFFFE000  }
.LBB2_2:
0x2f: {  	[tilespmem:s16], [sflag:$0x2] =	stream.indirect.gather [hbm4b:s2+s14], $0x40, s23, s14, $0xb8;
	[tilespmem:$0x12E00] =	vst v63  }
0x30: {  	s23 =	smov.u32 s22  }
0x31: {  	p0 =	sne.s32 s22, $0x9800;
	s22 =	sadd.s32 $0x400, s22;
	_ =	swait.ge [sflag:s17], $0x2000  }
0x32: {  	s23 =	sshra.s32 s23, $0x2;
	[sflag:s17] =	ssyncset.done $0x0  }
0x33: {  	s24 =	sadd.s32 $0x2800, s23;
	[sflag:s17] =	ssyncadd.s32 $0xFFFFE000  }
0x34: {  	[spmem:s3] =	stream.indirect.scatter.add.f32 [tilespmem:s15], [sflag:$0x3], $0x40, s24, s14, $0xb8;
	[tilespmem:$0x12E00] =	vst v63  }
0x35: {  	_ =	swait.ge [sflag:s10], $0x2000  }
0x36: {  	[sflag:s10] =	ssyncset.done $0x0  }
0x37: {  	s24 =	sadd.s32 $0x100, s23;
	[sflag:s10] =	ssyncadd.s32 $0xFFFFE000  }
0x38: {  	[tilespmem:s15], [sflag:$0x1] =	stream.indirect.gather [hbm4b:s2+s14], $0x40, s24, s14, $0xb8;
	[tilespmem:$0x12E00] =	vst v63  }
0x39: {  	_ =	swait.ge [sflag:s18], $0x2000  }
0x3a: {  	[sflag:s18] =	ssyncset.done $0x0  }
.Ltmp0:
0x3b: {  	s24 =	sadd.s32 $0x2880, s23;
	[sflag:s18] =	ssyncadd.s32 $0xFFFFE000;
	(pc) =	sbr.rel @p0 .LBB2_2-.Ltmp0, $4  }
0x3c: {  	[spmem:s3] =	stream.indirect.scatter.add.f32 [tilespmem:s16], [sflag:$0x3], $0x40, s24, s14, $0xb8;
	[tilespmem:$0x12E00] =	vst v63  }
0x3d: {  	_ =	swait.ge [sflag:s10], $0x2000  }
0x3e: {  	[sflag:s10] =	ssyncset.done $0x0  }
0x3f: {  	s23 =	sadd.s32 $0x180, s23;
	[sflag:s10] =	ssyncadd.s32 $0xFFFFE000  }
0x40: {  	[tilespmem:s16], [sflag:$0x2] =	stream.indirect.gather [hbm4b:s2+s14], $0x40, s23, s14, $0xb8;
	[tilespmem:$0x12E00] =	vst v63  }
0x41: {  	_ =	swait.ge [sflag:s17], $0x2000  }
0x42: {  	[sflag:s17] =	ssyncset.done $0x0  }
0x43: {  	[sflag:s17] =	ssyncadd.s32 $0xFFFFE000  }
0x44: {  	[spmem:s3] =	stream.indirect.scatter.add.f32 [tilespmem:s15], [sflag:$0x3], $0x40, s19, s14, $0xb8;
	[tilespmem:$0x12E00] =	vst v63  }
0x45: {  	_ =	swait.ge [sflag:s10], $0x2000  }
0x46: {  	[sflag:s10] =	ssyncset.done $0x0  }
0x47: {  	[sflag:s10] =	ssyncadd.s32 $0xFFFFE000  }
0x48: {  	_ =	swait.ge [sflag:s18], $0x2000  }
0x49: {  	[sflag:s18] =	ssyncset.done $0x0  }
0x4a: {  	[sflag:s18] =	ssyncadd.s32 $0xFFFFE000  }
0x4b: {  	[spmem:s3] =	stream.indirect.scatter.add.f32 [tilespmem:s16], [sflag:$0x3], $0x40, s20, s14, $0xb8;
	[tilespmem:$0x12E00] =	vst v63  }
0x4c: {  	_ =	swait.ge [sflag:s10], $0x2000  }
0x4d: {  	s21 =	sadd.s32 $0x1, s21;
	[sflag:s10] =	ssyncset.done $0x0  }
0x4e: {  	p0 =	sne.s32 s21, s9;
	[sflag:s10] =	ssyncadd.s32 $0xFFFFE000  }
.Ltmp1:
0x4f: {  	[bflag:$0x0] =	sbarrier.arrive $0xFFFF;
	(pc) =	sbr.rel @p0 .LBB2_1-.Ltmp1, $4  }
0x50: {  	[hbm:s8], [sflag:s12] =	dma.local [spmem:s13], $0x13C0  }
0x51: {  	_ =	swait.ge [sflag:s10], $0x13C0  }
0x52: {  	[sflag:s10] =	ssyncset.done $0x0  }
0x53: {  	[sflag:s10] =	ssyncadd.s32 $0xFFFFEC40  }
0x54: {  	_ =	sfence.sel $0x180000  }
0x55: {  	[bflag:$0x0] =	sbarrier.arrive $0xFFFF  }
0x56: {  	p0 =	sne.s32 s1, $0x0;
	_ =	strace $0x90000062  }
0x57: {  	s0 =	sadd.s32 @!p0 $0x100000, s0;
	[bflag:$0x2] =	sbarrier.arrive $0xFFFF  }
0x58: {  	[sflag:s0] =	ssyncadd.tile.s32 @!p0 $0x1;
	_ =	shalt  }
.Lfunc_end2:
_tile_overlayer_lowered:
.L_overlay_start_2:
0x59: {  	(tag) =	ssettag $0x2  }
0x5a: {  	s0 =	rddreg [dreg:$0x0];
	s2 =	stileid.u32  }
0x5b: {  	s1 =	rddreg [dreg:$0x1];
	p0 =	sne.s32 s2, $0x0  }
0x5c: {  	s3 =	rddreg [dreg:$0x2];
	[bflag:$0x3] =	sbarrier.arrive $0xFFFF;
	s2 =	simm.s32 @!p0 $0x1C03  }
0x5d: {  	[timem:s3], [sflag:s2] =	dma.local @!p0 [hbm:s0], s1  }
0x5e: {  	s0 =	simm.s32 @!p0 $0x3  }
0x5f: {  	_ =	swait.ge @!p0 [sflag:s0], s1  }
0x60: {  	s1 =	ssub.s32 @!p0 $0x0, s1;
	[sflag:s0] =	ssyncset.done @!p0 $0x0  }
0x61: {  	[sflag:s0] =	ssyncadd.s32 @!p0 s1  }
0x62: {  	[bflag:$0x3] =	sbarrier.arrive $0xFFFF  }
0x63: {  	_ =	shalt  }

// kernel: kernel.55.cloned.1.call-start
scs
__scs_entry_jumppad:
0x0: {  	(pc) =	sbr.rel $0x88, $3  }
0x1: {  	(tag) =	ssettag $0x0;
	lr =	simm.s32 $0x1  }
0x2: {  	[smem:$0x3F9B] =	sst lr;
	_ =	strace $0xD0000000  }
0x3: {  	_ = 	snop  }
0x4: {  	_ = 	snop  }
0x5: {  	_ = 	snop  }
0x6: {  	_ = 	snop  }
0x7: {  	_ = 	snop  }
__scs_overlays_trampoline_lowered:
0x8: {  	[smem:$0x3FAA] =	sst s0  }
0x9: {  	[smem:$0x3FAB] =	sst s1  }
0xa: {  	[smem:$0x3FAC] =	sst s2  }
0xb: {  	[smem:$0x3FAD] =	sst s3  }
0xc: {  	[smem:$0x3FAE] =	sst s4  }
0xd: {  	[smem:$0x3FAF] =	sst s5  }
0xe: {  	[smem:$0x3FB0] =	sst s6  }
0xf: {  	[smem:$0x3FB1] =	sst s7  }
0x10: {  	[smem:$0x3FB2] =	sst s8  }
0x11: {  	[smem:$0x3FB3] =	sst s9;
	s0 =	simm.s32 @!p0 $0x0  }
0x12: {  	s1 =	sld [smem:$0x3F99];
	s0 =	simm.s32 @p0 $0x1  }
0x13: {  	[smem:$0x3FB4] =	sst s0;
	s0 =	simm.s32 @!p1 $0x0  }
0x14: {  	s2 =	sld [smem:$0x3F98];
	s0 =	simm.s32 @p1 $0x1  }
0x15: {  	[smem:$0x3FB5] =	sst s0;
	s0 =	simm.s32 @!p2 $0x0  }
0x16: {  	s3 =	sld [smem:$0x3FDB];
	s0 =	simm.s32 @p2 $0x1  }
0x17: {  	s4 =	simm.s32 $0x1BF5;
	[smem:$0x3FB7] =	sst s0  }
0x18: {  	s0 =	sld [smem:$0x3F9A];
	_ =	swait.ge [sflag:s4], $0x0  }
0x19: {  	s7 =	sld [smem:$0x3F9B]  }
0x1a: {  	s8 =	sadd.s32 $0xFFFFE003, lr  }
0x1b: {  	s9 =	sadd.s32 $0xFFFFFEF7, lr;
	s5 =	simm.s32 $0xFFFFFFFF;
	p2 =	slt.u32 s8, $0xFFFFF086  }
0x1c: {  	p1 =	slt.u32 s9, $0xF7A;
	s5 =	simm.s32 @!p2 $0x0  }
0x1d: {  	s5 =	simm.s32 @p1 $0x1;
	p0 =	seq.s32 s7, s2  }
0x1e: {  	s7 =	smul.u32 @!p0 $0xF7A, s2;
	p2 =	seq.s32 @!p0 s5, $0x0  }
0x1f: {  	s9 =	smul.u32 $0xF7A, s1;
	s8 =	simm.s32 @!p0 $0x1BF5;
	p2 =	por !p2, p0  }
0x20: {  	[sflag:s8] =	ssyncset.s32 @!p0 $0xFFFFF086;
	s6 =	sadd.s32 @!p0 s3, s7;
	s7 =	simm.s32 @!p0 $0x108  }
0x21: {  	s3 =	sadd.s32 s3, s9;
	s6 =	sadd.s32 @!p0 $0x88, s6;
	s7 =	simm.s32 @p2 $0x1082  }
0x22: {  	[simem:s7], [sflag:s8] =	dma.local @!p0 [hbm:s6], $0xF7A  }
0x23: {  	s9 =	sor.u32 $0xD0000000, s2;
	s6 =	simm.s32 $0x108;
	_ =	swait.ge @!p0 [sflag:s8], $0x0  }
0x24: {  	s3 =	sadd.s32 $0x88, s3;
	s6 =	simm.s32 @!p1 $0x1082;
	[sflag:s4] =	ssyncset.s32 $0xFFFFF086  }
0x25: {  	[simem:s6], [sflag:s4] =	dma.local [hbm:s3], $0xF7A  }
0x26: {  	[smem:$0x3F9B] =	sst s1;
	(tag) =	ssettag s2;
	_ =	strace s9  }
0x27: {  	s1 =	sld [smem:$0x3FAB]  }
0x28: {  	s2 =	sld [smem:$0x3FAC]  }
0x29: {  	s4 =	sld [smem:$0x3FAE]  }
0x2a: {  	p0 =	seq.s32 s5, $0x0;
	s5 =	sld [smem:$0x3FAF]  }
0x2b: {  	s6 =	sld [smem:$0x3FB0]  }
0x2c: {  	s7 =	sld [smem:$0x3FB1]  }
0x2d: {  	s3 =	simm.s32 $0x108;
	s8 =	sld [smem:$0x3FB2]  }
0x2e: {  	s3 =	simm.s32 @!p0 $0x1082;
	s9 =	sld [smem:$0x3FB3]  }
0x2f: {  	lr =	sadd.s32 s0, s3;
	s0 =	sld [smem:$0x3FAA]  }
0x30: {  	s3 =	sld [smem:$0x3FAD]  }
0x31: {  	[smem:$0x3FB6] =	sst s10  }
0x32: {  	s10 =	sld [smem:$0x3FB4];
	_ =	sdelay $0x3  }
0x33: {  	p0 =	seq.s32 s10, $0x1;
	s10 =	sld [smem:$0x3FB6];
	_ =	sdelay $0x3  }
0x34: {  	[smem:$0x3FB6] =	sst s10  }
0x35: {  	s10 =	sld [smem:$0x3FB5];
	_ =	sdelay $0x3  }
0x36: {  	p1 =	seq.s32 s10, $0x1;
	s10 =	sld [smem:$0x3FB6];
	_ =	sdelay $0x3  }
0x37: {  	[smem:$0x3FB6] =	sst s10  }
0x38: {  	s10 =	sld [smem:$0x3FB7]  }
0x39: {  	_ = 	snop;
	(pc) =	sbr.ind lr, $3  }
0x3a: {  	_ = 	snop  }
0x3b: {  	_ = 	snop  }
0x3c: {  	p2 =	seq.s32 s10, $0x1;
	s10 =	sld [smem:$0x3FB6]  }
0x3d: {  	_ =	shalt  }
0x3e: {  	_ =	shalt  }
0x3f: {  	_ =	shalt  }
0x40: {  	_ =	shalt  }
0x41: {  	_ =	shalt  }
0x42: {  	_ =	shalt  }
0x43: {  	_ =	shalt  }
0x44: {  	_ =	shalt  }
0x45: {  	_ =	shalt  }
0x46: {  	_ =	shalt  }
0x47: {  	_ =	shalt  }
0x48: {  	_ =	shalt  }
0x49: {  	_ =	shalt  }
0x4a: {  	_ =	shalt  }
0x4b: {  	_ =	shalt  }
0x4c: {  	_ =	shalt  }
0x4d: {  	_ =	shalt  }
0x4e: {  	_ =	shalt  }
0x4f: {  	_ =	shalt  }
0x50: {  	_ =	shalt  }
0x51: {  	_ =	shalt  }
0x52: {  	_ =	shalt  }
0x53: {  	_ =	shalt  }
0x54: {  	_ =	shalt  }
0x55: {  	_ =	shalt  }
0x56: {  	_ =	shalt  }
0x57: {  	_ =	shalt  }
0x58: {  	_ =	shalt  }
0x59: {  	_ =	shalt  }
0x5a: {  	_ =	shalt  }
0x5b: {  	_ =	shalt  }
0x5c: {  	_ =	shalt  }
0x5d: {  	_ =	shalt  }
0x5e: {  	_ =	shalt  }
0x5f: {  	_ =	shalt  }
0x60: {  	_ =	shalt  }
0x61: {  	_ =	shalt  }
0x62: {  	_ =	shalt  }
0x63: {  	_ =	shalt  }
0x64: {  	_ =	shalt  }
0x65: {  	_ =	shalt  }
0x66: {  	_ =	shalt  }
0x67: {  	_ =	shalt  }
0x68: {  	_ =	shalt  }
0x69: {  	_ =	shalt  }
0x6a: {  	_ =	shalt  }
0x6b: {  	_ =	shalt  }
0x6c: {  	_ =	shalt  }
0x6d: {  	_ =	shalt  }
0x6e: {  	_ =	shalt  }
0x6f: {  	_ =	shalt  }
0x70: {  	_ =	shalt  }
0x71: {  	_ =	shalt  }
0x72: {  	_ =	shalt  }
0x73: {  	_ =	shalt  }
0x74: {  	_ =	shalt  }
0x75: {  	_ =	shalt  }
0x76: {  	_ =	shalt  }
0x77: {  	_ =	shalt  }
0x78: {  	_ =	shalt  }
0x79: {  	_ =	shalt  }
0x7a: {  	_ =	shalt  }
0x7b: {  	_ =	shalt  }
0x7c: {  	_ =	shalt  }
0x7d: {  	_ =	shalt  }
0x7e: {  	_ =	shalt  }
0x7f: {  	_ =	shalt  }
0x80: {  	_ =	shalt  }
0x81: {  	_ =	shalt  }
0x82: {  	_ =	shalt  }
0x83: {  	_ =	shalt  }
0x84: {  	_ =	shalt  }
0x85: {  	_ =	shalt  }
0x86: {  	_ =	shalt  }
0x87: {  	_ =	shalt  }
.Lfunc_end0:
.L_simem_size_0:
called_computation.10_lowered:
.L_overlay_start_0:
0x88: {  	s2 =	sld [smem:$0x3FD9]  }
0x89: {  	s3 =	sld [smem:$0x3FFE];
	_ =	sdelay $0x1  }
0x8a: {  	s1 =	srdreg.scid  }
0x8b: {  	s0 =	sand.u32 $0x1, s1  }
0x8c: {  	s17 =	sshll.u32 s0, $0xA;
	s2 =	sadd.s32 s3, s2  }
0x8d: {  	s2 =	sadd.s32 s2, s17  }
0x8e: {  	[smem:$0x3FC2] =	sst s2  }
0x8f: {  	_ = 	snop  }
0x90: {  	s2 =	sld [smem:$0x3FD0];
	(tm) =	ssettm $0x1  }
0x91: {  	s18 =	sld [smem:$0x3FFB];
	_ =	sdelay $0x3  }
0x92: {  	_ =	strace s18  }
0x93: {  	s3 =	sld [smem:$0x3FFC];
	_ =	sdelay $0x3  }
0x94: {  	_ =	strace s3  }
0x95: {  	s3 =	sld [smem:$0x3FFD];
	_ =	sdelay $0x3  }
0x96: {  	_ =	strace s3  }
0x97: {  	_ =	strace $0x8FFFFFFF  }
0x98: {  	s19 =	sld [smem:$0x3FDB];
	_ =	sdelay $0x1  }
0x99: {  	s4 =	simm.s32 $_scs_section_size  }
0x9a: {  	s5 =	simm.s32 $_size__tile_overlayer_lowered;
	s6 =	simm.s32 $_tile_overlayer_lowered  }
0x9b: {  	s22 =	simm.s32 $0x1BFF;
	s21 =	sshll.u32 s6, $0x1;
	s3 =	sadd.s32 s4, s19  }
0x9c: {  	s7 =	simm.s32 $0x0;
	s20 =	sshll.u32 s5, $0x1;
	s5 =	sadd.s32 s21, s3  }
0x9d: {  	[timem:s7], [sflag:s22] =	dma.local [hbm:s5], s20  }
0x9e: {  	_ =	swait.ge [sflag:s22], s20  }
0x9f: {  	s4 =	ssub.s32 $0x0, s20;
	[sflag:s22] =	ssyncset.done $0x0  }
0xa0: {  	[sflag:s22] =	ssyncadd.s32 s4;
	_ =	sdelay $0x1  }
0xa1: {  	s23 =	simm.s32 $0x1B8B  }
0xa2: {  	_ =	swait.ge [sflag:s23], $0x1  }
0xa3: {  	[sflag:s23] =	ssyncset.done $0x0  }
0xa4: {  	s25 =	simm.s32 $0x1B8E;
	s24 =	sld [smem:$0x3FFE];
	[sflag:s23] =	ssyncadd.s32 $0xFFFFFFFF  }
0xa5: {  	s26 =	simm.s32 $execute0_lowered;
	[smem:$0x3FD2] =	sst s25  }
0xa6: {  	s5 =	sshll.u32 s26, $0x1;
	_ =	strace $0x80000064;
	[dreg:$0x1] =	wrdreg $0xFFFFFFFF  }
0xa7: {  	s28 =	simm.s32 $_size_execute0_lowered;
	s3 =	sadd.s32 s3, s5;
	[dreg:$0x0] =	wrdreg $0x0  }
0xa8: {  	s5 =	sshll.u32 s28, $0x1;
	[dreg:$0x2] =	wrdreg s3  }
0xa9: {  	[dreg:$0x3] =	wrdreg s5  }
0xaa: {  	[dreg:$0x4] =	wrdreg $0xC0  }
0xab: {  	_ =	task [dreg:s7], $0x5FFFF  }
0xac: {  	[dreg:$0x1] =	wrdreg $0xFFFFFFFF  }
0xad: {  	[dreg:$0x0] =	wrdreg $0x60  }
0xae: {  	[dreg:$0x2] =	wrdreg s24  }
0xaf: {  	[dreg:$0x3] =	wrdreg s2  }
0xb0: {  	[dreg:$0x4] =	wrdreg $0x90000  }
0xb1: {  	[dreg:$0x5] =	wrdreg $0x9  }
0xb2: {  	_ =	task.clear_ibuf [dreg:s7], $0x6FFFF;
	_ =	strace $0x90000064  }
0xb3: {  	s29 =	simm.s32 $0x9;
	_ =	strace $0x80000066  }
0xb4: {  	_ =	swait.ge [sflag:s29], $0x1  }
0xb5: {  	[sflag:s29] =	ssyncadd.s32 $0xFFFFFFFF  }
0xb6: {  	_ =	strace $0x90000066  }
0xb7: {  	_ =	sfence  }
0xb8: {  	s30 =	sld [smem:$0x0];
	_ =	sdelay $0x2  }
0xb9: {  	s31 =	sshll.u32 s1, $0xD;
	s1 =	sshrl.u32 s1, $0x2  }
0xba: {  	s3 =	sand.u32 $0x4000, s31;
	s1 =	sadd.s32 s1, s30  }
0xbb: {  	s0 =	sor.u32 s3, s0;
	s1 =	sshll.u32 s1, $0x11  }
0xbc: {  	s0 =	sor.u32 s1, s0  }
0xbd: {  	s0 =	sadd.s32 $0x8F2B, s0  }
0xbe: {  	[sflag:s0] =	ssyncadd.remote.s32 $0x1  }
0xbf: {  	_ =	sfence.sel $0xFFFF  }
0xc0: {  	[dreg:$0x0] =	wrdreg $0xFFFFFFFF;
	(pc) =	sbr.abs _section_cstart, $3  }
0xc1: {  	[dreg:$0x1] =	wrdreg $0xFFFFFFFF  }
0xc2: {  	_ =	task.clear_ibuf [dreg:s7], $0x2FFFF;
	_ =	strace $0x9FFFFFFF  }
0xc3: {  	(tm) =	ssettm $0x7FFFFFFF  }
tec
execute0_lowered:
.L_overlay_start_1:
0x0: {  	(tag) =	ssettag $0x1  }
0x1: {  	s6 =	rddreg [dreg:$0x0]  }
0x2: {  	s2 =	rddreg [dreg:$0x1];
	s0 =	srdreg.scid  }
0x3: {  	s3 =	rddreg [dreg:$0x2];
	s1 =	stileid.u32  }
0x4: {  	s4 =	simm.s32 $0x0;
	s14 =	simm.s32 $0x80;
	s15 =	simm.s32 $0x5000  }
0x5: {  	s16 =	simm.s32 $0x7000;
	s17 =	simm.s32 $0x1;
	s18 =	simm.s32 $0x2  }
0x6: {  	s19 =	simm.s32 $0x4F00;
	s20 =	simm.s32 $0x4F80;
	s21 =	simm.s32 $0x0  }
0x7: {  	s5 =	sand.u32 $0x1, s0;
	s0 =	rddreg [dreg:$0x3];
	s8 =	smul.u32 $0x9E00, s1  }
0x8: {  	[smem:$0x7FF] =	sst s4;
	s12 =	sshll.u32 s1, $0x6;
	s7 =	sshll.u32 s5, $0x4  }
0x9: {  	s9 =	smul.u32 $0x9E000, s5;
	_ =	strace $0x80000065;
	s10 =	ssub.s32 $0x2, s5  }
0xa: {  	s5 =	sadd.s32 $0x1B800, s6;
	s12 =	sor.u32 $0x1C03, s12;
	s7 =	sor.u32 s1, s7  }
0xb: {  	s11 =	sshrl.u32 s10, $0x1;
	s13 =	sadd.s32 s8, s3;
	s7 =	smul.u32 $0x500, s7  }
0xc: {  	s9 =	sadd.s32 s8, s9;
	s10 =	ssub.s32 s10, s11;
	s11 =	simm.s32 $0x2800  }
0xd: {  	s13 =	sshrl.u32 s13, $0x3;
	s9 =	sshrl.u32 s9, $0x3;
	s7 =	sadd.s32 s7, s6  }
0xe: {  	s9 =	sadd.s32 s9, s6;
	s6 =	sadd.s32 $0x11800, s7;
	s7 =	sadd.s32 $0x7800, s7  }
0xf: {  	s8 =	sadd.s32 $0xBD600, s9;
	s9 =	smax.u32 s10, $0x1;
	s10 =	simm.s32 $0x3  }
.LBB2_1:
0x10: {  	[tilespmem:s4], [sflag:$0x3] =	stream.linear.gather [hbm4b:s6+s4], $0x2800, $0x38;
	[tilespmem:$0x12E00] =	vst v63  }
0x11: {  	_ =	swait.ge [sflag:s10], $0x2800  }
0x12: {  	[sflag:s10] =	ssyncset.done $0x0  }
0x13: {  	[sflag:s10] =	ssyncadd.s32 $0xFFFFD800  }
0x14: {  	[tilespmem:s11], [sflag:$0x3] =	stream.linear.gather [hbm4b:s7+s4], $0x2800, $0x38;
	[tilespmem:$0x12E00] =	vst v63  }
0x15: {  	_ =	swait.ge [sflag:s10], $0x2800  }
0x16: {  	[sflag:s10] =	ssyncset.done $0x0  }
0x17: {  	[sflag:s10] =	ssyncadd.s32 $0xFFFFD800  }
0x18: {  	[spmem:s13], [sflag:s12] =	dma.local [hbm:s5], $0x13C0  }
0x19: {  	_ =	swait.ge [sflag:s10], $0x13C0  }
0x1a: {  	[sflag:s10] =	ssyncset.done $0x0  }
0x1b: {  	[sflag:s10] =	ssyncadd.s32 $0xFFFFEC40  }
0x1c: {  	[bflag:$0x0] =	sbarrier.arrive $0xFFFF  }
0x1d: {  	[tilespmem:s15], [sflag:$0x1] =	stream.indirect.gather [hbm4b:s2+s14], $0x40, s4, s14, $0xb8;
	[tilespmem:$0x12E00] =	vst v63  }
0x1e: {  	_ = 	snop  }
0x1f: {  	[tilespmem:s16], [sflag:$0x2] =	stream.indirect.gather [hbm4b:s2+s14], $0x40, s14, s14, $0xb8;
	[tilespmem:$0x12E00] =	vst v63  }
0x20: {  	_ =	swait.ge [sflag:s17], $0x2000  }
0x21: {  	[sflag:s17] =	ssyncset.done $0x0  }
0x22: {  	s22 =	simm.s32 $0x2800;
	[sflag:s17] =	ssyncadd.s32 $0xFFFFE000  }
0x23: {  	[spmem:s3] =	stream.indirect.scatter.add.f32 [tilespmem:s15], [sflag:$0x3], $0x40, s22, s14, $0xb8;
	[tilespmem:$0x12E00] =	vst v63  }
0x24: {  	_ =	swait.ge [sflag:s10], $0x2000  }
0x25: {  	[sflag:s10] =	ssyncset.done $0x0  }
0x26: {  	s30 =	simm.s32 $0x100;
	[sflag:s10] =	ssyncadd.s32 $0xFFFFE000  }
0x27: {  	[tilespmem:s15], [sflag:$0x1] =	stream.indirect.gather [hbm4b:s2+s14], $0x40, s30, s14, $0xb8;
	[tilespmem:$0x12E00] =	vst v63  }
0x28: {  	_ =	swait.ge [sflag:s18], $0x2000  }
0x29: {  	[sflag:s18] =	ssyncset.done $0x0  }
0x2a: {  	s31 =	simm.s32 $0x2880;
	[sflag:s18] =	ssyncadd.s32 $0xFFFFE000  }
0x2b: {  	[spmem:s3] =	stream.indirect.scatter.add.f32 [tilespmem:s16], [sflag:$0x3], $0x40, s31, s14, $0xb8;
	[tilespmem:$0x12E00] =	vst v63  }
0x2c: {  	_ =	swait.ge [sflag:s10], $0x2000  }
0x2d: {  	[sflag:s10] =	ssyncset.done $0x0  }
0x2e: {  	s23 =	simm.s32 $0x180;
	s22 =	simm.s32 $0x400;
	[sflag:s10] =	ssyncadd.s32 $0xFFFFE000  }
.LBB2_2:
0x2f: {  	[tilespmem:s16], [sflag:$0x2] =	stream.indirect.gather [hbm4b:s2+s14], $0x40, s23, s14, $0xb8;
	[tilespmem:$0x12E00] =	vst v63  }
0x30: {  	s23 =	smov.u32 s22  }
0x31: {  	p0 =	sne.s32 s22, $0x9800;
	s22 =	sadd.s32 $0x400, s22;
	_ =	swait.ge [sflag:s17], $0x2000  }
0x32: {  	s23 =	sshra.s32 s23, $0x2;
	[sflag:s17] =	ssyncset.done $0x0  }
0x33: {  	s24 =	sadd.s32 $0x2800, s23;
	[sflag:s17] =	ssyncadd.s32 $0xFFFFE000  }
0x34: {  	[spmem:s3] =	stream.indirect.scatter.add.f32 [tilespmem:s15], [sflag:$0x3], $0x40, s24, s14, $0xb8;
	[tilespmem:$0x12E00] =	vst v63  }
0x35: {  	_ =	swait.ge [sflag:s10], $0x2000  }
0x36: {  	[sflag:s10] =	ssyncset.done $0x0  }
0x37: {  	s24 =	sadd.s32 $0x100, s23;
	[sflag:s10] =	ssyncadd.s32 $0xFFFFE000  }
0x38: {  	[tilespmem:s15], [sflag:$0x1] =	stream.indirect.gather [hbm4b:s2+s14], $0x40, s24, s14, $0xb8;
	[tilespmem:$0x12E00] =	vst v63  }
0x39: {  	_ =	swait.ge [sflag:s18], $0x2000  }
0x3a: {  	[sflag:s18] =	ssyncset.done $0x0  }
.Ltmp0:
0x3b: {  	s24 =	sadd.s32 $0x2880, s23;
	[sflag:s18] =	ssyncadd.s32 $0xFFFFE000;
	(pc) =	sbr.rel @p0 .LBB2_2-.Ltmp0, $4  }
0x3c: {  	[spmem:s3] =	stream.indirect.scatter.add.f32 [tilespmem:s16], [sflag:$0x3], $0x40, s24, s14, $0xb8;
	[tilespmem:$0x12E00] =	vst v63  }
0x3d: {  	_ =	swait.ge [sflag:s10], $0x2000  }
0x3e: {  	[sflag:s10] =	ssyncset.done $0x0  }
0x3f: {  	s23 =	sadd.s32 $0x180, s23;
	[sflag:s10] =	ssyncadd.s32 $0xFFFFE000  }
0x40: {  	[tilespmem:s16], [sflag:$0x2] =	stream.indirect.gather [hbm4b:s2+s14], $0x40, s23, s14, $0xb8;
	[tilespmem:$0x12E00] =	vst v63  }
0x41: {  	_ =	swait.ge [sflag:s17], $0x2000  }
0x42: {  	[sflag:s17] =	ssyncset.done $0x0  }
0x43: {  	[sflag:s17] =	ssyncadd.s32 $0xFFFFE000  }
0x44: {  	[spmem:s3] =	stream.indirect.scatter.add.f32 [tilespmem:s15], [sflag:$0x3], $0x40, s19, s14, $0xb8;
	[tilespmem:$0x12E00] =	vst v63  }
0x45: {  	_ =	swait.ge [sflag:s10], $0x2000  }
0x46: {  	[sflag:s10] =	ssyncset.done $0x0  }
0x47: {  	[sflag:s10] =	ssyncadd.s32 $0xFFFFE000  }
0x48: {  	_ =	swait.ge [sflag:s18], $0x2000  }
0x49: {  	[sflag:s18] =	ssyncset.done $0x0  }
0x4a: {  	[sflag:s18] =	ssyncadd.s32 $0xFFFFE000  }
0x4b: {  	[spmem:s3] =	stream.indirect.scatter.add.f32 [tilespmem:s16], [sflag:$0x3], $0x40, s20, s14, $0xb8;
	[tilespmem:$0x12E00] =	vst v63  }
0x4c: {  	_ =	swait.ge [sflag:s10], $0x2000  }
0x4d: {  	s21 =	sadd.s32 $0x1, s21;
	[sflag:s10] =	ssyncset.done $0x0  }
0x4e: {  	p0 =	sne.s32 s21, s9;
	[sflag:s10] =	ssyncadd.s32 $0xFFFFE000  }
.Ltmp1:
0x4f: {  	[bflag:$0x0] =	sbarrier.arrive $0xFFFF;
	(pc) =	sbr.rel @p0 .LBB2_1-.Ltmp1, $4  }
0x50: {  	[hbm:s8], [sflag:s12] =	dma.local [spmem:s13], $0x13C0  }
0x51: {  	_ =	swait.ge [sflag:s10], $0x13C0  }
0x52: {  	[sflag:s10] =	ssyncset.done $0x0  }
0x53: {  	[sflag:s10] =	ssyncadd.s32 $0xFFFFEC40  }
0x54: {  	_ =	sfence.sel $0x180000  }
0x55: {  	[bflag:$0x0] =	sbarrier.arrive $0xFFFF  }
0x56: {  	p0 =	sne.s32 s1, $0x0;
	_ =	strace $0x90000065  }
0x57: {  	s0 =	sadd.s32 @!p0 $0x100000, s0;
	[bflag:$0x2] =	sbarrier.arrive $0xFFFF  }
0x58: {  	[sflag:s0] =	ssyncadd.tile.s32 @!p0 $0x1;
	_ =	shalt  }
.Lfunc_end2:
_tile_overlayer_lowered:
.L_overlay_start_2:
0x59: {  	(tag) =	ssettag $0x2  }
0x5a: {  	s0 =	rddreg [dreg:$0x0];
	s2 =	stileid.u32  }
0x5b: {  	s1 =	rddreg [dreg:$0x1];
	p0 =	sne.s32 s2, $0x0  }
0x5c: {  	s3 =	rddreg [dreg:$0x2];
	[bflag:$0x3] =	sbarrier.arrive $0xFFFF;
	s2 =	simm.s32 @!p0 $0x1C03  }
0x5d: {  	[timem:s3], [sflag:s2] =	dma.local @!p0 [hbm:s0], s1  }
0x5e: {  	s0 =	simm.s32 @!p0 $0x3  }
0x5f: {  	_ =	swait.ge @!p0 [sflag:s0], s1  }
0x60: {  	s1 =	ssub.s32 @!p0 $0x0, s1;
	[sflag:s0] =	ssyncset.done @!p0 $0x0  }
0x61: {  	[sflag:s0] =	ssyncadd.s32 @!p0 s1  }
0x62: {  	[bflag:$0x3] =	sbarrier.arrive $0xFFFF  }
0x63: {  	_ =	shalt  }

</sc_bundles>
